<compile_context>
chip_gen: v7x
topology: tpu7x:2x2x1
jax: 0.10.2.dev20260603
libtpu: 0.0.44.dev20260713+nightly
codegen_flags: <defaults>
</compile_context>

<pallas_src>
import functools

import jax
import jax.numpy as jnp
from jax import lax
from jax.experimental import pallas as pl
from jax.experimental.pallas import tpu as pltpu
from jax.experimental.pallas import tpu_sc as plsc

_N = 10000
_E = 320000
_F = 128
_H = 16
_C = 40

_TBL = 10112
_EBLK = 128
_NBLKS = _E // _EBLK
_NSTG = 131
_FAST_CORE = 0
_NFAST = 131
_NSLOW = 25
_SLOW_TOTAL = 404
_NBUF = 8
_SD = 4
_NTILE = 16
_STRIPE = _TBL // _NTILE


def _sc_mesh():
    return plsc.VectorSubcoreMesh(core_axis_name="c", subcore_axis_name="s")


_SC_PARAMS = pltpu.CompilerParams(use_tc_tiling_on_sc=False)


def _worker_span(c, s):
    is_fast = c == _FAST_CORE
    slow_start = s * _NSLOW + jnp.minimum(s, 4)
    fast_start = _SLOW_TOTAL + s * _NFAST
    start = jnp.where(is_fast, fast_start, slow_start)
    cnt = jnp.where(is_fast, _NFAST,
                    _NSLOW + jnp.where(s < 4, 1, 0))
    return start, cnt


def _deg_call(dstb, zeros_col, ones_col):
    @functools.partial(
        pl.kernel,
        out_type=(
            jax.ShapeDtypeStruct((_TBL, 1), jnp.float32),
            jax.ShapeDtypeStruct((_TBL, 1), jnp.float32),
        ),
        mesh=_sc_mesh(),
        scratch_types=[
            pltpu.VMEM((_NSTG, _EBLK), jnp.int32),
            pltpu.VMEM((_EBLK, 1), jnp.float32),
            pltpu.VMEM_SHARED((_TBL, 1), jnp.float32),
        ]
        + [pltpu.SemaphoreType.DMA] * _NBUF,
        compiler_params=_SC_PARAMS,
    )
    def deg_kernel(dst_hbm, zeros_hbm, ones_hbm, out0_hbm, out1_hbm,
                   idx_v, ones_v, acc_sh, *ss):
        c = lax.axis_index("c")
        s = lax.axis_index("s")
        start, cnt = _worker_span(c, s)
        pltpu.sync_copy(dst_hbm.at[pl.ds(start, _NSTG)], idx_v)
        pltpu.sync_copy(ones_hbm, ones_v)
        pltpu.sync_copy(
            zeros_hbm.at[pl.ds(s * _STRIPE, _STRIPE)],
            acc_sh.at[pl.ds(s * _STRIPE, _STRIPE)],
        )
        plsc.subcore_barrier()

        def body(i, carry):
            base = i * _NBUF
            for b in range(_NBUF):
                j = base + b
                jp = j - _NBUF

                @pl.when((jp >= 0) & (jp < cnt))
                def _():
                    pltpu.make_async_copy(
                        ones_v, acc_sh.at[idx_v.at[jp]], ss[b]
                    ).wait()

                @pl.when(j < cnt)
                def _():
                    pltpu.async_copy(ones_v, acc_sh.at[idx_v.at[j]],
                                     ss[b], add=True)

            return carry

        lax.fori_loop(0, (_NSTG + 2 * _NBUF - 1) // _NBUF, body, 0)
        plsc.subcore_barrier()
        row = pl.ds(s * _STRIPE, _STRIPE)

        @pl.when(c == 0)
        def _():
            pltpu.sync_copy(acc_sh.at[row], out0_hbm.at[row])

        @pl.when(c == 1)
        def _():
            pltpu.sync_copy(acc_sh.at[row], out1_hbm.at[row])

    return deg_kernel(dstb, zeros_col, ones_col)


def _agg_call(g_tbl, srcb, dstb, zeros_tbl):
    @functools.partial(
        pl.kernel,
        out_type=jax.ShapeDtypeStruct((2, _TBL, _H), jnp.float32),
        mesh=_sc_mesh(),
        scratch_types=[
            pltpu.VMEM((_NSTG, _EBLK), jnp.int32),
            pltpu.VMEM((_NSTG, _EBLK), jnp.int32),
            pltpu.VMEM((_NBUF, _EBLK, _H), jnp.float32),
            pltpu.VMEM_SHARED((_TBL, _H), jnp.float32),
        ]
        + [pltpu.SemaphoreType.DMA] * (2 * _NBUF),
        compiler_params=_SC_PARAMS,
    )
    def agg_kernel(g_hbm, src_hbm, dst_hbm, zeros_hbm, out_hbm,
                   src_v, dst_v, rows_v, acc_sh, *sems):
        sg = sems[:_NBUF]
        ss = sems[_NBUF:]
        c = lax.axis_index("c")
        s = lax.axis_index("s")
        start, cnt = _worker_span(c, s)
        pltpu.sync_copy(src_hbm.at[pl.ds(start, _NSTG)], src_v)
        pltpu.sync_copy(dst_hbm.at[pl.ds(start, _NSTG)], dst_v)
        pltpu.sync_copy(
            zeros_hbm.at[pl.ds(s * _STRIPE, _STRIPE)],
            acc_sh.at[pl.ds(s * _STRIPE, _STRIPE)],
        )
        plsc.subcore_barrier()

        for b in range(_NBUF):
            pltpu.async_copy(g_hbm.at[src_v.at[b]], rows_v.at[b], sg[b])

        def body(i, carry):
            base = i * _NBUF
            for b in range(_NBUF):
                j = base + b
                js = j - _SD
                sb = (b - _SD) % _NBUF

                @pl.when((js >= 0) & (js < cnt))
                def _():
                    pltpu.make_async_copy(
                        rows_v.at[sb], acc_sh.at[dst_v.at[js]], ss[sb]
                    ).wait()
                    nxt = js + _NBUF

                    @pl.when(nxt < cnt)
                    def _():
                        pltpu.async_copy(g_hbm.at[src_v.at[nxt]],
                                         rows_v.at[sb], sg[sb])

                @pl.when(j < cnt)
                def _():
                    pltpu.make_async_copy(
                        g_hbm.at[src_v.at[j]], rows_v.at[b], sg[b]
                    ).wait()
                    pltpu.async_copy(rows_v.at[b], acc_sh.at[dst_v.at[j]],
                                     ss[b], add=True)

            return carry

        lax.fori_loop(0, (_NSTG + _SD + _NBUF - 1) // _NBUF, body, 0)
        plsc.subcore_barrier()
        row = pl.ds(s * _STRIPE, _STRIPE)
        pltpu.sync_copy(acc_sh.at[row], out_hbm.at[c, row])

    return agg_kernel(g_tbl, srcb, dstb, zeros_tbl)


_RBLK = 10112


def _h1_body(x_ref, w1_ref, h1_ref):
    h1_ref[...] = jnp.dot(x_ref[...], w1_ref[...],
                          preferred_element_type=jnp.float32)


def _h1_call(x, w1):
    grid = (_TBL // _RBLK,)
    return pl.pallas_call(
        _h1_body,
        grid=grid,
        in_specs=[
            pl.BlockSpec((_RBLK, _F), lambda i: (i, 0)),
            pl.BlockSpec((_F, _H), lambda i: (0, 0)),
        ],
        out_specs=pl.BlockSpec((_RBLK, _H), lambda i: (i, 0)),
        out_shape=jax.ShapeDtypeStruct((_TBL, _H), jnp.float32),
    )(x, w1)


def _prep1_body(d0_ref, d1_ref, h1_ref, g1_ref, dis_ref):
    deg = d0_ref[...] + d1_ref[...] + 1.0
    dis = lax.rsqrt(deg)
    g1_ref[...] = h1_ref[...] * dis
    dis_ref[...] = dis


def _prep1(d0, d1, h1):
    grid = (_TBL // _RBLK,)
    return pl.pallas_call(
        _prep1_body,
        grid=grid,
        in_specs=[
            pl.BlockSpec((_RBLK, 1), lambda i: (i, 0)),
            pl.BlockSpec((_RBLK, 1), lambda i: (i, 0)),
            pl.BlockSpec((_RBLK, _H), lambda i: (i, 0)),
        ],
        out_specs=[
            pl.BlockSpec((_RBLK, _H), lambda i: (i, 0)),
            pl.BlockSpec((_RBLK, 1), lambda i: (i, 0)),
        ],
        out_shape=[
            jax.ShapeDtypeStruct((_TBL, _H), jnp.float32),
            jax.ShapeDtypeStruct((_TBL, 1), jnp.float32),
        ],
    )(d0, d1, h1)


def _prep2_body(p0_ref, p1_ref, g1_ref, dis_ref, b1_ref, u_ref):
    dis = dis_ref[...]
    a = (p0_ref[0] + p1_ref[0] + g1_ref[...]) * dis + b1_ref[...]
    u_ref[...] = jnp.maximum(a, 0.0) * dis


def _prep2(p, g1, dis, b1r):
    grid = (_TBL // _RBLK,)
    return pl.pallas_call(
        _prep2_body,
        grid=grid,
        in_specs=[
            pl.BlockSpec((1, _RBLK, _H), lambda i: (0, i, 0)),
            pl.BlockSpec((1, _RBLK, _H), lambda i: (1, i, 0)),
            pl.BlockSpec((_RBLK, _H), lambda i: (i, 0)),
            pl.BlockSpec((_RBLK, 1), lambda i: (i, 0)),
            pl.BlockSpec((1, _H), lambda i: (0, 0)),
        ],
        out_specs=pl.BlockSpec((_RBLK, _H), lambda i: (i, 0)),
        out_shape=jax.ShapeDtypeStruct((_TBL, _H), jnp.float32),
    )(p, p, g1, dis, b1r)


def _final_body(q0_ref, q1_ref, u_ref, dis_ref, w2_ref, b2_ref, out_ref):
    a = (q0_ref[0] + q1_ref[0] + u_ref[...]) * dis_ref[...]
    a = a[:_N]
    o = jnp.dot(a, w2_ref[...], preferred_element_type=jnp.float32)
    o = o + b2_ref[...]
    m = jnp.max(o, axis=1, keepdims=True)
    e = jnp.exp(o - m)
    lse = jnp.log(jnp.sum(e, axis=1, keepdims=True)) + m
    out_ref[...] = o - lse


def _final(q, u, dis, w2, b2r):
    grid = (_TBL // _RBLK,)
    return pl.pallas_call(
        _final_body,
        grid=grid,
        in_specs=[
            pl.BlockSpec((1, _RBLK, _H), lambda i: (0, i, 0)),
            pl.BlockSpec((1, _RBLK, _H), lambda i: (1, i, 0)),
            pl.BlockSpec((_RBLK, _H), lambda i: (i, 0)),
            pl.BlockSpec((_RBLK, 1), lambda i: (i, 0)),
            pl.BlockSpec((_H, _C), lambda i: (0, 0)),
            pl.BlockSpec((1, _C), lambda i: (0, 0)),
        ],
        out_specs=pl.BlockSpec((_N, _C), lambda i: (i, 0)),
        out_shape=jax.ShapeDtypeStruct((_N, _C), jnp.float32),
    )(q, q, u, dis, w2, b2r)


def kernel(x, edge_index, W1, b1, W2, b2):
    eb = edge_index.reshape(2, _NBLKS, _EBLK)
    srcb = eb[0]
    dstb = eb[1]
    zeros_col = jnp.zeros((_TBL, 1), jnp.float32)
    zeros16 = jnp.zeros((_TBL, _H), jnp.float32)
    ones_col = jnp.ones((_EBLK, 1), jnp.float32)

    d0, d1 = _deg_call(dstb, zeros_col, ones_col)
    h1 = _h1_call(x, W1)
    g1, dis = _prep1(d0, d1, h1)
    p = _agg_call(g1, srcb, dstb, zeros16)
    u = _prep2(p, g1, dis, b1.reshape(1, _H))
    q = _agg_call(u, srcb, dstb, zeros16)
    return _final(q, u, dis, W2, b2.reshape(1, _C))

# --- scband reference (transcript-rebuilt; emitter-appended) ---
"""Pipeline reference for scband-gcn-37769942401381 (READ-ONLY COPY).

The authoritative reference and input builder live on the scoring server;
editing this copy changes nothing except your own understanding.
"""

import jax, jax.numpy as jnp
import numpy as np

N = 10000
E = 320000
F = 128
H = 16
C = 40


def setup_inputs(seed: int = 0) -> dict:
    key = jax.random.key(seed)
    k1, k2, k3, k4 = jax.random.split(key, 4)
    x = jax.random.normal(k1, (N, F), dtype=jnp.float32)
    edge_index = jax.random.randint(k2, (2, E), 0, N, dtype=jnp.int32)
    W1 = jax.random.normal(k3, (F, H), dtype=jnp.float32) * (1.0 / np.sqrt(F))
    b1 = jnp.zeros((H,), dtype=jnp.float32)
    W2 = jax.random.normal(k4, (H, C), dtype=jnp.float32) * (1.0 / np.sqrt(H))
    b2 = jnp.zeros((C,), dtype=jnp.float32)
    return {"x": x, "edge_index": edge_index, "W1": W1, "b1": b1, "W2": W2, "b2": b2}


def _gcn_conv(h_in, src, dst, W, b):
    # PyG GCNConv: x' = D^{-1/2} (A + I) D^{-1/2} X W + b (self-loops already in src/dst)
    h = h_in @ W
    deg = jnp.zeros((N,), dtype=h.dtype).at[dst].add(1.0)
    deg_inv_sqrt = jnp.where(deg > 0, 1.0 / jnp.sqrt(deg), 0.0)
    norm = deg_inv_sqrt[src] * deg_inv_sqrt[dst]
    msg = h[src] * norm[:, None]
    out = jax.ops.segment_sum(msg, dst, num_segments=N)
    return out + b


def reference(x, edge_index, W1, b1, W2, b2):
    loop = jnp.arange(N, dtype=edge_index.dtype)
    src = jnp.concatenate([edge_index[0], loop])
    dst = jnp.concatenate([edge_index[1], loop])
    h = _gcn_conv(x, src, dst, W1, b1)
    h = jax.nn.relu(h)
    # dropout is identity in eval mode
    out = _gcn_conv(h, src, dst, W2, b2)
    return jax.nn.log_softmax(out, axis=1)

if __name__ == "__main__":
    import jax
    _d = setup_inputs()
    print(jax.jit(kernel)(*tuple(_d.values())))

</pallas_src>

<mosaic_0001>
#map = affine_map<(d0, d1) -> (0, 0)>
#map1 = affine_map<(d0, d1) -> (0, 0, 0)>
module attributes {stable_mosaic.version = 14 : i64} {
  func.func @agg_kernel(%arg0: i32, %arg1: i32, %arg2: memref<10112x16xf32, #tpu.memory_space<hbm>>, %arg3: memref<2500x128xi32, #tpu.memory_space<hbm>>, %arg4: memref<2500x128xi32, #tpu.memory_space<hbm>>, %arg5: memref<10112x16xf32, #tpu.memory_space<hbm>>, %arg6: memref<2x10112x16xf32, #tpu.memory_space<hbm>>, %arg7: memref<131x128xi32, #tpu.memory_space<vmem>>, %arg8: memref<131x128xi32, #tpu.memory_space<vmem>>, %arg9: memref<8x128x16xf32, #tpu.memory_space<vmem>>, %arg10: memref<10112x16xf32, #tpu.memory_space<vmem_shared>>, %arg11: memref<!tpu.dma_semaphore, #tpu.memory_space<semaphore_mem>>, %arg12: memref<!tpu.dma_semaphore, #tpu.memory_space<semaphore_mem>>, %arg13: memref<!tpu.dma_semaphore, #tpu.memory_space<semaphore_mem>>, %arg14: memref<!tpu.dma_semaphore, #tpu.memory_space<semaphore_mem>>, %arg15: memref<!tpu.dma_semaphore, #tpu.memory_space<semaphore_mem>>, %arg16: memref<!tpu.dma_semaphore, #tpu.memory_space<semaphore_mem>>, %arg17: memref<!tpu.dma_semaphore, #tpu.memory_space<semaphore_mem>>, %arg18: memref<!tpu.dma_semaphore, #tpu.memory_space<semaphore_mem>>, %arg19: memref<!tpu.dma_semaphore, #tpu.memory_space<semaphore_mem>>, %arg20: memref<!tpu.dma_semaphore, #tpu.memory_space<semaphore_mem>>, %arg21: memref<!tpu.dma_semaphore, #tpu.memory_space<semaphore_mem>>, %arg22: memref<!tpu.dma_semaphore, #tpu.memory_space<semaphore_mem>>, %arg23: memref<!tpu.dma_semaphore, #tpu.memory_space<semaphore_mem>>, %arg24: memref<!tpu.dma_semaphore, #tpu.memory_space<semaphore_mem>>, %arg25: memref<!tpu.dma_semaphore, #tpu.memory_space<semaphore_mem>>, %arg26: memref<!tpu.dma_semaphore, #tpu.memory_space<semaphore_mem>>) attributes {dimension_semantics = [#tpu.dimension_semantics<core_parallel>, #tpu.dimension_semantics<subcore_parallel>], iteration_bounds = array<i64: 2, 16>, scalar_prefetch = 0 : i64, scratch_operands = 20 : i64, tpu.core_type = #tpu.core_type<sc_vector_subcore>, window_params = [{transform_indices = #map}, {transform_indices = #map}, {transform_indices = #map}, {transform_indices = #map}, {transform_indices = #map1}]} {
    %eq3A = arith.constant 0 : i32
    %eq3A_0 = arith.cmpi eq, %arg0, %eq3A : i32
    %mul3A = arith.constant 25 : i32
    %mul3A_1 = arith.muli %arg1, %mul3A : i32
    %min3A = arith.constant 4 : i32
    %min3A_2 = arith.minsi %arg1, %min3A : i32
    %add3A = arith.addi %mul3A_1, %min3A_2 : i32
    %mul3A_3 = arith.constant 131 : i32
    %mul3A_4 = arith.muli %arg1, %mul3A_3 : i32
    %add3A_5 = arith.constant 404 : i32
    %add3A_6 = arith.addi %add3A_5, %mul3A_4 : i32
    %select_n3A = arith.select %eq3A_0, %add3A_6, %add3A : i32
    %lt3A = arith.constant 4 : i32
    %lt3A_7 = arith.cmpi slt, %arg1, %lt3A : i32
    %jit3A = arith.constant 1 : i32
    %jit3A_8 = arith.constant 0 : i32
    %select_n3A_9 = arith.select %lt3A_7, %jit3A, %jit3A_8 : i32
    %add3A_10 = arith.constant 25 : i32
    %add3A_11 = arith.addi %add3A_10, %select_n3A_9 : i32
    %jit3A_12 = arith.constant 131 : i32
    %select_n3A_13 = arith.select %eq3A_0, %jit3A_12, %add3A_11 : i32
    "tpu.region"() ({
      %run_scoped3A = tpu.sem_alloc : memref<!tpu.dma_semaphore, #tpu.memory_space<semaphore_mem>>
      %dma_start3A_121 = arith.constant 0 : i32
      %dma_start3A_122 = tpu.memref_slice %arg3[%select_n3A, %dma_start3A_121] : memref<2500x128xi32, #tpu.memory_space<hbm>> -> memref<131x128xi32, #tpu.memory_space<hbm>>
      %dma_start3A_123 = arith.constant 0 : i32
      %dma_start3A_124 = tpu.memref_slice %arg3[%select_n3A, %dma_start3A_123] : memref<2500x128xi32, #tpu.memory_space<hbm>> -> memref<131x128xi32, #tpu.memory_space<hbm>>
      tpu.enqueue_dma source(%dma_start3A_124 : memref<131x128xi32, #tpu.memory_space<hbm>>) target(%arg7 : memref<131x128xi32, #tpu.memory_space<vmem>>) target_semaphore(%run_scoped3A : memref<!tpu.dma_semaphore, #tpu.memory_space<semaphore_mem>>)
      %dma_wait3A = arith.constant 0 : i32
      %dma_wait3A_125 = tpu.memref_slice %arg3[%select_n3A, %dma_wait3A] : memref<2500x128xi32, #tpu.memory_space<hbm>> -> memref<131x128xi32, #tpu.memory_space<hbm>>
      %dma_wait3A_126 = arith.constant 0 : i32
      %dma_wait3A_127 = tpu.memref_slice %arg3[%select_n3A, %dma_wait3A_126] : memref<2500x128xi32, #tpu.memory_space<hbm>> -> memref<131x128xi32, #tpu.memory_space<hbm>>
      tpu.wait_dma2 semaphore(%run_scoped3A : memref<!tpu.dma_semaphore, #tpu.memory_space<semaphore_mem>>) src(%dma_wait3A_127 : memref<131x128xi32, #tpu.memory_space<hbm>>) dst(%arg7 : memref<131x128xi32, #tpu.memory_space<vmem>>)
      tpu.yield
    }) : () -> ()
    "tpu.region"() ({
      %run_scoped3A = tpu.sem_alloc : memref<!tpu.dma_semaphore, #tpu.memory_space<semaphore_mem>>
      %dma_start3A_121 = arith.constant 0 : i32
      %dma_start3A_122 = tpu.memref_slice %arg4[%select_n3A, %dma_start3A_121] : memref<2500x128xi32, #tpu.memory_space<hbm>> -> memref<131x128xi32, #tpu.memory_space<hbm>>
      %dma_start3A_123 = arith.constant 0 : i32
      %dma_start3A_124 = tpu.memref_slice %arg4[%select_n3A, %dma_start3A_123] : memref<2500x128xi32, #tpu.memory_space<hbm>> -> memref<131x128xi32, #tpu.memory_space<hbm>>
      tpu.enqueue_dma source(%dma_start3A_124 : memref<131x128xi32, #tpu.memory_space<hbm>>) target(%arg8 : memref<131x128xi32, #tpu.memory_space<vmem>>) target_semaphore(%run_scoped3A : memref<!tpu.dma_semaphore, #tpu.memory_space<semaphore_mem>>)
      %dma_wait3A = arith.constant 0 : i32
      %dma_wait3A_125 = tpu.memref_slice %arg4[%select_n3A, %dma_wait3A] : memref<2500x128xi32, #tpu.memory_space<hbm>> -> memref<131x128xi32, #tpu.memory_space<hbm>>
      %dma_wait3A_126 = arith.constant 0 : i32
      %dma_wait3A_127 = tpu.memref_slice %arg4[%select_n3A, %dma_wait3A_126] : memref<2500x128xi32, #tpu.memory_space<hbm>> -> memref<131x128xi32, #tpu.memory_space<hbm>>
      tpu.wait_dma2 semaphore(%run_scoped3A : memref<!tpu.dma_semaphore, #tpu.memory_space<semaphore_mem>>) src(%dma_wait3A_127 : memref<131x128xi32, #tpu.memory_space<hbm>>) dst(%arg8 : memref<131x128xi32, #tpu.memory_space<vmem>>)
      tpu.yield
    }) : () -> ()
    %mul3A_14 = arith.constant 632 : i32
    %mul3A_15 = arith.muli %arg1, %mul3A_14 : i32
    %mul3A_16 = arith.constant 632 : i32
    %mul3A_17 = arith.muli %arg1, %mul3A_16 : i32
    "tpu.region"() ({
      %run_scoped3A = tpu.sem_alloc : memref<!tpu.dma_semaphore, #tpu.memory_space<semaphore_mem>>
      %dma_start3A_121 = arith.constant 0 : i32
      %dma_start3A_122 = tpu.memref_slice %arg10[%mul3A_17, %dma_start3A_121] : memref<10112x16xf32, #tpu.memory_space<vmem_shared>> -> memref<632x16xf32, #tpu.memory_space<vmem_shared>>
      %dma_start3A_123 = arith.constant 0 : i32
      %dma_start3A_124 = tpu.memref_slice %arg5[%mul3A_15, %dma_start3A_123] : memref<10112x16xf32, #tpu.memory_space<hbm>> -> memref<632x16xf32, #tpu.memory_space<hbm>>
      tpu.enqueue_dma source(%dma_start3A_124 : memref<632x16xf32, #tpu.memory_space<hbm>>) target(%dma_start3A_122 : memref<632x16xf32, #tpu.memory_space<vmem_shared>>) target_semaphore(%run_scoped3A : memref<!tpu.dma_semaphore, #tpu.memory_space<semaphore_mem>>)
      %dma_wait3A = arith.constant 0 : i32
      %dma_wait3A_125 = tpu.memref_slice %arg10[%mul3A_17, %dma_wait3A] : memref<10112x16xf32, #tpu.memory_space<vmem_shared>> -> memref<632x16xf32, #tpu.memory_space<vmem_shared>>
      %dma_wait3A_126 = arith.constant 0 : i32
      %dma_wait3A_127 = tpu.memref_slice %arg5[%mul3A_15, %dma_wait3A_126] : memref<10112x16xf32, #tpu.memory_space<hbm>> -> memref<632x16xf32, #tpu.memory_space<hbm>>
      tpu.wait_dma2 semaphore(%run_scoped3A : memref<!tpu.dma_semaphore, #tpu.memory_space<semaphore_mem>>) src(%dma_wait3A_127 : memref<632x16xf32, #tpu.memory_space<hbm>>) dst(%dma_wait3A_125 : memref<632x16xf32, #tpu.memory_space<vmem_shared>>)
      tpu.yield
    }) : () -> ()
    %barrier3A = arith.constant 0 : index
    tpu.barrier barrier_id(%barrier3A)
    %dma_start3A = arith.constant 0 : i32
    %dma_start3A_18 = arith.constant 0 : i32
    %dma_start3A_19 = arith.constant 0 : i32
    %dma_start3A_20 = arith.constant 0 : i32
    %dma_start3A_21 = tpu.memref_slice %arg9[%dma_start3A_18, %dma_start3A_19, %dma_start3A_20] : memref<8x128x16xf32, #tpu.memory_space<vmem>> -> memref<1x128x16xf32, #tpu.memory_space<vmem>>
    %dma_start3A_22 = tpu.memref_squeeze %dma_start3A_21 : memref<1x128x16xf32, #tpu.memory_space<vmem>> -> memref<128x16xf32, #tpu.memory_space<vmem>>
    %dma_start3A_23 = arith.constant 0 : i32
    %dma_start3A_24 = tpu.memref_slice %arg7[%dma_start3A, %dma_start3A_23] : memref<131x128xi32, #tpu.memory_space<vmem>> -> memref<1x128xi32, #tpu.memory_space<vmem>>
    %dma_start3A_25 = tpu.memref_squeeze %dma_start3A_24 : memref<1x128xi32, #tpu.memory_space<vmem>> -> memref<128xi32, #tpu.memory_space<vmem>>
    %dma_start3A_26 = arith.constant 0 : i32
    %dma_start3A_27 = arith.constant 0 : i32
    %dma_start3A_28 = tpu.memref_slice %arg2[%dma_start3A_26, %dma_start3A_27] : memref<10112x16xf32, #tpu.memory_space<hbm>> -> memref<10112x16xf32, #tpu.memory_space<hbm>>
    tpu.enqueue_indirect_dma source(%dma_start3A_28 : memref<10112x16xf32, #tpu.memory_space<hbm>>) target(%dma_start3A_22 : memref<128x16xf32, #tpu.memory_space<vmem>>) offsets(%dma_start3A_25 : memref<128xi32, #tpu.memory_space<vmem>>) semaphore(%arg11 : memref<!tpu.dma_semaphore, #tpu.memory_space<semaphore_mem>>)
    %dma_start3A_29 = arith.constant 1 : i32
    %dma_start3A_30 = arith.constant 1 : i32
    %dma_start3A_31 = arith.constant 0 : i32
    %dma_start3A_32 = arith.constant 0 : i32
    %dma_start3A_33 = tpu.memref_slice %arg9[%dma_start3A_30, %dma_start3A_31, %dma_start3A_32] : memref<8x128x16xf32, #tpu.memory_space<vmem>> -> memref<1x128x16xf32, #tpu.memory_space<vmem>>
    %dma_start3A_34 = tpu.memref_squeeze %dma_start3A_33 : memref<1x128x16xf32, #tpu.memory_space<vmem>> -> memref<128x16xf32, #tpu.memory_space<vmem>>
    %dma_start3A_35 = arith.constant 0 : i32
    %dma_start3A_36 = tpu.memref_slice %arg7[%dma_start3A_29, %dma_start3A_35] : memref<131x128xi32, #tpu.memory_space<vmem>> -> memref<1x128xi32, #tpu.memory_space<vmem>>
    %dma_start3A_37 = tpu.memref_squeeze %dma_start3A_36 : memref<1x128xi32, #tpu.memory_space<vmem>> -> memref<128xi32, #tpu.memory_space<vmem>>
    %dma_start3A_38 = arith.constant 0 : i32
    %dma_start3A_39 = arith.constant 0 : i32
    %dma_start3A_40 = tpu.memref_slice %arg2[%dma_start3A_38, %dma_start3A_39] : memref<10112x16xf32, #tpu.memory_space<hbm>> -> memref<10112x16xf32, #tpu.memory_space<hbm>>
    tpu.enqueue_indirect_dma source(%dma_start3A_40 : memref<10112x16xf32, #tpu.memory_space<hbm>>) target(%dma_start3A_34 : memref<128x16xf32, #tpu.memory_space<vmem>>) offsets(%dma_start3A_37 : memref<128xi32, #tpu.memory_space<vmem>>) semaphore(%arg12 : memref<!tpu.dma_semaphore, #tpu.memory_space<semaphore_mem>>)
    %dma_start3A_41 = arith.constant 2 : i32
    %dma_start3A_42 = arith.constant 2 : i32
    %dma_start3A_43 = arith.constant 0 : i32
    %dma_start3A_44 = arith.constant 0 : i32
    %dma_start3A_45 = tpu.memref_slice %arg9[%dma_start3A_42, %dma_start3A_43, %dma_start3A_44] : memref<8x128x16xf32, #tpu.memory_space<vmem>> -> memref<1x128x16xf32, #tpu.memory_space<vmem>>
    %dma_start3A_46 = tpu.memref_squeeze %dma_start3A_45 : memref<1x128x16xf32, #tpu.memory_space<vmem>> -> memref<128x16xf32, #tpu.memory_space<vmem>>
    %dma_start3A_47 = arith.constant 0 : i32
    %dma_start3A_48 = tpu.memref_slice %arg7[%dma_start3A_41, %dma_start3A_47] : memref<131x128xi32, #tpu.memory_space<vmem>> -> memref<1x128xi32, #tpu.memory_space<vmem>>
    %dma_start3A_49 = tpu.memref_squeeze %dma_start3A_48 : memref<1x128xi32, #tpu.memory_space<vmem>> -> memref<128xi32, #tpu.memory_space<vmem>>
    %dma_start3A_50 = arith.constant 0 : i32
    %dma_start3A_51 = arith.constant 0 : i32
    %dma_start3A_52 = tpu.memref_slice %arg2[%dma_start3A_50, %dma_start3A_51] : memref<10112x16xf32, #tpu.memory_space<hbm>> -> memref<10112x16xf32, #tpu.memory_space<hbm>>
    tpu.enqueue_indirect_dma source(%dma_start3A_52 : memref<10112x16xf32, #tpu.memory_space<hbm>>) target(%dma_start3A_46 : memref<128x16xf32, #tpu.memory_space<vmem>>) offsets(%dma_start3A_49 : memref<128xi32, #tpu.memory_space<vmem>>) semaphore(%arg13 : memref<!tpu.dma_semaphore, #tpu.memory_space<semaphore_mem>>)
    %dma_start3A_53 = arith.constant 3 : i32
    %dma_start3A_54 = arith.constant 3 : i32
    %dma_start3A_55 = arith.constant 0 : i32
    %dma_start3A_56 = arith.constant 0 : i32
    %dma_start3A_57 = tpu.memref_slice %arg9[%dma_start3A_54, %dma_start3A_55, %dma_start3A_56] : memref<8x128x16xf32, #tpu.memory_space<vmem>> -> memref<1x128x16xf32, #tpu.memory_space<vmem>>
    %dma_start3A_58 = tpu.memref_squeeze %dma_start3A_57 : memref<1x128x16xf32, #tpu.memory_space<vmem>> -> memref<128x16xf32, #tpu.memory_space<vmem>>
    %dma_start3A_59 = arith.constant 0 : i32
    %dma_start3A_60 = tpu.memref_slice %arg7[%dma_start3A_53, %dma_start3A_59] : memref<131x128xi32, #tpu.memory_space<vmem>> -> memref<1x128xi32, #tpu.memory_space<vmem>>
    %dma_start3A_61 = tpu.memref_squeeze %dma_start3A_60 : memref<1x128xi32, #tpu.memory_space<vmem>> -> memref<128xi32, #tpu.memory_space<vmem>>
    %dma_start3A_62 = arith.constant 0 : i32
    %dma_start3A_63 = arith.constant 0 : i32
    %dma_start3A_64 = tpu.memref_slice %arg2[%dma_start3A_62, %dma_start3A_63] : memref<10112x16xf32, #tpu.memory_space<hbm>> -> memref<10112x16xf32, #tpu.memory_space<hbm>>
    tpu.enqueue_indirect_dma source(%dma_start3A_64 : memref<10112x16xf32, #tpu.memory_space<hbm>>) target(%dma_start3A_58 : memref<128x16xf32, #tpu.memory_space<vmem>>) offsets(%dma_start3A_61 : memref<128xi32, #tpu.memory_space<vmem>>) semaphore(%arg14 : memref<!tpu.dma_semaphore, #tpu.memory_space<semaphore_mem>>)
    %dma_start3A_65 = arith.constant 4 : i32
    %dma_start3A_66 = arith.constant 4 : i32
    %dma_start3A_67 = arith.constant 0 : i32
    %dma_start3A_68 = arith.constant 0 : i32
    %dma_start3A_69 = tpu.memref_slice %arg9[%dma_start3A_66, %dma_start3A_67, %dma_start3A_68] : memref<8x128x16xf32, #tpu.memory_space<vmem>> -> memref<1x128x16xf32, #tpu.memory_space<vmem>>
    %dma_start3A_70 = tpu.memref_squeeze %dma_start3A_69 : memref<1x128x16xf32, #tpu.memory_space<vmem>> -> memref<128x16xf32, #tpu.memory_space<vmem>>
    %dma_start3A_71 = arith.constant 0 : i32
    %dma_start3A_72 = tpu.memref_slice %arg7[%dma_start3A_65, %dma_start3A_71] : memref<131x128xi32, #tpu.memory_space<vmem>> -> memref<1x128xi32, #tpu.memory_space<vmem>>
    %dma_start3A_73 = tpu.memref_squeeze %dma_start3A_72 : memref<1x128xi32, #tpu.memory_space<vmem>> -> memref<128xi32, #tpu.memory_space<vmem>>
    %dma_start3A_74 = arith.constant 0 : i32
    %dma_start3A_75 = arith.constant 0 : i32
    %dma_start3A_76 = tpu.memref_slice %arg2[%dma_start3A_74, %dma_start3A_75] : memref<10112x16xf32, #tpu.memory_space<hbm>> -> memref<10112x16xf32, #tpu.memory_space<hbm>>
    tpu.enqueue_indirect_dma source(%dma_start3A_76 : memref<10112x16xf32, #tpu.memory_space<hbm>>) target(%dma_start3A_70 : memref<128x16xf32, #tpu.memory_space<vmem>>) offsets(%dma_start3A_73 : memref<128xi32, #tpu.memory_space<vmem>>) semaphore(%arg15 : memref<!tpu.dma_semaphore, #tpu.memory_space<semaphore_mem>>)
    %dma_start3A_77 = arith.constant 5 : i32
    %dma_start3A_78 = arith.constant 5 : i32
    %dma_start3A_79 = arith.constant 0 : i32
    %dma_start3A_80 = arith.constant 0 : i32
    %dma_start3A_81 = tpu.memref_slice %arg9[%dma_start3A_78, %dma_start3A_79, %dma_start3A_80] : memref<8x128x16xf32, #tpu.memory_space<vmem>> -> memref<1x128x16xf32, #tpu.memory_space<vmem>>
    %dma_start3A_82 = tpu.memref_squeeze %dma_start3A_81 : memref<1x128x16xf32, #tpu.memory_space<vmem>> -> memref<128x16xf32, #tpu.memory_space<vmem>>
    %dma_start3A_83 = arith.constant 0 : i32
    %dma_start3A_84 = tpu.memref_slice %arg7[%dma_start3A_77, %dma_start3A_83] : memref<131x128xi32, #tpu.memory_space<vmem>> -> memref<1x128xi32, #tpu.memory_space<vmem>>
    %dma_start3A_85 = tpu.memref_squeeze %dma_start3A_84 : memref<1x128xi32, #tpu.memory_space<vmem>> -> memref<128xi32, #tpu.memory_space<vmem>>
    %dma_start3A_86 = arith.constant 0 : i32
    %dma_start3A_87 = arith.constant 0 : i32
    %dma_start3A_88 = tpu.memref_slice %arg2[%dma_start3A_86, %dma_start3A_87] : memref<10112x16xf32, #tpu.memory_space<hbm>> -> memref<10112x16xf32, #tpu.memory_space<hbm>>
    tpu.enqueue_indirect_dma source(%dma_start3A_88 : memref<10112x16xf32, #tpu.memory_space<hbm>>) target(%dma_start3A_82 : memref<128x16xf32, #tpu.memory_space<vmem>>) offsets(%dma_start3A_85 : memref<128xi32, #tpu.memory_space<vmem>>) semaphore(%arg16 : memref<!tpu.dma_semaphore, #tpu.memory_space<semaphore_mem>>)
    %dma_start3A_89 = arith.constant 6 : i32
    %dma_start3A_90 = arith.constant 6 : i32
    %dma_start3A_91 = arith.constant 0 : i32
    %dma_start3A_92 = arith.constant 0 : i32
    %dma_start3A_93 = tpu.memref_slice %arg9[%dma_start3A_90, %dma_start3A_91, %dma_start3A_92] : memref<8x128x16xf32, #tpu.memory_space<vmem>> -> memref<1x128x16xf32, #tpu.memory_space<vmem>>
    %dma_start3A_94 = tpu.memref_squeeze %dma_start3A_93 : memref<1x128x16xf32, #tpu.memory_space<vmem>> -> memref<128x16xf32, #tpu.memory_space<vmem>>
    %dma_start3A_95 = arith.constant 0 : i32
    %dma_start3A_96 = tpu.memref_slice %arg7[%dma_start3A_89, %dma_start3A_95] : memref<131x128xi32, #tpu.memory_space<vmem>> -> memref<1x128xi32, #tpu.memory_space<vmem>>
    %dma_start3A_97 = tpu.memref_squeeze %dma_start3A_96 : memref<1x128xi32, #tpu.memory_space<vmem>> -> memref<128xi32, #tpu.memory_space<vmem>>
    %dma_start3A_98 = arith.constant 0 : i32
    %dma_start3A_99 = arith.constant 0 : i32
    %dma_start3A_100 = tpu.memref_slice %arg2[%dma_start3A_98, %dma_start3A_99] : memref<10112x16xf32, #tpu.memory_space<hbm>> -> memref<10112x16xf32, #tpu.memory_space<hbm>>
    tpu.enqueue_indirect_dma source(%dma_start3A_100 : memref<10112x16xf32, #tpu.memory_space<hbm>>) target(%dma_start3A_94 : memref<128x16xf32, #tpu.memory_space<vmem>>) offsets(%dma_start3A_97 : memref<128xi32, #tpu.memory_space<vmem>>) semaphore(%arg17 : memref<!tpu.dma_semaphore, #tpu.memory_space<semaphore_mem>>)
    %dma_start3A_101 = arith.constant 7 : i32
    %dma_start3A_102 = arith.constant 7 : i32
    %dma_start3A_103 = arith.constant 0 : i32
    %dma_start3A_104 = arith.constant 0 : i32
    %dma_start3A_105 = tpu.memref_slice %arg9[%dma_start3A_102, %dma_start3A_103, %dma_start3A_104] : memref<8x128x16xf32, #tpu.memory_space<vmem>> -> memref<1x128x16xf32, #tpu.memory_space<vmem>>
    %dma_start3A_106 = tpu.memref_squeeze %dma_start3A_105 : memref<1x128x16xf32, #tpu.memory_space<vmem>> -> memref<128x16xf32, #tpu.memory_space<vmem>>
    %dma_start3A_107 = arith.constant 0 : i32
    %dma_start3A_108 = tpu.memref_slice %arg7[%dma_start3A_101, %dma_start3A_107] : memref<131x128xi32, #tpu.memory_space<vmem>> -> memref<1x128xi32, #tpu.memory_space<vmem>>
    %dma_start3A_109 = tpu.memref_squeeze %dma_start3A_108 : memref<1x128xi32, #tpu.memory_space<vmem>> -> memref<128xi32, #tpu.memory_space<vmem>>
    %dma_start3A_110 = arith.constant 0 : i32
    %dma_start3A_111 = arith.constant 0 : i32
    %dma_start3A_112 = tpu.memref_slice %arg2[%dma_start3A_110, %dma_start3A_111] : memref<10112x16xf32, #tpu.memory_space<hbm>> -> memref<10112x16xf32, #tpu.memory_space<hbm>>
    tpu.enqueue_indirect_dma source(%dma_start3A_112 : memref<10112x16xf32, #tpu.memory_space<hbm>>) target(%dma_start3A_106 : memref<128x16xf32, #tpu.memory_space<vmem>>) offsets(%dma_start3A_109 : memref<128xi32, #tpu.memory_space<vmem>>) semaphore(%arg18 : memref<!tpu.dma_semaphore, #tpu.memory_space<semaphore_mem>>)
    %scan3A = arith.constant 0 : i32
    %scan3A_113 = arith.constant 0 : i32
    %scan3A_114 = arith.constant 17 : i32
    %scan3A_115 = arith.addi %scan3A_113, %scan3A_114 : i32
    %scan3A_116 = arith.constant 1 : i32
    scf.for %scan3A_121 = %scan3A_113 to %scan3A_115 step %scan3A_116  : i32 {
      %mul3A_122 = arith.constant 8 : i32
      %mul3A_123 = arith.muli %scan3A_121, %mul3A_122 : i32
      %add3A_124 = arith.constant 0 : i32
      %add3A_125 = arith.addi %mul3A_123, %add3A_124 : i32
      %sub3A = arith.constant 4 : i32
      %sub3A_126 = arith.subi %add3A_125, %sub3A : i32
      %ge3A = arith.constant 0 : i32
      %ge3A_127 = arith.cmpi sge, %sub3A_126, %ge3A : i32
      %lt3A_128 = arith.cmpi slt, %sub3A_126, %select_n3A_13 : i32
      %and3A = arith.andi %ge3A_127, %lt3A_128 : i1
      %convert_element_type3A = arith.extui %and3A : i1 to i32
      %cond3A = arith.constant 0 : i32
      %cond3A_129 = arith.cmpi ne, %convert_element_type3A, %cond3A : i32
      scf.if %cond3A_129 {
        %dma_wait3A = arith.constant 4 : i32
        %dma_wait3A_239 = arith.constant 0 : i32
        %dma_wait3A_240 = arith.constant 0 : i32
        %dma_wait3A_241 = tpu.memref_slice %arg9[%dma_wait3A, %dma_wait3A_239, %dma_wait3A_240] : memref<8x128x16xf32, #tpu.memory_space<vmem>> -> memref<1x128x16xf32, #tpu.memory_space<vmem>>
        %dma_wait3A_242 = tpu.memref_squeeze %dma_wait3A_241 : memref<1x128x16xf32, #tpu.memory_space<vmem>> -> memref<128x16xf32, #tpu.memory_space<vmem>>
        %dma_wait3A_243 = arith.constant 0 : i32
        %dma_wait3A_244 = tpu.memref_slice %arg8[%sub3A_126, %dma_wait3A_243] : memref<131x128xi32, #tpu.memory_space<vmem>> -> memref<1x128xi32, #tpu.memory_space<vmem>>
        %dma_wait3A_245 = tpu.memref_squeeze %dma_wait3A_244 : memref<1x128xi32, #tpu.memory_space<vmem>> -> memref<128xi32, #tpu.memory_space<vmem>>
        %dma_wait3A_246 = arith.constant 0 : i32
        %dma_wait3A_247 = arith.constant 0 : i32
        %dma_wait3A_248 = tpu.memref_slice %arg10[%dma_wait3A_246, %dma_wait3A_247] : memref<10112x16xf32, #tpu.memory_space<vmem_shared>> -> memref<10112x16xf32, #tpu.memory_space<vmem_shared>>
        tpu.wait_indirect_dma semaphore(%arg23 : memref<!tpu.dma_semaphore, #tpu.memory_space<semaphore_mem>>) src(%dma_wait3A_242 : memref<128x16xf32, #tpu.memory_space<vmem>>) dst(%dma_wait3A_248 : memref<10112x16xf32, #tpu.memory_space<vmem_shared>>)
        %add3A_249 = arith.constant 8 : i32
        %add3A_250 = arith.addi %sub3A_126, %add3A_249 : i32
        %lt3A_251 = arith.cmpi slt, %add3A_250, %select_n3A_13 : i32
        %convert_element_type3A_252 = arith.extui %lt3A_251 : i1 to i32
        %cond3A_253 = arith.constant 0 : i32
        %cond3A_254 = arith.cmpi ne, %convert_element_type3A_252, %cond3A_253 : i32
        scf.if %cond3A_254 {
          %dma_start3A_255 = arith.constant 4 : i32
          %dma_start3A_256 = arith.constant 0 : i32
          %dma_start3A_257 = arith.constant 0 : i32
          %dma_start3A_258 = tpu.memref_slice %arg9[%dma_start3A_255, %dma_start3A_256, %dma_start3A_257] : memref<8x128x16xf32, #tpu.memory_space<vmem>> -> memref<1x128x16xf32, #tpu.memory_space<vmem>>
          %dma_start3A_259 = tpu.memref_squeeze %dma_start3A_258 : memref<1x128x16xf32, #tpu.memory_space<vmem>> -> memref<128x16xf32, #tpu.memory_space<vmem>>
          %dma_start3A_260 = arith.constant 0 : i32
          %dma_start3A_261 = tpu.memref_slice %arg7[%add3A_250, %dma_start3A_260] : memref<131x128xi32, #tpu.memory_space<vmem>> -> memref<1x128xi32, #tpu.memory_space<vmem>>
          %dma_start3A_262 = tpu.memref_squeeze %dma_start3A_261 : memref<1x128xi32, #tpu.memory_space<vmem>> -> memref<128xi32, #tpu.memory_space<vmem>>
          %dma_start3A_263 = arith.constant 0 : i32
          %dma_start3A_264 = arith.constant 0 : i32
          %dma_start3A_265 = tpu.memref_slice %arg2[%dma_start3A_263, %dma_start3A_264] : memref<10112x16xf32, #tpu.memory_space<hbm>> -> memref<10112x16xf32, #tpu.memory_space<hbm>>
          tpu.enqueue_indirect_dma source(%dma_start3A_265 : memref<10112x16xf32, #tpu.memory_space<hbm>>) target(%dma_start3A_259 : memref<128x16xf32, #tpu.memory_space<vmem>>) offsets(%dma_start3A_262 : memref<128xi32, #tpu.memory_space<vmem>>) semaphore(%arg15 : memref<!tpu.dma_semaphore, #tpu.memory_space<semaphore_mem>>)
        } else {
        }
      } else {
      }
      %lt3A_130 = arith.cmpi slt, %add3A_125, %select_n3A_13 : i32
      %convert_element_type3A_131 = arith.extui %lt3A_130 : i1 to i32
      %cond3A_132 = arith.constant 0 : i32
      %cond3A_133 = arith.cmpi ne, %convert_element_type3A_131, %cond3A_132 : i32
      scf.if %cond3A_133 {
        %dma_wait3A = arith.constant 0 : i32
        %dma_wait3A_239 = arith.constant 0 : i32
        %dma_wait3A_240 = arith.constant 0 : i32
        %dma_wait3A_241 = tpu.memref_slice %arg9[%dma_wait3A, %dma_wait3A_239, %dma_wait3A_240] : memref<8x128x16xf32, #tpu.memory_space<vmem>> -> memref<1x128x16xf32, #tpu.memory_space<vmem>>
        %dma_wait3A_242 = tpu.memref_squeeze %dma_wait3A_241 : memref<1x128x16xf32, #tpu.memory_space<vmem>> -> memref<128x16xf32, #tpu.memory_space<vmem>>
        %dma_wait3A_243 = arith.constant 0 : i32
        %dma_wait3A_244 = tpu.memref_slice %arg7[%add3A_125, %dma_wait3A_243] : memref<131x128xi32, #tpu.memory_space<vmem>> -> memref<1x128xi32, #tpu.memory_space<vmem>>
        %dma_wait3A_245 = tpu.memref_squeeze %dma_wait3A_244 : memref<1x128xi32, #tpu.memory_space<vmem>> -> memref<128xi32, #tpu.memory_space<vmem>>
        %dma_wait3A_246 = arith.constant 0 : i32
        %dma_wait3A_247 = arith.constant 0 : i32
        %dma_wait3A_248 = tpu.memref_slice %arg2[%dma_wait3A_246, %dma_wait3A_247] : memref<10112x16xf32, #tpu.memory_space<hbm>> -> memref<10112x16xf32, #tpu.memory_space<hbm>>
        tpu.wait_indirect_dma semaphore(%arg11 : memref<!tpu.dma_semaphore, #tpu.memory_space<semaphore_mem>>) src(%dma_wait3A_248 : memref<10112x16xf32, #tpu.memory_space<hbm>>) dst(%dma_wait3A_242 : memref<128x16xf32, #tpu.memory_space<vmem>>)
        %dma_start3A_249 = arith.constant 0 : i32
        %dma_start3A_250 = arith.constant 0 : i32
        %dma_start3A_251 = arith.constant 0 : i32
        %dma_start3A_252 = tpu.memref_slice %arg9[%dma_start3A_249, %dma_start3A_250, %dma_start3A_251] : memref<8x128x16xf32, #tpu.memory_space<vmem>> -> memref<1x128x16xf32, #tpu.memory_space<vmem>>
        %dma_start3A_253 = tpu.memref_squeeze %dma_start3A_252 : memref<1x128x16xf32, #tpu.memory_space<vmem>> -> memref<128x16xf32, #tpu.memory_space<vmem>>
        %dma_start3A_254 = arith.constant 0 : i32
        %dma_start3A_255 = tpu.memref_slice %arg8[%add3A_125, %dma_start3A_254] : memref<131x128xi32, #tpu.memory_space<vmem>> -> memref<1x128xi32, #tpu.memory_space<vmem>>
        %dma_start3A_256 = tpu.memref_squeeze %dma_start3A_255 : memref<1x128xi32, #tpu.memory_space<vmem>> -> memref<128xi32, #tpu.memory_space<vmem>>
        %dma_start3A_257 = arith.constant 0 : i32
        %dma_start3A_258 = arith.constant 0 : i32
        %dma_start3A_259 = tpu.memref_slice %arg10[%dma_start3A_257, %dma_start3A_258] : memref<10112x16xf32, #tpu.memory_space<vmem_shared>> -> memref<10112x16xf32, #tpu.memory_space<vmem_shared>>
        tpu.enqueue_indirect_dma source(%dma_start3A_253 : memref<128x16xf32, #tpu.memory_space<vmem>>) target(%dma_start3A_259 : memref<10112x16xf32, #tpu.memory_space<vmem_shared>>) offsets(%dma_start3A_256 : memref<128xi32, #tpu.memory_space<vmem>>) semaphore(%arg19 : memref<!tpu.dma_semaphore, #tpu.memory_space<semaphore_mem>>) {add = true}
      } else {
      }
      %add3A_134 = arith.constant 1 : i32
      %add3A_135 = arith.addi %mul3A_123, %add3A_134 : i32
      %sub3A_136 = arith.constant 4 : i32
      %sub3A_137 = arith.subi %add3A_135, %sub3A_136 : i32
      %ge3A_138 = arith.constant 0 : i32
      %ge3A_139 = arith.cmpi sge, %sub3A_137, %ge3A_138 : i32
      %lt3A_140 = arith.cmpi slt, %sub3A_137, %select_n3A_13 : i32
      %and3A_141 = arith.andi %ge3A_139, %lt3A_140 : i1
      %convert_element_type3A_142 = arith.extui %and3A_141 : i1 to i32
      %cond3A_143 = arith.constant 0 : i32
      %cond3A_144 = arith.cmpi ne, %convert_element_type3A_142, %cond3A_143 : i32
      scf.if %cond3A_144 {
        %dma_wait3A = arith.constant 5 : i32
        %dma_wait3A_239 = arith.constant 0 : i32
        %dma_wait3A_240 = arith.constant 0 : i32
        %dma_wait3A_241 = tpu.memref_slice %arg9[%dma_wait3A, %dma_wait3A_239, %dma_wait3A_240] : memref<8x128x16xf32, #tpu.memory_space<vmem>> -> memref<1x128x16xf32, #tpu.memory_space<vmem>>
        %dma_wait3A_242 = tpu.memref_squeeze %dma_wait3A_241 : memref<1x128x16xf32, #tpu.memory_space<vmem>> -> memref<128x16xf32, #tpu.memory_space<vmem>>
        %dma_wait3A_243 = arith.constant 0 : i32
        %dma_wait3A_244 = tpu.memref_slice %arg8[%sub3A_137, %dma_wait3A_243] : memref<131x128xi32, #tpu.memory_space<vmem>> -> memref<1x128xi32, #tpu.memory_space<vmem>>
        %dma_wait3A_245 = tpu.memref_squeeze %dma_wait3A_244 : memref<1x128xi32, #tpu.memory_space<vmem>> -> memref<128xi32, #tpu.memory_space<vmem>>
        %dma_wait3A_246 = arith.constant 0 : i32
        %dma_wait3A_247 = arith.constant 0 : i32
        %dma_wait3A_248 = tpu.memref_slice %arg10[%dma_wait3A_246, %dma_wait3A_247] : memref<10112x16xf32, #tpu.memory_space<vmem_shared>> -> memref<10112x16xf32, #tpu.memory_space<vmem_shared>>
        tpu.wait_indirect_dma semaphore(%arg24 : memref<!tpu.dma_semaphore, #tpu.memory_space<semaphore_mem>>) src(%dma_wait3A_242 : memref<128x16xf32, #tpu.memory_space<vmem>>) dst(%dma_wait3A_248 : memref<10112x16xf32, #tpu.memory_space<vmem_shared>>)
        %add3A_249 = arith.constant 8 : i32
        %add3A_250 = arith.addi %sub3A_137, %add3A_249 : i32
        %lt3A_251 = arith.cmpi slt, %add3A_250, %select_n3A_13 : i32
        %convert_element_type3A_252 = arith.extui %lt3A_251 : i1 to i32
        %cond3A_253 = arith.constant 0 : i32
        %cond3A_254 = arith.cmpi ne, %convert_element_type3A_252, %cond3A_253 : i32
        scf.if %cond3A_254 {
          %dma_start3A_255 = arith.constant 5 : i32
          %dma_start3A_256 = arith.constant 0 : i32
          %dma_start3A_257 = arith.constant 0 : i32
          %dma_start3A_258 = tpu.memref_slice %arg9[%dma_start3A_255, %dma_start3A_256, %dma_start3A_257] : memref<8x128x16xf32, #tpu.memory_space<vmem>> -> memref<1x128x16xf32, #tpu.memory_space<vmem>>
          %dma_start3A_259 = tpu.memref_squeeze %dma_start3A_258 : memref<1x128x16xf32, #tpu.memory_space<vmem>> -> memref<128x16xf32, #tpu.memory_space<vmem>>
          %dma_start3A_260 = arith.constant 0 : i32
          %dma_start3A_261 = tpu.memref_slice %arg7[%add3A_250, %dma_start3A_260] : memref<131x128xi32, #tpu.memory_space<vmem>> -> memref<1x128xi32, #tpu.memory_space<vmem>>
          %dma_start3A_262 = tpu.memref_squeeze %dma_start3A_261 : memref<1x128xi32, #tpu.memory_space<vmem>> -> memref<128xi32, #tpu.memory_space<vmem>>
          %dma_start3A_263 = arith.constant 0 : i32
          %dma_start3A_264 = arith.constant 0 : i32
          %dma_start3A_265 = tpu.memref_slice %arg2[%dma_start3A_263, %dma_start3A_264] : memref<10112x16xf32, #tpu.memory_space<hbm>> -> memref<10112x16xf32, #tpu.memory_space<hbm>>
          tpu.enqueue_indirect_dma source(%dma_start3A_265 : memref<10112x16xf32, #tpu.memory_space<hbm>>) target(%dma_start3A_259 : memref<128x16xf32, #tpu.memory_space<vmem>>) offsets(%dma_start3A_262 : memref<128xi32, #tpu.memory_space<vmem>>) semaphore(%arg16 : memref<!tpu.dma_semaphore, #tpu.memory_space<semaphore_mem>>)
        } else {
        }
      } else {
      }
      %lt3A_145 = arith.cmpi slt, %add3A_135, %select_n3A_13 : i32
      %convert_element_type3A_146 = arith.extui %lt3A_145 : i1 to i32
      %cond3A_147 = arith.constant 0 : i32
      %cond3A_148 = arith.cmpi ne, %convert_element_type3A_146, %cond3A_147 : i32
      scf.if %cond3A_148 {
        %dma_wait3A = arith.constant 1 : i32
        %dma_wait3A_239 = arith.constant 0 : i32
        %dma_wait3A_240 = arith.constant 0 : i32
        %dma_wait3A_241 = tpu.memref_slice %arg9[%dma_wait3A, %dma_wait3A_239, %dma_wait3A_240] : memref<8x128x16xf32, #tpu.memory_space<vmem>> -> memref<1x128x16xf32, #tpu.memory_space<vmem>>
        %dma_wait3A_242 = tpu.memref_squeeze %dma_wait3A_241 : memref<1x128x16xf32, #tpu.memory_space<vmem>> -> memref<128x16xf32, #tpu.memory_space<vmem>>
        %dma_wait3A_243 = arith.constant 0 : i32
        %dma_wait3A_244 = tpu.memref_slice %arg7[%add3A_135, %dma_wait3A_243] : memref<131x128xi32, #tpu.memory_space<vmem>> -> memref<1x128xi32, #tpu.memory_space<vmem>>
        %dma_wait3A_245 = tpu.memref_squeeze %dma_wait3A_244 : memref<1x128xi32, #tpu.memory_space<vmem>> -> memref<128xi32, #tpu.memory_space<vmem>>
        %dma_wait3A_246 = arith.constant 0 : i32
        %dma_wait3A_247 = arith.constant 0 : i32
        %dma_wait3A_248 = tpu.memref_slice %arg2[%dma_wait3A_246, %dma_wait3A_247] : memref<10112x16xf32, #tpu.memory_space<hbm>> -> memref<10112x16xf32, #tpu.memory_space<hbm>>
        tpu.wait_indirect_dma semaphore(%arg12 : memref<!tpu.dma_semaphore, #tpu.memory_space<semaphore_mem>>) src(%dma_wait3A_248 : memref<10112x16xf32, #tpu.memory_space<hbm>>) dst(%dma_wait3A_242 : memref<128x16xf32, #tpu.memory_space<vmem>>)
        %dma_start3A_249 = arith.constant 1 : i32
        %dma_start3A_250 = arith.constant 0 : i32
        %dma_start3A_251 = arith.constant 0 : i32
        %dma_start3A_252 = tpu.memref_slice %arg9[%dma_start3A_249, %dma_start3A_250, %dma_start3A_251] : memref<8x128x16xf32, #tpu.memory_space<vmem>> -> memref<1x128x16xf32, #tpu.memory_space<vmem>>
        %dma_start3A_253 = tpu.memref_squeeze %dma_start3A_252 : memref<1x128x16xf32, #tpu.memory_space<vmem>> -> memref<128x16xf32, #tpu.memory_space<vmem>>
        %dma_start3A_254 = arith.constant 0 : i32
        %dma_start3A_255 = tpu.memref_slice %arg8[%add3A_135, %dma_start3A_254] : memref<131x128xi32, #tpu.memory_space<vmem>> -> memref<1x128xi32, #tpu.memory_space<vmem>>
        %dma_start3A_256 = tpu.memref_squeeze %dma_start3A_255 : memref<1x128xi32, #tpu.memory_space<vmem>> -> memref<128xi32, #tpu.memory_space<vmem>>
        %dma_start3A_257 = arith.constant 0 : i32
        %dma_start3A_258 = arith.constant 0 : i32
        %dma_start3A_259 = tpu.memref_slice %arg10[%dma_start3A_257, %dma_start3A_258] : memref<10112x16xf32, #tpu.memory_space<vmem_shared>> -> memref<10112x16xf32, #tpu.memory_space<vmem_shared>>
        tpu.enqueue_indirect_dma source(%dma_start3A_253 : memref<128x16xf32, #tpu.memory_space<vmem>>) target(%dma_start3A_259 : memref<10112x16xf32, #tpu.memory_space<vmem_shared>>) offsets(%dma_start3A_256 : memref<128xi32, #tpu.memory_space<vmem>>) semaphore(%arg20 : memref<!tpu.dma_semaphore, #tpu.memory_space<semaphore_mem>>) {add = true}
      } else {
      }
      %add3A_149 = arith.constant 2 : i32
      %add3A_150 = arith.addi %mul3A_123, %add3A_149 : i32
      %sub3A_151 = arith.constant 4 : i32
      %sub3A_152 = arith.subi %add3A_150, %sub3A_151 : i32
      %ge3A_153 = arith.constant 0 : i32
      %ge3A_154 = arith.cmpi sge, %sub3A_152, %ge3A_153 : i32
      %lt3A_155 = arith.cmpi slt, %sub3A_152, %select_n3A_13 : i32
      %and3A_156 = arith.andi %ge3A_154, %lt3A_155 : i1
      %convert_element_type3A_157 = arith.extui %and3A_156 : i1 to i32
      %cond3A_158 = arith.constant 0 : i32
      %cond3A_159 = arith.cmpi ne, %convert_element_type3A_157, %cond3A_158 : i32
      scf.if %cond3A_159 {
        %dma_wait3A = arith.constant 6 : i32
        %dma_wait3A_239 = arith.constant 0 : i32
        %dma_wait3A_240 = arith.constant 0 : i32
        %dma_wait3A_241 = tpu.memref_slice %arg9[%dma_wait3A, %dma_wait3A_239, %dma_wait3A_240] : memref<8x128x16xf32, #tpu.memory_space<vmem>> -> memref<1x128x16xf32, #tpu.memory_space<vmem>>
        %dma_wait3A_242 = tpu.memref_squeeze %dma_wait3A_241 : memref<1x128x16xf32, #tpu.memory_space<vmem>> -> memref<128x16xf32, #tpu.memory_space<vmem>>
        %dma_wait3A_243 = arith.constant 0 : i32
        %dma_wait3A_244 = tpu.memref_slice %arg8[%sub3A_152, %dma_wait3A_243] : memref<131x128xi32, #tpu.memory_space<vmem>> -> memref<1x128xi32, #tpu.memory_space<vmem>>
        %dma_wait3A_245 = tpu.memref_squeeze %dma_wait3A_244 : memref<1x128xi32, #tpu.memory_space<vmem>> -> memref<128xi32, #tpu.memory_space<vmem>>
        %dma_wait3A_246 = arith.constant 0 : i32
        %dma_wait3A_247 = arith.constant 0 : i32
        %dma_wait3A_248 = tpu.memref_slice %arg10[%dma_wait3A_246, %dma_wait3A_247] : memref<10112x16xf32, #tpu.memory_space<vmem_shared>> -> memref<10112x16xf32, #tpu.memory_space<vmem_shared>>
        tpu.wait_indirect_dma semaphore(%arg25 : memref<!tpu.dma_semaphore, #tpu.memory_space<semaphore_mem>>) src(%dma_wait3A_242 : memref<128x16xf32, #tpu.memory_space<vmem>>) dst(%dma_wait3A_248 : memref<10112x16xf32, #tpu.memory_space<vmem_shared>>)
        %add3A_249 = arith.constant 8 : i32
        %add3A_250 = arith.addi %sub3A_152, %add3A_249 : i32
        %lt3A_251 = arith.cmpi slt, %add3A_250, %select_n3A_13 : i32
        %convert_element_type3A_252 = arith.extui %lt3A_251 : i1 to i32
        %cond3A_253 = arith.constant 0 : i32
        %cond3A_254 = arith.cmpi ne, %convert_element_type3A_252, %cond3A_253 : i32
        scf.if %cond3A_254 {
          %dma_start3A_255 = arith.constant 6 : i32
          %dma_start3A_256 = arith.constant 0 : i32
          %dma_start3A_257 = arith.constant 0 : i32
          %dma_start3A_258 = tpu.memref_slice %arg9[%dma_start3A_255, %dma_start3A_256, %dma_start3A_257] : memref<8x128x16xf32, #tpu.memory_space<vmem>> -> memref<1x128x16xf32, #tpu.memory_space<vmem>>
          %dma_start3A_259 = tpu.memref_squeeze %dma_start3A_258 : memref<1x128x16xf32, #tpu.memory_space<vmem>> -> memref<128x16xf32, #tpu.memory_space<vmem>>
          %dma_start3A_260 = arith.constant 0 : i32
          %dma_start3A_261 = tpu.memref_slice %arg7[%add3A_250, %dma_start3A_260] : memref<131x128xi32, #tpu.memory_space<vmem>> -> memref<1x128xi32, #tpu.memory_space<vmem>>
          %dma_start3A_262 = tpu.memref_squeeze %dma_start3A_261 : memref<1x128xi32, #tpu.memory_space<vmem>> -> memref<128xi32, #tpu.memory_space<vmem>>
          %dma_start3A_263 = arith.constant 0 : i32
          %dma_start3A_264 = arith.constant 0 : i32
          %dma_start3A_265 = tpu.memref_slice %arg2[%dma_start3A_263, %dma_start3A_264] : memref<10112x16xf32, #tpu.memory_space<hbm>> -> memref<10112x16xf32, #tpu.memory_space<hbm>>
          tpu.enqueue_indirect_dma source(%dma_start3A_265 : memref<10112x16xf32, #tpu.memory_space<hbm>>) target(%dma_start3A_259 : memref<128x16xf32, #tpu.memory_space<vmem>>) offsets(%dma_start3A_262 : memref<128xi32, #tpu.memory_space<vmem>>) semaphore(%arg17 : memref<!tpu.dma_semaphore, #tpu.memory_space<semaphore_mem>>)
        } else {
        }
      } else {
      }
      %lt3A_160 = arith.cmpi slt, %add3A_150, %select_n3A_13 : i32
      %convert_element_type3A_161 = arith.extui %lt3A_160 : i1 to i32
      %cond3A_162 = arith.constant 0 : i32
      %cond3A_163 = arith.cmpi ne, %convert_element_type3A_161, %cond3A_162 : i32
      scf.if %cond3A_163 {
        %dma_wait3A = arith.constant 2 : i32
        %dma_wait3A_239 = arith.constant 0 : i32
        %dma_wait3A_240 = arith.constant 0 : i32
        %dma_wait3A_241 = tpu.memref_slice %arg9[%dma_wait3A, %dma_wait3A_239, %dma_wait3A_240] : memref<8x128x16xf32, #tpu.memory_space<vmem>> -> memref<1x128x16xf32, #tpu.memory_space<vmem>>
        %dma_wait3A_242 = tpu.memref_squeeze %dma_wait3A_241 : memref<1x128x16xf32, #tpu.memory_space<vmem>> -> memref<128x16xf32, #tpu.memory_space<vmem>>
        %dma_wait3A_243 = arith.constant 0 : i32
        %dma_wait3A_244 = tpu.memref_slice %arg7[%add3A_150, %dma_wait3A_243] : memref<131x128xi32, #tpu.memory_space<vmem>> -> memref<1x128xi32, #tpu.memory_space<vmem>>
        %dma_wait3A_245 = tpu.memref_squeeze %dma_wait3A_244 : memref<1x128xi32, #tpu.memory_space<vmem>> -> memref<128xi32, #tpu.memory_space<vmem>>
        %dma_wait3A_246 = arith.constant 0 : i32
        %dma_wait3A_247 = arith.constant 0 : i32
        %dma_wait3A_248 = tpu.memref_slice %arg2[%dma_wait3A_246, %dma_wait3A_247] : memref<10112x16xf32, #tpu.memory_space<hbm>> -> memref<10112x16xf32, #tpu.memory_space<hbm>>
        tpu.wait_indirect_dma semaphore(%arg13 : memref<!tpu.dma_semaphore, #tpu.memory_space<semaphore_mem>>) src(%dma_wait3A_248 : memref<10112x16xf32, #tpu.memory_space<hbm>>) dst(%dma_wait3A_242 : memref<128x16xf32, #tpu.memory_space<vmem>>)
        %dma_start3A_249 = arith.constant 2 : i32
        %dma_start3A_250 = arith.constant 0 : i32
        %dma_start3A_251 = arith.constant 0 : i32
        %dma_start3A_252 = tpu.memref_slice %arg9[%dma_start3A_249, %dma_start3A_250, %dma_start3A_251] : memref<8x128x16xf32, #tpu.memory_space<vmem>> -> memref<1x128x16xf32, #tpu.memory_space<vmem>>
        %dma_start3A_253 = tpu.memref_squeeze %dma_start3A_252 : memref<1x128x16xf32, #tpu.memory_space<vmem>> -> memref<128x16xf32, #tpu.memory_space<vmem>>
        %dma_start3A_254 = arith.constant 0 : i32
        %dma_start3A_255 = tpu.memref_slice %arg8[%add3A_150, %dma_start3A_254] : memref<131x128xi32, #tpu.memory_space<vmem>> -> memref<1x128xi32, #tpu.memory_space<vmem>>
        %dma_start3A_256 = tpu.memref_squeeze %dma_start3A_255 : memref<1x128xi32, #tpu.memory_space<vmem>> -> memref<128xi32, #tpu.memory_space<vmem>>
        %dma_start3A_257 = arith.constant 0 : i32
        %dma_start3A_258 = arith.constant 0 : i32
        %dma_start3A_259 = tpu.memref_slice %arg10[%dma_start3A_257, %dma_start3A_258] : memref<10112x16xf32, #tpu.memory_space<vmem_shared>> -> memref<10112x16xf32, #tpu.memory_space<vmem_shared>>
        tpu.enqueue_indirect_dma source(%dma_start3A_253 : memref<128x16xf32, #tpu.memory_space<vmem>>) target(%dma_start3A_259 : memref<10112x16xf32, #tpu.memory_space<vmem_shared>>) offsets(%dma_start3A_256 : memref<128xi32, #tpu.memory_space<vmem>>) semaphore(%arg21 : memref<!tpu.dma_semaphore, #tpu.memory_space<semaphore_mem>>) {add = true}
      } else {
      }
      %add3A_164 = arith.constant 3 : i32
      %add3A_165 = arith.addi %mul3A_123, %add3A_164 : i32
      %sub3A_166 = arith.constant 4 : i32
      %sub3A_167 = arith.subi %add3A_165, %sub3A_166 : i32
      %ge3A_168 = arith.constant 0 : i32
      %ge3A_169 = arith.cmpi sge, %sub3A_167, %ge3A_168 : i32
      %lt3A_170 = arith.cmpi slt, %sub3A_167, %select_n3A_13 : i32
      %and3A_171 = arith.andi %ge3A_169, %lt3A_170 : i1
      %convert_element_type3A_172 = arith.extui %and3A_171 : i1 to i32
      %cond3A_173 = arith.constant 0 : i32
      %cond3A_174 = arith.cmpi ne, %convert_element_type3A_172, %cond3A_173 : i32
      scf.if %cond3A_174 {
        %dma_wait3A = arith.constant 7 : i32
        %dma_wait3A_239 = arith.constant 0 : i32
        %dma_wait3A_240 = arith.constant 0 : i32
        %dma_wait3A_241 = tpu.memref_slice %arg9[%dma_wait3A, %dma_wait3A_239, %dma_wait3A_240] : memref<8x128x16xf32, #tpu.memory_space<vmem>> -> memref<1x128x16xf32, #tpu.memory_space<vmem>>
        %dma_wait3A_242 = tpu.memref_squeeze %dma_wait3A_241 : memref<1x128x16xf32, #tpu.memory_space<vmem>> -> memref<128x16xf32, #tpu.memory_space<vmem>>
        %dma_wait3A_243 = arith.constant 0 : i32
        %dma_wait3A_244 = tpu.memref_slice %arg8[%sub3A_167, %dma_wait3A_243] : memref<131x128xi32, #tpu.memory_space<vmem>> -> memref<1x128xi32, #tpu.memory_space<vmem>>
        %dma_wait3A_245 = tpu.memref_squeeze %dma_wait3A_244 : memref<1x128xi32, #tpu.memory_space<vmem>> -> memref<128xi32, #tpu.memory_space<vmem>>
        %dma_wait3A_246 = arith.constant 0 : i32
        %dma_wait3A_247 = arith.constant 0 : i32
        %dma_wait3A_248 = tpu.memref_slice %arg10[%dma_wait3A_246, %dma_wait3A_247] : memref<10112x16xf32, #tpu.memory_space<vmem_shared>> -> memref<10112x16xf32, #tpu.memory_space<vmem_shared>>
        tpu.wait_indirect_dma semaphore(%arg26 : memref<!tpu.dma_semaphore, #tpu.memory_space<semaphore_mem>>) src(%dma_wait3A_242 : memref<128x16xf32, #tpu.memory_space<vmem>>) dst(%dma_wait3A_248 : memref<10112x16xf32, #tpu.memory_space<vmem_shared>>)
        %add3A_249 = arith.constant 8 : i32
        %add3A_250 = arith.addi %sub3A_167, %add3A_249 : i32
        %lt3A_251 = arith.cmpi slt, %add3A_250, %select_n3A_13 : i32
        %convert_element_type3A_252 = arith.extui %lt3A_251 : i1 to i32
        %cond3A_253 = arith.constant 0 : i32
        %cond3A_254 = arith.cmpi ne, %convert_element_type3A_252, %cond3A_253 : i32
        scf.if %cond3A_254 {
          %dma_start3A_255 = arith.constant 7 : i32
          %dma_start3A_256 = arith.constant 0 : i32
          %dma_start3A_257 = arith.constant 0 : i32
          %dma_start3A_258 = tpu.memref_slice %arg9[%dma_start3A_255, %dma_start3A_256, %dma_start3A_257] : memref<8x128x16xf32, #tpu.memory_space<vmem>> -> memref<1x128x16xf32, #tpu.memory_space<vmem>>
          %dma_start3A_259 = tpu.memref_squeeze %dma_start3A_258 : memref<1x128x16xf32, #tpu.memory_space<vmem>> -> memref<128x16xf32, #tpu.memory_space<vmem>>
          %dma_start3A_260 = arith.constant 0 : i32
          %dma_start3A_261 = tpu.memref_slice %arg7[%add3A_250, %dma_start3A_260] : memref<131x128xi32, #tpu.memory_space<vmem>> -> memref<1x128xi32, #tpu.memory_space<vmem>>
          %dma_start3A_262 = tpu.memref_squeeze %dma_start3A_261 : memref<1x128xi32, #tpu.memory_space<vmem>> -> memref<128xi32, #tpu.memory_space<vmem>>
          %dma_start3A_263 = arith.constant 0 : i32
          %dma_start3A_264 = arith.constant 0 : i32
          %dma_start3A_265 = tpu.memref_slice %arg2[%dma_start3A_263, %dma_start3A_264] : memref<10112x16xf32, #tpu.memory_space<hbm>> -> memref<10112x16xf32, #tpu.memory_space<hbm>>
          tpu.enqueue_indirect_dma source(%dma_start3A_265 : memref<10112x16xf32, #tpu.memory_space<hbm>>) target(%dma_start3A_259 : memref<128x16xf32, #tpu.memory_space<vmem>>) offsets(%dma_start3A_262 : memref<128xi32, #tpu.memory_space<vmem>>) semaphore(%arg18 : memref<!tpu.dma_semaphore, #tpu.memory_space<semaphore_mem>>)
        } else {
        }
      } else {
      }
      %lt3A_175 = arith.cmpi slt, %add3A_165, %select_n3A_13 : i32
      %convert_element_type3A_176 = arith.extui %lt3A_175 : i1 to i32
      %cond3A_177 = arith.constant 0 : i32
      %cond3A_178 = arith.cmpi ne, %convert_element_type3A_176, %cond3A_177 : i32
      scf.if %cond3A_178 {
        %dma_wait3A = arith.constant 3 : i32
        %dma_wait3A_239 = arith.constant 0 : i32
        %dma_wait3A_240 = arith.constant 0 : i32
        %dma_wait3A_241 = tpu.memref_slice %arg9[%dma_wait3A, %dma_wait3A_239, %dma_wait3A_240] : memref<8x128x16xf32, #tpu.memory_space<vmem>> -> memref<1x128x16xf32, #tpu.memory_space<vmem>>
        %dma_wait3A_242 = tpu.memref_squeeze %dma_wait3A_241 : memref<1x128x16xf32, #tpu.memory_space<vmem>> -> memref<128x16xf32, #tpu.memory_space<vmem>>
        %dma_wait3A_243 = arith.constant 0 : i32
        %dma_wait3A_244 = tpu.memref_slice %arg7[%add3A_165, %dma_wait3A_243] : memref<131x128xi32, #tpu.memory_space<vmem>> -> memref<1x128xi32, #tpu.memory_space<vmem>>
        %dma_wait3A_245 = tpu.memref_squeeze %dma_wait3A_244 : memref<1x128xi32, #tpu.memory_space<vmem>> -> memref<128xi32, #tpu.memory_space<vmem>>
        %dma_wait3A_246 = arith.constant 0 : i32
        %dma_wait3A_247 = arith.constant 0 : i32
        %dma_wait3A_248 = tpu.memref_slice %arg2[%dma_wait3A_246, %dma_wait3A_247] : memref<10112x16xf32, #tpu.memory_space<hbm>> -> memref<10112x16xf32, #tpu.memory_space<hbm>>
        tpu.wait_indirect_dma semaphore(%arg14 : memref<!tpu.dma_semaphore, #tpu.memory_space<semaphore_mem>>) src(%dma_wait3A_248 : memref<10112x16xf32, #tpu.memory_space<hbm>>) dst(%dma_wait3A_242 : memref<128x16xf32, #tpu.memory_space<vmem>>)
        %dma_start3A_249 = arith.constant 3 : i32
        %dma_start3A_250 = arith.constant 0 : i32
        %dma_start3A_251 = arith.constant 0 : i32
        %dma_start3A_252 = tpu.memref_slice %arg9[%dma_start3A_249, %dma_start3A_250, %dma_start3A_251] : memref<8x128x16xf32, #tpu.memory_space<vmem>> -> memref<1x128x16xf32, #tpu.memory_space<vmem>>
        %dma_start3A_253 = tpu.memref_squeeze %dma_start3A_252 : memref<1x128x16xf32, #tpu.memory_space<vmem>> -> memref<128x16xf32, #tpu.memory_space<vmem>>
        %dma_start3A_254 = arith.constant 0 : i32
        %dma_start3A_255 = tpu.memref_slice %arg8[%add3A_165, %dma_start3A_254] : memref<131x128xi32, #tpu.memory_space<vmem>> -> memref<1x128xi32, #tpu.memory_space<vmem>>
        %dma_start3A_256 = tpu.memref_squeeze %dma_start3A_255 : memref<1x128xi32, #tpu.memory_space<vmem>> -> memref<128xi32, #tpu.memory_space<vmem>>
        %dma_start3A_257 = arith.constant 0 : i32
        %dma_start3A_258 = arith.constant 0 : i32
        %dma_start3A_259 = tpu.memref_slice %arg10[%dma_start3A_257, %dma_start3A_258] : memref<10112x16xf32, #tpu.memory_space<vmem_shared>> -> memref<10112x16xf32, #tpu.memory_space<vmem_shared>>
        tpu.enqueue_indirect_dma source(%dma_start3A_253 : memref<128x16xf32, #tpu.memory_space<vmem>>) target(%dma_start3A_259 : memref<10112x16xf32, #tpu.memory_space<vmem_shared>>) offsets(%dma_start3A_256 : memref<128xi32, #tpu.memory_space<vmem>>) semaphore(%arg22 : memref<!tpu.dma_semaphore, #tpu.memory_space<semaphore_mem>>) {add = true}
      } else {
      }
      %add3A_179 = arith.constant 4 : i32
      %add3A_180 = arith.addi %mul3A_123, %add3A_179 : i32
      %sub3A_181 = arith.constant 4 : i32
      %sub3A_182 = arith.subi %add3A_180, %sub3A_181 : i32
      %ge3A_183 = arith.constant 0 : i32
      %ge3A_184 = arith.cmpi sge, %sub3A_182, %ge3A_183 : i32
      %lt3A_185 = arith.cmpi slt, %sub3A_182, %select_n3A_13 : i32
      %and3A_186 = arith.andi %ge3A_184, %lt3A_185 : i1
      %convert_element_type3A_187 = arith.extui %and3A_186 : i1 to i32
      %cond3A_188 = arith.constant 0 : i32
      %cond3A_189 = arith.cmpi ne, %convert_element_type3A_187, %cond3A_188 : i32
      scf.if %cond3A_189 {
        %dma_wait3A = arith.constant 0 : i32
        %dma_wait3A_239 = arith.constant 0 : i32
        %dma_wait3A_240 = arith.constant 0 : i32
        %dma_wait3A_241 = tpu.memref_slice %arg9[%dma_wait3A, %dma_wait3A_239, %dma_wait3A_240] : memref<8x128x16xf32, #tpu.memory_space<vmem>> -> memref<1x128x16xf32, #tpu.memory_space<vmem>>
        %dma_wait3A_242 = tpu.memref_squeeze %dma_wait3A_241 : memref<1x128x16xf32, #tpu.memory_space<vmem>> -> memref<128x16xf32, #tpu.memory_space<vmem>>
        %dma_wait3A_243 = arith.constant 0 : i32
        %dma_wait3A_244 = tpu.memref_slice %arg8[%sub3A_182, %dma_wait3A_243] : memref<131x128xi32, #tpu.memory_space<vmem>> -> memref<1x128xi32, #tpu.memory_space<vmem>>
        %dma_wait3A_245 = tpu.memref_squeeze %dma_wait3A_244 : memref<1x128xi32, #tpu.memory_space<vmem>> -> memref<128xi32, #tpu.memory_space<vmem>>
        %dma_wait3A_246 = arith.constant 0 : i32
        %dma_wait3A_247 = arith.constant 0 : i32
        %dma_wait3A_248 = tpu.memref_slice %arg10[%dma_wait3A_246, %dma_wait3A_247] : memref<10112x16xf32, #tpu.memory_space<vmem_shared>> -> memref<10112x16xf32, #tpu.memory_space<vmem_shared>>
        tpu.wait_indirect_dma semaphore(%arg19 : memref<!tpu.dma_semaphore, #tpu.memory_space<semaphore_mem>>) src(%dma_wait3A_242 : memref<128x16xf32, #tpu.memory_space<vmem>>) dst(%dma_wait3A_248 : memref<10112x16xf32, #tpu.memory_space<vmem_shared>>)
        %add3A_249 = arith.constant 8 : i32
        %add3A_250 = arith.addi %sub3A_182, %add3A_249 : i32
        %lt3A_251 = arith.cmpi slt, %add3A_250, %select_n3A_13 : i32
        %convert_element_type3A_252 = arith.extui %lt3A_251 : i1 to i32
        %cond3A_253 = arith.constant 0 : i32
        %cond3A_254 = arith.cmpi ne, %convert_element_type3A_252, %cond3A_253 : i32
        scf.if %cond3A_254 {
          %dma_start3A_255 = arith.constant 0 : i32
          %dma_start3A_256 = arith.constant 0 : i32
          %dma_start3A_257 = arith.constant 0 : i32
          %dma_start3A_258 = tpu.memref_slice %arg9[%dma_start3A_255, %dma_start3A_256, %dma_start3A_257] : memref<8x128x16xf32, #tpu.memory_space<vmem>> -> memref<1x128x16xf32, #tpu.memory_space<vmem>>
          %dma_start3A_259 = tpu.memref_squeeze %dma_start3A_258 : memref<1x128x16xf32, #tpu.memory_space<vmem>> -> memref<128x16xf32, #tpu.memory_space<vmem>>
          %dma_start3A_260 = arith.constant 0 : i32
          %dma_start3A_261 = tpu.memref_slice %arg7[%add3A_250, %dma_start3A_260] : memref<131x128xi32, #tpu.memory_space<vmem>> -> memref<1x128xi32, #tpu.memory_space<vmem>>
          %dma_start3A_262 = tpu.memref_squeeze %dma_start3A_261 : memref<1x128xi32, #tpu.memory_space<vmem>> -> memref<128xi32, #tpu.memory_space<vmem>>
          %dma_start3A_263 = arith.constant 0 : i32
          %dma_start3A_264 = arith.constant 0 : i32
          %dma_start3A_265 = tpu.memref_slice %arg2[%dma_start3A_263, %dma_start3A_264] : memref<10112x16xf32, #tpu.memory_space<hbm>> -> memref<10112x16xf32, #tpu.memory_space<hbm>>
          tpu.enqueue_indirect_dma source(%dma_start3A_265 : memref<10112x16xf32, #tpu.memory_space<hbm>>) target(%dma_start3A_259 : memref<128x16xf32, #tpu.memory_space<vmem>>) offsets(%dma_start3A_262 : memref<128xi32, #tpu.memory_space<vmem>>) semaphore(%arg11 : memref<!tpu.dma_semaphore, #tpu.memory_space<semaphore_mem>>)
        } else {
        }
      } else {
      }
      %lt3A_190 = arith.cmpi slt, %add3A_180, %select_n3A_13 : i32
      %convert_element_type3A_191 = arith.extui %lt3A_190 : i1 to i32
      %cond3A_192 = arith.constant 0 : i32
      %cond3A_193 = arith.cmpi ne, %convert_element_type3A_191, %cond3A_192 : i32
      scf.if %cond3A_193 {
        %dma_wait3A = arith.constant 4 : i32
        %dma_wait3A_239 = arith.constant 0 : i32
        %dma_wait3A_240 = arith.constant 0 : i32
        %dma_wait3A_241 = tpu.memref_slice %arg9[%dma_wait3A, %dma_wait3A_239, %dma_wait3A_240] : memref<8x128x16xf32, #tpu.memory_space<vmem>> -> memref<1x128x16xf32, #tpu.memory_space<vmem>>
        %dma_wait3A_242 = tpu.memref_squeeze %dma_wait3A_241 : memref<1x128x16xf32, #tpu.memory_space<vmem>> -> memref<128x16xf32, #tpu.memory_space<vmem>>
        %dma_wait3A_243 = arith.constant 0 : i32
        %dma_wait3A_244 = tpu.memref_slice %arg7[%add3A_180, %dma_wait3A_243] : memref<131x128xi32, #tpu.memory_space<vmem>> -> memref<1x128xi32, #tpu.memory_space<vmem>>
        %dma_wait3A_245 = tpu.memref_squeeze %dma_wait3A_244 : memref<1x128xi32, #tpu.memory_space<vmem>> -> memref<128xi32, #tpu.memory_space<vmem>>
        %dma_wait3A_246 = arith.constant 0 : i32
        %dma_wait3A_247 = arith.constant 0 : i32
        %dma_wait3A_248 = tpu.memref_slice %arg2[%dma_wait3A_246, %dma_wait3A_247] : memref<10112x16xf32, #tpu.memory_space<hbm>> -> memref<10112x16xf32, #tpu.memory_space<hbm>>
        tpu.wait_indirect_dma semaphore(%arg15 : memref<!tpu.dma_semaphore, #tpu.memory_space<semaphore_mem>>) src(%dma_wait3A_248 : memref<10112x16xf32, #tpu.memory_space<hbm>>) dst(%dma_wait3A_242 : memref<128x16xf32, #tpu.memory_space<vmem>>)
        %dma_start3A_249 = arith.constant 4 : i32
        %dma_start3A_250 = arith.constant 0 : i32
        %dma_start3A_251 = arith.constant 0 : i32
        %dma_start3A_252 = tpu.memref_slice %arg9[%dma_start3A_249, %dma_start3A_250, %dma_start3A_251] : memref<8x128x16xf32, #tpu.memory_space<vmem>> -> memref<1x128x16xf32, #tpu.memory_space<vmem>>
        %dma_start3A_253 = tpu.memref_squeeze %dma_start3A_252 : memref<1x128x16xf32, #tpu.memory_space<vmem>> -> memref<128x16xf32, #tpu.memory_space<vmem>>
        %dma_start3A_254 = arith.constant 0 : i32
        %dma_start3A_255 = tpu.memref_slice %arg8[%add3A_180, %dma_start3A_254] : memref<131x128xi32, #tpu.memory_space<vmem>> -> memref<1x128xi32, #tpu.memory_space<vmem>>
        %dma_start3A_256 = tpu.memref_squeeze %dma_start3A_255 : memref<1x128xi32, #tpu.memory_space<vmem>> -> memref<128xi32, #tpu.memory_space<vmem>>
        %dma_start3A_257 = arith.constant 0 : i32
        %dma_start3A_258 = arith.constant 0 : i32
        %dma_start3A_259 = tpu.memref_slice %arg10[%dma_start3A_257, %dma_start3A_258] : memref<10112x16xf32, #tpu.memory_space<vmem_shared>> -> memref<10112x16xf32, #tpu.memory_space<vmem_shared>>
        tpu.enqueue_indirect_dma source(%dma_start3A_253 : memref<128x16xf32, #tpu.memory_space<vmem>>) target(%dma_start3A_259 : memref<10112x16xf32, #tpu.memory_space<vmem_shared>>) offsets(%dma_start3A_256 : memref<128xi32, #tpu.memory_space<vmem>>) semaphore(%arg23 : memref<!tpu.dma_semaphore, #tpu.memory_space<semaphore_mem>>) {add = true}
      } else {
      }
      %add3A_194 = arith.constant 5 : i32
      %add3A_195 = arith.addi %mul3A_123, %add3A_194 : i32
      %sub3A_196 = arith.constant 4 : i32
      %sub3A_197 = arith.subi %add3A_195, %sub3A_196 : i32
      %ge3A_198 = arith.constant 0 : i32
      %ge3A_199 = arith.cmpi sge, %sub3A_197, %ge3A_198 : i32
      %lt3A_200 = arith.cmpi slt, %sub3A_197, %select_n3A_13 : i32
      %and3A_201 = arith.andi %ge3A_199, %lt3A_200 : i1
      %convert_element_type3A_202 = arith.extui %and3A_201 : i1 to i32
      %cond3A_203 = arith.constant 0 : i32
      %cond3A_204 = arith.cmpi ne, %convert_element_type3A_202, %cond3A_203 : i32
      scf.if %cond3A_204 {
        %dma_wait3A = arith.constant 1 : i32
        %dma_wait3A_239 = arith.constant 0 : i32
        %dma_wait3A_240 = arith.constant 0 : i32
        %dma_wait3A_241 = tpu.memref_slice %arg9[%dma_wait3A, %dma_wait3A_239, %dma_wait3A_240] : memref<8x128x16xf32, #tpu.memory_space<vmem>> -> memref<1x128x16xf32, #tpu.memory_space<vmem>>
        %dma_wait3A_242 = tpu.memref_squeeze %dma_wait3A_241 : memref<1x128x16xf32, #tpu.memory_space<vmem>> -> memref<128x16xf32, #tpu.memory_space<vmem>>
        %dma_wait3A_243 = arith.constant 0 : i32
        %dma_wait3A_244 = tpu.memref_slice %arg8[%sub3A_197, %dma_wait3A_243] : memref<131x128xi32, #tpu.memory_space<vmem>> -> memref<1x128xi32, #tpu.memory_space<vmem>>
        %dma_wait3A_245 = tpu.memref_squeeze %dma_wait3A_244 : memref<1x128xi32, #tpu.memory_space<vmem>> -> memref<128xi32, #tpu.memory_space<vmem>>
        %dma_wait3A_246 = arith.constant 0 : i32
        %dma_wait3A_247 = arith.constant 0 : i32
        %dma_wait3A_248 = tpu.memref_slice %arg10[%dma_wait3A_246, %dma_wait3A_247] : memref<10112x16xf32, #tpu.memory_space<vmem_shared>> -> memref<10112x16xf32, #tpu.memory_space<vmem_shared>>
        tpu.wait_indirect_dma semaphore(%arg20 : memref<!tpu.dma_semaphore, #tpu.memory_space<semaphore_mem>>) src(%dma_wait3A_242 : memref<128x16xf32, #tpu.memory_space<vmem>>) dst(%dma_wait3A_248 : memref<10112x16xf32, #tpu.memory_space<vmem_shared>>)
        %add3A_249 = arith.constant 8 : i32
        %add3A_250 = arith.addi %sub3A_197, %add3A_249 : i32
        %lt3A_251 = arith.cmpi slt, %add3A_250, %select_n3A_13 : i32
        %convert_element_type3A_252 = arith.extui %lt3A_251 : i1 to i32
        %cond3A_253 = arith.constant 0 : i32
        %cond3A_254 = arith.cmpi ne, %convert_element_type3A_252, %cond3A_253 : i32
        scf.if %cond3A_254 {
          %dma_start3A_255 = arith.constant 1 : i32
          %dma_start3A_256 = arith.constant 0 : i32
          %dma_start3A_257 = arith.constant 0 : i32
          %dma_start3A_258 = tpu.memref_slice %arg9[%dma_start3A_255, %dma_start3A_256, %dma_start3A_257] : memref<8x128x16xf32, #tpu.memory_space<vmem>> -> memref<1x128x16xf32, #tpu.memory_space<vmem>>
          %dma_start3A_259 = tpu.memref_squeeze %dma_start3A_258 : memref<1x128x16xf32, #tpu.memory_space<vmem>> -> memref<128x16xf32, #tpu.memory_space<vmem>>
          %dma_start3A_260 = arith.constant 0 : i32
          %dma_start3A_261 = tpu.memref_slice %arg7[%add3A_250, %dma_start3A_260] : memref<131x128xi32, #tpu.memory_space<vmem>> -> memref<1x128xi32, #tpu.memory_space<vmem>>
          %dma_start3A_262 = tpu.memref_squeeze %dma_start3A_261 : memref<1x128xi32, #tpu.memory_space<vmem>> -> memref<128xi32, #tpu.memory_space<vmem>>
          %dma_start3A_263 = arith.constant 0 : i32
          %dma_start3A_264 = arith.constant 0 : i32
          %dma_start3A_265 = tpu.memref_slice %arg2[%dma_start3A_263, %dma_start3A_264] : memref<10112x16xf32, #tpu.memory_space<hbm>> -> memref<10112x16xf32, #tpu.memory_space<hbm>>
          tpu.enqueue_indirect_dma source(%dma_start3A_265 : memref<10112x16xf32, #tpu.memory_space<hbm>>) target(%dma_start3A_259 : memref<128x16xf32, #tpu.memory_space<vmem>>) offsets(%dma_start3A_262 : memref<128xi32, #tpu.memory_space<vmem>>) semaphore(%arg12 : memref<!tpu.dma_semaphore, #tpu.memory_space<semaphore_mem>>)
        } else {
        }
      } else {
      }
      %lt3A_205 = arith.cmpi slt, %add3A_195, %select_n3A_13 : i32
      %convert_element_type3A_206 = arith.extui %lt3A_205 : i1 to i32
      %cond3A_207 = arith.constant 0 : i32
      %cond3A_208 = arith.cmpi ne, %convert_element_type3A_206, %cond3A_207 : i32
      scf.if %cond3A_208 {
        %dma_wait3A = arith.constant 5 : i32
        %dma_wait3A_239 = arith.constant 0 : i32
        %dma_wait3A_240 = arith.constant 0 : i32
        %dma_wait3A_241 = tpu.memref_slice %arg9[%dma_wait3A, %dma_wait3A_239, %dma_wait3A_240] : memref<8x128x16xf32, #tpu.memory_space<vmem>> -> memref<1x128x16xf32, #tpu.memory_space<vmem>>
        %dma_wait3A_242 = tpu.memref_squeeze %dma_wait3A_241 : memref<1x128x16xf32, #tpu.memory_space<vmem>> -> memref<128x16xf32, #tpu.memory_space<vmem>>
        %dma_wait3A_243 = arith.constant 0 : i32
        %dma_wait3A_244 = tpu.memref_slice %arg7[%add3A_195, %dma_wait3A_243] : memref<131x128xi32, #tpu.memory_space<vmem>> -> memref<1x128xi32, #tpu.memory_space<vmem>>
        %dma_wait3A_245 = tpu.memref_squeeze %dma_wait3A_244 : memref<1x128xi32, #tpu.memory_space<vmem>> -> memref<128xi32, #tpu.memory_space<vmem>>
        %dma_wait3A_246 = arith.constant 0 : i32
        %dma_wait3A_247 = arith.constant 0 : i32
        %dma_wait3A_248 = tpu.memref_slice %arg2[%dma_wait3A_246, %dma_wait3A_247] : memref<10112x16xf32, #tpu.memory_space<hbm>> -> memref<10112x16xf32, #tpu.memory_space<hbm>>
        tpu.wait_indirect_dma semaphore(%arg16 : memref<!tpu.dma_semaphore, #tpu.memory_space<semaphore_mem>>) src(%dma_wait3A_248 : memref<10112x16xf32, #tpu.memory_space<hbm>>) dst(%dma_wait3A_242 : memref<128x16xf32, #tpu.memory_space<vmem>>)
        %dma_start3A_249 = arith.constant 5 : i32
        %dma_start3A_250 = arith.constant 0 : i32
        %dma_start3A_251 = arith.constant 0 : i32
        %dma_start3A_252 = tpu.memref_slice %arg9[%dma_start3A_249, %dma_start3A_250, %dma_start3A_251] : memref<8x128x16xf32, #tpu.memory_space<vmem>> -> memref<1x128x16xf32, #tpu.memory_space<vmem>>
        %dma_start3A_253 = tpu.memref_squeeze %dma_start3A_252 : memref<1x128x16xf32, #tpu.memory_space<vmem>> -> memref<128x16xf32, #tpu.memory_space<vmem>>
        %dma_start3A_254 = arith.constant 0 : i32
        %dma_start3A_255 = tpu.memref_slice %arg8[%add3A_195, %dma_start3A_254] : memref<131x128xi32, #tpu.memory_space<vmem>> -> memref<1x128xi32, #tpu.memory_space<vmem>>
        %dma_start3A_256 = tpu.memref_squeeze %dma_start3A_255 : memref<1x128xi32, #tpu.memory_space<vmem>> -> memref<128xi32, #tpu.memory_space<vmem>>
        %dma_start3A_257 = arith.constant 0 : i32
        %dma_start3A_258 = arith.constant 0 : i32
        %dma_start3A_259 = tpu.memref_slice %arg10[%dma_start3A_257, %dma_start3A_258] : memref<10112x16xf32, #tpu.memory_space<vmem_shared>> -> memref<10112x16xf32, #tpu.memory_space<vmem_shared>>
        tpu.enqueue_indirect_dma source(%dma_start3A_253 : memref<128x16xf32, #tpu.memory_space<vmem>>) target(%dma_start3A_259 : memref<10112x16xf32, #tpu.memory_space<vmem_shared>>) offsets(%dma_start3A_256 : memref<128xi32, #tpu.memory_space<vmem>>) semaphore(%arg24 : memref<!tpu.dma_semaphore, #tpu.memory_space<semaphore_mem>>) {add = true}
      } else {
      }
      %add3A_209 = arith.constant 6 : i32
      %add3A_210 = arith.addi %mul3A_123, %add3A_209 : i32
      %sub3A_211 = arith.constant 4 : i32
      %sub3A_212 = arith.subi %add3A_210, %sub3A_211 : i32
      %ge3A_213 = arith.constant 0 : i32
      %ge3A_214 = arith.cmpi sge, %sub3A_212, %ge3A_213 : i32
      %lt3A_215 = arith.cmpi slt, %sub3A_212, %select_n3A_13 : i32
      %and3A_216 = arith.andi %ge3A_214, %lt3A_215 : i1
      %convert_element_type3A_217 = arith.extui %and3A_216 : i1 to i32
      %cond3A_218 = arith.constant 0 : i32
      %cond3A_219 = arith.cmpi ne, %convert_element_type3A_217, %cond3A_218 : i32
      scf.if %cond3A_219 {
        %dma_wait3A = arith.constant 2 : i32
        %dma_wait3A_239 = arith.constant 0 : i32
        %dma_wait3A_240 = arith.constant 0 : i32
        %dma_wait3A_241 = tpu.memref_slice %arg9[%dma_wait3A, %dma_wait3A_239, %dma_wait3A_240] : memref<8x128x16xf32, #tpu.memory_space<vmem>> -> memref<1x128x16xf32, #tpu.memory_space<vmem>>
        %dma_wait3A_242 = tpu.memref_squeeze %dma_wait3A_241 : memref<1x128x16xf32, #tpu.memory_space<vmem>> -> memref<128x16xf32, #tpu.memory_space<vmem>>
        %dma_wait3A_243 = arith.constant 0 : i32
        %dma_wait3A_244 = tpu.memref_slice %arg8[%sub3A_212, %dma_wait3A_243] : memref<131x128xi32, #tpu.memory_space<vmem>> -> memref<1x128xi32, #tpu.memory_space<vmem>>
        %dma_wait3A_245 = tpu.memref_squeeze %dma_wait3A_244 : memref<1x128xi32, #tpu.memory_space<vmem>> -> memref<128xi32, #tpu.memory_space<vmem>>
        %dma_wait3A_246 = arith.constant 0 : i32
        %dma_wait3A_247 = arith.constant 0 : i32
        %dma_wait3A_248 = tpu.memref_slice %arg10[%dma_wait3A_246, %dma_wait3A_247] : memref<10112x16xf32, #tpu.memory_space<vmem_shared>> -> memref<10112x16xf32, #tpu.memory_space<vmem_shared>>
        tpu.wait_indirect_dma semaphore(%arg21 : memref<!tpu.dma_semaphore, #tpu.memory_space<semaphore_mem>>) src(%dma_wait3A_242 : memref<128x16xf32, #tpu.memory_space<vmem>>) dst(%dma_wait3A_248 : memref<10112x16xf32, #tpu.memory_space<vmem_shared>>)
        %add3A_249 = arith.constant 8 : i32
        %add3A_250 = arith.addi %sub3A_212, %add3A_249 : i32
        %lt3A_251 = arith.cmpi slt, %add3A_250, %select_n3A_13 : i32
        %convert_element_type3A_252 = arith.extui %lt3A_251 : i1 to i32
        %cond3A_253 = arith.constant 0 : i32
        %cond3A_254 = arith.cmpi ne, %convert_element_type3A_252, %cond3A_253 : i32
        scf.if %cond3A_254 {
          %dma_start3A_255 = arith.constant 2 : i32
          %dma_start3A_256 = arith.constant 0 : i32
          %dma_start3A_257 = arith.constant 0 : i32
          %dma_start3A_258 = tpu.memref_slice %arg9[%dma_start3A_255, %dma_start3A_256, %dma_start3A_257] : memref<8x128x16xf32, #tpu.memory_space<vmem>> -> memref<1x128x16xf32, #tpu.memory_space<vmem>>
          %dma_start3A_259 = tpu.memref_squeeze %dma_start3A_258 : memref<1x128x16xf32, #tpu.memory_space<vmem>> -> memref<128x16xf32, #tpu.memory_space<vmem>>
          %dma_start3A_260 = arith.constant 0 : i32
          %dma_start3A_261 = tpu.memref_slice %arg7[%add3A_250, %dma_start3A_260] : memref<131x128xi32, #tpu.memory_space<vmem>> -> memref<1x128xi32, #tpu.memory_space<vmem>>
          %dma_start3A_262 = tpu.memref_squeeze %dma_start3A_261 : memref<1x128xi32, #tpu.memory_space<vmem>> -> memref<128xi32, #tpu.memory_space<vmem>>
          %dma_start3A_263 = arith.constant 0 : i32
          %dma_start3A_264 = arith.constant 0 : i32
          %dma_start3A_265 = tpu.memref_slice %arg2[%dma_start3A_263, %dma_start3A_264] : memref<10112x16xf32, #tpu.memory_space<hbm>> -> memref<10112x16xf32, #tpu.memory_space<hbm>>
          tpu.enqueue_indirect_dma source(%dma_start3A_265 : memref<10112x16xf32, #tpu.memory_space<hbm>>) target(%dma_start3A_259 : memref<128x16xf32, #tpu.memory_space<vmem>>) offsets(%dma_start3A_262 : memref<128xi32, #tpu.memory_space<vmem>>) semaphore(%arg13 : memref<!tpu.dma_semaphore, #tpu.memory_space<semaphore_mem>>)
        } else {
        }
      } else {
      }
      %lt3A_220 = arith.cmpi slt, %add3A_210, %select_n3A_13 : i32
      %convert_element_type3A_221 = arith.extui %lt3A_220 : i1 to i32
      %cond3A_222 = arith.constant 0 : i32
      %cond3A_223 = arith.cmpi ne, %convert_element_type3A_221, %cond3A_222 : i32
      scf.if %cond3A_223 {
        %dma_wait3A = arith.constant 6 : i32
        %dma_wait3A_239 = arith.constant 0 : i32
        %dma_wait3A_240 = arith.constant 0 : i32
        %dma_wait3A_241 = tpu.memref_slice %arg9[%dma_wait3A, %dma_wait3A_239, %dma_wait3A_240] : memref<8x128x16xf32, #tpu.memory_space<vmem>> -> memref<1x128x16xf32, #tpu.memory_space<vmem>>
        %dma_wait3A_242 = tpu.memref_squeeze %dma_wait3A_241 : memref<1x128x16xf32, #tpu.memory_space<vmem>> -> memref<128x16xf32, #tpu.memory_space<vmem>>
        %dma_wait3A_243 = arith.constant 0 : i32
        %dma_wait3A_244 = tpu.memref_slice %arg7[%add3A_210, %dma_wait3A_243] : memref<131x128xi32, #tpu.memory_space<vmem>> -> memref<1x128xi32, #tpu.memory_space<vmem>>
        %dma_wait3A_245 = tpu.memref_squeeze %dma_wait3A_244 : memref<1x128xi32, #tpu.memory_space<vmem>> -> memref<128xi32, #tpu.memory_space<vmem>>
        %dma_wait3A_246 = arith.constant 0 : i32
        %dma_wait3A_247 = arith.constant 0 : i32
        %dma_wait3A_248 = tpu.memref_slice %arg2[%dma_wait3A_246, %dma_wait3A_247] : memref<10112x16xf32, #tpu.memory_space<hbm>> -> memref<10112x16xf32, #tpu.memory_space<hbm>>
        tpu.wait_indirect_dma semaphore(%arg17 : memref<!tpu.dma_semaphore, #tpu.memory_space<semaphore_mem>>) src(%dma_wait3A_248 : memref<10112x16xf32, #tpu.memory_space<hbm>>) dst(%dma_wait3A_242 : memref<128x16xf32, #tpu.memory_space<vmem>>)
        %dma_start3A_249 = arith.constant 6 : i32
        %dma_start3A_250 = arith.constant 0 : i32
        %dma_start3A_251 = arith.constant 0 : i32
        %dma_start3A_252 = tpu.memref_slice %arg9[%dma_start3A_249, %dma_start3A_250, %dma_start3A_251] : memref<8x128x16xf32, #tpu.memory_space<vmem>> -> memref<1x128x16xf32, #tpu.memory_space<vmem>>
        %dma_start3A_253 = tpu.memref_squeeze %dma_start3A_252 : memref<1x128x16xf32, #tpu.memory_space<vmem>> -> memref<128x16xf32, #tpu.memory_space<vmem>>
        %dma_start3A_254 = arith.constant 0 : i32
        %dma_start3A_255 = tpu.memref_slice %arg8[%add3A_210, %dma_start3A_254] : memref<131x128xi32, #tpu.memory_space<vmem>> -> memref<1x128xi32, #tpu.memory_space<vmem>>
        %dma_start3A_256 = tpu.memref_squeeze %dma_start3A_255 : memref<1x128xi32, #tpu.memory_space<vmem>> -> memref<128xi32, #tpu.memory_space<vmem>>
        %dma_start3A_257 = arith.constant 0 : i32
        %dma_start3A_258 = arith.constant 0 : i32
        %dma_start3A_259 = tpu.memref_slice %arg10[%dma_start3A_257, %dma_start3A_258] : memref<10112x16xf32, #tpu.memory_space<vmem_shared>> -> memref<10112x16xf32, #tpu.memory_space<vmem_shared>>
        tpu.enqueue_indirect_dma source(%dma_start3A_253 : memref<128x16xf32, #tpu.memory_space<vmem>>) target(%dma_start3A_259 : memref<10112x16xf32, #tpu.memory_space<vmem_shared>>) offsets(%dma_start3A_256 : memref<128xi32, #tpu.memory_space<vmem>>) semaphore(%arg25 : memref<!tpu.dma_semaphore, #tpu.memory_space<semaphore_mem>>) {add = true}
      } else {
      }
      %add3A_224 = arith.constant 7 : i32
      %add3A_225 = arith.addi %mul3A_123, %add3A_224 : i32
      %sub3A_226 = arith.constant 4 : i32
      %sub3A_227 = arith.subi %add3A_225, %sub3A_226 : i32
      %ge3A_228 = arith.constant 0 : i32
      %ge3A_229 = arith.cmpi sge, %sub3A_227, %ge3A_228 : i32
      %lt3A_230 = arith.cmpi slt, %sub3A_227, %select_n3A_13 : i32
      %and3A_231 = arith.andi %ge3A_229, %lt3A_230 : i1
      %convert_element_type3A_232 = arith.extui %and3A_231 : i1 to i32
      %cond3A_233 = arith.constant 0 : i32
      %cond3A_234 = arith.cmpi ne, %convert_element_type3A_232, %cond3A_233 : i32
      scf.if %cond3A_234 {
        %dma_wait3A = arith.constant 3 : i32
        %dma_wait3A_239 = arith.constant 0 : i32
        %dma_wait3A_240 = arith.constant 0 : i32
        %dma_wait3A_241 = tpu.memref_slice %arg9[%dma_wait3A, %dma_wait3A_239, %dma_wait3A_240] : memref<8x128x16xf32, #tpu.memory_space<vmem>> -> memref<1x128x16xf32, #tpu.memory_space<vmem>>
        %dma_wait3A_242 = tpu.memref_squeeze %dma_wait3A_241 : memref<1x128x16xf32, #tpu.memory_space<vmem>> -> memref<128x16xf32, #tpu.memory_space<vmem>>
        %dma_wait3A_243 = arith.constant 0 : i32
        %dma_wait3A_244 = tpu.memref_slice %arg8[%sub3A_227, %dma_wait3A_243] : memref<131x128xi32, #tpu.memory_space<vmem>> -> memref<1x128xi32, #tpu.memory_space<vmem>>
        %dma_wait3A_245 = tpu.memref_squeeze %dma_wait3A_244 : memref<1x128xi32, #tpu.memory_space<vmem>> -> memref<128xi32, #tpu.memory_space<vmem>>
        %dma_wait3A_246 = arith.constant 0 : i32
        %dma_wait3A_247 = arith.constant 0 : i32
        %dma_wait3A_248 = tpu.memref_slice %arg10[%dma_wait3A_246, %dma_wait3A_247] : memref<10112x16xf32, #tpu.memory_space<vmem_shared>> -> memref<10112x16xf32, #tpu.memory_space<vmem_shared>>
        tpu.wait_indirect_dma semaphore(%arg22 : memref<!tpu.dma_semaphore, #tpu.memory_space<semaphore_mem>>) src(%dma_wait3A_242 : memref<128x16xf32, #tpu.memory_space<vmem>>) dst(%dma_wait3A_248 : memref<10112x16xf32, #tpu.memory_space<vmem_shared>>)
        %add3A_249 = arith.constant 8 : i32
        %add3A_250 = arith.addi %sub3A_227, %add3A_249 : i32
        %lt3A_251 = arith.cmpi slt, %add3A_250, %select_n3A_13 : i32
        %convert_element_type3A_252 = arith.extui %lt3A_251 : i1 to i32
        %cond3A_253 = arith.constant 0 : i32
        %cond3A_254 = arith.cmpi ne, %convert_element_type3A_252, %cond3A_253 : i32
        scf.if %cond3A_254 {
          %dma_start3A_255 = arith.constant 3 : i32
          %dma_start3A_256 = arith.constant 0 : i32
          %dma_start3A_257 = arith.constant 0 : i32
          %dma_start3A_258 = tpu.memref_slice %arg9[%dma_start3A_255, %dma_start3A_256, %dma_start3A_257] : memref<8x128x16xf32, #tpu.memory_space<vmem>> -> memref<1x128x16xf32, #tpu.memory_space<vmem>>
          %dma_start3A_259 = tpu.memref_squeeze %dma_start3A_258 : memref<1x128x16xf32, #tpu.memory_space<vmem>> -> memref<128x16xf32, #tpu.memory_space<vmem>>
          %dma_start3A_260 = arith.constant 0 : i32
          %dma_start3A_261 = tpu.memref_slice %arg7[%add3A_250, %dma_start3A_260] : memref<131x128xi32, #tpu.memory_space<vmem>> -> memref<1x128xi32, #tpu.memory_space<vmem>>
          %dma_start3A_262 = tpu.memref_squeeze %dma_start3A_261 : memref<1x128xi32, #tpu.memory_space<vmem>> -> memref<128xi32, #tpu.memory_space<vmem>>
          %dma_start3A_263 = arith.constant 0 : i32
          %dma_start3A_264 = arith.constant 0 : i32
          %dma_start3A_265 = tpu.memref_slice %arg2[%dma_start3A_263, %dma_start3A_264] : memref<10112x16xf32, #tpu.memory_space<hbm>> -> memref<10112x16xf32, #tpu.memory_space<hbm>>
          tpu.enqueue_indirect_dma source(%dma_start3A_265 : memref<10112x16xf32, #tpu.memory_space<hbm>>) target(%dma_start3A_259 : memref<128x16xf32, #tpu.memory_space<vmem>>) offsets(%dma_start3A_262 : memref<128xi32, #tpu.memory_space<vmem>>) semaphore(%arg14 : memref<!tpu.dma_semaphore, #tpu.memory_space<semaphore_mem>>)
        } else {
        }
      } else {
      }
      %lt3A_235 = arith.cmpi slt, %add3A_225, %select_n3A_13 : i32
      %convert_element_type3A_236 = arith.extui %lt3A_235 : i1 to i32
      %cond3A_237 = arith.constant 0 : i32
      %cond3A_238 = arith.cmpi ne, %convert_element_type3A_236, %cond3A_237 : i32
      scf.if %cond3A_238 {
        %dma_wait3A = arith.constant 7 : i32
        %dma_wait3A_239 = arith.constant 0 : i32
        %dma_wait3A_240 = arith.constant 0 : i32
        %dma_wait3A_241 = tpu.memref_slice %arg9[%dma_wait3A, %dma_wait3A_239, %dma_wait3A_240] : memref<8x128x16xf32, #tpu.memory_space<vmem>> -> memref<1x128x16xf32, #tpu.memory_space<vmem>>
        %dma_wait3A_242 = tpu.memref_squeeze %dma_wait3A_241 : memref<1x128x16xf32, #tpu.memory_space<vmem>> -> memref<128x16xf32, #tpu.memory_space<vmem>>
        %dma_wait3A_243 = arith.constant 0 : i32
        %dma_wait3A_244 = tpu.memref_slice %arg7[%add3A_225, %dma_wait3A_243] : memref<131x128xi32, #tpu.memory_space<vmem>> -> memref<1x128xi32, #tpu.memory_space<vmem>>
        %dma_wait3A_245 = tpu.memref_squeeze %dma_wait3A_244 : memref<1x128xi32, #tpu.memory_space<vmem>> -> memref<128xi32, #tpu.memory_space<vmem>>
        %dma_wait3A_246 = arith.constant 0 : i32
        %dma_wait3A_247 = arith.constant 0 : i32
        %dma_wait3A_248 = tpu.memref_slice %arg2[%dma_wait3A_246, %dma_wait3A_247] : memref<10112x16xf32, #tpu.memory_space<hbm>> -> memref<10112x16xf32, #tpu.memory_space<hbm>>
        tpu.wait_indirect_dma semaphore(%arg18 : memref<!tpu.dma_semaphore, #tpu.memory_space<semaphore_mem>>) src(%dma_wait3A_248 : memref<10112x16xf32, #tpu.memory_space<hbm>>) dst(%dma_wait3A_242 : memref<128x16xf32, #tpu.memory_space<vmem>>)
        %dma_start3A_249 = arith.constant 7 : i32
        %dma_start3A_250 = arith.constant 0 : i32
        %dma_start3A_251 = arith.constant 0 : i32
        %dma_start3A_252 = tpu.memref_slice %arg9[%dma_start3A_249, %dma_start3A_250, %dma_start3A_251] : memref<8x128x16xf32, #tpu.memory_space<vmem>> -> memref<1x128x16xf32, #tpu.memory_space<vmem>>
        %dma_start3A_253 = tpu.memref_squeeze %dma_start3A_252 : memref<1x128x16xf32, #tpu.memory_space<vmem>> -> memref<128x16xf32, #tpu.memory_space<vmem>>
        %dma_start3A_254 = arith.constant 0 : i32
        %dma_start3A_255 = tpu.memref_slice %arg8[%add3A_225, %dma_start3A_254] : memref<131x128xi32, #tpu.memory_space<vmem>> -> memref<1x128xi32, #tpu.memory_space<vmem>>
        %dma_start3A_256 = tpu.memref_squeeze %dma_start3A_255 : memref<1x128xi32, #tpu.memory_space<vmem>> -> memref<128xi32, #tpu.memory_space<vmem>>
        %dma_start3A_257 = arith.constant 0 : i32
        %dma_start3A_258 = arith.constant 0 : i32
        %dma_start3A_259 = tpu.memref_slice %arg10[%dma_start3A_257, %dma_start3A_258] : memref<10112x16xf32, #tpu.memory_space<vmem_shared>> -> memref<10112x16xf32, #tpu.memory_space<vmem_shared>>
        tpu.enqueue_indirect_dma source(%dma_start3A_253 : memref<128x16xf32, #tpu.memory_space<vmem>>) target(%dma_start3A_259 : memref<10112x16xf32, #tpu.memory_space<vmem_shared>>) offsets(%dma_start3A_256 : memref<128xi32, #tpu.memory_space<vmem>>) semaphore(%arg26 : memref<!tpu.dma_semaphore, #tpu.memory_space<semaphore_mem>>) {add = true}
      } else {
      }
    }
    %scan3A_117 = arith.constant 17 : i32
    %barrier3A_118 = arith.constant 0 : index
    tpu.barrier barrier_id(%barrier3A_118)
    %mul3A_119 = arith.constant 632 : i32
    %mul3A_120 = arith.muli %arg1, %mul3A_119 : i32
    "tpu.region"() ({
      %run_scoped3A = tpu.sem_alloc : memref<!tpu.dma_semaphore, #tpu.memory_space<semaphore_mem>>
      %dma_start3A_121 = arith.constant 0 : i32
      %dma_start3A_122 = tpu.memref_slice %arg6[%arg0, %mul3A_120, %dma_start3A_121] : memref<2x10112x16xf32, #tpu.memory_space<hbm>> -> memref<1x632x16xf32, #tpu.memory_space<hbm>>
      %dma_start3A_123 = tpu.memref_squeeze %dma_start3A_122 : memref<1x632x16xf32, #tpu.memory_space<hbm>> -> memref<632x16xf32, #tpu.memory_space<hbm>>
      %dma_start3A_124 = arith.constant 0 : i32
      %dma_start3A_125 = tpu.memref_slice %arg10[%mul3A_120, %dma_start3A_124] : memref<10112x16xf32, #tpu.memory_space<vmem_shared>> -> memref<632x16xf32, #tpu.memory_space<vmem_shared>>
      tpu.enqueue_dma source(%dma_start3A_125 : memref<632x16xf32, #tpu.memory_space<vmem_shared>>) target(%dma_start3A_123 : memref<632x16xf32, #tpu.memory_space<hbm>>) target_semaphore(%run_scoped3A : memref<!tpu.dma_semaphore, #tpu.memory_space<semaphore_mem>>)
      %dma_wait3A = arith.constant 0 : i32
      %dma_wait3A_126 = tpu.memref_slice %arg6[%arg0, %mul3A_120, %dma_wait3A] : memref<2x10112x16xf32, #tpu.memory_space<hbm>> -> memref<1x632x16xf32, #tpu.memory_space<hbm>>
      %dma_wait3A_127 = tpu.memref_squeeze %dma_wait3A_126 : memref<1x632x16xf32, #tpu.memory_space<hbm>> -> memref<632x16xf32, #tpu.memory_space<hbm>>
      %dma_wait3A_128 = arith.constant 0 : i32
      %dma_wait3A_129 = tpu.memref_slice %arg10[%mul3A_120, %dma_wait3A_128] : memref<10112x16xf32, #tpu.memory_space<vmem_shared>> -> memref<632x16xf32, #tpu.memory_space<vmem_shared>>
      tpu.wait_dma2 semaphore(%run_scoped3A : memref<!tpu.dma_semaphore, #tpu.memory_space<semaphore_mem>>) src(%dma_wait3A_129 : memref<632x16xf32, #tpu.memory_space<vmem_shared>>) dst(%dma_wait3A_127 : memref<632x16xf32, #tpu.memory_space<hbm>>)
      tpu.yield
    }) : () -> ()
    return
  }
}

#map = affine_map<(d0, d1) -> (0, 0)>
#map1 = affine_map<(d0, d1) -> (0, 0, 0)>
module attributes {stable_mosaic.version = 14 : i64} {
  func.func @agg_kernel(%arg0: i32, %arg1: i32, %arg2: memref<10112x16xf32, #tpu.memory_space<hbm>>, %arg3: memref<2500x128xi32, #tpu.memory_space<hbm>>, %arg4: memref<2500x128xi32, #tpu.memory_space<hbm>>, %arg5: memref<10112x16xf32, #tpu.memory_space<hbm>>, %arg6: memref<2x10112x16xf32, #tpu.memory_space<hbm>>, %arg7: memref<131x128xi32, #tpu.memory_space<vmem>>, %arg8: memref<131x128xi32, #tpu.memory_space<vmem>>, %arg9: memref<8x128x16xf32, #tpu.memory_space<vmem>>, %arg10: memref<10112x16xf32, #tpu.memory_space<vmem_shared>>, %arg11: memref<!tpu.dma_semaphore, #tpu.memory_space<semaphore_mem>>, %arg12: memref<!tpu.dma_semaphore, #tpu.memory_space<semaphore_mem>>, %arg13: memref<!tpu.dma_semaphore, #tpu.memory_space<semaphore_mem>>, %arg14: memref<!tpu.dma_semaphore, #tpu.memory_space<semaphore_mem>>, %arg15: memref<!tpu.dma_semaphore, #tpu.memory_space<semaphore_mem>>, %arg16: memref<!tpu.dma_semaphore, #tpu.memory_space<semaphore_mem>>, %arg17: memref<!tpu.dma_semaphore, #tpu.memory_space<semaphore_mem>>, %arg18: memref<!tpu.dma_semaphore, #tpu.memory_space<semaphore_mem>>, %arg19: memref<!tpu.dma_semaphore, #tpu.memory_space<semaphore_mem>>, %arg20: memref<!tpu.dma_semaphore, #tpu.memory_space<semaphore_mem>>, %arg21: memref<!tpu.dma_semaphore, #tpu.memory_space<semaphore_mem>>, %arg22: memref<!tpu.dma_semaphore, #tpu.memory_space<semaphore_mem>>, %arg23: memref<!tpu.dma_semaphore, #tpu.memory_space<semaphore_mem>>, %arg24: memref<!tpu.dma_semaphore, #tpu.memory_space<semaphore_mem>>, %arg25: memref<!tpu.dma_semaphore, #tpu.memory_space<semaphore_mem>>, %arg26: memref<!tpu.dma_semaphore, #tpu.memory_space<semaphore_mem>>) attributes {dimension_semantics = [#tpu.dimension_semantics<core_parallel>, #tpu.dimension_semantics<subcore_parallel>], iteration_bounds = array<i64: 2, 16>, scalar_prefetch = 0 : i64, scratch_operands = 20 : i64, tpu.core_type = #tpu.core_type<sc_vector_subcore>, window_params = [{transform_indices = #map}, {transform_indices = #map}, {transform_indices = #map}, {transform_indices = #map}, {transform_indices = #map1}]} {
    %eq3A = arith.constant 0 : i32
    %eq3A_0 = arith.cmpi eq, %arg0, %eq3A : i32
    %mul3A = arith.constant 25 : i32
    %mul3A_1 = arith.muli %arg1, %mul3A : i32
    %min3A = arith.constant 4 : i32
    %min3A_2 = arith.minsi %arg1, %min3A : i32
    %add3A = arith.addi %mul3A_1, %min3A_2 : i32
    %mul3A_3 = arith.constant 131 : i32
    %mul3A_4 = arith.muli %arg1, %mul3A_3 : i32
    %add3A_5 = arith.constant 404 : i32
    %add3A_6 = arith.addi %add3A_5, %mul3A_4 : i32
    %select_n3A = arith.select %eq3A_0, %add3A_6, %add3A : i32
    %lt3A = arith.constant 4 : i32
    %lt3A_7 = arith.cmpi slt, %arg1, %lt3A : i32
    %jit3A = arith.constant 1 : i32
    %jit3A_8 = arith.constant 0 : i32
    %select_n3A_9 = arith.select %lt3A_7, %jit3A, %jit3A_8 : i32
    %add3A_10 = arith.constant 25 : i32
    %add3A_11 = arith.addi %add3A_10, %select_n3A_9 : i32
    %jit3A_12 = arith.constant 131 : i32
    %select_n3A_13 = arith.select %eq3A_0, %jit3A_12, %add3A_11 : i32
    "tpu.region"() ({
      %run_scoped3A = tpu.sem_alloc : memref<!tpu.dma_semaphore, #tpu.memory_space<semaphore_mem>>
      %dma_start3A_121 = arith.constant 0 : i32
      %dma_start3A_122 = tpu.memref_slice %arg3[%select_n3A, %dma_start3A_121] : memref<2500x128xi32, #tpu.memory_space<hbm>> -> memref<131x128xi32, #tpu.memory_space<hbm>>
      %dma_start3A_123 = arith.constant 0 : i32
      %dma_start3A_124 = tpu.memref_slice %arg3[%select_n3A, %dma_start3A_123] : memref<2500x128xi32, #tpu.memory_space<hbm>> -> memref<131x128xi32, #tpu.memory_space<hbm>>
      tpu.enqueue_dma source(%dma_start3A_124 : memref<131x128xi32, #tpu.memory_space<hbm>>) target(%arg7 : memref<131x128xi32, #tpu.memory_space<vmem>>) target_semaphore(%run_scoped3A : memref<!tpu.dma_semaphore, #tpu.memory_space<semaphore_mem>>)
      %dma_wait3A = arith.constant 0 : i32
      %dma_wait3A_125 = tpu.memref_slice %arg3[%select_n3A, %dma_wait3A] : memref<2500x128xi32, #tpu.memory_space<hbm>> -> memref<131x128xi32, #tpu.memory_space<hbm>>
      %dma_wait3A_126 = arith.constant 0 : i32
      %dma_wait3A_127 = tpu.memref_slice %arg3[%select_n3A, %dma_wait3A_126] : memref<2500x128xi32, #tpu.memory_space<hbm>> -> memref<131x128xi32, #tpu.memory_space<hbm>>
      tpu.wait_dma2 semaphore(%run_scoped3A : memref<!tpu.dma_semaphore, #tpu.memory_space<semaphore_mem>>) src(%dma_wait3A_127 : memref<131x128xi32, #tpu.memory_space<hbm>>) dst(%arg7 : memref<131x128xi32, #tpu.memory_space<vmem>>)
      tpu.yield
    }) : () -> ()
    "tpu.region"() ({
      %run_scoped3A = tpu.sem_alloc : memref<!tpu.dma_semaphore, #tpu.memory_space<semaphore_mem>>
      %dma_start3A_121 = arith.constant 0 : i32
      %dma_start3A_122 = tpu.memref_slice %arg4[%select_n3A, %dma_start3A_121] : memref<2500x128xi32, #tpu.memory_space<hbm>> -> memref<131x128xi32, #tpu.memory_space<hbm>>
      %dma_start3A_123 = arith.constant 0 : i32
      %dma_start3A_124 = tpu.memref_slice %arg4[%select_n3A, %dma_start3A_123] : memref<2500x128xi32, #tpu.memory_space<hbm>> -> memref<131x128xi32, #tpu.memory_space<hbm>>
      tpu.enqueue_dma source(%dma_start3A_124 : memref<131x128xi32, #tpu.memory_space<hbm>>) target(%arg8 : memref<131x128xi32, #tpu.memory_space<vmem>>) target_semaphore(%run_scoped3A : memref<!tpu.dma_semaphore, #tpu.memory_space<semaphore_mem>>)
      %dma_wait3A = arith.constant 0 : i32
      %dma_wait3A_125 = tpu.memref_slice %arg4[%select_n3A, %dma_wait3A] : memref<2500x128xi32, #tpu.memory_space<hbm>> -> memref<131x128xi32, #tpu.memory_space<hbm>>
      %dma_wait3A_126 = arith.constant 0 : i32
      %dma_wait3A_127 = tpu.memref_slice %arg4[%select_n3A, %dma_wait3A_126] : memref<2500x128xi32, #tpu.memory_space<hbm>> -> memref<131x128xi32, #tpu.memory_space<hbm>>
      tpu.wait_dma2 semaphore(%run_scoped3A : memref<!tpu.dma_semaphore, #tpu.memory_space<semaphore_mem>>) src(%dma_wait3A_127 : memref<131x128xi32, #tpu.memory_space<hbm>>) dst(%arg8 : memref<131x128xi32, #tpu.memory_space<vmem>>)
      tpu.yield
    }) : () -> ()
    %mul3A_14 = arith.constant 632 : i32
    %mul3A_15 = arith.muli %arg1, %mul3A_14 : i32
    %mul3A_16 = arith.constant 632 : i32
    %mul3A_17 = arith.muli %arg1, %mul3A_16 : i32
    "tpu.region"() ({
      %run_scoped3A = tpu.sem_alloc : memref<!tpu.dma_semaphore, #tpu.memory_space<semaphore_mem>>
      %dma_start3A_121 = arith.constant 0 : i32
      %dma_start3A_122 = tpu.memref_slice %arg10[%mul3A_17, %dma_start3A_121] : memref<10112x16xf32, #tpu.memory_space<vmem_shared>> -> memref<632x16xf32, #tpu.memory_space<vmem_shared>>
      %dma_start3A_123 = arith.constant 0 : i32
      %dma_start3A_124 = tpu.memref_slice %arg5[%mul3A_15, %dma_start3A_123] : memref<10112x16xf32, #tpu.memory_space<hbm>> -> memref<632x16xf32, #tpu.memory_space<hbm>>
      tpu.enqueue_dma source(%dma_start3A_124 : memref<632x16xf32, #tpu.memory_space<hbm>>) target(%dma_start3A_122 : memref<632x16xf32, #tpu.memory_space<vmem_shared>>) target_semaphore(%run_scoped3A : memref<!tpu.dma_semaphore, #tpu.memory_space<semaphore_mem>>)
      %dma_wait3A = arith.constant 0 : i32
      %dma_wait3A_125 = tpu.memref_slice %arg10[%mul3A_17, %dma_wait3A] : memref<10112x16xf32, #tpu.memory_space<vmem_shared>> -> memref<632x16xf32, #tpu.memory_space<vmem_shared>>
      %dma_wait3A_126 = arith.constant 0 : i32
      %dma_wait3A_127 = tpu.memref_slice %arg5[%mul3A_15, %dma_wait3A_126] : memref<10112x16xf32, #tpu.memory_space<hbm>> -> memref<632x16xf32, #tpu.memory_space<hbm>>
      tpu.wait_dma2 semaphore(%run_scoped3A : memref<!tpu.dma_semaphore, #tpu.memory_space<semaphore_mem>>) src(%dma_wait3A_127 : memref<632x16xf32, #tpu.memory_space<hbm>>) dst(%dma_wait3A_125 : memref<632x16xf32, #tpu.memory_space<vmem_shared>>)
      tpu.yield
    }) : () -> ()
    %barrier3A = arith.constant 0 : index
    tpu.barrier barrier_id(%barrier3A)
    %dma_start3A = arith.constant 0 : i32
    %dma_start3A_18 = arith.constant 0 : i32
    %dma_start3A_19 = arith.constant 0 : i32
    %dma_start3A_20 = arith.constant 0 : i32
    %dma_start3A_21 = tpu.memref_slice %arg9[%dma_start3A_18, %dma_start3A_19, %dma_start3A_20] : memref<8x128x16xf32, #tpu.memory_space<vmem>> -> memref<1x128x16xf32, #tpu.memory_space<vmem>>
    %dma_start3A_22 = tpu.memref_squeeze %dma_start3A_21 : memref<1x128x16xf32, #tpu.memory_space<vmem>> -> memref<128x16xf32, #tpu.memory_space<vmem>>
    %dma_start3A_23 = arith.constant 0 : i32
    %dma_start3A_24 = tpu.memref_slice %arg7[%dma_start3A, %dma_start3A_23] : memref<131x128xi32, #tpu.memory_space<vmem>> -> memref<1x128xi32, #tpu.memory_space<vmem>>
    %dma_start3A_25 = tpu.memref_squeeze %dma_start3A_24 : memref<1x128xi32, #tpu.memory_space<vmem>> -> memref<128xi32, #tpu.memory_space<vmem>>
    %dma_start3A_26 = arith.constant 0 : i32
    %dma_start3A_27 = arith.constant 0 : i32
    %dma_start3A_28 = tpu.memref_slice %arg2[%dma_start3A_26, %dma_start3A_27] : memref<10112x16xf32, #tpu.memory_space<hbm>> -> memref<10112x16xf32, #tpu.memory_space<hbm>>
    tpu.enqueue_indirect_dma source(%dma_start3A_28 : memref<10112x16xf32, #tpu.memory_space<hbm>>) target(%dma_start3A_22 : memref<128x16xf32, #tpu.memory_space<vmem>>) offsets(%dma_start3A_25 : memref<128xi32, #tpu.memory_space<vmem>>) semaphore(%arg11 : memref<!tpu.dma_semaphore, #tpu.memory_space<semaphore_mem>>)
    %dma_start3A_29 = arith.constant 1 : i32
    %dma_start3A_30 = arith.constant 1 : i32
    %dma_start3A_31 = arith.constant 0 : i32
    %dma_start3A_32 = arith.constant 0 : i32
    %dma_start3A_33 = tpu.memref_slice %arg9[%dma_start3A_30, %dma_start3A_31, %dma_start3A_32] : memref<8x128x16xf32, #tpu.memory_space<vmem>> -> memref<1x128x16xf32, #tpu.memory_space<vmem>>
    %dma_start3A_34 = tpu.memref_squeeze %dma_start3A_33 : memref<1x128x16xf32, #tpu.memory_space<vmem>> -> memref<128x16xf32, #tpu.memory_space<vmem>>
    %dma_start3A_35 = arith.constant 0 : i32
    %dma_start3A_36 = tpu.memref_slice %arg7[%dma_start3A_29, %dma_start3A_35] : memref<131x128xi32, #tpu.memory_space<vmem>> -> memref<1x128xi32, #tpu.memory_space<vmem>>
    %dma_start3A_37 = tpu.memref_squeeze %dma_start3A_36 : memref<1x128xi32, #tpu.memory_space<vmem>> -> memref<128xi32, #tpu.memory_space<vmem>>
    %dma_start3A_38 = arith.constant 0 : i32
    %dma_start3A_39 = arith.constant 0 : i32
    %dma_start3A_40 = tpu.memref_slice %arg2[%dma_start3A_38, %dma_start3A_39] : memref<10112x16xf32, #tpu.memory_space<hbm>> -> memref<10112x16xf32, #tpu.memory_space<hbm>>
    tpu.enqueue_indirect_dma source(%dma_start3A_40 : memref<10112x16xf32, #tpu.memory_space<hbm>>) target(%dma_start3A_34 : memref<128x16xf32, #tpu.memory_space<vmem>>) offsets(%dma_start3A_37 : memref<128xi32, #tpu.memory_space<vmem>>) semaphore(%arg12 : memref<!tpu.dma_semaphore, #tpu.memory_space<semaphore_mem>>)
    %dma_start3A_41 = arith.constant 2 : i32
    %dma_start3A_42 = arith.constant 2 : i32
    %dma_start3A_43 = arith.constant 0 : i32
    %dma_start3A_44 = arith.constant 0 : i32
    %dma_start3A_45 = tpu.memref_slice %arg9[%dma_start3A_42, %dma_start3A_43, %dma_start3A_44] : memref<8x128x16xf32, #tpu.memory_space<vmem>> -> memref<1x128x16xf32, #tpu.memory_space<vmem>>
    %dma_start3A_46 = tpu.memref_squeeze %dma_start3A_45 : memref<1x128x16xf32, #tpu.memory_space<vmem>> -> memref<128x16xf32, #tpu.memory_space<vmem>>
    %dma_start3A_47 = arith.constant 0 : i32
    %dma_start3A_48 = tpu.memref_slice %arg7[%dma_start3A_41, %dma_start3A_47] : memref<131x128xi32, #tpu.memory_space<vmem>> -> memref<1x128xi32, #tpu.memory_space<vmem>>
    %dma_start3A_49 = tpu.memref_squeeze %dma_start3A_48 : memref<1x128xi32, #tpu.memory_space<vmem>> -> memref<128xi32, #tpu.memory_space<vmem>>
    %dma_start3A_50 = arith.constant 0 : i32
    %dma_start3A_51 = arith.constant 0 : i32
    %dma_start3A_52 = tpu.memref_slice %arg2[%dma_start3A_50, %dma_start3A_51] : memref<10112x16xf32, #tpu.memory_space<hbm>> -> memref<10112x16xf32, #tpu.memory_space<hbm>>
    tpu.enqueue_indirect_dma source(%dma_start3A_52 : memref<10112x16xf32, #tpu.memory_space<hbm>>) target(%dma_start3A_46 : memref<128x16xf32, #tpu.memory_space<vmem>>) offsets(%dma_start3A_49 : memref<128xi32, #tpu.memory_space<vmem>>) semaphore(%arg13 : memref<!tpu.dma_semaphore, #tpu.memory_space<semaphore_mem>>)
    %dma_start3A_53 = arith.constant 3 : i32
    %dma_start3A_54 = arith.constant 3 : i32
    %dma_start3A_55 = arith.constant 0 : i32
    %dma_start3A_56 = arith.constant 0 : i32
    %dma_start3A_57 = tpu.memref_slice %arg9[%dma_start3A_54, %dma_start3A_55, %dma_start3A_56] : memref<8x128x16xf32, #tpu.memory_space<vmem>> -> memref<1x128x16xf32, #tpu.memory_space<vmem>>
    %dma_start3A_58 = tpu.memref_squeeze %dma_start3A_57 : memref<1x128x16xf32, #tpu.memory_space<vmem>> -> memref<128x16xf32, #tpu.memory_space<vmem>>
    %dma_start3A_59 = arith.constant 0 : i32
    %dma_start3A_60 = tpu.memref_slice %arg7[%dma_start3A_53, %dma_start3A_59] : memref<131x128xi32, #tpu.memory_space<vmem>> -> memref<1x128xi32, #tpu.memory_space<vmem>>
    %dma_start3A_61 = tpu.memref_squeeze %dma_start3A_60 : memref<1x128xi32, #tpu.memory_space<vmem>> -> memref<128xi32, #tpu.memory_space<vmem>>
    %dma_start3A_62 = arith.constant 0 : i32
    %dma_start3A_63 = arith.constant 0 : i32
    %dma_start3A_64 = tpu.memref_slice %arg2[%dma_start3A_62, %dma_start3A_63] : memref<10112x16xf32, #tpu.memory_space<hbm>> -> memref<10112x16xf32, #tpu.memory_space<hbm>>
    tpu.enqueue_indirect_dma source(%dma_start3A_64 : memref<10112x16xf32, #tpu.memory_space<hbm>>) target(%dma_start3A_58 : memref<128x16xf32, #tpu.memory_space<vmem>>) offsets(%dma_start3A_61 : memref<128xi32, #tpu.memory_space<vmem>>) semaphore(%arg14 : memref<!tpu.dma_semaphore, #tpu.memory_space<semaphore_mem>>)
    %dma_start3A_65 = arith.constant 4 : i32
    %dma_start3A_66 = arith.constant 4 : i32
    %dma_start3A_67 = arith.constant 0 : i32
    %dma_start3A_68 = arith.constant 0 : i32
    %dma_start3A_69 = tpu.memref_slice %arg9[%dma_start3A_66, %dma_start3A_67, %dma_start3A_68] : memref<8x128x16xf32, #tpu.memory_space<vmem>> -> memref<1x128x16xf32, #tpu.memory_space<vmem>>
    %dma_start3A_70 = tpu.memref_squeeze %dma_start3A_69 : memref<1x128x16xf32, #tpu.memory_space<vmem>> -> memref<128x16xf32, #tpu.memory_space<vmem>>
    %dma_start3A_71 = arith.constant 0 : i32
    %dma_start3A_72 = tpu.memref_slice %arg7[%dma_start3A_65, %dma_start3A_71] : memref<131x128xi32, #tpu.memory_space<vmem>> -> memref<1x128xi32, #tpu.memory_space<vmem>>
    %dma_start3A_73 = tpu.memref_squeeze %dma_start3A_72 : memref<1x128xi32, #tpu.memory_space<vmem>> -> memref<128xi32, #tpu.memory_space<vmem>>
    %dma_start3A_74 = arith.constant 0 : i32
    %dma_start3A_75 = arith.constant 0 : i32
    %dma_start3A_76 = tpu.memref_slice %arg2[%dma_start3A_74, %dma_start3A_75] : memref<10112x16xf32, #tpu.memory_space<hbm>> -> memref<10112x16xf32, #tpu.memory_space<hbm>>
    tpu.enqueue_indirect_dma source(%dma_start3A_76 : memref<10112x16xf32, #tpu.memory_space<hbm>>) target(%dma_start3A_70 : memref<128x16xf32, #tpu.memory_space<vmem>>) offsets(%dma_start3A_73 : memref<128xi32, #tpu.memory_space<vmem>>) semaphore(%arg15 : memref<!tpu.dma_semaphore, #tpu.memory_space<semaphore_mem>>)
    %dma_start3A_77 = arith.constant 5 : i32
    %dma_start3A_78 = arith.constant 5 : i32
    %dma_start3A_79 = arith.constant 0 : i32
    %dma_start3A_80 = arith.constant 0 : i32
    %dma_start3A_81 = tpu.memref_slice %arg9[%dma_start3A_78, %dma_start3A_79, %dma_start3A_80] : memref<8x128x16xf32, #tpu.memory_space<vmem>> -> memref<1x128x16xf32, #tpu.memory_space<vmem>>
    %dma_start3A_82 = tpu.memref_squeeze %dma_start3A_81 : memref<1x128x16xf32, #tpu.memory_space<vmem>> -> memref<128x16xf32, #tpu.memory_space<vmem>>
    %dma_start3A_83 = arith.constant 0 : i32
    %dma_start3A_84 = tpu.memref_slice %arg7[%dma_start3A_77, %dma_start3A_83] : memref<131x128xi32, #tpu.memory_space<vmem>> -> memref<1x128xi32, #tpu.memory_space<vmem>>
    %dma_start3A_85 = tpu.memref_squeeze %dma_start3A_84 : memref<1x128xi32, #tpu.memory_space<vmem>> -> memref<128xi32, #tpu.memory_space<vmem>>
    %dma_start3A_86 = arith.constant 0 : i32
    %dma_start3A_87 = arith.constant 0 : i32
    %dma_start3A_88 = tpu.memref_slice %arg2[%dma_start3A_86, %dma_start3A_87] : memref<10112x16xf32, #tpu.memory_space<hbm>> -> memref<10112x16xf32, #tpu.memory_space<hbm>>
    tpu.enqueue_indirect_dma source(%dma_start3A_88 : memref<10112x16xf32, #tpu.memory_space<hbm>>) target(%dma_start3A_82 : memref<128x16xf32, #tpu.memory_space<vmem>>) offsets(%dma_start3A_85 : memref<128xi32, #tpu.memory_space<vmem>>) semaphore(%arg16 : memref<!tpu.dma_semaphore, #tpu.memory_space<semaphore_mem>>)
    %dma_start3A_89 = arith.constant 6 : i32
    %dma_start3A_90 = arith.constant 6 : i32
    %dma_start3A_91 = arith.constant 0 : i32
    %dma_start3A_92 = arith.constant 0 : i32
    %dma_start3A_93 = tpu.memref_slice %arg9[%dma_start3A_90, %dma_start3A_91, %dma_start3A_92] : memref<8x128x16xf32, #tpu.memory_space<vmem>> -> memref<1x128x16xf32, #tpu.memory_space<vmem>>
    %dma_start3A_94 = tpu.memref_squeeze %dma_start3A_93 : memref<1x128x16xf32, #tpu.memory_space<vmem>> -> memref<128x16xf32, #tpu.memory_space<vmem>>
    %dma_start3A_95 = arith.constant 0 : i32
    %dma_start3A_96 = tpu.memref_slice %arg7[%dma_start3A_89, %dma_start3A_95] : memref<131x128xi32, #tpu.memory_space<vmem>> -> memref<1x128xi32, #tpu.memory_space<vmem>>
    %dma_start3A_97 = tpu.memref_squeeze %dma_start3A_96 : memref<1x128xi32, #tpu.memory_space<vmem>> -> memref<128xi32, #tpu.memory_space<vmem>>
    %dma_start3A_98 = arith.constant 0 : i32
    %dma_start3A_99 = arith.constant 0 : i32
    %dma_start3A_100 = tpu.memref_slice %arg2[%dma_start3A_98, %dma_start3A_99] : memref<10112x16xf32, #tpu.memory_space<hbm>> -> memref<10112x16xf32, #tpu.memory_space<hbm>>
    tpu.enqueue_indirect_dma source(%dma_start3A_100 : memref<10112x16xf32, #tpu.memory_space<hbm>>) target(%dma_start3A_94 : memref<128x16xf32, #tpu.memory_space<vmem>>) offsets(%dma_start3A_97 : memref<128xi32, #tpu.memory_space<vmem>>) semaphore(%arg17 : memref<!tpu.dma_semaphore, #tpu.memory_space<semaphore_mem>>)
    %dma_start3A_101 = arith.constant 7 : i32
    %dma_start3A_102 = arith.constant 7 : i32
    %dma_start3A_103 = arith.constant 0 : i32
    %dma_start3A_104 = arith.constant 0 : i32
    %dma_start3A_105 = tpu.memref_slice %arg9[%dma_start3A_102, %dma_start3A_103, %dma_start3A_104] : memref<8x128x16xf32, #tpu.memory_space<vmem>> -> memref<1x128x16xf32, #tpu.memory_space<vmem>>
    %dma_start3A_106 = tpu.memref_squeeze %dma_start3A_105 : memref<1x128x16xf32, #tpu.memory_space<vmem>> -> memref<128x16xf32, #tpu.memory_space<vmem>>
    %dma_start3A_107 = arith.constant 0 : i32
    %dma_start3A_108 = tpu.memref_slice %arg7[%dma_start3A_101, %dma_start3A_107] : memref<131x128xi32, #tpu.memory_space<vmem>> -> memref<1x128xi32, #tpu.memory_space<vmem>>
    %dma_start3A_109 = tpu.memref_squeeze %dma_start3A_108 : memref<1x128xi32, #tpu.memory_space<vmem>> -> memref<128xi32, #tpu.memory_space<vmem>>
    %dma_start3A_110 = arith.constant 0 : i32
    %dma_start3A_111 = arith.constant 0 : i32
    %dma_start3A_112 = tpu.memref_slice %arg2[%dma_start3A_110, %dma_start3A_111] : memref<10112x16xf32, #tpu.memory_space<hbm>> -> memref<10112x16xf32, #tpu.memory_space<hbm>>
    tpu.enqueue_indirect_dma source(%dma_start3A_112 : memref<10112x16xf32, #tpu.memory_space<hbm>>) target(%dma_start3A_106 : memref<128x16xf32, #tpu.memory_space<vmem>>) offsets(%dma_start3A_109 : memref<128xi32, #tpu.memory_space<vmem>>) semaphore(%arg18 : memref<!tpu.dma_semaphore, #tpu.memory_space<semaphore_mem>>)
    %scan3A = arith.constant 0 : i32
    %scan3A_113 = arith.constant 0 : i32
    %scan3A_114 = arith.constant 17 : i32
    %scan3A_115 = arith.addi %scan3A_113, %scan3A_114 : i32
    %scan3A_116 = arith.constant 1 : i32
    scf.for %scan3A_121 = %scan3A_113 to %scan3A_115 step %scan3A_116  : i32 {
      %mul3A_122 = arith.constant 8 : i32
      %mul3A_123 = arith.muli %scan3A_121, %mul3A_122 : i32
      %add3A_124 = arith.constant 0 : i32
      %add3A_125 = arith.addi %mul3A_123, %add3A_124 : i32
      %sub3A = arith.constant 4 : i32
      %sub3A_126 = arith.subi %add3A_125, %sub3A : i32
      %ge3A = arith.constant 0 : i32
      %ge3A_127 = arith.cmpi sge, %sub3A_126, %ge3A : i32
      %lt3A_128 = arith.cmpi slt, %sub3A_126, %select_n3A_13 : i32
      %and3A = arith.andi %ge3A_127, %lt3A_128 : i1
      %convert_element_type3A = arith.extui %and3A : i1 to i32
      %cond3A = arith.constant 0 : i32
      %cond3A_129 = arith.cmpi ne, %convert_element_type3A, %cond3A : i32
      scf.if %cond3A_129 {
        %dma_wait3A = arith.constant 4 : i32
        %dma_wait3A_239 = arith.constant 0 : i32
        %dma_wait3A_240 = arith.constant 0 : i32
        %dma_wait3A_241 = tpu.memref_slice %arg9[%dma_wait3A, %dma_wait3A_239, %dma_wait3A_240] : memref<8x128x16xf32, #tpu.memory_space<vmem>> -> memref<1x128x16xf32, #tpu.memory_space<vmem>>
        %dma_wait3A_242 = tpu.memref_squeeze %dma_wait3A_241 : memref<1x128x16xf32, #tpu.memory_space<vmem>> -> memref<128x16xf32, #tpu.memory_space<vmem>>
        %dma_wait3A_243 = arith.constant 0 : i32
        %dma_wait3A_244 = tpu.memref_slice %arg8[%sub3A_126, %dma_wait3A_243] : memref<131x128xi32, #tpu.memory_space<vmem>> -> memref<1x128xi32, #tpu.memory_space<vmem>>
        %dma_wait3A_245 = tpu.memref_squeeze %dma_wait3A_244 : memref<1x128xi32, #tpu.memory_space<vmem>> -> memref<128xi32, #tpu.memory_space<vmem>>
        %dma_wait3A_246 = arith.constant 0 : i32
        %dma_wait3A_247 = arith.constant 0 : i32
        %dma_wait3A_248 = tpu.memref_slice %arg10[%dma_wait3A_246, %dma_wait3A_247] : memref<10112x16xf32, #tpu.memory_space<vmem_shared>> -> memref<10112x16xf32, #tpu.memory_space<vmem_shared>>
        tpu.wait_indirect_dma semaphore(%arg23 : memref<!tpu.dma_semaphore, #tpu.memory_space<semaphore_mem>>) src(%dma_wait3A_242 : memref<128x16xf32, #tpu.memory_space<vmem>>) dst(%dma_wait3A_248 : memref<10112x16xf32, #tpu.memory_space<vmem_shared>>)
        %add3A_249 = arith.constant 8 : i32
        %add3A_250 = arith.addi %sub3A_126, %add3A_249 : i32
        %lt3A_251 = arith.cmpi slt, %add3A_250, %select_n3A_13 : i32
        %convert_element_type3A_252 = arith.extui %lt3A_251 : i1 to i32
        %cond3A_253 = arith.constant 0 : i32
        %cond3A_254 = arith.cmpi ne, %convert_element_type3A_252, %cond3A_253 : i32
        scf.if %cond3A_254 {
          %dma_start3A_255 = arith.constant 4 : i32
          %dma_start3A_256 = arith.constant 0 : i32
          %dma_start3A_257 = arith.constant 0 : i32
          %dma_start3A_258 = tpu.memref_slice %arg9[%dma_start3A_255, %dma_start3A_256, %dma_start3A_257] : memref<8x128x16xf32, #tpu.memory_space<vmem>> -> memref<1x128x16xf32, #tpu.memory_space<vmem>>
          %dma_start3A_259 = tpu.memref_squeeze %dma_start3A_258 : memref<1x128x16xf32, #tpu.memory_space<vmem>> -> memref<128x16xf32, #tpu.memory_space<vmem>>
          %dma_start3A_260 = arith.constant 0 : i32
          %dma_start3A_261 = tpu.memref_slice %arg7[%add3A_250, %dma_start3A_260] : memref<131x128xi32, #tpu.memory_space<vmem>> -> memref<1x128xi32, #tpu.memory_space<vmem>>
          %dma_start3A_262 = tpu.memref_squeeze %dma_start3A_261 : memref<1x128xi32, #tpu.memory_space<vmem>> -> memref<128xi32, #tpu.memory_space<vmem>>
          %dma_start3A_263 = arith.constant 0 : i32
          %dma_start3A_264 = arith.constant 0 : i32
          %dma_start3A_265 = tpu.memref_slice %arg2[%dma_start3A_263, %dma_start3A_264] : memref<10112x16xf32, #tpu.memory_space<hbm>> -> memref<10112x16xf32, #tpu.memory_space<hbm>>
          tpu.enqueue_indirect_dma source(%dma_start3A_265 : memref<10112x16xf32, #tpu.memory_space<hbm>>) target(%dma_start3A_259 : memref<128x16xf32, #tpu.memory_space<vmem>>) offsets(%dma_start3A_262 : memref<128xi32, #tpu.memory_space<vmem>>) semaphore(%arg15 : memref<!tpu.dma_semaphore, #tpu.memory_space<semaphore_mem>>)
        } else {
        }
      } else {
      }
      %lt3A_130 = arith.cmpi slt, %add3A_125, %select_n3A_13 : i32
      %convert_element_type3A_131 = arith.extui %lt3A_130 : i1 to i32
      %cond3A_132 = arith.constant 0 : i32
      %cond3A_133 = arith.cmpi ne, %convert_element_type3A_131, %cond3A_132 : i32
      scf.if %cond3A_133 {
        %dma_wait3A = arith.constant 0 : i32
        %dma_wait3A_239 = arith.constant 0 : i32
        %dma_wait3A_240 = arith.constant 0 : i32
        %dma_wait3A_241 = tpu.memref_slice %arg9[%dma_wait3A, %dma_wait3A_239, %dma_wait3A_240] : memref<8x128x16xf32, #tpu.memory_space<vmem>> -> memref<1x128x16xf32, #tpu.memory_space<vmem>>
        %dma_wait3A_242 = tpu.memref_squeeze %dma_wait3A_241 : memref<1x128x16xf32, #tpu.memory_space<vmem>> -> memref<128x16xf32, #tpu.memory_space<vmem>>
        %dma_wait3A_243 = arith.constant 0 : i32
        %dma_wait3A_244 = tpu.memref_slice %arg7[%add3A_125, %dma_wait3A_243] : memref<131x128xi32, #tpu.memory_space<vmem>> -> memref<1x128xi32, #tpu.memory_space<vmem>>
        %dma_wait3A_245 = tpu.memref_squeeze %dma_wait3A_244 : memref<1x128xi32, #tpu.memory_space<vmem>> -> memref<128xi32, #tpu.memory_space<vmem>>
        %dma_wait3A_246 = arith.constant 0 : i32
        %dma_wait3A_247 = arith.constant 0 : i32
        %dma_wait3A_248 = tpu.memref_slice %arg2[%dma_wait3A_246, %dma_wait3A_247] : memref<10112x16xf32, #tpu.memory_space<hbm>> -> memref<10112x16xf32, #tpu.memory_space<hbm>>
        tpu.wait_indirect_dma semaphore(%arg11 : memref<!tpu.dma_semaphore, #tpu.memory_space<semaphore_mem>>) src(%dma_wait3A_248 : memref<10112x16xf32, #tpu.memory_space<hbm>>) dst(%dma_wait3A_242 : memref<128x16xf32, #tpu.memory_space<vmem>>)
        %dma_start3A_249 = arith.constant 0 : i32
        %dma_start3A_250 = arith.constant 0 : i32
        %dma_start3A_251 = arith.constant 0 : i32
        %dma_start3A_252 = tpu.memref_slice %arg9[%dma_start3A_249, %dma_start3A_250, %dma_start3A_251] : memref<8x128x16xf32, #tpu.memory_space<vmem>> -> memref<1x128x16xf32, #tpu.memory_space<vmem>>
        %dma_start3A_253 = tpu.memref_squeeze %dma_start3A_252 : memref<1x128x16xf32, #tpu.memory_space<vmem>> -> memref<128x16xf32, #tpu.memory_space<vmem>>
        %dma_start3A_254 = arith.constant 0 : i32
        %dma_start3A_255 = tpu.memref_slice %arg8[%add3A_125, %dma_start3A_254] : memref<131x128xi32, #tpu.memory_space<vmem>> -> memref<1x128xi32, #tpu.memory_space<vmem>>
        %dma_start3A_256 = tpu.memref_squeeze %dma_start3A_255 : memref<1x128xi32, #tpu.memory_space<vmem>> -> memref<128xi32, #tpu.memory_space<vmem>>
        %dma_start3A_257 = arith.constant 0 : i32
        %dma_start3A_258 = arith.constant 0 : i32
        %dma_start3A_259 = tpu.memref_slice %arg10[%dma_start3A_257, %dma_start3A_258] : memref<10112x16xf32, #tpu.memory_space<vmem_shared>> -> memref<10112x16xf32, #tpu.memory_space<vmem_shared>>
        tpu.enqueue_indirect_dma source(%dma_start3A_253 : memref<128x16xf32, #tpu.memory_space<vmem>>) target(%dma_start3A_259 : memref<10112x16xf32, #tpu.memory_space<vmem_shared>>) offsets(%dma_start3A_256 : memref<128xi32, #tpu.memory_space<vmem>>) semaphore(%arg19 : memref<!tpu.dma_semaphore, #tpu.memory_space<semaphore_mem>>) {add = true}
      } else {
      }
      %add3A_134 = arith.constant 1 : i32
      %add3A_135 = arith.addi %mul3A_123, %add3A_134 : i32
      %sub3A_136 = arith.constant 4 : i32
      %sub3A_137 = arith.subi %add3A_135, %sub3A_136 : i32
      %ge3A_138 = arith.constant 0 : i32
      %ge3A_139 = arith.cmpi sge, %sub3A_137, %ge3A_138 : i32
      %lt3A_140 = arith.cmpi slt, %sub3A_137, %select_n3A_13 : i32
      %and3A_141 = arith.andi %ge3A_139, %lt3A_140 : i1
      %convert_element_type3A_142 = arith.extui %and3A_141 : i1 to i32
      %cond3A_143 = arith.constant 0 : i32
      %cond3A_144 = arith.cmpi ne, %convert_element_type3A_142, %cond3A_143 : i32
      scf.if %cond3A_144 {
        %dma_wait3A = arith.constant 5 : i32
        %dma_wait3A_239 = arith.constant 0 : i32
        %dma_wait3A_240 = arith.constant 0 : i32
        %dma_wait3A_241 = tpu.memref_slice %arg9[%dma_wait3A, %dma_wait3A_239, %dma_wait3A_240] : memref<8x128x16xf32, #tpu.memory_space<vmem>> -> memref<1x128x16xf32, #tpu.memory_space<vmem>>
        %dma_wait3A_242 = tpu.memref_squeeze %dma_wait3A_241 : memref<1x128x16xf32, #tpu.memory_space<vmem>> -> memref<128x16xf32, #tpu.memory_space<vmem>>
        %dma_wait3A_243 = arith.constant 0 : i32
        %dma_wait3A_244 = tpu.memref_slice %arg8[%sub3A_137, %dma_wait3A_243] : memref<131x128xi32, #tpu.memory_space<vmem>> -> memref<1x128xi32, #tpu.memory_space<vmem>>
        %dma_wait3A_245 = tpu.memref_squeeze %dma_wait3A_244 : memref<1x128xi32, #tpu.memory_space<vmem>> -> memref<128xi32, #tpu.memory_space<vmem>>
        %dma_wait3A_246 = arith.constant 0 : i32
        %dma_wait3A_247 = arith.constant 0 : i32
        %dma_wait3A_248 = tpu.memref_slice %arg10[%dma_wait3A_246, %dma_wait3A_247] : memref<10112x16xf32, #tpu.memory_space<vmem_shared>> -> memref<10112x16xf32, #tpu.memory_space<vmem_shared>>
        tpu.wait_indirect_dma semaphore(%arg24 : memref<!tpu.dma_semaphore, #tpu.memory_space<semaphore_mem>>) src(%dma_wait3A_242 : memref<128x16xf32, #tpu.memory_space<vmem>>) dst(%dma_wait3A_248 : memref<10112x16xf32, #tpu.memory_space<vmem_shared>>)
        %add3A_249 = arith.constant 8 : i32
        %add3A_250 = arith.addi %sub3A_137, %add3A_249 : i32
        %lt3A_251 = arith.cmpi slt, %add3A_250, %select_n3A_13 : i32
        %convert_element_type3A_252 = arith.extui %lt3A_251 : i1 to i32
        %cond3A_253 = arith.constant 0 : i32
        %cond3A_254 = arith.cmpi ne, %convert_element_type3A_252, %cond3A_253 : i32
        scf.if %cond3A_254 {
          %dma_start3A_255 = arith.constant 5 : i32
          %dma_start3A_256 = arith.constant 0 : i32
          %dma_start3A_257 = arith.constant 0 : i32
          %dma_start3A_258 = tpu.memref_slice %arg9[%dma_start3A_255, %dma_start3A_256, %dma_start3A_257] : memref<8x128x16xf32, #tpu.memory_space<vmem>> -> memref<1x128x16xf32, #tpu.memory_space<vmem>>
          %dma_start3A_259 = tpu.memref_squeeze %dma_start3A_258 : memref<1x128x16xf32, #tpu.memory_space<vmem>> -> memref<128x16xf32, #tpu.memory_space<vmem>>
          %dma_start3A_260 = arith.constant 0 : i32
          %dma_start3A_261 = tpu.memref_slice %arg7[%add3A_250, %dma_start3A_260] : memref<131x128xi32, #tpu.memory_space<vmem>> -> memref<1x128xi32, #tpu.memory_space<vmem>>
          %dma_start3A_262 = tpu.memref_squeeze %dma_start3A_261 : memref<1x128xi32, #tpu.memory_space<vmem>> -> memref<128xi32, #tpu.memory_space<vmem>>
          %dma_start3A_263 = arith.constant 0 : i32
          %dma_start3A_264 = arith.constant 0 : i32
          %dma_start3A_265 = tpu.memref_slice %arg2[%dma_start3A_263, %dma_start3A_264] : memref<10112x16xf32, #tpu.memory_space<hbm>> -> memref<10112x16xf32, #tpu.memory_space<hbm>>
          tpu.enqueue_indirect_dma source(%dma_start3A_265 : memref<10112x16xf32, #tpu.memory_space<hbm>>) target(%dma_start3A_259 : memref<128x16xf32, #tpu.memory_space<vmem>>) offsets(%dma_start3A_262 : memref<128xi32, #tpu.memory_space<vmem>>) semaphore(%arg16 : memref<!tpu.dma_semaphore, #tpu.memory_space<semaphore_mem>>)
        } else {
        }
      } else {
      }
      %lt3A_145 = arith.cmpi slt, %add3A_135, %select_n3A_13 : i32
      %convert_element_type3A_146 = arith.extui %lt3A_145 : i1 to i32
      %cond3A_147 = arith.constant 0 : i32
      %cond3A_148 = arith.cmpi ne, %convert_element_type3A_146, %cond3A_147 : i32
      scf.if %cond3A_148 {
        %dma_wait3A = arith.constant 1 : i32
        %dma_wait3A_239 = arith.constant 0 : i32
        %dma_wait3A_240 = arith.constant 0 : i32
        %dma_wait3A_241 = tpu.memref_slice %arg9[%dma_wait3A, %dma_wait3A_239, %dma_wait3A_240] : memref<8x128x16xf32, #tpu.memory_space<vmem>> -> memref<1x128x16xf32, #tpu.memory_space<vmem>>
        %dma_wait3A_242 = tpu.memref_squeeze %dma_wait3A_241 : memref<1x128x16xf32, #tpu.memory_space<vmem>> -> memref<128x16xf32, #tpu.memory_space<vmem>>
        %dma_wait3A_243 = arith.constant 0 : i32
        %dma_wait3A_244 = tpu.memref_slice %arg7[%add3A_135, %dma_wait3A_243] : memref<131x128xi32, #tpu.memory_space<vmem>> -> memref<1x128xi32, #tpu.memory_space<vmem>>
        %dma_wait3A_245 = tpu.memref_squeeze %dma_wait3A_244 : memref<1x128xi32, #tpu.memory_space<vmem>> -> memref<128xi32, #tpu.memory_space<vmem>>
        %dma_wait3A_246 = arith.constant 0 : i32
        %dma_wait3A_247 = arith.constant 0 : i32
        %dma_wait3A_248 = tpu.memref_slice %arg2[%dma_wait3A_246, %dma_wait3A_247] : memref<10112x16xf32, #tpu.memory_space<hbm>> -> memref<10112x16xf32, #tpu.memory_space<hbm>>
        tpu.wait_indirect_dma semaphore(%arg12 : memref<!tpu.dma_semaphore, #tpu.memory_space<semaphore_mem>>) src(%dma_wait3A_248 : memref<10112x16xf32, #tpu.memory_space<hbm>>) dst(%dma_wait3A_242 : memref<128x16xf32, #tpu.memory_space<vmem>>)
        %dma_start3A_249 = arith.constant 1 : i32
        %dma_start3A_250 = arith.constant 0 : i32
        %dma_start3A_251 = arith.constant 0 : i32
        %dma_start3A_252 = tpu.memref_slice %arg9[%dma_start3A_249, %dma_start3A_250, %dma_start3A_251] : memref<8x128x16xf32, #tpu.memory_space<vmem>> -> memref<1x128x16xf32, #tpu.memory_space<vmem>>
        %dma_start3A_253 = tpu.memref_squeeze %dma_start3A_252 : memref<1x128x16xf32, #tpu.memory_space<vmem>> -> memref<128x16xf32, #tpu.memory_space<vmem>>
        %dma_start3A_254 = arith.constant 0 : i32
        %dma_start3A_255 = tpu.memref_slice %arg8[%add3A_135, %dma_start3A_254] : memref<131x128xi32, #tpu.memory_space<vmem>> -> memref<1x128xi32, #tpu.memory_space<vmem>>
        %dma_start3A_256 = tpu.memref_squeeze %dma_start3A_255 : memref<1x128xi32, #tpu.memory_space<vmem>> -> memref<128xi32, #tpu.memory_space<vmem>>
        %dma_start3A_257 = arith.constant 0 : i32
        %dma_start3A_258 = arith.constant 0 : i32
        %dma_start3A_259 = tpu.memref_slice %arg10[%dma_start3A_257, %dma_start3A_258] : memref<10112x16xf32, #tpu.memory_space<vmem_shared>> -> memref<10112x16xf32, #tpu.memory_space<vmem_shared>>
        tpu.enqueue_indirect_dma source(%dma_start3A_253 : memref<128x16xf32, #tpu.memory_space<vmem>>) target(%dma_start3A_259 : memref<10112x16xf32, #tpu.memory_space<vmem_shared>>) offsets(%dma_start3A_256 : memref<128xi32, #tpu.memory_space<vmem>>) semaphore(%arg20 : memref<!tpu.dma_semaphore, #tpu.memory_space<semaphore_mem>>) {add = true}
      } else {
      }
      %add3A_149 = arith.constant 2 : i32
      %add3A_150 = arith.addi %mul3A_123, %add3A_149 : i32
      %sub3A_151 = arith.constant 4 : i32
      %sub3A_152 = arith.subi %add3A_150, %sub3A_151 : i32
      %ge3A_153 = arith.constant 0 : i32
      %ge3A_154 = arith.cmpi sge, %sub3A_152, %ge3A_153 : i32
      %lt3A_155 = arith.cmpi slt, %sub3A_152, %select_n3A_13 : i32
      %and3A_156 = arith.andi %ge3A_154, %lt3A_155 : i1
      %convert_element_type3A_157 = arith.extui %and3A_156 : i1 to i32
      %cond3A_158 = arith.constant 0 : i32
      %cond3A_159 = arith.cmpi ne, %convert_element_type3A_157, %cond3A_158 : i32
      scf.if %cond3A_159 {
        %dma_wait3A = arith.constant 6 : i32
        %dma_wait3A_239 = arith.constant 0 : i32
        %dma_wait3A_240 = arith.constant 0 : i32
        %dma_wait3A_241 = tpu.memref_slice %arg9[%dma_wait3A, %dma_wait3A_239, %dma_wait3A_240] : memref<8x128x16xf32, #tpu.memory_space<vmem>> -> memref<1x128x16xf32, #tpu.memory_space<vmem>>
        %dma_wait3A_242 = tpu.memref_squeeze %dma_wait3A_241 : memref<1x128x16xf32, #tpu.memory_space<vmem>> -> memref<128x16xf32, #tpu.memory_space<vmem>>
        %dma_wait3A_243 = arith.constant 0 : i32
        %dma_wait3A_244 = tpu.memref_slice %arg8[%sub3A_152, %dma_wait3A_243] : memref<131x128xi32, #tpu.memory_space<vmem>> -> memref<1x128xi32, #tpu.memory_space<vmem>>
        %dma_wait3A_245 = tpu.memref_squeeze %dma_wait3A_244 : memref<1x128xi32, #tpu.memory_space<vmem>> -> memref<128xi32, #tpu.memory_space<vmem>>
        %dma_wait3A_246 = arith.constant 0 : i32
        %dma_wait3A_247 = arith.constant 0 : i32
        %dma_wait3A_248 = tpu.memref_slice %arg10[%dma_wait3A_246, %dma_wait3A_247] : memref<10112x16xf32, #tpu.memory_space<vmem_shared>> -> memref<10112x16xf32, #tpu.memory_space<vmem_shared>>
        tpu.wait_indirect_dma semaphore(%arg25 : memref<!tpu.dma_semaphore, #tpu.memory_space<semaphore_mem>>) src(%dma_wait3A_242 : memref<128x16xf32, #tpu.memory_space<vmem>>) dst(%dma_wait3A_248 : memref<10112x16xf32, #tpu.memory_space<vmem_shared>>)
        %add3A_249 = arith.constant 8 : i32
        %add3A_250 = arith.addi %sub3A_152, %add3A_249 : i32
        %lt3A_251 = arith.cmpi slt, %add3A_250, %select_n3A_13 : i32
        %convert_element_type3A_252 = arith.extui %lt3A_251 : i1 to i32
        %cond3A_253 = arith.constant 0 : i32
        %cond3A_254 = arith.cmpi ne, %convert_element_type3A_252, %cond3A_253 : i32
        scf.if %cond3A_254 {
          %dma_start3A_255 = arith.constant 6 : i32
          %dma_start3A_256 = arith.constant 0 : i32
          %dma_start3A_257 = arith.constant 0 : i32
          %dma_start3A_258 = tpu.memref_slice %arg9[%dma_start3A_255, %dma_start3A_256, %dma_start3A_257] : memref<8x128x16xf32, #tpu.memory_space<vmem>> -> memref<1x128x16xf32, #tpu.memory_space<vmem>>
          %dma_start3A_259 = tpu.memref_squeeze %dma_start3A_258 : memref<1x128x16xf32, #tpu.memory_space<vmem>> -> memref<128x16xf32, #tpu.memory_space<vmem>>
          %dma_start3A_260 = arith.constant 0 : i32
          %dma_start3A_261 = tpu.memref_slice %arg7[%add3A_250, %dma_start3A_260] : memref<131x128xi32, #tpu.memory_space<vmem>> -> memref<1x128xi32, #tpu.memory_space<vmem>>
          %dma_start3A_262 = tpu.memref_squeeze %dma_start3A_261 : memref<1x128xi32, #tpu.memory_space<vmem>> -> memref<128xi32, #tpu.memory_space<vmem>>
          %dma_start3A_263 = arith.constant 0 : i32
          %dma_start3A_264 = arith.constant 0 : i32
          %dma_start3A_265 = tpu.memref_slice %arg2[%dma_start3A_263, %dma_start3A_264] : memref<10112x16xf32, #tpu.memory_space<hbm>> -> memref<10112x16xf32, #tpu.memory_space<hbm>>
          tpu.enqueue_indirect_dma source(%dma_start3A_265 : memref<10112x16xf32, #tpu.memory_space<hbm>>) target(%dma_start3A_259 : memref<128x16xf32, #tpu.memory_space<vmem>>) offsets(%dma_start3A_262 : memref<128xi32, #tpu.memory_space<vmem>>) semaphore(%arg17 : memref<!tpu.dma_semaphore, #tpu.memory_space<semaphore_mem>>)
        } else {
        }
      } else {
      }
      %lt3A_160 = arith.cmpi slt, %add3A_150, %select_n3A_13 : i32
      %convert_element_type3A_161 = arith.extui %lt3A_160 : i1 to i32
      %cond3A_162 = arith.constant 0 : i32
      %cond3A_163 = arith.cmpi ne, %convert_element_type3A_161, %cond3A_162 : i32
      scf.if %cond3A_163 {
        %dma_wait3A = arith.constant 2 : i32
        %dma_wait3A_239 = arith.constant 0 : i32
        %dma_wait3A_240 = arith.constant 0 : i32
        %dma_wait3A_241 = tpu.memref_slice %arg9[%dma_wait3A, %dma_wait3A_239, %dma_wait3A_240] : memref<8x128x16xf32, #tpu.memory_space<vmem>> -> memref<1x128x16xf32, #tpu.memory_space<vmem>>
        %dma_wait3A_242 = tpu.memref_squeeze %dma_wait3A_241 : memref<1x128x16xf32, #tpu.memory_space<vmem>> -> memref<128x16xf32, #tpu.memory_space<vmem>>
        %dma_wait3A_243 = arith.constant 0 : i32
        %dma_wait3A_244 = tpu.memref_slice %arg7[%add3A_150, %dma_wait3A_243] : memref<131x128xi32, #tpu.memory_space<vmem>> -> memref<1x128xi32, #tpu.memory_space<vmem>>
        %dma_wait3A_245 = tpu.memref_squeeze %dma_wait3A_244 : memref<1x128xi32, #tpu.memory_space<vmem>> -> memref<128xi32, #tpu.memory_space<vmem>>
        %dma_wait3A_246 = arith.constant 0 : i32
        %dma_wait3A_247 = arith.constant 0 : i32
        %dma_wait3A_248 = tpu.memref_slice %arg2[%dma_wait3A_246, %dma_wait3A_247] : memref<10112x16xf32, #tpu.memory_space<hbm>> -> memref<10112x16xf32, #tpu.memory_space<hbm>>
        tpu.wait_indirect_dma semaphore(%arg13 : memref<!tpu.dma_semaphore, #tpu.memory_space<semaphore_mem>>) src(%dma_wait3A_248 : memref<10112x16xf32, #tpu.memory_space<hbm>>) dst(%dma_wait3A_242 : memref<128x16xf32, #tpu.memory_space<vmem>>)
        %dma_start3A_249 = arith.constant 2 : i32
        %dma_start3A_250 = arith.constant 0 : i32
        %dma_start3A_251 = arith.constant 0 : i32
        %dma_start3A_252 = tpu.memref_slice %arg9[%dma_start3A_249, %dma_start3A_250, %dma_start3A_251] : memref<8x128x16xf32, #tpu.memory_space<vmem>> -> memref<1x128x16xf32, #tpu.memory_space<vmem>>
        %dma_start3A_253 = tpu.memref_squeeze %dma_start3A_252 : memref<1x128x16xf32, #tpu.memory_space<vmem>> -> memref<128x16xf32, #tpu.memory_space<vmem>>
        %dma_start3A_254 = arith.constant 0 : i32
        %dma_start3A_255 = tpu.memref_slice %arg8[%add3A_150, %dma_start3A_254] : memref<131x128xi32, #tpu.memory_space<vmem>> -> memref<1x128xi32, #tpu.memory_space<vmem>>
        %dma_start3A_256 = tpu.memref_squeeze %dma_start3A_255 : memref<1x128xi32, #tpu.memory_space<vmem>> -> memref<128xi32, #tpu.memory_space<vmem>>
        %dma_start3A_257 = arith.constant 0 : i32
        %dma_start3A_258 = arith.constant 0 : i32
        %dma_start3A_259 = tpu.memref_slice %arg10[%dma_start3A_257, %dma_start3A_258] : memref<10112x16xf32, #tpu.memory_space<vmem_shared>> -> memref<10112x16xf32, #tpu.memory_space<vmem_shared>>
        tpu.enqueue_indirect_dma source(%dma_start3A_253 : memref<128x16xf32, #tpu.memory_space<vmem>>) target(%dma_start3A_259 : memref<10112x16xf32, #tpu.memory_space<vmem_shared>>) offsets(%dma_start3A_256 : memref<128xi32, #tpu.memory_space<vmem>>) semaphore(%arg21 : memref<!tpu.dma_semaphore, #tpu.memory_space<semaphore_mem>>) {add = true}
      } else {
      }
      %add3A_164 = arith.constant 3 : i32
      %add3A_165 = arith.addi %mul3A_123, %add3A_164 : i32
      %sub3A_166 = arith.constant 4 : i32
      %sub3A_167 = arith.subi %add3A_165, %sub3A_166 : i32
      %ge3A_168 = arith.constant 0 : i32
      %ge3A_169 = arith.cmpi sge, %sub3A_167, %ge3A_168 : i32
      %lt3A_170 = arith.cmpi slt, %sub3A_167, %select_n3A_13 : i32
      %and3A_171 = arith.andi %ge3A_169, %lt3A_170 : i1
      %convert_element_type3A_172 = arith.extui %and3A_171 : i1 to i32
      %cond3A_173 = arith.constant 0 : i32
      %cond3A_174 = arith.cmpi ne, %convert_element_type3A_172, %cond3A_173 : i32
      scf.if %cond3A_174 {
        %dma_wait3A = arith.constant 7 : i32
        %dma_wait3A_239 = arith.constant 0 : i32
        %dma_wait3A_240 = arith.constant 0 : i32
        %dma_wait3A_241 = tpu.memref_slice %arg9[%dma_wait3A, %dma_wait3A_239, %dma_wait3A_240] : memref<8x128x16xf32, #tpu.memory_space<vmem>> -> memref<1x128x16xf32, #tpu.memory_space<vmem>>
        %dma_wait3A_242 = tpu.memref_squeeze %dma_wait3A_241 : memref<1x128x16xf32, #tpu.memory_space<vmem>> -> memref<128x16xf32, #tpu.memory_space<vmem>>
        %dma_wait3A_243 = arith.constant 0 : i32
        %dma_wait3A_244 = tpu.memref_slice %arg8[%sub3A_167, %dma_wait3A_243] : memref<131x128xi32, #tpu.memory_space<vmem>> -> memref<1x128xi32, #tpu.memory_space<vmem>>
        %dma_wait3A_245 = tpu.memref_squeeze %dma_wait3A_244 : memref<1x128xi32, #tpu.memory_space<vmem>> -> memref<128xi32, #tpu.memory_space<vmem>>
        %dma_wait3A_246 = arith.constant 0 : i32
        %dma_wait3A_247 = arith.constant 0 : i32
        %dma_wait3A_248 = tpu.memref_slice %arg10[%dma_wait3A_246, %dma_wait3A_247] : memref<10112x16xf32, #tpu.memory_space<vmem_shared>> -> memref<10112x16xf32, #tpu.memory_space<vmem_shared>>
        tpu.wait_indirect_dma semaphore(%arg26 : memref<!tpu.dma_semaphore, #tpu.memory_space<semaphore_mem>>) src(%dma_wait3A_242 : memref<128x16xf32, #tpu.memory_space<vmem>>) dst(%dma_wait3A_248 : memref<10112x16xf32, #tpu.memory_space<vmem_shared>>)
        %add3A_249 = arith.constant 8 : i32
        %add3A_250 = arith.addi %sub3A_167, %add3A_249 : i32
        %lt3A_251 = arith.cmpi slt, %add3A_250, %select_n3A_13 : i32
        %convert_element_type3A_252 = arith.extui %lt3A_251 : i1 to i32
        %cond3A_253 = arith.constant 0 : i32
        %cond3A_254 = arith.cmpi ne, %convert_element_type3A_252, %cond3A_253 : i32
        scf.if %cond3A_254 {
          %dma_start3A_255 = arith.constant 7 : i32
          %dma_start3A_256 = arith.constant 0 : i32
          %dma_start3A_257 = arith.constant 0 : i32
          %dma_start3A_258 = tpu.memref_slice %arg9[%dma_start3A_255, %dma_start3A_256, %dma_start3A_257] : memref<8x128x16xf32, #tpu.memory_space<vmem>> -> memref<1x128x16xf32, #tpu.memory_space<vmem>>
          %dma_start3A_259 = tpu.memref_squeeze %dma_start3A_258 : memref<1x128x16xf32, #tpu.memory_space<vmem>> -> memref<128x16xf32, #tpu.memory_space<vmem>>
          %dma_start3A_260 = arith.constant 0 : i32
          %dma_start3A_261 = tpu.memref_slice %arg7[%add3A_250, %dma_start3A_260] : memref<131x128xi32, #tpu.memory_space<vmem>> -> memref<1x128xi32, #tpu.memory_space<vmem>>
          %dma_start3A_262 = tpu.memref_squeeze %dma_start3A_261 : memref<1x128xi32, #tpu.memory_space<vmem>> -> memref<128xi32, #tpu.memory_space<vmem>>
          %dma_start3A_263 = arith.constant 0 : i32
          %dma_start3A_264 = arith.constant 0 : i32
          %dma_start3A_265 = tpu.memref_slice %arg2[%dma_start3A_263, %dma_start3A_264] : memref<10112x16xf32, #tpu.memory_space<hbm>> -> memref<10112x16xf32, #tpu.memory_space<hbm>>
          tpu.enqueue_indirect_dma source(%dma_start3A_265 : memref<10112x16xf32, #tpu.memory_space<hbm>>) target(%dma_start3A_259 : memref<128x16xf32, #tpu.memory_space<vmem>>) offsets(%dma_start3A_262 : memref<128xi32, #tpu.memory_space<vmem>>) semaphore(%arg18 : memref<!tpu.dma_semaphore, #tpu.memory_space<semaphore_mem>>)
        } else {
        }
      } else {
      }
      %lt3A_175 = arith.cmpi slt, %add3A_165, %select_n3A_13 : i32
      %convert_element_type3A_176 = arith.extui %lt3A_175 : i1 to i32
      %cond3A_177 = arith.constant 0 : i32
      %cond3A_178 = arith.cmpi ne, %convert_element_type3A_176, %cond3A_177 : i32
      scf.if %cond3A_178 {
        %dma_wait3A = arith.constant 3 : i32
        %dma_wait3A_239 = arith.constant 0 : i32
        %dma_wait3A_240 = arith.constant 0 : i32
        %dma_wait3A_241 = tpu.memref_slice %arg9[%dma_wait3A, %dma_wait3A_239, %dma_wait3A_240] : memref<8x128x16xf32, #tpu.memory_space<vmem>> -> memref<1x128x16xf32, #tpu.memory_space<vmem>>
        %dma_wait3A_242 = tpu.memref_squeeze %dma_wait3A_241 : memref<1x128x16xf32, #tpu.memory_space<vmem>> -> memref<128x16xf32, #tpu.memory_space<vmem>>
        %dma_wait3A_243 = arith.constant 0 : i32
        %dma_wait3A_244 = tpu.memref_slice %arg7[%add3A_165, %dma_wait3A_243] : memref<131x128xi32, #tpu.memory_space<vmem>> -> memref<1x128xi32, #tpu.memory_space<vmem>>
        %dma_wait3A_245 = tpu.memref_squeeze %dma_wait3A_244 : memref<1x128xi32, #tpu.memory_space<vmem>> -> memref<128xi32, #tpu.memory_space<vmem>>
        %dma_wait3A_246 = arith.constant 0 : i32
        %dma_wait3A_247 = arith.constant 0 : i32
        %dma_wait3A_248 = tpu.memref_slice %arg2[%dma_wait3A_246, %dma_wait3A_247] : memref<10112x16xf32, #tpu.memory_space<hbm>> -> memref<10112x16xf32, #tpu.memory_space<hbm>>
        tpu.wait_indirect_dma semaphore(%arg14 : memref<!tpu.dma_semaphore, #tpu.memory_space<semaphore_mem>>) src(%dma_wait3A_248 : memref<10112x16xf32, #tpu.memory_space<hbm>>) dst(%dma_wait3A_242 : memref<128x16xf32, #tpu.memory_space<vmem>>)
        %dma_start3A_249 = arith.constant 3 : i32
        %dma_start3A_250 = arith.constant 0 : i32
        %dma_start3A_251 = arith.constant 0 : i32
        %dma_start3A_252 = tpu.memref_slice %arg9[%dma_start3A_249, %dma_start3A_250, %dma_start3A_251] : memref<8x128x16xf32, #tpu.memory_space<vmem>> -> memref<1x128x16xf32, #tpu.memory_space<vmem>>
        %dma_start3A_253 = tpu.memref_squeeze %dma_start3A_252 : memref<1x128x16xf32, #tpu.memory_space<vmem>> -> memref<128x16xf32, #tpu.memory_space<vmem>>
        %dma_start3A_254 = arith.constant 0 : i32
        %dma_start3A_255 = tpu.memref_slice %arg8[%add3A_165, %dma_start3A_254] : memref<131x128xi32, #tpu.memory_space<vmem>> -> memref<1x128xi32, #tpu.memory_space<vmem>>
        %dma_start3A_256 = tpu.memref_squeeze %dma_start3A_255 : memref<1x128xi32, #tpu.memory_space<vmem>> -> memref<128xi32, #tpu.memory_space<vmem>>
        %dma_start3A_257 = arith.constant 0 : i32
        %dma_start3A_258 = arith.constant 0 : i32
        %dma_start3A_259 = tpu.memref_slice %arg10[%dma_start3A_257, %dma_start3A_258] : memref<10112x16xf32, #tpu.memory_space<vmem_shared>> -> memref<10112x16xf32, #tpu.memory_space<vmem_shared>>
        tpu.enqueue_indirect_dma source(%dma_start3A_253 : memref<128x16xf32, #tpu.memory_space<vmem>>) target(%dma_start3A_259 : memref<10112x16xf32, #tpu.memory_space<vmem_shared>>) offsets(%dma_start3A_256 : memref<128xi32, #tpu.memory_space<vmem>>) semaphore(%arg22 : memref<!tpu.dma_semaphore, #tpu.memory_space<semaphore_mem>>) {add = true}
      } else {
      }
      %add3A_179 = arith.constant 4 : i32
      %add3A_180 = arith.addi %mul3A_123, %add3A_179 : i32
      %sub3A_181 = arith.constant 4 : i32
      %sub3A_182 = arith.subi %add3A_180, %sub3A_181 : i32
      %ge3A_183 = arith.constant 0 : i32
      %ge3A_184 = arith.cmpi sge, %sub3A_182, %ge3A_183 : i32
      %lt3A_185 = arith.cmpi slt, %sub3A_182, %select_n3A_13 : i32
      %and3A_186 = arith.andi %ge3A_184, %lt3A_185 : i1
      %convert_element_type3A_187 = arith.extui %and3A_186 : i1 to i32
      %cond3A_188 = arith.constant 0 : i32
      %cond3A_189 = arith.cmpi ne, %convert_element_type3A_187, %cond3A_188 : i32
      scf.if %cond3A_189 {
        %dma_wait3A = arith.constant 0 : i32
        %dma_wait3A_239 = arith.constant 0 : i32
        %dma_wait3A_240 = arith.constant 0 : i32
        %dma_wait3A_241 = tpu.memref_slice %arg9[%dma_wait3A, %dma_wait3A_239, %dma_wait3A_240] : memref<8x128x16xf32, #tpu.memory_space<vmem>> -> memref<1x128x16xf32, #tpu.memory_space<vmem>>
        %dma_wait3A_242 = tpu.memref_squeeze %dma_wait3A_241 : memref<1x128x16xf32, #tpu.memory_space<vmem>> -> memref<128x16xf32, #tpu.memory_space<vmem>>
        %dma_wait3A_243 = arith.constant 0 : i32
        %dma_wait3A_244 = tpu.memref_slice %arg8[%sub3A_182, %dma_wait3A_243] : memref<131x128xi32, #tpu.memory_space<vmem>> -> memref<1x128xi32, #tpu.memory_space<vmem>>
        %dma_wait3A_245 = tpu.memref_squeeze %dma_wait3A_244 : memref<1x128xi32, #tpu.memory_space<vmem>> -> memref<128xi32, #tpu.memory_space<vmem>>
        %dma_wait3A_246 = arith.constant 0 : i32
        %dma_wait3A_247 = arith.constant 0 : i32
        %dma_wait3A_248 = tpu.memref_slice %arg10[%dma_wait3A_246, %dma_wait3A_247] : memref<10112x16xf32, #tpu.memory_space<vmem_shared>> -> memref<10112x16xf32, #tpu.memory_space<vmem_shared>>
        tpu.wait_indirect_dma semaphore(%arg19 : memref<!tpu.dma_semaphore, #tpu.memory_space<semaphore_mem>>) src(%dma_wait3A_242 : memref<128x16xf32, #tpu.memory_space<vmem>>) dst(%dma_wait3A_248 : memref<10112x16xf32, #tpu.memory_space<vmem_shared>>)
        %add3A_249 = arith.constant 8 : i32
        %add3A_250 = arith.addi %sub3A_182, %add3A_249 : i32
        %lt3A_251 = arith.cmpi slt, %add3A_250, %select_n3A_13 : i32
        %convert_element_type3A_252 = arith.extui %lt3A_251 : i1 to i32
        %cond3A_253 = arith.constant 0 : i32
        %cond3A_254 = arith.cmpi ne, %convert_element_type3A_252, %cond3A_253 : i32
        scf.if %cond3A_254 {
          %dma_start3A_255 = arith.constant 0 : i32
          %dma_start3A_256 = arith.constant 0 : i32
          %dma_start3A_257 = arith.constant 0 : i32
          %dma_start3A_258 = tpu.memref_slice %arg9[%dma_start3A_255, %dma_start3A_256, %dma_start3A_257] : memref<8x128x16xf32, #tpu.memory_space<vmem>> -> memref<1x128x16xf32, #tpu.memory_space<vmem>>
          %dma_start3A_259 = tpu.memref_squeeze %dma_start3A_258 : memref<1x128x16xf32, #tpu.memory_space<vmem>> -> memref<128x16xf32, #tpu.memory_space<vmem>>
          %dma_start3A_260 = arith.constant 0 : i32
          %dma_start3A_261 = tpu.memref_slice %arg7[%add3A_250, %dma_start3A_260] : memref<131x128xi32, #tpu.memory_space<vmem>> -> memref<1x128xi32, #tpu.memory_space<vmem>>
          %dma_start3A_262 = tpu.memref_squeeze %dma_start3A_261 : memref<1x128xi32, #tpu.memory_space<vmem>> -> memref<128xi32, #tpu.memory_space<vmem>>
          %dma_start3A_263 = arith.constant 0 : i32
          %dma_start3A_264 = arith.constant 0 : i32
          %dma_start3A_265 = tpu.memref_slice %arg2[%dma_start3A_263, %dma_start3A_264] : memref<10112x16xf32, #tpu.memory_space<hbm>> -> memref<10112x16xf32, #tpu.memory_space<hbm>>
          tpu.enqueue_indirect_dma source(%dma_start3A_265 : memref<10112x16xf32, #tpu.memory_space<hbm>>) target(%dma_start3A_259 : memref<128x16xf32, #tpu.memory_space<vmem>>) offsets(%dma_start3A_262 : memref<128xi32, #tpu.memory_space<vmem>>) semaphore(%arg11 : memref<!tpu.dma_semaphore, #tpu.memory_space<semaphore_mem>>)
        } else {
        }
      } else {
      }
      %lt3A_190 = arith.cmpi slt, %add3A_180, %select_n3A_13 : i32
      %convert_element_type3A_191 = arith.extui %lt3A_190 : i1 to i32
      %cond3A_192 = arith.constant 0 : i32
      %cond3A_193 = arith.cmpi ne, %convert_element_type3A_191, %cond3A_192 : i32
      scf.if %cond3A_193 {
        %dma_wait3A = arith.constant 4 : i32
        %dma_wait3A_239 = arith.constant 0 : i32
        %dma_wait3A_240 = arith.constant 0 : i32
        %dma_wait3A_241 = tpu.memref_slice %arg9[%dma_wait3A, %dma_wait3A_239, %dma_wait3A_240] : memref<8x128x16xf32, #tpu.memory_space<vmem>> -> memref<1x128x16xf32, #tpu.memory_space<vmem>>
        %dma_wait3A_242 = tpu.memref_squeeze %dma_wait3A_241 : memref<1x128x16xf32, #tpu.memory_space<vmem>> -> memref<128x16xf32, #tpu.memory_space<vmem>>
        %dma_wait3A_243 = arith.constant 0 : i32
        %dma_wait3A_244 = tpu.memref_slice %arg7[%add3A_180, %dma_wait3A_243] : memref<131x128xi32, #tpu.memory_space<vmem>> -> memref<1x128xi32, #tpu.memory_space<vmem>>
        %dma_wait3A_245 = tpu.memref_squeeze %dma_wait3A_244 : memref<1x128xi32, #tpu.memory_space<vmem>> -> memref<128xi32, #tpu.memory_space<vmem>>
        %dma_wait3A_246 = arith.constant 0 : i32
        %dma_wait3A_247 = arith.constant 0 : i32
        %dma_wait3A_248 = tpu.memref_slice %arg2[%dma_wait3A_246, %dma_wait3A_247] : memref<10112x16xf32, #tpu.memory_space<hbm>> -> memref<10112x16xf32, #tpu.memory_space<hbm>>
        tpu.wait_indirect_dma semaphore(%arg15 : memref<!tpu.dma_semaphore, #tpu.memory_space<semaphore_mem>>) src(%dma_wait3A_248 : memref<10112x16xf32, #tpu.memory_space<hbm>>) dst(%dma_wait3A_242 : memref<128x16xf32, #tpu.memory_space<vmem>>)
        %dma_start3A_249 = arith.constant 4 : i32
        %dma_start3A_250 = arith.constant 0 : i32
        %dma_start3A_251 = arith.constant 0 : i32
        %dma_start3A_252 = tpu.memref_slice %arg9[%dma_start3A_249, %dma_start3A_250, %dma_start3A_251] : memref<8x128x16xf32, #tpu.memory_space<vmem>> -> memref<1x128x16xf32, #tpu.memory_space<vmem>>
        %dma_start3A_253 = tpu.memref_squeeze %dma_start3A_252 : memref<1x128x16xf32, #tpu.memory_space<vmem>> -> memref<128x16xf32, #tpu.memory_space<vmem>>
        %dma_start3A_254 = arith.constant 0 : i32
        %dma_start3A_255 = tpu.memref_slice %arg8[%add3A_180, %dma_start3A_254] : memref<131x128xi32, #tpu.memory_space<vmem>> -> memref<1x128xi32, #tpu.memory_space<vmem>>
        %dma_start3A_256 = tpu.memref_squeeze %dma_start3A_255 : memref<1x128xi32, #tpu.memory_space<vmem>> -> memref<128xi32, #tpu.memory_space<vmem>>
        %dma_start3A_257 = arith.constant 0 : i32
        %dma_start3A_258 = arith.constant 0 : i32
        %dma_start3A_259 = tpu.memref_slice %arg10[%dma_start3A_257, %dma_start3A_258] : memref<10112x16xf32, #tpu.memory_space<vmem_shared>> -> memref<10112x16xf32, #tpu.memory_space<vmem_shared>>
        tpu.enqueue_indirect_dma source(%dma_start3A_253 : memref<128x16xf32, #tpu.memory_space<vmem>>) target(%dma_start3A_259 : memref<10112x16xf32, #tpu.memory_space<vmem_shared>>) offsets(%dma_start3A_256 : memref<128xi32, #tpu.memory_space<vmem>>) semaphore(%arg23 : memref<!tpu.dma_semaphore, #tpu.memory_space<semaphore_mem>>) {add = true}
      } else {
      }
      %add3A_194 = arith.constant 5 : i32
      %add3A_195 = arith.addi %mul3A_123, %add3A_194 : i32
      %sub3A_196 = arith.constant 4 : i32
      %sub3A_197 = arith.subi %add3A_195, %sub3A_196 : i32
      %ge3A_198 = arith.constant 0 : i32
      %ge3A_199 = arith.cmpi sge, %sub3A_197, %ge3A_198 : i32
      %lt3A_200 = arith.cmpi slt, %sub3A_197, %select_n3A_13 : i32
      %and3A_201 = arith.andi %ge3A_199, %lt3A_200 : i1
      %convert_element_type3A_202 = arith.extui %and3A_201 : i1 to i32
      %cond3A_203 = arith.constant 0 : i32
      %cond3A_204 = arith.cmpi ne, %convert_element_type3A_202, %cond3A_203 : i32
      scf.if %cond3A_204 {
        %dma_wait3A = arith.constant 1 : i32
        %dma_wait3A_239 = arith.constant 0 : i32
        %dma_wait3A_240 = arith.constant 0 : i32
        %dma_wait3A_241 = tpu.memref_slice %arg9[%dma_wait3A, %dma_wait3A_239, %dma_wait3A_240] : memref<8x128x16xf32, #tpu.memory_space<vmem>> -> memref<1x128x16xf32, #tpu.memory_space<vmem>>
        %dma_wait3A_242 = tpu.memref_squeeze %dma_wait3A_241 : memref<1x128x16xf32, #tpu.memory_space<vmem>> -> memref<128x16xf32, #tpu.memory_space<vmem>>
        %dma_wait3A_243 = arith.constant 0 : i32
        %dma_wait3A_244 = tpu.memref_slice %arg8[%sub3A_197, %dma_wait3A_243] : memref<131x128xi32, #tpu.memory_space<vmem>> -> memref<1x128xi32, #tpu.memory_space<vmem>>
        %dma_wait3A_245 = tpu.memref_squeeze %dma_wait3A_244 : memref<1x128xi32, #tpu.memory_space<vmem>> -> memref<128xi32, #tpu.memory_space<vmem>>
        %dma_wait3A_246 = arith.constant 0 : i32
        %dma_wait3A_247 = arith.constant 0 : i32
        %dma_wait3A_248 = tpu.memref_slice %arg10[%dma_wait3A_246, %dma_wait3A_247] : memref<10112x16xf32, #tpu.memory_space<vmem_shared>> -> memref<10112x16xf32, #tpu.memory_space<vmem_shared>>
        tpu.wait_indirect_dma semaphore(%arg20 : memref<!tpu.dma_semaphore, #tpu.memory_space<semaphore_mem>>) src(%dma_wait3A_242 : memref<128x16xf32, #tpu.memory_space<vmem>>) dst(%dma_wait3A_248 : memref<10112x16xf32, #tpu.memory_space<vmem_shared>>)
        %add3A_249 = arith.constant 8 : i32
        %add3A_250 = arith.addi %sub3A_197, %add3A_249 : i32
        %lt3A_251 = arith.cmpi slt, %add3A_250, %select_n3A_13 : i32
        %convert_element_type3A_252 = arith.extui %lt3A_251 : i1 to i32
        %cond3A_253 = arith.constant 0 : i32
        %cond3A_254 = arith.cmpi ne, %convert_element_type3A_252, %cond3A_253 : i32
        scf.if %cond3A_254 {
          %dma_start3A_255 = arith.constant 1 : i32
          %dma_start3A_256 = arith.constant 0 : i32
          %dma_start3A_257 = arith.constant 0 : i32
          %dma_start3A_258 = tpu.memref_slice %arg9[%dma_start3A_255, %dma_start3A_256, %dma_start3A_257] : memref<8x128x16xf32, #tpu.memory_space<vmem>> -> memref<1x128x16xf32, #tpu.memory_space<vmem>>
          %dma_start3A_259 = tpu.memref_squeeze %dma_start3A_258 : memref<1x128x16xf32, #tpu.memory_space<vmem>> -> memref<128x16xf32, #tpu.memory_space<vmem>>
          %dma_start3A_260 = arith.constant 0 : i32
          %dma_start3A_261 = tpu.memref_slice %arg7[%add3A_250, %dma_start3A_260] : memref<131x128xi32, #tpu.memory_space<vmem>> -> memref<1x128xi32, #tpu.memory_space<vmem>>
          %dma_start3A_262 = tpu.memref_squeeze %dma_start3A_261 : memref<1x128xi32, #tpu.memory_space<vmem>> -> memref<128xi32, #tpu.memory_space<vmem>>
          %dma_start3A_263 = arith.constant 0 : i32
          %dma_start3A_264 = arith.constant 0 : i32
          %dma_start3A_265 = tpu.memref_slice %arg2[%dma_start3A_263, %dma_start3A_264] : memref<10112x16xf32, #tpu.memory_space<hbm>> -> memref<10112x16xf32, #tpu.memory_space<hbm>>
          tpu.enqueue_indirect_dma source(%dma_start3A_265 : memref<10112x16xf32, #tpu.memory_space<hbm>>) target(%dma_start3A_259 : memref<128x16xf32, #tpu.memory_space<vmem>>) offsets(%dma_start3A_262 : memref<128xi32, #tpu.memory_space<vmem>>) semaphore(%arg12 : memref<!tpu.dma_semaphore, #tpu.memory_space<semaphore_mem>>)
        } else {
        }
      } else {
      }
      %lt3A_205 = arith.cmpi slt, %add3A_195, %select_n3A_13 : i32
      %convert_element_type3A_206 = arith.extui %lt3A_205 : i1 to i32
      %cond3A_207 = arith.constant 0 : i32
      %cond3A_208 = arith.cmpi ne, %convert_element_type3A_206, %cond3A_207 : i32
      scf.if %cond3A_208 {
        %dma_wait3A = arith.constant 5 : i32
        %dma_wait3A_239 = arith.constant 0 : i32
        %dma_wait3A_240 = arith.constant 0 : i32
        %dma_wait3A_241 = tpu.memref_slice %arg9[%dma_wait3A, %dma_wait3A_239, %dma_wait3A_240] : memref<8x128x16xf32, #tpu.memory_space<vmem>> -> memref<1x128x16xf32, #tpu.memory_space<vmem>>
        %dma_wait3A_242 = tpu.memref_squeeze %dma_wait3A_241 : memref<1x128x16xf32, #tpu.memory_space<vmem>> -> memref<128x16xf32, #tpu.memory_space<vmem>>
        %dma_wait3A_243 = arith.constant 0 : i32
        %dma_wait3A_244 = tpu.memref_slice %arg7[%add3A_195, %dma_wait3A_243] : memref<131x128xi32, #tpu.memory_space<vmem>> -> memref<1x128xi32, #tpu.memory_space<vmem>>
        %dma_wait3A_245 = tpu.memref_squeeze %dma_wait3A_244 : memref<1x128xi32, #tpu.memory_space<vmem>> -> memref<128xi32, #tpu.memory_space<vmem>>
        %dma_wait3A_246 = arith.constant 0 : i32
        %dma_wait3A_247 = arith.constant 0 : i32
        %dma_wait3A_248 = tpu.memref_slice %arg2[%dma_wait3A_246, %dma_wait3A_247] : memref<10112x16xf32, #tpu.memory_space<hbm>> -> memref<10112x16xf32, #tpu.memory_space<hbm>>
        tpu.wait_indirect_dma semaphore(%arg16 : memref<!tpu.dma_semaphore, #tpu.memory_space<semaphore_mem>>) src(%dma_wait3A_248 : memref<10112x16xf32, #tpu.memory_space<hbm>>) dst(%dma_wait3A_242 : memref<128x16xf32, #tpu.memory_space<vmem>>)
        %dma_start3A_249 = arith.constant 5 : i32
        %dma_start3A_250 = arith.constant 0 : i32
        %dma_start3A_251 = arith.constant 0 : i32
        %dma_start3A_252 = tpu.memref_slice %arg9[%dma_start3A_249, %dma_start3A_250, %dma_start3A_251] : memref<8x128x16xf32, #tpu.memory_space<vmem>> -> memref<1x128x16xf32, #tpu.memory_space<vmem>>
        %dma_start3A_253 = tpu.memref_squeeze %dma_start3A_252 : memref<1x128x16xf32, #tpu.memory_space<vmem>> -> memref<128x16xf32, #tpu.memory_space<vmem>>
        %dma_start3A_254 = arith.constant 0 : i32
        %dma_start3A_255 = tpu.memref_slice %arg8[%add3A_195, %dma_start3A_254] : memref<131x128xi32, #tpu.memory_space<vmem>> -> memref<1x128xi32, #tpu.memory_space<vmem>>
        %dma_start3A_256 = tpu.memref_squeeze %dma_start3A_255 : memref<1x128xi32, #tpu.memory_space<vmem>> -> memref<128xi32, #tpu.memory_space<vmem>>
        %dma_start3A_257 = arith.constant 0 : i32
        %dma_start3A_258 = arith.constant 0 : i32
        %dma_start3A_259 = tpu.memref_slice %arg10[%dma_start3A_257, %dma_start3A_258] : memref<10112x16xf32, #tpu.memory_space<vmem_shared>> -> memref<10112x16xf32, #tpu.memory_space<vmem_shared>>
        tpu.enqueue_indirect_dma source(%dma_start3A_253 : memref<128x16xf32, #tpu.memory_space<vmem>>) target(%dma_start3A_259 : memref<10112x16xf32, #tpu.memory_space<vmem_shared>>) offsets(%dma_start3A_256 : memref<128xi32, #tpu.memory_space<vmem>>) semaphore(%arg24 : memref<!tpu.dma_semaphore, #tpu.memory_space<semaphore_mem>>) {add = true}
      } else {
      }
      %add3A_209 = arith.constant 6 : i32
      %add3A_210 = arith.addi %mul3A_123, %add3A_209 : i32
      %sub3A_211 = arith.constant 4 : i32
      %sub3A_212 = arith.subi %add3A_210, %sub3A_211 : i32
      %ge3A_213 = arith.constant 0 : i32
      %ge3A_214 = arith.cmpi sge, %sub3A_212, %ge3A_213 : i32
      %lt3A_215 = arith.cmpi slt, %sub3A_212, %select_n3A_13 : i32
      %and3A_216 = arith.andi %ge3A_214, %lt3A_215 : i1
      %convert_element_type3A_217 = arith.extui %and3A_216 : i1 to i32
      %cond3A_218 = arith.constant 0 : i32
      %cond3A_219 = arith.cmpi ne, %convert_element_type3A_217, %cond3A_218 : i32
      scf.if %cond3A_219 {
        %dma_wait3A = arith.constant 2 : i32
        %dma_wait3A_239 = arith.constant 0 : i32
        %dma_wait3A_240 = arith.constant 0 : i32
        %dma_wait3A_241 = tpu.memref_slice %arg9[%dma_wait3A, %dma_wait3A_239, %dma_wait3A_240] : memref<8x128x16xf32, #tpu.memory_space<vmem>> -> memref<1x128x16xf32, #tpu.memory_space<vmem>>
        %dma_wait3A_242 = tpu.memref_squeeze %dma_wait3A_241 : memref<1x128x16xf32, #tpu.memory_space<vmem>> -> memref<128x16xf32, #tpu.memory_space<vmem>>
        %dma_wait3A_243 = arith.constant 0 : i32
        %dma_wait3A_244 = tpu.memref_slice %arg8[%sub3A_212, %dma_wait3A_243] : memref<131x128xi32, #tpu.memory_space<vmem>> -> memref<1x128xi32, #tpu.memory_space<vmem>>
        %dma_wait3A_245 = tpu.memref_squeeze %dma_wait3A_244 : memref<1x128xi32, #tpu.memory_space<vmem>> -> memref<128xi32, #tpu.memory_space<vmem>>
        %dma_wait3A_246 = arith.constant 0 : i32
        %dma_wait3A_247 = arith.constant 0 : i32
        %dma_wait3A_248 = tpu.memref_slice %arg10[%dma_wait3A_246, %dma_wait3A_247] : memref<10112x16xf32, #tpu.memory_space<vmem_shared>> -> memref<10112x16xf32, #tpu.memory_space<vmem_shared>>
        tpu.wait_indirect_dma semaphore(%arg21 : memref<!tpu.dma_semaphore, #tpu.memory_space<semaphore_mem>>) src(%dma_wait3A_242 : memref<128x16xf32, #tpu.memory_space<vmem>>) dst(%dma_wait3A_248 : memref<10112x16xf32, #tpu.memory_space<vmem_shared>>)
        %add3A_249 = arith.constant 8 : i32
        %add3A_250 = arith.addi %sub3A_212, %add3A_249 : i32
        %lt3A_251 = arith.cmpi slt, %add3A_250, %select_n3A_13 : i32
        %convert_element_type3A_252 = arith.extui %lt3A_251 : i1 to i32
        %cond3A_253 = arith.constant 0 : i32
        %cond3A_254 = arith.cmpi ne, %convert_element_type3A_252, %cond3A_253 : i32
        scf.if %cond3A_254 {
          %dma_start3A_255 = arith.constant 2 : i32
          %dma_start3A_256 = arith.constant 0 : i32
          %dma_start3A_257 = arith.constant 0 : i32
          %dma_start3A_258 = tpu.memref_slice %arg9[%dma_start3A_255, %dma_start3A_256, %dma_start3A_257] : memref<8x128x16xf32, #tpu.memory_space<vmem>> -> memref<1x128x16xf32, #tpu.memory_space<vmem>>
          %dma_start3A_259 = tpu.memref_squeeze %dma_start3A_258 : memref<1x128x16xf32, #tpu.memory_space<vmem>> -> memref<128x16xf32, #tpu.memory_space<vmem>>
          %dma_start3A_260 = arith.constant 0 : i32
          %dma_start3A_261 = tpu.memref_slice %arg7[%add3A_250, %dma_start3A_260] : memref<131x128xi32, #tpu.memory_space<vmem>> -> memref<1x128xi32, #tpu.memory_space<vmem>>
          %dma_start3A_262 = tpu.memref_squeeze %dma_start3A_261 : memref<1x128xi32, #tpu.memory_space<vmem>> -> memref<128xi32, #tpu.memory_space<vmem>>
          %dma_start3A_263 = arith.constant 0 : i32
          %dma_start3A_264 = arith.constant 0 : i32
          %dma_start3A_265 = tpu.memref_slice %arg2[%dma_start3A_263, %dma_start3A_264] : memref<10112x16xf32, #tpu.memory_space<hbm>> -> memref<10112x16xf32, #tpu.memory_space<hbm>>
          tpu.enqueue_indirect_dma source(%dma_start3A_265 : memref<10112x16xf32, #tpu.memory_space<hbm>>) target(%dma_start3A_259 : memref<128x16xf32, #tpu.memory_space<vmem>>) offsets(%dma_start3A_262 : memref<128xi32, #tpu.memory_space<vmem>>) semaphore(%arg13 : memref<!tpu.dma_semaphore, #tpu.memory_space<semaphore_mem>>)
        } else {
        }
      } else {
      }
      %lt3A_220 = arith.cmpi slt, %add3A_210, %select_n3A_13 : i32
      %convert_element_type3A_221 = arith.extui %lt3A_220 : i1 to i32
      %cond3A_222 = arith.constant 0 : i32
      %cond3A_223 = arith.cmpi ne, %convert_element_type3A_221, %cond3A_222 : i32
      scf.if %cond3A_223 {
        %dma_wait3A = arith.constant 6 : i32
        %dma_wait3A_239 = arith.constant 0 : i32
        %dma_wait3A_240 = arith.constant 0 : i32
        %dma_wait3A_241 = tpu.memref_slice %arg9[%dma_wait3A, %dma_wait3A_239, %dma_wait3A_240] : memref<8x128x16xf32, #tpu.memory_space<vmem>> -> memref<1x128x16xf32, #tpu.memory_space<vmem>>
        %dma_wait3A_242 = tpu.memref_squeeze %dma_wait3A_241 : memref<1x128x16xf32, #tpu.memory_space<vmem>> -> memref<128x16xf32, #tpu.memory_space<vmem>>
        %dma_wait3A_243 = arith.constant 0 : i32
        %dma_wait3A_244 = tpu.memref_slice %arg7[%add3A_210, %dma_wait3A_243] : memref<131x128xi32, #tpu.memory_space<vmem>> -> memref<1x128xi32, #tpu.memory_space<vmem>>
        %dma_wait3A_245 = tpu.memref_squeeze %dma_wait3A_244 : memref<1x128xi32, #tpu.memory_space<vmem>> -> memref<128xi32, #tpu.memory_space<vmem>>
        %dma_wait3A_246 = arith.constant 0 : i32
        %dma_wait3A_247 = arith.constant 0 : i32
        %dma_wait3A_248 = tpu.memref_slice %arg2[%dma_wait3A_246, %dma_wait3A_247] : memref<10112x16xf32, #tpu.memory_space<hbm>> -> memref<10112x16xf32, #tpu.memory_space<hbm>>
        tpu.wait_indirect_dma semaphore(%arg17 : memref<!tpu.dma_semaphore, #tpu.memory_space<semaphore_mem>>) src(%dma_wait3A_248 : memref<10112x16xf32, #tpu.memory_space<hbm>>) dst(%dma_wait3A_242 : memref<128x16xf32, #tpu.memory_space<vmem>>)
        %dma_start3A_249 = arith.constant 6 : i32
        %dma_start3A_250 = arith.constant 0 : i32
        %dma_start3A_251 = arith.constant 0 : i32
        %dma_start3A_252 = tpu.memref_slice %arg9[%dma_start3A_249, %dma_start3A_250, %dma_start3A_251] : memref<8x128x16xf32, #tpu.memory_space<vmem>> -> memref<1x128x16xf32, #tpu.memory_space<vmem>>
        %dma_start3A_253 = tpu.memref_squeeze %dma_start3A_252 : memref<1x128x16xf32, #tpu.memory_space<vmem>> -> memref<128x16xf32, #tpu.memory_space<vmem>>
        %dma_start3A_254 = arith.constant 0 : i32
        %dma_start3A_255 = tpu.memref_slice %arg8[%add3A_210, %dma_start3A_254] : memref<131x128xi32, #tpu.memory_space<vmem>> -> memref<1x128xi32, #tpu.memory_space<vmem>>
        %dma_start3A_256 = tpu.memref_squeeze %dma_start3A_255 : memref<1x128xi32, #tpu.memory_space<vmem>> -> memref<128xi32, #tpu.memory_space<vmem>>
        %dma_start3A_257 = arith.constant 0 : i32
        %dma_start3A_258 = arith.constant 0 : i32
        %dma_start3A_259 = tpu.memref_slice %arg10[%dma_start3A_257, %dma_start3A_258] : memref<10112x16xf32, #tpu.memory_space<vmem_shared>> -> memref<10112x16xf32, #tpu.memory_space<vmem_shared>>
        tpu.enqueue_indirect_dma source(%dma_start3A_253 : memref<128x16xf32, #tpu.memory_space<vmem>>) target(%dma_start3A_259 : memref<10112x16xf32, #tpu.memory_space<vmem_shared>>) offsets(%dma_start3A_256 : memref<128xi32, #tpu.memory_space<vmem>>) semaphore(%arg25 : memref<!tpu.dma_semaphore, #tpu.memory_space<semaphore_mem>>) {add = true}
      } else {
      }
      %add3A_224 = arith.constant 7 : i32
      %add3A_225 = arith.addi %mul3A_123, %add3A_224 : i32
      %sub3A_226 = arith.constant 4 : i32
      %sub3A_227 = arith.subi %add3A_225, %sub3A_226 : i32
      %ge3A_228 = arith.constant 0 : i32
      %ge3A_229 = arith.cmpi sge, %sub3A_227, %ge3A_228 : i32
      %lt3A_230 = arith.cmpi slt, %sub3A_227, %select_n3A_13 : i32
      %and3A_231 = arith.andi %ge3A_229, %lt3A_230 : i1
      %convert_element_type3A_232 = arith.extui %and3A_231 : i1 to i32
      %cond3A_233 = arith.constant 0 : i32
      %cond3A_234 = arith.cmpi ne, %convert_element_type3A_232, %cond3A_233 : i32
      scf.if %cond3A_234 {
        %dma_wait3A = arith.constant 3 : i32
        %dma_wait3A_239 = arith.constant 0 : i32
        %dma_wait3A_240 = arith.constant 0 : i32
        %dma_wait3A_241 = tpu.memref_slice %arg9[%dma_wait3A, %dma_wait3A_239, %dma_wait3A_240] : memref<8x128x16xf32, #tpu.memory_space<vmem>> -> memref<1x128x16xf32, #tpu.memory_space<vmem>>
        %dma_wait3A_242 = tpu.memref_squeeze %dma_wait3A_241 : memref<1x128x16xf32, #tpu.memory_space<vmem>> -> memref<128x16xf32, #tpu.memory_space<vmem>>
        %dma_wait3A_243 = arith.constant 0 : i32
        %dma_wait3A_244 = tpu.memref_slice %arg8[%sub3A_227, %dma_wait3A_243] : memref<131x128xi32, #tpu.memory_space<vmem>> -> memref<1x128xi32, #tpu.memory_space<vmem>>
        %dma_wait3A_245 = tpu.memref_squeeze %dma_wait3A_244 : memref<1x128xi32, #tpu.memory_space<vmem>> -> memref<128xi32, #tpu.memory_space<vmem>>
        %dma_wait3A_246 = arith.constant 0 : i32
        %dma_wait3A_247 = arith.constant 0 : i32
        %dma_wait3A_248 = tpu.memref_slice %arg10[%dma_wait3A_246, %dma_wait3A_247] : memref<10112x16xf32, #tpu.memory_space<vmem_shared>> -> memref<10112x16xf32, #tpu.memory_space<vmem_shared>>
        tpu.wait_indirect_dma semaphore(%arg22 : memref<!tpu.dma_semaphore, #tpu.memory_space<semaphore_mem>>) src(%dma_wait3A_242 : memref<128x16xf32, #tpu.memory_space<vmem>>) dst(%dma_wait3A_248 : memref<10112x16xf32, #tpu.memory_space<vmem_shared>>)
        %add3A_249 = arith.constant 8 : i32
        %add3A_250 = arith.addi %sub3A_227, %add3A_249 : i32
        %lt3A_251 = arith.cmpi slt, %add3A_250, %select_n3A_13 : i32
        %convert_element_type3A_252 = arith.extui %lt3A_251 : i1 to i32
        %cond3A_253 = arith.constant 0 : i32
        %cond3A_254 = arith.cmpi ne, %convert_element_type3A_252, %cond3A_253 : i32
        scf.if %cond3A_254 {
          %dma_start3A_255 = arith.constant 3 : i32
          %dma_start3A_256 = arith.constant 0 : i32
          %dma_start3A_257 = arith.constant 0 : i32
          %dma_start3A_258 = tpu.memref_slice %arg9[%dma_start3A_255, %dma_start3A_256, %dma_start3A_257] : memref<8x128x16xf32, #tpu.memory_space<vmem>> -> memref<1x128x16xf32, #tpu.memory_space<vmem>>
          %dma_start3A_259 = tpu.memref_squeeze %dma_start3A_258 : memref<1x128x16xf32, #tpu.memory_space<vmem>> -> memref<128x16xf32, #tpu.memory_space<vmem>>
          %dma_start3A_260 = arith.constant 0 : i32
          %dma_start3A_261 = tpu.memref_slice %arg7[%add3A_250, %dma_start3A_260] : memref<131x128xi32, #tpu.memory_space<vmem>> -> memref<1x128xi32, #tpu.memory_space<vmem>>
          %dma_start3A_262 = tpu.memref_squeeze %dma_start3A_261 : memref<1x128xi32, #tpu.memory_space<vmem>> -> memref<128xi32, #tpu.memory_space<vmem>>
          %dma_start3A_263 = arith.constant 0 : i32
          %dma_start3A_264 = arith.constant 0 : i32
          %dma_start3A_265 = tpu.memref_slice %arg2[%dma_start3A_263, %dma_start3A_264] : memref<10112x16xf32, #tpu.memory_space<hbm>> -> memref<10112x16xf32, #tpu.memory_space<hbm>>
          tpu.enqueue_indirect_dma source(%dma_start3A_265 : memref<10112x16xf32, #tpu.memory_space<hbm>>) target(%dma_start3A_259 : memref<128x16xf32, #tpu.memory_space<vmem>>) offsets(%dma_start3A_262 : memref<128xi32, #tpu.memory_space<vmem>>) semaphore(%arg14 : memref<!tpu.dma_semaphore, #tpu.memory_space<semaphore_mem>>)
        } else {
        }
      } else {
      }
      %lt3A_235 = arith.cmpi slt, %add3A_225, %select_n3A_13 : i32
      %convert_element_type3A_236 = arith.extui %lt3A_235 : i1 to i32
      %cond3A_237 = arith.constant 0 : i32
      %cond3A_238 = arith.cmpi ne, %convert_element_type3A_236, %cond3A_237 : i32
      scf.if %cond3A_238 {
        %dma_wait3A = arith.constant 7 : i32
        %dma_wait3A_239 = arith.constant 0 : i32
        %dma_wait3A_240 = arith.constant 0 : i32
        %dma_wait3A_241 = tpu.memref_slice %arg9[%dma_wait3A, %dma_wait3A_239, %dma_wait3A_240] : memref<8x128x16xf32, #tpu.memory_space<vmem>> -> memref<1x128x16xf32, #tpu.memory_space<vmem>>
        %dma_wait3A_242 = tpu.memref_squeeze %dma_wait3A_241 : memref<1x128x16xf32, #tpu.memory_space<vmem>> -> memref<128x16xf32, #tpu.memory_space<vmem>>
        %dma_wait3A_243 = arith.constant 0 : i32
        %dma_wait3A_244 = tpu.memref_slice %arg7[%add3A_225, %dma_wait3A_243] : memref<131x128xi32, #tpu.memory_space<vmem>> -> memref<1x128xi32, #tpu.memory_space<vmem>>
        %dma_wait3A_245 = tpu.memref_squeeze %dma_wait3A_244 : memref<1x128xi32, #tpu.memory_space<vmem>> -> memref<128xi32, #tpu.memory_space<vmem>>
        %dma_wait3A_246 = arith.constant 0 : i32
        %dma_wait3A_247 = arith.constant 0 : i32
        %dma_wait3A_248 = tpu.memref_slice %arg2[%dma_wait3A_246, %dma_wait3A_247] : memref<10112x16xf32, #tpu.memory_space<hbm>> -> memref<10112x16xf32, #tpu.memory_space<hbm>>
        tpu.wait_indirect_dma semaphore(%arg18 : memref<!tpu.dma_semaphore, #tpu.memory_space<semaphore_mem>>) src(%dma_wait3A_248 : memref<10112x16xf32, #tpu.memory_space<hbm>>) dst(%dma_wait3A_242 : memref<128x16xf32, #tpu.memory_space<vmem>>)
        %dma_start3A_249 = arith.constant 7 : i32
        %dma_start3A_250 = arith.constant 0 : i32
        %dma_start3A_251 = arith.constant 0 : i32
        %dma_start3A_252 = tpu.memref_slice %arg9[%dma_start3A_249, %dma_start3A_250, %dma_start3A_251] : memref<8x128x16xf32, #tpu.memory_space<vmem>> -> memref<1x128x16xf32, #tpu.memory_space<vmem>>
        %dma_start3A_253 = tpu.memref_squeeze %dma_start3A_252 : memref<1x128x16xf32, #tpu.memory_space<vmem>> -> memref<128x16xf32, #tpu.memory_space<vmem>>
        %dma_start3A_254 = arith.constant 0 : i32
        %dma_start3A_255 = tpu.memref_slice %arg8[%add3A_225, %dma_start3A_254] : memref<131x128xi32, #tpu.memory_space<vmem>> -> memref<1x128xi32, #tpu.memory_space<vmem>>
        %dma_start3A_256 = tpu.memref_squeeze %dma_start3A_255 : memref<1x128xi32, #tpu.memory_space<vmem>> -> memref<128xi32, #tpu.memory_space<vmem>>
        %dma_start3A_257 = arith.constant 0 : i32
        %dma_start3A_258 = arith.constant 0 : i32
        %dma_start3A_259 = tpu.memref_slice %arg10[%dma_start3A_257, %dma_start3A_258] : memref<10112x16xf32, #tpu.memory_space<vmem_shared>> -> memref<10112x16xf32, #tpu.memory_space<vmem_shared>>
        tpu.enqueue_indirect_dma source(%dma_start3A_253 : memref<128x16xf32, #tpu.memory_space<vmem>>) target(%dma_start3A_259 : memref<10112x16xf32, #tpu.memory_space<vmem_shared>>) offsets(%dma_start3A_256 : memref<128xi32, #tpu.memory_space<vmem>>) semaphore(%arg26 : memref<!tpu.dma_semaphore, #tpu.memory_space<semaphore_mem>>) {add = true}
      } else {
      }
    }
    %scan3A_117 = arith.constant 17 : i32
    %barrier3A_118 = arith.constant 0 : index
    tpu.barrier barrier_id(%barrier3A_118)
    %mul3A_119 = arith.constant 632 : i32
    %mul3A_120 = arith.muli %arg1, %mul3A_119 : i32
    "tpu.region"() ({
      %run_scoped3A = tpu.sem_alloc : memref<!tpu.dma_semaphore, #tpu.memory_space<semaphore_mem>>
      %dma_start3A_121 = arith.constant 0 : i32
      %dma_start3A_122 = tpu.memref_slice %arg6[%arg0, %mul3A_120, %dma_start3A_121] : memref<2x10112x16xf32, #tpu.memory_space<hbm>> -> memref<1x632x16xf32, #tpu.memory_space<hbm>>
      %dma_start3A_123 = tpu.memref_squeeze %dma_start3A_122 : memref<1x632x16xf32, #tpu.memory_space<hbm>> -> memref<632x16xf32, #tpu.memory_space<hbm>>
      %dma_start3A_124 = arith.constant 0 : i32
      %dma_start3A_125 = tpu.memref_slice %arg10[%mul3A_120, %dma_start3A_124] : memref<10112x16xf32, #tpu.memory_space<vmem_shared>> -> memref<632x16xf32, #tpu.memory_space<vmem_shared>>
      tpu.enqueue_dma source(%dma_start3A_125 : memref<632x16xf32, #tpu.memory_space<vmem_shared>>) target(%dma_start3A_123 : memref<632x16xf32, #tpu.memory_space<hbm>>) target_semaphore(%run_scoped3A : memref<!tpu.dma_semaphore, #tpu.memory_space<semaphore_mem>>)
      %dma_wait3A = arith.constant 0 : i32
      %dma_wait3A_126 = tpu.memref_slice %arg6[%arg0, %mul3A_120, %dma_wait3A] : memref<2x10112x16xf32, #tpu.memory_space<hbm>> -> memref<1x632x16xf32, #tpu.memory_space<hbm>>
      %dma_wait3A_127 = tpu.memref_squeeze %dma_wait3A_126 : memref<1x632x16xf32, #tpu.memory_space<hbm>> -> memref<632x16xf32, #tpu.memory_space<hbm>>
      %dma_wait3A_128 = arith.constant 0 : i32
      %dma_wait3A_129 = tpu.memref_slice %arg10[%mul3A_120, %dma_wait3A_128] : memref<10112x16xf32, #tpu.memory_space<vmem_shared>> -> memref<632x16xf32, #tpu.memory_space<vmem_shared>>
      tpu.wait_dma2 semaphore(%run_scoped3A : memref<!tpu.dma_semaphore, #tpu.memory_space<semaphore_mem>>) src(%dma_wait3A_129 : memref<632x16xf32, #tpu.memory_space<vmem_shared>>) dst(%dma_wait3A_127 : memref<632x16xf32, #tpu.memory_space<hbm>>)
      tpu.yield
    }) : () -> ()
    return
  }
}

#map = affine_map<(d0, d1) -> (0, 0)>
module attributes {stable_mosaic.version = 14 : i64} {
  func.func @deg_kernel(%arg0: i32, %arg1: i32, %arg2: memref<2500x128xi32, #tpu.memory_space<hbm>>, %arg3: memref<10112x1xf32, #tpu.memory_space<hbm>>, %arg4: memref<128x1xf32, #tpu.memory_space<hbm>>, %arg5: memref<10112x1xf32, #tpu.memory_space<hbm>>, %arg6: memref<10112x1xf32, #tpu.memory_space<hbm>>, %arg7: memref<131x128xi32, #tpu.memory_space<vmem>>, %arg8: memref<128x1xf32, #tpu.memory_space<vmem>>, %arg9: memref<10112x1xf32, #tpu.memory_space<vmem_shared>>, %arg10: memref<!tpu.dma_semaphore, #tpu.memory_space<semaphore_mem>>, %arg11: memref<!tpu.dma_semaphore, #tpu.memory_space<semaphore_mem>>, %arg12: memref<!tpu.dma_semaphore, #tpu.memory_space<semaphore_mem>>, %arg13: memref<!tpu.dma_semaphore, #tpu.memory_space<semaphore_mem>>, %arg14: memref<!tpu.dma_semaphore, #tpu.memory_space<semaphore_mem>>, %arg15: memref<!tpu.dma_semaphore, #tpu.memory_space<semaphore_mem>>, %arg16: memref<!tpu.dma_semaphore, #tpu.memory_space<semaphore_mem>>, %arg17: memref<!tpu.dma_semaphore, #tpu.memory_space<semaphore_mem>>) attributes {dimension_semantics = [#tpu.dimension_semantics<core_parallel>, #tpu.dimension_semantics<subcore_parallel>], iteration_bounds = array<i64: 2, 16>, scalar_prefetch = 0 : i64, scratch_operands = 11 : i64, tpu.core_type = #tpu.core_type<sc_vector_subcore>, window_params = [{transform_indices = #map}, {transform_indices = #map}, {transform_indices = #map}, {transform_indices = #map}, {transform_indices = #map}]} {
    %eq3A = arith.constant 0 : i32
    %eq3A_0 = arith.cmpi eq, %arg0, %eq3A : i32
    %mul3A = arith.constant 25 : i32
    %mul3A_1 = arith.muli %arg1, %mul3A : i32
    %min3A = arith.constant 4 : i32
    %min3A_2 = arith.minsi %arg1, %min3A : i32
    %add3A = arith.addi %mul3A_1, %min3A_2 : i32
    %mul3A_3 = arith.constant 131 : i32
    %mul3A_4 = arith.muli %arg1, %mul3A_3 : i32
    %add3A_5 = arith.constant 404 : i32
    %add3A_6 = arith.addi %add3A_5, %mul3A_4 : i32
    %select_n3A = arith.select %eq3A_0, %add3A_6, %add3A : i32
    %lt3A = arith.constant 4 : i32
    %lt3A_7 = arith.cmpi slt, %arg1, %lt3A : i32
    %jit3A = arith.constant 1 : i32
    %jit3A_8 = arith.constant 0 : i32
    %select_n3A_9 = arith.select %lt3A_7, %jit3A, %jit3A_8 : i32
    %add3A_10 = arith.constant 25 : i32
    %add3A_11 = arith.addi %add3A_10, %select_n3A_9 : i32
    %jit3A_12 = arith.constant 131 : i32
    %select_n3A_13 = arith.select %eq3A_0, %jit3A_12, %add3A_11 : i32
    "tpu.region"() ({
      %run_scoped3A = tpu.sem_alloc : memref<!tpu.dma_semaphore, #tpu.memory_space<semaphore_mem>>
      %dma_start3A = arith.constant 0 : i32
      %dma_start3A_34 = tpu.memref_slice %arg2[%select_n3A, %dma_start3A] : memref<2500x128xi32, #tpu.memory_space<hbm>> -> memref<131x128xi32, #tpu.memory_space<hbm>>
      %dma_start3A_35 = arith.constant 0 : i32
      %dma_start3A_36 = tpu.memref_slice %arg2[%select_n3A, %dma_start3A_35] : memref<2500x128xi32, #tpu.memory_space<hbm>> -> memref<131x128xi32, #tpu.memory_space<hbm>>
      tpu.enqueue_dma source(%dma_start3A_36 : memref<131x128xi32, #tpu.memory_space<hbm>>) target(%arg7 : memref<131x128xi32, #tpu.memory_space<vmem>>) target_semaphore(%run_scoped3A : memref<!tpu.dma_semaphore, #tpu.memory_space<semaphore_mem>>)
      %dma_wait3A = arith.constant 0 : i32
      %dma_wait3A_37 = tpu.memref_slice %arg2[%select_n3A, %dma_wait3A] : memref<2500x128xi32, #tpu.memory_space<hbm>> -> memref<131x128xi32, #tpu.memory_space<hbm>>
      %dma_wait3A_38 = arith.constant 0 : i32
      %dma_wait3A_39 = tpu.memref_slice %arg2[%select_n3A, %dma_wait3A_38] : memref<2500x128xi32, #tpu.memory_space<hbm>> -> memref<131x128xi32, #tpu.memory_space<hbm>>
      tpu.wait_dma2 semaphore(%run_scoped3A : memref<!tpu.dma_semaphore, #tpu.memory_space<semaphore_mem>>) src(%dma_wait3A_39 : memref<131x128xi32, #tpu.memory_space<hbm>>) dst(%arg7 : memref<131x128xi32, #tpu.memory_space<vmem>>)
      tpu.yield
    }) : () -> ()
    "tpu.region"() ({
      %run_scoped3A = tpu.sem_alloc : memref<!tpu.dma_semaphore, #tpu.memory_space<semaphore_mem>>
      tpu.enqueue_dma source(%arg4 : memref<128x1xf32, #tpu.memory_space<hbm>>) target(%arg8 : memref<128x1xf32, #tpu.memory_space<vmem>>) target_semaphore(%run_scoped3A : memref<!tpu.dma_semaphore, #tpu.memory_space<semaphore_mem>>)
      tpu.wait_dma2 semaphore(%run_scoped3A : memref<!tpu.dma_semaphore, #tpu.memory_space<semaphore_mem>>) src(%arg4 : memref<128x1xf32, #tpu.memory_space<hbm>>) dst(%arg8 : memref<128x1xf32, #tpu.memory_space<vmem>>)
      tpu.yield
    }) : () -> ()
    %mul3A_14 = arith.constant 632 : i32
    %mul3A_15 = arith.muli %arg1, %mul3A_14 : i32
    %mul3A_16 = arith.constant 632 : i32
    %mul3A_17 = arith.muli %arg1, %mul3A_16 : i32
    "tpu.region"() ({
      %run_scoped3A = tpu.sem_alloc : memref<!tpu.dma_semaphore, #tpu.memory_space<semaphore_mem>>
      %dma_start3A = arith.constant 0 : i32
      %dma_start3A_34 = tpu.memref_slice %arg9[%mul3A_17, %dma_start3A] : memref<10112x1xf32, #tpu.memory_space<vmem_shared>> -> memref<632x1xf32, #tpu.memory_space<vmem_shared>>
      %dma_start3A_35 = arith.constant 0 : i32
      %dma_start3A_36 = tpu.memref_slice %arg3[%mul3A_15, %dma_start3A_35] : memref<10112x1xf32, #tpu.memory_space<hbm>> -> memref<632x1xf32, #tpu.memory_space<hbm>>
      tpu.enqueue_dma source(%dma_start3A_36 : memref<632x1xf32, #tpu.memory_space<hbm>>) target(%dma_start3A_34 : memref<632x1xf32, #tpu.memory_space<vmem_shared>>) target_semaphore(%run_scoped3A : memref<!tpu.dma_semaphore, #tpu.memory_space<semaphore_mem>>)
      %dma_wait3A = arith.constant 0 : i32
      %dma_wait3A_37 = tpu.memref_slice %arg9[%mul3A_17, %dma_wait3A] : memref<10112x1xf32, #tpu.memory_space<vmem_shared>> -> memref<632x1xf32, #tpu.memory_space<vmem_shared>>
      %dma_wait3A_38 = arith.constant 0 : i32
      %dma_wait3A_39 = tpu.memref_slice %arg3[%mul3A_15, %dma_wait3A_38] : memref<10112x1xf32, #tpu.memory_space<hbm>> -> memref<632x1xf32, #tpu.memory_space<hbm>>
      tpu.wait_dma2 semaphore(%run_scoped3A : memref<!tpu.dma_semaphore, #tpu.memory_space<semaphore_mem>>) src(%dma_wait3A_39 : memref<632x1xf32, #tpu.memory_space<hbm>>) dst(%dma_wait3A_37 : memref<632x1xf32, #tpu.memory_space<vmem_shared>>)
      tpu.yield
    }) : () -> ()
    %barrier3A = arith.constant 0 : index
    tpu.barrier barrier_id(%barrier3A)
    %scan3A = arith.constant 0 : i32
    %scan3A_18 = arith.constant 0 : i32
    %scan3A_19 = arith.constant 18 : i32
    %scan3A_20 = arith.addi %scan3A_18, %scan3A_19 : i32
    %scan3A_21 = arith.constant 1 : i32
    scf.for %scan3A_34 = %scan3A_18 to %scan3A_20 step %scan3A_21  : i32 {
      %mul3A_35 = arith.constant 8 : i32
      %mul3A_36 = arith.muli %scan3A_34, %mul3A_35 : i32
      %add3A_37 = arith.constant 0 : i32
      %add3A_38 = arith.addi %mul3A_36, %add3A_37 : i32
      %sub3A = arith.constant 8 : i32
      %sub3A_39 = arith.subi %add3A_38, %sub3A : i32
      %ge3A = arith.constant 0 : i32
      %ge3A_40 = arith.cmpi sge, %sub3A_39, %ge3A : i32
      %lt3A_41 = arith.cmpi slt, %sub3A_39, %select_n3A_13 : i32
      %and3A = arith.andi %ge3A_40, %lt3A_41 : i1
      %convert_element_type3A_42 = arith.extui %and3A : i1 to i32
      %cond3A_43 = arith.constant 0 : i32
      %cond3A_44 = arith.cmpi ne, %convert_element_type3A_42, %cond3A_43 : i32
      scf.if %cond3A_44 {
        %dma_wait3A = arith.constant 0 : i32
        %dma_wait3A_154 = tpu.memref_slice %arg7[%sub3A_39, %dma_wait3A] : memref<131x128xi32, #tpu.memory_space<vmem>> -> memref<1x128xi32, #tpu.memory_space<vmem>>
        %dma_wait3A_155 = tpu.memref_squeeze %dma_wait3A_154 : memref<1x128xi32, #tpu.memory_space<vmem>> -> memref<128xi32, #tpu.memory_space<vmem>>
        %dma_wait3A_156 = arith.constant 0 : i32
        %dma_wait3A_157 = arith.constant 0 : i32
        %dma_wait3A_158 = tpu.memref_slice %arg9[%dma_wait3A_156, %dma_wait3A_157] : memref<10112x1xf32, #tpu.memory_space<vmem_shared>> -> memref<10112x1xf32, #tpu.memory_space<vmem_shared>>
        tpu.wait_indirect_dma semaphore(%arg10 : memref<!tpu.dma_semaphore, #tpu.memory_space<semaphore_mem>>) src(%arg8 : memref<128x1xf32, #tpu.memory_space<vmem>>) dst(%dma_wait3A_158 : memref<10112x1xf32, #tpu.memory_space<vmem_shared>>)
      } else {
      }
      %lt3A_45 = arith.cmpi slt, %add3A_38, %select_n3A_13 : i32
      %convert_element_type3A_46 = arith.extui %lt3A_45 : i1 to i32
      %cond3A_47 = arith.constant 0 : i32
      %cond3A_48 = arith.cmpi ne, %convert_element_type3A_46, %cond3A_47 : i32
      scf.if %cond3A_48 {
        %dma_start3A = arith.constant 0 : i32
        %dma_start3A_154 = tpu.memref_slice %arg7[%add3A_38, %dma_start3A] : memref<131x128xi32, #tpu.memory_space<vmem>> -> memref<1x128xi32, #tpu.memory_space<vmem>>
        %dma_start3A_155 = tpu.memref_squeeze %dma_start3A_154 : memref<1x128xi32, #tpu.memory_space<vmem>> -> memref<128xi32, #tpu.memory_space<vmem>>
        %dma_start3A_156 = arith.constant 0 : i32
        %dma_start3A_157 = arith.constant 0 : i32
        %dma_start3A_158 = tpu.memref_slice %arg9[%dma_start3A_156, %dma_start3A_157] : memref<10112x1xf32, #tpu.memory_space<vmem_shared>> -> memref<10112x1xf32, #tpu.memory_space<vmem_shared>>
        tpu.enqueue_indirect_dma source(%arg8 : memref<128x1xf32, #tpu.memory_space<vmem>>) target(%dma_start3A_158 : memref<10112x1xf32, #tpu.memory_space<vmem_shared>>) offsets(%dma_start3A_155 : memref<128xi32, #tpu.memory_space<vmem>>) semaphore(%arg10 : memref<!tpu.dma_semaphore, #tpu.memory_space<semaphore_mem>>) {add = true}
      } else {
      }
      %add3A_49 = arith.constant 1 : i32
      %add3A_50 = arith.addi %mul3A_36, %add3A_49 : i32
      %sub3A_51 = arith.constant 8 : i32
      %sub3A_52 = arith.subi %add3A_50, %sub3A_51 : i32
      %ge3A_53 = arith.constant 0 : i32
      %ge3A_54 = arith.cmpi sge, %sub3A_52, %ge3A_53 : i32
      %lt3A_55 = arith.cmpi slt, %sub3A_52, %select_n3A_13 : i32
      %and3A_56 = arith.andi %ge3A_54, %lt3A_55 : i1
      %convert_element_type3A_57 = arith.extui %and3A_56 : i1 to i32
      %cond3A_58 = arith.constant 0 : i32
      %cond3A_59 = arith.cmpi ne, %convert_element_type3A_57, %cond3A_58 : i32
      scf.if %cond3A_59 {
        %dma_wait3A = arith.constant 0 : i32
        %dma_wait3A_154 = tpu.memref_slice %arg7[%sub3A_52, %dma_wait3A] : memref<131x128xi32, #tpu.memory_space<vmem>> -> memref<1x128xi32, #tpu.memory_space<vmem>>
        %dma_wait3A_155 = tpu.memref_squeeze %dma_wait3A_154 : memref<1x128xi32, #tpu.memory_space<vmem>> -> memref<128xi32, #tpu.memory_space<vmem>>
        %dma_wait3A_156 = arith.constant 0 : i32
        %dma_wait3A_157 = arith.constant 0 : i32
        %dma_wait3A_158 = tpu.memref_slice %arg9[%dma_wait3A_156, %dma_wait3A_157] : memref<10112x1xf32, #tpu.memory_space<vmem_shared>> -> memref<10112x1xf32, #tpu.memory_space<vmem_shared>>
        tpu.wait_indirect_dma semaphore(%arg11 : memref<!tpu.dma_semaphore, #tpu.memory_space<semaphore_mem>>) src(%arg8 : memref<128x1xf32, #tpu.memory_space<vmem>>) dst(%dma_wait3A_158 : memref<10112x1xf32, #tpu.memory_space<vmem_shared>>)
      } else {
      }
      %lt3A_60 = arith.cmpi slt, %add3A_50, %select_n3A_13 : i32
      %convert_element_type3A_61 = arith.extui %lt3A_60 : i1 to i32
      %cond3A_62 = arith.constant 0 : i32
      %cond3A_63 = arith.cmpi ne, %convert_element_type3A_61, %cond3A_62 : i32
      scf.if %cond3A_63 {
        %dma_start3A = arith.constant 0 : i32
        %dma_start3A_154 = tpu.memref_slice %arg7[%add3A_50, %dma_start3A] : memref<131x128xi32, #tpu.memory_space<vmem>> -> memref<1x128xi32, #tpu.memory_space<vmem>>
        %dma_start3A_155 = tpu.memref_squeeze %dma_start3A_154 : memref<1x128xi32, #tpu.memory_space<vmem>> -> memref<128xi32, #tpu.memory_space<vmem>>
        %dma_start3A_156 = arith.constant 0 : i32
        %dma_start3A_157 = arith.constant 0 : i32
        %dma_start3A_158 = tpu.memref_slice %arg9[%dma_start3A_156, %dma_start3A_157] : memref<10112x1xf32, #tpu.memory_space<vmem_shared>> -> memref<10112x1xf32, #tpu.memory_space<vmem_shared>>
        tpu.enqueue_indirect_dma source(%arg8 : memref<128x1xf32, #tpu.memory_space<vmem>>) target(%dma_start3A_158 : memref<10112x1xf32, #tpu.memory_space<vmem_shared>>) offsets(%dma_start3A_155 : memref<128xi32, #tpu.memory_space<vmem>>) semaphore(%arg11 : memref<!tpu.dma_semaphore, #tpu.memory_space<semaphore_mem>>) {add = true}
      } else {
      }
      %add3A_64 = arith.constant 2 : i32
      %add3A_65 = arith.addi %mul3A_36, %add3A_64 : i32
      %sub3A_66 = arith.constant 8 : i32
      %sub3A_67 = arith.subi %add3A_65, %sub3A_66 : i32
      %ge3A_68 = arith.constant 0 : i32
      %ge3A_69 = arith.cmpi sge, %sub3A_67, %ge3A_68 : i32
      %lt3A_70 = arith.cmpi slt, %sub3A_67, %select_n3A_13 : i32
      %and3A_71 = arith.andi %ge3A_69, %lt3A_70 : i1
      %convert_element_type3A_72 = arith.extui %and3A_71 : i1 to i32
      %cond3A_73 = arith.constant 0 : i32
      %cond3A_74 = arith.cmpi ne, %convert_element_type3A_72, %cond3A_73 : i32
      scf.if %cond3A_74 {
        %dma_wait3A = arith.constant 0 : i32
        %dma_wait3A_154 = tpu.memref_slice %arg7[%sub3A_67, %dma_wait3A] : memref<131x128xi32, #tpu.memory_space<vmem>> -> memref<1x128xi32, #tpu.memory_space<vmem>>
        %dma_wait3A_155 = tpu.memref_squeeze %dma_wait3A_154 : memref<1x128xi32, #tpu.memory_space<vmem>> -> memref<128xi32, #tpu.memory_space<vmem>>
        %dma_wait3A_156 = arith.constant 0 : i32
        %dma_wait3A_157 = arith.constant 0 : i32
        %dma_wait3A_158 = tpu.memref_slice %arg9[%dma_wait3A_156, %dma_wait3A_157] : memref<10112x1xf32, #tpu.memory_space<vmem_shared>> -> memref<10112x1xf32, #tpu.memory_space<vmem_shared>>
        tpu.wait_indirect_dma semaphore(%arg12 : memref<!tpu.dma_semaphore, #tpu.memory_space<semaphore_mem>>) src(%arg8 : memref<128x1xf32, #tpu.memory_space<vmem>>) dst(%dma_wait3A_158 : memref<10112x1xf32, #tpu.memory_space<vmem_shared>>)
      } else {
      }
      %lt3A_75 = arith.cmpi slt, %add3A_65, %select_n3A_13 : i32
      %convert_element_type3A_76 = arith.extui %lt3A_75 : i1 to i32
      %cond3A_77 = arith.constant 0 : i32
      %cond3A_78 = arith.cmpi ne, %convert_element_type3A_76, %cond3A_77 : i32
      scf.if %cond3A_78 {
        %dma_start3A = arith.constant 0 : i32
        %dma_start3A_154 = tpu.memref_slice %arg7[%add3A_65, %dma_start3A] : memref<131x128xi32, #tpu.memory_space<vmem>> -> memref<1x128xi32, #tpu.memory_space<vmem>>
        %dma_start3A_155 = tpu.memref_squeeze %dma_start3A_154 : memref<1x128xi32, #tpu.memory_space<vmem>> -> memref<128xi32, #tpu.memory_space<vmem>>
        %dma_start3A_156 = arith.constant 0 : i32
        %dma_start3A_157 = arith.constant 0 : i32
        %dma_start3A_158 = tpu.memref_slice %arg9[%dma_start3A_156, %dma_start3A_157] : memref<10112x1xf32, #tpu.memory_space<vmem_shared>> -> memref<10112x1xf32, #tpu.memory_space<vmem_shared>>
        tpu.enqueue_indirect_dma source(%arg8 : memref<128x1xf32, #tpu.memory_space<vmem>>) target(%dma_start3A_158 : memref<10112x1xf32, #tpu.memory_space<vmem_shared>>) offsets(%dma_start3A_155 : memref<128xi32, #tpu.memory_space<vmem>>) semaphore(%arg12 : memref<!tpu.dma_semaphore, #tpu.memory_space<semaphore_mem>>) {add = true}
      } else {
      }
      %add3A_79 = arith.constant 3 : i32
      %add3A_80 = arith.addi %mul3A_36, %add3A_79 : i32
      %sub3A_81 = arith.constant 8 : i32
      %sub3A_82 = arith.subi %add3A_80, %sub3A_81 : i32
      %ge3A_83 = arith.constant 0 : i32
      %ge3A_84 = arith.cmpi sge, %sub3A_82, %ge3A_83 : i32
      %lt3A_85 = arith.cmpi slt, %sub3A_82, %select_n3A_13 : i32
      %and3A_86 = arith.andi %ge3A_84, %lt3A_85 : i1
      %convert_element_type3A_87 = arith.extui %and3A_86 : i1 to i32
      %cond3A_88 = arith.constant 0 : i32
      %cond3A_89 = arith.cmpi ne, %convert_element_type3A_87, %cond3A_88 : i32
      scf.if %cond3A_89 {
        %dma_wait3A = arith.constant 0 : i32
        %dma_wait3A_154 = tpu.memref_slice %arg7[%sub3A_82, %dma_wait3A] : memref<131x128xi32, #tpu.memory_space<vmem>> -> memref<1x128xi32, #tpu.memory_space<vmem>>
        %dma_wait3A_155 = tpu.memref_squeeze %dma_wait3A_154 : memref<1x128xi32, #tpu.memory_space<vmem>> -> memref<128xi32, #tpu.memory_space<vmem>>
        %dma_wait3A_156 = arith.constant 0 : i32
        %dma_wait3A_157 = arith.constant 0 : i32
        %dma_wait3A_158 = tpu.memref_slice %arg9[%dma_wait3A_156, %dma_wait3A_157] : memref<10112x1xf32, #tpu.memory_space<vmem_shared>> -> memref<10112x1xf32, #tpu.memory_space<vmem_shared>>
        tpu.wait_indirect_dma semaphore(%arg13 : memref<!tpu.dma_semaphore, #tpu.memory_space<semaphore_mem>>) src(%arg8 : memref<128x1xf32, #tpu.memory_space<vmem>>) dst(%dma_wait3A_158 : memref<10112x1xf32, #tpu.memory_space<vmem_shared>>)
      } else {
      }
      %lt3A_90 = arith.cmpi slt, %add3A_80, %select_n3A_13 : i32
      %convert_element_type3A_91 = arith.extui %lt3A_90 : i1 to i32
      %cond3A_92 = arith.constant 0 : i32
      %cond3A_93 = arith.cmpi ne, %convert_element_type3A_91, %cond3A_92 : i32
      scf.if %cond3A_93 {
        %dma_start3A = arith.constant 0 : i32
        %dma_start3A_154 = tpu.memref_slice %arg7[%add3A_80, %dma_start3A] : memref<131x128xi32, #tpu.memory_space<vmem>> -> memref<1x128xi32, #tpu.memory_space<vmem>>
        %dma_start3A_155 = tpu.memref_squeeze %dma_start3A_154 : memref<1x128xi32, #tpu.memory_space<vmem>> -> memref<128xi32, #tpu.memory_space<vmem>>
        %dma_start3A_156 = arith.constant 0 : i32
        %dma_start3A_157 = arith.constant 0 : i32
        %dma_start3A_158 = tpu.memref_slice %arg9[%dma_start3A_156, %dma_start3A_157] : memref<10112x1xf32, #tpu.memory_space<vmem_shared>> -> memref<10112x1xf32, #tpu.memory_space<vmem_shared>>
        tpu.enqueue_indirect_dma source(%arg8 : memref<128x1xf32, #tpu.memory_space<vmem>>) target(%dma_start3A_158 : memref<10112x1xf32, #tpu.memory_space<vmem_shared>>) offsets(%dma_start3A_155 : memref<128xi32, #tpu.memory_space<vmem>>) semaphore(%arg13 : memref<!tpu.dma_semaphore, #tpu.memory_space<semaphore_mem>>) {add = true}
      } else {
      }
      %add3A_94 = arith.constant 4 : i32
      %add3A_95 = arith.addi %mul3A_36, %add3A_94 : i32
      %sub3A_96 = arith.constant 8 : i32
      %sub3A_97 = arith.subi %add3A_95, %sub3A_96 : i32
      %ge3A_98 = arith.constant 0 : i32
      %ge3A_99 = arith.cmpi sge, %sub3A_97, %ge3A_98 : i32
      %lt3A_100 = arith.cmpi slt, %sub3A_97, %select_n3A_13 : i32
      %and3A_101 = arith.andi %ge3A_99, %lt3A_100 : i1
      %convert_element_type3A_102 = arith.extui %and3A_101 : i1 to i32
      %cond3A_103 = arith.constant 0 : i32
      %cond3A_104 = arith.cmpi ne, %convert_element_type3A_102, %cond3A_103 : i32
      scf.if %cond3A_104 {
        %dma_wait3A = arith.constant 0 : i32
        %dma_wait3A_154 = tpu.memref_slice %arg7[%sub3A_97, %dma_wait3A] : memref<131x128xi32, #tpu.memory_space<vmem>> -> memref<1x128xi32, #tpu.memory_space<vmem>>
        %dma_wait3A_155 = tpu.memref_squeeze %dma_wait3A_154 : memref<1x128xi32, #tpu.memory_space<vmem>> -> memref<128xi32, #tpu.memory_space<vmem>>
        %dma_wait3A_156 = arith.constant 0 : i32
        %dma_wait3A_157 = arith.constant 0 : i32
        %dma_wait3A_158 = tpu.memref_slice %arg9[%dma_wait3A_156, %dma_wait3A_157] : memref<10112x1xf32, #tpu.memory_space<vmem_shared>> -> memref<10112x1xf32, #tpu.memory_space<vmem_shared>>
        tpu.wait_indirect_dma semaphore(%arg14 : memref<!tpu.dma_semaphore, #tpu.memory_space<semaphore_mem>>) src(%arg8 : memref<128x1xf32, #tpu.memory_space<vmem>>) dst(%dma_wait3A_158 : memref<10112x1xf32, #tpu.memory_space<vmem_shared>>)
      } else {
      }
      %lt3A_105 = arith.cmpi slt, %add3A_95, %select_n3A_13 : i32
      %convert_element_type3A_106 = arith.extui %lt3A_105 : i1 to i32
      %cond3A_107 = arith.constant 0 : i32
      %cond3A_108 = arith.cmpi ne, %convert_element_type3A_106, %cond3A_107 : i32
      scf.if %cond3A_108 {
        %dma_start3A = arith.constant 0 : i32
        %dma_start3A_154 = tpu.memref_slice %arg7[%add3A_95, %dma_start3A] : memref<131x128xi32, #tpu.memory_space<vmem>> -> memref<1x128xi32, #tpu.memory_space<vmem>>
        %dma_start3A_155 = tpu.memref_squeeze %dma_start3A_154 : memref<1x128xi32, #tpu.memory_space<vmem>> -> memref<128xi32, #tpu.memory_space<vmem>>
        %dma_start3A_156 = arith.constant 0 : i32
        %dma_start3A_157 = arith.constant 0 : i32
        %dma_start3A_158 = tpu.memref_slice %arg9[%dma_start3A_156, %dma_start3A_157] : memref<10112x1xf32, #tpu.memory_space<vmem_shared>> -> memref<10112x1xf32, #tpu.memory_space<vmem_shared>>
        tpu.enqueue_indirect_dma source(%arg8 : memref<128x1xf32, #tpu.memory_space<vmem>>) target(%dma_start3A_158 : memref<10112x1xf32, #tpu.memory_space<vmem_shared>>) offsets(%dma_start3A_155 : memref<128xi32, #tpu.memory_space<vmem>>) semaphore(%arg14 : memref<!tpu.dma_semaphore, #tpu.memory_space<semaphore_mem>>) {add = true}
      } else {
      }
      %add3A_109 = arith.constant 5 : i32
      %add3A_110 = arith.addi %mul3A_36, %add3A_109 : i32
      %sub3A_111 = arith.constant 8 : i32
      %sub3A_112 = arith.subi %add3A_110, %sub3A_111 : i32
      %ge3A_113 = arith.constant 0 : i32
      %ge3A_114 = arith.cmpi sge, %sub3A_112, %ge3A_113 : i32
      %lt3A_115 = arith.cmpi slt, %sub3A_112, %select_n3A_13 : i32
      %and3A_116 = arith.andi %ge3A_114, %lt3A_115 : i1
      %convert_element_type3A_117 = arith.extui %and3A_116 : i1 to i32
      %cond3A_118 = arith.constant 0 : i32
      %cond3A_119 = arith.cmpi ne, %convert_element_type3A_117, %cond3A_118 : i32
      scf.if %cond3A_119 {
        %dma_wait3A = arith.constant 0 : i32
        %dma_wait3A_154 = tpu.memref_slice %arg7[%sub3A_112, %dma_wait3A] : memref<131x128xi32, #tpu.memory_space<vmem>> -> memref<1x128xi32, #tpu.memory_space<vmem>>
        %dma_wait3A_155 = tpu.memref_squeeze %dma_wait3A_154 : memref<1x128xi32, #tpu.memory_space<vmem>> -> memref<128xi32, #tpu.memory_space<vmem>>
        %dma_wait3A_156 = arith.constant 0 : i32
        %dma_wait3A_157 = arith.constant 0 : i32
        %dma_wait3A_158 = tpu.memref_slice %arg9[%dma_wait3A_156, %dma_wait3A_157] : memref<10112x1xf32, #tpu.memory_space<vmem_shared>> -> memref<10112x1xf32, #tpu.memory_space<vmem_shared>>
        tpu.wait_indirect_dma semaphore(%arg15 : memref<!tpu.dma_semaphore, #tpu.memory_space<semaphore_mem>>) src(%arg8 : memref<128x1xf32, #tpu.memory_space<vmem>>) dst(%dma_wait3A_158 : memref<10112x1xf32, #tpu.memory_space<vmem_shared>>)
      } else {
      }
      %lt3A_120 = arith.cmpi slt, %add3A_110, %select_n3A_13 : i32
      %convert_element_type3A_121 = arith.extui %lt3A_120 : i1 to i32
      %cond3A_122 = arith.constant 0 : i32
      %cond3A_123 = arith.cmpi ne, %convert_element_type3A_121, %cond3A_122 : i32
      scf.if %cond3A_123 {
        %dma_start3A = arith.constant 0 : i32
        %dma_start3A_154 = tpu.memref_slice %arg7[%add3A_110, %dma_start3A] : memref<131x128xi32, #tpu.memory_space<vmem>> -> memref<1x128xi32, #tpu.memory_space<vmem>>
        %dma_start3A_155 = tpu.memref_squeeze %dma_start3A_154 : memref<1x128xi32, #tpu.memory_space<vmem>> -> memref<128xi32, #tpu.memory_space<vmem>>
        %dma_start3A_156 = arith.constant 0 : i32
        %dma_start3A_157 = arith.constant 0 : i32
        %dma_start3A_158 = tpu.memref_slice %arg9[%dma_start3A_156, %dma_start3A_157] : memref<10112x1xf32, #tpu.memory_space<vmem_shared>> -> memref<10112x1xf32, #tpu.memory_space<vmem_shared>>
        tpu.enqueue_indirect_dma source(%arg8 : memref<128x1xf32, #tpu.memory_space<vmem>>) target(%dma_start3A_158 : memref<10112x1xf32, #tpu.memory_space<vmem_shared>>) offsets(%dma_start3A_155 : memref<128xi32, #tpu.memory_space<vmem>>) semaphore(%arg15 : memref<!tpu.dma_semaphore, #tpu.memory_space<semaphore_mem>>) {add = true}
      } else {
      }
      %add3A_124 = arith.constant 6 : i32
      %add3A_125 = arith.addi %mul3A_36, %add3A_124 : i32
      %sub3A_126 = arith.constant 8 : i32
      %sub3A_127 = arith.subi %add3A_125, %sub3A_126 : i32
      %ge3A_128 = arith.constant 0 : i32
      %ge3A_129 = arith.cmpi sge, %sub3A_127, %ge3A_128 : i32
      %lt3A_130 = arith.cmpi slt, %sub3A_127, %select_n3A_13 : i32
      %and3A_131 = arith.andi %ge3A_129, %lt3A_130 : i1
      %convert_element_type3A_132 = arith.extui %and3A_131 : i1 to i32
      %cond3A_133 = arith.constant 0 : i32
      %cond3A_134 = arith.cmpi ne, %convert_element_type3A_132, %cond3A_133 : i32
      scf.if %cond3A_134 {
        %dma_wait3A = arith.constant 0 : i32
        %dma_wait3A_154 = tpu.memref_slice %arg7[%sub3A_127, %dma_wait3A] : memref<131x128xi32, #tpu.memory_space<vmem>> -> memref<1x128xi32, #tpu.memory_space<vmem>>
        %dma_wait3A_155 = tpu.memref_squeeze %dma_wait3A_154 : memref<1x128xi32, #tpu.memory_space<vmem>> -> memref<128xi32, #tpu.memory_space<vmem>>
        %dma_wait3A_156 = arith.constant 0 : i32
        %dma_wait3A_157 = arith.constant 0 : i32
        %dma_wait3A_158 = tpu.memref_slice %arg9[%dma_wait3A_156, %dma_wait3A_157] : memref<10112x1xf32, #tpu.memory_space<vmem_shared>> -> memref<10112x1xf32, #tpu.memory_space<vmem_shared>>
        tpu.wait_indirect_dma semaphore(%arg16 : memref<!tpu.dma_semaphore, #tpu.memory_space<semaphore_mem>>) src(%arg8 : memref<128x1xf32, #tpu.memory_space<vmem>>) dst(%dma_wait3A_158 : memref<10112x1xf32, #tpu.memory_space<vmem_shared>>)
      } else {
      }
      %lt3A_135 = arith.cmpi slt, %add3A_125, %select_n3A_13 : i32
      %convert_element_type3A_136 = arith.extui %lt3A_135 : i1 to i32
      %cond3A_137 = arith.constant 0 : i32
      %cond3A_138 = arith.cmpi ne, %convert_element_type3A_136, %cond3A_137 : i32
      scf.if %cond3A_138 {
        %dma_start3A = arith.constant 0 : i32
        %dma_start3A_154 = tpu.memref_slice %arg7[%add3A_125, %dma_start3A] : memref<131x128xi32, #tpu.memory_space<vmem>> -> memref<1x128xi32, #tpu.memory_space<vmem>>
        %dma_start3A_155 = tpu.memref_squeeze %dma_start3A_154 : memref<1x128xi32, #tpu.memory_space<vmem>> -> memref<128xi32, #tpu.memory_space<vmem>>
        %dma_start3A_156 = arith.constant 0 : i32
        %dma_start3A_157 = arith.constant 0 : i32
        %dma_start3A_158 = tpu.memref_slice %arg9[%dma_start3A_156, %dma_start3A_157] : memref<10112x1xf32, #tpu.memory_space<vmem_shared>> -> memref<10112x1xf32, #tpu.memory_space<vmem_shared>>
        tpu.enqueue_indirect_dma source(%arg8 : memref<128x1xf32, #tpu.memory_space<vmem>>) target(%dma_start3A_158 : memref<10112x1xf32, #tpu.memory_space<vmem_shared>>) offsets(%dma_start3A_155 : memref<128xi32, #tpu.memory_space<vmem>>) semaphore(%arg16 : memref<!tpu.dma_semaphore, #tpu.memory_space<semaphore_mem>>) {add = true}
      } else {
      }
      %add3A_139 = arith.constant 7 : i32
      %add3A_140 = arith.addi %mul3A_36, %add3A_139 : i32
      %sub3A_141 = arith.constant 8 : i32
      %sub3A_142 = arith.subi %add3A_140, %sub3A_141 : i32
      %ge3A_143 = arith.constant 0 : i32
      %ge3A_144 = arith.cmpi sge, %sub3A_142, %ge3A_143 : i32
      %lt3A_145 = arith.cmpi slt, %sub3A_142, %select_n3A_13 : i32
      %and3A_146 = arith.andi %ge3A_144, %lt3A_145 : i1
      %convert_element_type3A_147 = arith.extui %and3A_146 : i1 to i32
      %cond3A_148 = arith.constant 0 : i32
      %cond3A_149 = arith.cmpi ne, %convert_element_type3A_147, %cond3A_148 : i32
      scf.if %cond3A_149 {
        %dma_wait3A = arith.constant 0 : i32
        %dma_wait3A_154 = tpu.memref_slice %arg7[%sub3A_142, %dma_wait3A] : memref<131x128xi32, #tpu.memory_space<vmem>> -> memref<1x128xi32, #tpu.memory_space<vmem>>
        %dma_wait3A_155 = tpu.memref_squeeze %dma_wait3A_154 : memref<1x128xi32, #tpu.memory_space<vmem>> -> memref<128xi32, #tpu.memory_space<vmem>>
        %dma_wait3A_156 = arith.constant 0 : i32
        %dma_wait3A_157 = arith.constant 0 : i32
        %dma_wait3A_158 = tpu.memref_slice %arg9[%dma_wait3A_156, %dma_wait3A_157] : memref<10112x1xf32, #tpu.memory_space<vmem_shared>> -> memref<10112x1xf32, #tpu.memory_space<vmem_shared>>
        tpu.wait_indirect_dma semaphore(%arg17 : memref<!tpu.dma_semaphore, #tpu.memory_space<semaphore_mem>>) src(%arg8 : memref<128x1xf32, #tpu.memory_space<vmem>>) dst(%dma_wait3A_158 : memref<10112x1xf32, #tpu.memory_space<vmem_shared>>)
      } else {
      }
      %lt3A_150 = arith.cmpi slt, %add3A_140, %select_n3A_13 : i32
      %convert_element_type3A_151 = arith.extui %lt3A_150 : i1 to i32
      %cond3A_152 = arith.constant 0 : i32
      %cond3A_153 = arith.cmpi ne, %convert_element_type3A_151, %cond3A_152 : i32
      scf.if %cond3A_153 {
        %dma_start3A = arith.constant 0 : i32
        %dma_start3A_154 = tpu.memref_slice %arg7[%add3A_140, %dma_start3A] : memref<131x128xi32, #tpu.memory_space<vmem>> -> memref<1x128xi32, #tpu.memory_space<vmem>>
        %dma_start3A_155 = tpu.memref_squeeze %dma_start3A_154 : memref<1x128xi32, #tpu.memory_space<vmem>> -> memref<128xi32, #tpu.memory_space<vmem>>
        %dma_start3A_156 = arith.constant 0 : i32
        %dma_start3A_157 = arith.constant 0 : i32
        %dma_start3A_158 = tpu.memref_slice %arg9[%dma_start3A_156, %dma_start3A_157] : memref<10112x1xf32, #tpu.memory_space<vmem_shared>> -> memref<10112x1xf32, #tpu.memory_space<vmem_shared>>
        tpu.enqueue_indirect_dma source(%arg8 : memref<128x1xf32, #tpu.memory_space<vmem>>) target(%dma_start3A_158 : memref<10112x1xf32, #tpu.memory_space<vmem_shared>>) offsets(%dma_start3A_155 : memref<128xi32, #tpu.memory_space<vmem>>) semaphore(%arg17 : memref<!tpu.dma_semaphore, #tpu.memory_space<semaphore_mem>>) {add = true}
      } else {
      }
    }
    %scan3A_22 = arith.constant 18 : i32
    %barrier3A_23 = arith.constant 0 : index
    tpu.barrier barrier_id(%barrier3A_23)
    %mul3A_24 = arith.constant 632 : i32
    %mul3A_25 = arith.muli %arg1, %mul3A_24 : i32
    %eq3A_26 = arith.constant 0 : i32
    %eq3A_27 = arith.cmpi eq, %arg0, %eq3A_26 : i32
    %convert_element_type3A = arith.extui %eq3A_27 : i1 to i32
    %cond3A = arith.constant 0 : i32
    %cond3A_28 = arith.cmpi ne, %convert_element_type3A, %cond3A : i32
    scf.if %cond3A_28 {
      "tpu.region"() ({
        %run_scoped3A = tpu.sem_alloc : memref<!tpu.dma_semaphore, #tpu.memory_space<semaphore_mem>>
        %dma_start3A = arith.constant 0 : i32
        %dma_start3A_34 = tpu.memref_slice %arg5[%mul3A_25, %dma_start3A] : memref<10112x1xf32, #tpu.memory_space<hbm>> -> memref<632x1xf32, #tpu.memory_space<hbm>>
        %dma_start3A_35 = arith.constant 0 : i32
        %dma_start3A_36 = tpu.memref_slice %arg9[%mul3A_25, %dma_start3A_35] : memref<10112x1xf32, #tpu.memory_space<vmem_shared>> -> memref<632x1xf32, #tpu.memory_space<vmem_shared>>
        tpu.enqueue_dma source(%dma_start3A_36 : memref<632x1xf32, #tpu.memory_space<vmem_shared>>) target(%dma_start3A_34 : memref<632x1xf32, #tpu.memory_space<hbm>>) target_semaphore(%run_scoped3A : memref<!tpu.dma_semaphore, #tpu.memory_space<semaphore_mem>>)
        %dma_wait3A = arith.constant 0 : i32
        %dma_wait3A_37 = tpu.memref_slice %arg5[%mul3A_25, %dma_wait3A] : memref<10112x1xf32, #tpu.memory_space<hbm>> -> memref<632x1xf32, #tpu.memory_space<hbm>>
        %dma_wait3A_38 = arith.constant 0 : i32
        %dma_wait3A_39 = tpu.memref_slice %arg9[%mul3A_25, %dma_wait3A_38] : memref<10112x1xf32, #tpu.memory_space<vmem_shared>> -> memref<632x1xf32, #tpu.memory_space<vmem_shared>>
        tpu.wait_dma2 semaphore(%run_scoped3A : memref<!tpu.dma_semaphore, #tpu.memory_space<semaphore_mem>>) src(%dma_wait3A_39 : memref<632x1xf32, #tpu.memory_space<vmem_shared>>) dst(%dma_wait3A_37 : memref<632x1xf32, #tpu.memory_space<hbm>>)
        tpu.yield
      }) : () -> ()
    } else {
    }
    %eq3A_29 = arith.constant 1 : i32
    %eq3A_30 = arith.cmpi eq, %arg0, %eq3A_29 : i32
    %convert_element_type3A_31 = arith.extui %eq3A_30 : i1 to i32
    %cond3A_32 = arith.constant 0 : i32
    %cond3A_33 = arith.cmpi ne, %convert_element_type3A_31, %cond3A_32 : i32
    scf.if %cond3A_33 {
      "tpu.region"() ({
        %run_scoped3A = tpu.sem_alloc : memref<!tpu.dma_semaphore, #tpu.memory_space<semaphore_mem>>
        %dma_start3A = arith.constant 0 : i32
        %dma_start3A_34 = tpu.memref_slice %arg6[%mul3A_25, %dma_start3A] : memref<10112x1xf32, #tpu.memory_space<hbm>> -> memref<632x1xf32, #tpu.memory_space<hbm>>
        %dma_start3A_35 = arith.constant 0 : i32
        %dma_start3A_36 = tpu.memref_slice %arg9[%mul3A_25, %dma_start3A_35] : memref<10112x1xf32, #tpu.memory_space<vmem_shared>> -> memref<632x1xf32, #tpu.memory_space<vmem_shared>>
        tpu.enqueue_dma source(%dma_start3A_36 : memref<632x1xf32, #tpu.memory_space<vmem_shared>>) target(%dma_start3A_34 : memref<632x1xf32, #tpu.memory_space<hbm>>) target_semaphore(%run_scoped3A : memref<!tpu.dma_semaphore, #tpu.memory_space<semaphore_mem>>)
        %dma_wait3A = arith.constant 0 : i32
        %dma_wait3A_37 = tpu.memref_slice %arg6[%mul3A_25, %dma_wait3A] : memref<10112x1xf32, #tpu.memory_space<hbm>> -> memref<632x1xf32, #tpu.memory_space<hbm>>
        %dma_wait3A_38 = arith.constant 0 : i32
        %dma_wait3A_39 = tpu.memref_slice %arg9[%mul3A_25, %dma_wait3A_38] : memref<10112x1xf32, #tpu.memory_space<vmem_shared>> -> memref<632x1xf32, #tpu.memory_space<vmem_shared>>
        tpu.wait_dma2 semaphore(%run_scoped3A : memref<!tpu.dma_semaphore, #tpu.memory_space<semaphore_mem>>) src(%dma_wait3A_39 : memref<632x1xf32, #tpu.memory_space<vmem_shared>>) dst(%dma_wait3A_37 : memref<632x1xf32, #tpu.memory_space<hbm>>)
        tpu.yield
      }) : () -> ()
    } else {
    }
    return
  }
}

module attributes {stable_mosaic.version = 14 : i64} {
  func.func @_h1_body(%arg0: i32, %arg1: memref<10112x128xf32, #tpu.memory_space<vmem>>, %arg2: memref<128x16xf32, #tpu.memory_space<vmem>>, %arg3: memref<10112x16xf32, #tpu.memory_space<vmem>>) attributes {dimension_semantics = [#tpu.dimension_semantics<arbitrary>], iteration_bounds = array<i64: 1>, scalar_prefetch = 0 : i64, scratch_operands = 0 : i64, tpu.core_type = #tpu.core_type<tc>, window_params = [{transform_indices = @transform_0, window_bounds = array<i64: 10112, 128>}, {pipeline_mode = #tpu.pipeline_mode<synchronous>, transform_indices = @transform_1, window_bounds = array<i64: 128, 16>}, {transform_indices = @transform_2, window_bounds = array<i64: 10112, 16>}]} {
    %get3A = arith.constant 0 : index
    %get3A_0 = arith.constant 0 : index
    %get3A_1 = vector.load %arg1[%get3A, %get3A_0] : memref<10112x128xf32, #tpu.memory_space<vmem>>, vector<10112x128xf32>
    %get3A_2 = arith.constant 0 : index
    %get3A_3 = arith.constant 0 : index
    %get3A_4 = vector.load %arg2[%get3A_2, %get3A_3] : memref<128x16xf32, #tpu.memory_space<vmem>>, vector<128x16xf32>
    %dot_general3A = arith.constant dense<0.000000e+00> : vector<10112x16xf32>
    %dot_general3A_5 = tpu.matmul %get3A_1, %get3A_4, %dot_general3A {dimension_numbers = #tpu.dot_dimension_numbers<[1], [0], [0], [1], [0, 0, 1, 1], [], []>, transpose_lhs_hint = false} : vector<10112x128xf32>, vector<128x16xf32>, vector<10112x16xf32> -> vector<10112x16xf32>
    %swap3A = arith.constant 0 : index
    %swap3A_6 = arith.constant 0 : index
    %swap3A_7 = vector.load %arg3[%swap3A, %swap3A_6] : memref<10112x16xf32, #tpu.memory_space<vmem>>, vector<10112x16xf32>
    tpu.vector_store %arg3[%swap3A, %swap3A_6], %dot_general3A_5 {strides = array<i32>} : memref<10112x16xf32, #tpu.memory_space<vmem>>, vector<10112x16xf32>,
    return
  }
  func.func @transform_0(%arg0: i32) -> (i32, i32) {
    %c0_i32 = arith.constant 0 : i32
    %c0_i32_0 = arith.constant 0 : i32
    return %arg0, %c0_i32 : i32, i32
  }
  func.func @transform_1(%arg0: i32) -> (i32, i32) {
    %c0_i32 = arith.constant 0 : i32
    %c0_i32_0 = arith.constant 0 : i32
    %c0_i32_1 = arith.constant 0 : i32
    return %c0_i32, %c0_i32_0 : i32, i32
  }
  func.func @transform_2(%arg0: i32) -> (i32, i32) {
    %c0_i32 = arith.constant 0 : i32
    %c0_i32_0 = arith.constant 0 : i32
    return %arg0, %c0_i32 : i32, i32
  }
}

module attributes {stable_mosaic.version = 14 : i64} {
  func.func @_prep1_body(%arg0: i32, %arg1: memref<10112x1xf32, #tpu.memory_space<vmem>>, %arg2: memref<10112x1xf32, #tpu.memory_space<vmem>>, %arg3: memref<10112x16xf32, #tpu.memory_space<vmem>>, %arg4: memref<10112x16xf32, #tpu.memory_space<vmem>>, %arg5: memref<10112x1xf32, #tpu.memory_space<vmem>>) attributes {dimension_semantics = [#tpu.dimension_semantics<arbitrary>], iteration_bounds = array<i64: 1>, scalar_prefetch = 0 : i64, scratch_operands = 0 : i64, tpu.core_type = #tpu.core_type<tc>, window_params = [{transform_indices = @transform_0, window_bounds = array<i64: 10112, 1>}, {transform_indices = @transform_1, window_bounds = array<i64: 10112, 1>}, {transform_indices = @transform_2, window_bounds = array<i64: 10112, 16>}, {transform_indices = @transform_3, window_bounds = array<i64: 10112, 16>}, {transform_indices = @transform_4, window_bounds = array<i64: 10112, 1>}]} {
    %get3A = arith.constant 0 : index
    %get3A_0 = arith.constant 0 : index
    %get3A_1 = vector.load %arg1[%get3A, %get3A_0] : memref<10112x1xf32, #tpu.memory_space<vmem>>, vector<10112x1xf32>
    %get3A_2 = arith.constant 0 : index
    %get3A_3 = arith.constant 0 : index
    %get3A_4 = vector.load %arg2[%get3A_2, %get3A_3] : memref<10112x1xf32, #tpu.memory_space<vmem>>, vector<10112x1xf32>
    %add3A = arith.addf %get3A_1, %get3A_4 : vector<10112x1xf32>
    %add3A_5 = arith.constant 1.000000e+00 : f32
    %add3A_6 = vector.broadcast %add3A_5 : f32 to vector<10112x1xf32>
    %add3A_7 = arith.addf %add3A, %add3A_6 : vector<10112x1xf32>
    %rsqrt3A = math.rsqrt %add3A_7 : vector<10112x1xf32>
    %get3A_8 = arith.constant 0 : index
    %get3A_9 = arith.constant 0 : index
    %get3A_10 = vector.load %arg3[%get3A_8, %get3A_9] : memref<10112x16xf32, #tpu.memory_space<vmem>>, vector<10112x16xf32>
    %mul3A = vector.broadcast %rsqrt3A : vector<10112x1xf32> to vector<10112x16xf32>
    %mul3A_11 = arith.mulf %get3A_10, %mul3A : vector<10112x16xf32>
    %swap3A = arith.constant 0 : index
    %swap3A_12 = arith.constant 0 : index
    %swap3A_13 = vector.load %arg4[%swap3A, %swap3A_12] : memref<10112x16xf32, #tpu.memory_space<vmem>>, vector<10112x16xf32>
    tpu.vector_store %arg4[%swap3A, %swap3A_12], %mul3A_11 {strides = array<i32>} : memref<10112x16xf32, #tpu.memory_space<vmem>>, vector<10112x16xf32>,
    %swap3A_14 = arith.constant 0 : index
    %swap3A_15 = arith.constant 0 : index
    %swap3A_16 = vector.load %arg5[%swap3A_14, %swap3A_15] : memref<10112x1xf32, #tpu.memory_space<vmem>>, vector<10112x1xf32>
    tpu.vector_store %arg5[%swap3A_14, %swap3A_15], %rsqrt3A {strides = array<i32>} : memref<10112x1xf32, #tpu.memory_space<vmem>>, vector<10112x1xf32>,
    return
  }
  func.func @transform_0(%arg0: i32) -> (i32, i32) {
    %c0_i32 = arith.constant 0 : i32
    %c0_i32_0 = arith.constant 0 : i32
    return %arg0, %c0_i32 : i32, i32
  }
  func.func @transform_1(%arg0: i32) -> (i32, i32) {
    %c0_i32 = arith.constant 0 : i32
    %c0_i32_0 = arith.constant 0 : i32
    return %arg0, %c0_i32 : i32, i32
  }
  func.func @transform_2(%arg0: i32) -> (i32, i32) {
    %c0_i32 = arith.constant 0 : i32
    %c0_i32_0 = arith.constant 0 : i32
    return %arg0, %c0_i32 : i32, i32
  }
  func.func @transform_3(%arg0: i32) -> (i32, i32) {
    %c0_i32 = arith.constant 0 : i32
    %c0_i32_0 = arith.constant 0 : i32
    return %arg0, %c0_i32 : i32, i32
  }
  func.func @transform_4(%arg0: i32) -> (i32, i32) {
    %c0_i32 = arith.constant 0 : i32
    %c0_i32_0 = arith.constant 0 : i32
    return %arg0, %c0_i32 : i32, i32
  }
}

module attributes {stable_mosaic.version = 14 : i64} {
  func.func @_prep2_body(%arg0: i32, %arg1: memref<1x10112x16xf32, #tpu.memory_space<vmem>>, %arg2: memref<1x10112x16xf32, #tpu.memory_space<vmem>>, %arg3: memref<10112x16xf32, #tpu.memory_space<vmem>>, %arg4: memref<10112x1xf32, #tpu.memory_space<vmem>>, %arg5: memref<1x16xf32, #tpu.memory_space<vmem>>, %arg6: memref<10112x16xf32, #tpu.memory_space<vmem>>) attributes {dimension_semantics = [#tpu.dimension_semantics<arbitrary>], iteration_bounds = array<i64: 1>, scalar_prefetch = 0 : i64, scratch_operands = 0 : i64, tpu.core_type = #tpu.core_type<tc>, window_params = [{transform_indices = @transform_0, window_bounds = array<i64: 1, 10112, 16>}, {transform_indices = @transform_1, window_bounds = array<i64: 1, 10112, 16>}, {transform_indices = @transform_2, window_bounds = array<i64: 10112, 16>}, {transform_indices = @transform_3, window_bounds = array<i64: 10112, 1>}, {pipeline_mode = #tpu.pipeline_mode<synchronous>, transform_indices = @transform_4, window_bounds = array<i64: 1, 16>}, {transform_indices = @transform_5, window_bounds = array<i64: 10112, 16>}]} {
    %get3A = arith.constant 0 : index
    %get3A_0 = arith.constant 0 : index
    %get3A_1 = vector.load %arg4[%get3A, %get3A_0] : memref<10112x1xf32, #tpu.memory_space<vmem>>, vector<10112x1xf32>
    %get3A_2 = arith.constant 0 : index
    %get3A_3 = arith.constant 0 : index
    %get3A_4 = arith.constant 0 : index
    %get3A_5 = vector.load %arg1[%get3A_2, %get3A_3, %get3A_4] : memref<1x10112x16xf32, #tpu.memory_space<vmem>>, vector<1x10112x16xf32>
    %get3A_6 = vector.shape_cast %get3A_5 : vector<1x10112x16xf32> to vector<10112x16xf32>
    %get3A_7 = arith.constant 0 : index
    %get3A_8 = arith.constant 0 : index
    %get3A_9 = arith.constant 0 : index
    %get3A_10 = vector.load %arg2[%get3A_7, %get3A_8, %get3A_9] : memref<1x10112x16xf32, #tpu.memory_space<vmem>>, vector<1x10112x16xf32>
    %get3A_11 = vector.shape_cast %get3A_10 : vector<1x10112x16xf32> to vector<10112x16xf32>
    %add3A = arith.addf %get3A_6, %get3A_11 : vector<10112x16xf32>
    %get3A_12 = arith.constant 0 : index
    %get3A_13 = arith.constant 0 : index
    %get3A_14 = vector.load %arg3[%get3A_12, %get3A_13] : memref<10112x16xf32, #tpu.memory_space<vmem>>, vector<10112x16xf32>
    %add3A_15 = arith.addf %add3A, %get3A_14 : vector<10112x16xf32>
    %mul3A = vector.broadcast %get3A_1 : vector<10112x1xf32> to vector<10112x16xf32>
    %mul3A_16 = arith.mulf %add3A_15, %mul3A : vector<10112x16xf32>
    %get3A_17 = arith.constant 0 : index
    %get3A_18 = arith.constant 0 : index
    %get3A_19 = vector.load %arg5[%get3A_17, %get3A_18] : memref<1x16xf32, #tpu.memory_space<vmem>>, vector<1x16xf32>
    %add3A_20 = vector.broadcast %get3A_19 : vector<1x16xf32> to vector<10112x16xf32>
    %add3A_21 = arith.addf %mul3A_16, %add3A_20 : vector<10112x16xf32>
    %max3A = arith.constant 0.000000e+00 : f32
    %max3A_22 = vector.broadcast %max3A : f32 to vector<10112x16xf32>
    %max3A_23 = arith.maximumf %add3A_21, %max3A_22 : vector<10112x16xf32>
    %mul3A_24 = vector.broadcast %get3A_1 : vector<10112x1xf32> to vector<10112x16xf32>
    %mul3A_25 = arith.mulf %max3A_23, %mul3A_24 : vector<10112x16xf32>
    %swap3A = arith.constant 0 : index
    %swap3A_26 = arith.constant 0 : index
    %swap3A_27 = vector.load %arg6[%swap3A, %swap3A_26] : memref<10112x16xf32, #tpu.memory_space<vmem>>, vector<10112x16xf32>
    tpu.vector_store %arg6[%swap3A, %swap3A_26], %mul3A_25 {strides = array<i32>} : memref<10112x16xf32, #tpu.memory_space<vmem>>, vector<10112x16xf32>,
    return
  }
  func.func @transform_0(%arg0: i32) -> (i32, i32, i32) {
    %c0_i32 = arith.constant 0 : i32
    %c0_i32_0 = arith.constant 0 : i32
    %c0_i32_1 = arith.constant 0 : i32
    return %c0_i32, %arg0, %c0_i32_0 : i32, i32, i32
  }
  func.func @transform_1(%arg0: i32) -> (i32, i32, i32) {
    %c1_i32 = arith.constant 1 : i32
    %c0_i32 = arith.constant 0 : i32
    %c0_i32_0 = arith.constant 0 : i32
    return %c1_i32, %arg0, %c0_i32 : i32, i32, i32
  }
  func.func @transform_2(%arg0: i32) -> (i32, i32) {
    %c0_i32 = arith.constant 0 : i32
    %c0_i32_0 = arith.constant 0 : i32
    return %arg0, %c0_i32 : i32, i32
  }
  func.func @transform_3(%arg0: i32) -> (i32, i32) {
    %c0_i32 = arith.constant 0 : i32
    %c0_i32_0 = arith.constant 0 : i32
    return %arg0, %c0_i32 : i32, i32
  }
  func.func @transform_4(%arg0: i32) -> (i32, i32) {
    %c0_i32 = arith.constant 0 : i32
    %c0_i32_0 = arith.constant 0 : i32
    %c0_i32_1 = arith.constant 0 : i32
    return %c0_i32, %c0_i32_0 : i32, i32
  }
  func.func @transform_5(%arg0: i32) -> (i32, i32) {
    %c0_i32 = arith.constant 0 : i32
    %c0_i32_0 = arith.constant 0 : i32
    return %arg0, %c0_i32 : i32, i32
  }
}

module attributes {stable_mosaic.version = 14 : i64} {
  func.func @_final_body(%arg0: i32, %arg1: memref<1x10112x16xf32, #tpu.memory_space<vmem>>, %arg2: memref<1x10112x16xf32, #tpu.memory_space<vmem>>, %arg3: memref<10112x16xf32, #tpu.memory_space<vmem>>, %arg4: memref<10112x1xf32, #tpu.memory_space<vmem>>, %arg5: memref<16x40xf32, #tpu.memory_space<vmem>>, %arg6: memref<1x40xf32, #tpu.memory_space<vmem>>, %arg7: memref<10000x40xf32, #tpu.memory_space<vmem>>) attributes {dimension_semantics = [#tpu.dimension_semantics<arbitrary>], iteration_bounds = array<i64: 1>, scalar_prefetch = 0 : i64, scratch_operands = 0 : i64, tpu.core_type = #tpu.core_type<tc>, window_params = [{transform_indices = @transform_0, window_bounds = array<i64: 1, 10112, 16>}, {transform_indices = @transform_1, window_bounds = array<i64: 1, 10112, 16>}, {transform_indices = @transform_2, window_bounds = array<i64: 10112, 16>}, {transform_indices = @transform_3, window_bounds = array<i64: 10112, 1>}, {pipeline_mode = #tpu.pipeline_mode<synchronous>, transform_indices = @transform_4, window_bounds = array<i64: 16, 40>}, {pipeline_mode = #tpu.pipeline_mode<synchronous>, transform_indices = @transform_5, window_bounds = array<i64: 1, 40>}, {transform_indices = @transform_6, window_bounds = array<i64: 10000, 40>}]} {
    %get3A = arith.constant 0 : index
    %get3A_0 = arith.constant 0 : index
    %get3A_1 = arith.constant 0 : index
    %get3A_2 = vector.load %arg1[%get3A, %get3A_0, %get3A_1] : memref<1x10112x16xf32, #tpu.memory_space<vmem>>, vector<1x10112x16xf32>
    %get3A_3 = vector.shape_cast %get3A_2 : vector<1x10112x16xf32> to vector<10112x16xf32>
    %get3A_4 = arith.constant 0 : index
    %get3A_5 = arith.constant 0 : index
    %get3A_6 = arith.constant 0 : index
    %get3A_7 = vector.load %arg2[%get3A_4, %get3A_5, %get3A_6] : memref<1x10112x16xf32, #tpu.memory_space<vmem>>, vector<1x10112x16xf32>
    %get3A_8 = vector.shape_cast %get3A_7 : vector<1x10112x16xf32> to vector<10112x16xf32>
    %add3A = arith.addf %get3A_3, %get3A_8 : vector<10112x16xf32>
    %get3A_9 = arith.constant 0 : index
    %get3A_10 = arith.constant 0 : index
    %get3A_11 = vector.load %arg3[%get3A_9, %get3A_10] : memref<10112x16xf32, #tpu.memory_space<vmem>>, vector<10112x16xf32>
    %add3A_12 = arith.addf %add3A, %get3A_11 : vector<10112x16xf32>
    %get3A_13 = arith.constant 0 : index
    %get3A_14 = arith.constant 0 : index
    %get3A_15 = vector.load %arg4[%get3A_13, %get3A_14] : memref<10112x1xf32, #tpu.memory_space<vmem>>, vector<10112x1xf32>
    %mul3A = vector.broadcast %get3A_15 : vector<10112x1xf32> to vector<10112x16xf32>
    %mul3A_16 = arith.mulf %add3A_12, %mul3A : vector<10112x16xf32>
    %slice3A = vector.extract_strided_slice %mul3A_16 {offsets = [0, 0], sizes = [10000, 16], strides = [1, 1]} : vector<10112x16xf32> to vector<10000x16xf32>
    %get3A_17 = arith.constant 0 : index
    %get3A_18 = arith.constant 0 : index
    %get3A_19 = vector.load %arg5[%get3A_17, %get3A_18] : memref<16x40xf32, #tpu.memory_space<vmem>>, vector<16x40xf32>
    %dot_general3A = arith.constant dense<0.000000e+00> : vector<10000x40xf32>
    %dot_general3A_20 = tpu.matmul %slice3A, %get3A_19, %dot_general3A {dimension_numbers = #tpu.dot_dimension_numbers<[1], [0], [0], [1], [0, 0, 1, 1], [], []>, transpose_lhs_hint = false} : vector<10000x16xf32>, vector<16x40xf32>, vector<10000x40xf32> -> vector<10000x40xf32>
    %get3A_21 = arith.constant 0 : index
    %get3A_22 = arith.constant 0 : index
    %get3A_23 = vector.load %arg6[%get3A_21, %get3A_22] : memref<1x40xf32, #tpu.memory_space<vmem>>, vector<1x40xf32>
    %add3A_24 = vector.broadcast %get3A_23 : vector<1x40xf32> to vector<10000x40xf32>
    %add3A_25 = arith.addf %dot_general3A_20, %add3A_24 : vector<10000x40xf32>
    %reduce_max3A = arith.constant dense<0xFF800000> : vector<10000xf32>
    %reduce_max3A_26 = vector.multi_reduction <maximumf>, %add3A_25, %reduce_max3A [1] : vector<10000x40xf32> to vector<10000xf32>
    %broadcast_in_dim3A = vector.shape_cast %reduce_max3A_26 : vector<10000xf32> to vector<10000x1xf32>
    %sub3A = vector.broadcast %broadcast_in_dim3A : vector<10000x1xf32> to vector<10000x40xf32>
    %sub3A_27 = arith.subf %add3A_25, %sub3A : vector<10000x40xf32>
    %exp3A = math.exp %sub3A_27 : vector<10000x40xf32>
    %reduce_sum3A = arith.constant dense<0.000000e+00> : vector<10000xf32>
    %reduce_sum3A_28 = vector.multi_reduction <add>, %exp3A, %reduce_sum3A [1] : vector<10000x40xf32> to vector<10000xf32>
    %broadcast_in_dim3A_29 = vector.shape_cast %reduce_sum3A_28 : vector<10000xf32> to vector<10000x1xf32>
    %log3A = math.log %broadcast_in_dim3A_29 : vector<10000x1xf32>
    %add3A_30 = arith.addf %log3A, %broadcast_in_dim3A : vector<10000x1xf32>
    %sub3A_31 = vector.broadcast %add3A_30 : vector<10000x1xf32> to vector<10000x40xf32>
    %sub3A_32 = arith.subf %add3A_25, %sub3A_31 : vector<10000x40xf32>
    %swap3A = arith.constant 0 : index
    %swap3A_33 = arith.constant 0 : index
    %swap3A_34 = vector.load %arg7[%swap3A, %swap3A_33] : memref<10000x40xf32, #tpu.memory_space<vmem>>, vector<10000x40xf32>
    tpu.vector_store %arg7[%swap3A, %swap3A_33], %sub3A_32 {strides = array<i32>} : memref<10000x40xf32, #tpu.memory_space<vmem>>, vector<10000x40xf32>,
    return
  }
  func.func @transform_0(%arg0: i32) -> (i32, i32, i32) {
    %c0_i32 = arith.constant 0 : i32
    %c0_i32_0 = arith.constant 0 : i32
    %c0_i32_1 = arith.constant 0 : i32
    return %c0_i32, %arg0, %c0_i32_0 : i32, i32, i32
  }
  func.func @transform_1(%arg0: i32) -> (i32, i32, i32) {
    %c1_i32 = arith.constant 1 : i32
    %c0_i32 = arith.constant 0 : i32
    %c0_i32_0 = arith.constant 0 : i32
    return %c1_i32, %arg0, %c0_i32 : i32, i32, i32
  }
  func.func @transform_2(%arg0: i32) -> (i32, i32) {
    %c0_i32 = arith.constant 0 : i32
    %c0_i32_0 = arith.constant 0 : i32
    return %arg0, %c0_i32 : i32, i32
  }
  func.func @transform_3(%arg0: i32) -> (i32, i32) {
    %c0_i32 = arith.constant 0 : i32
    %c0_i32_0 = arith.constant 0 : i32
    return %arg0, %c0_i32 : i32, i32
  }
  func.func @transform_4(%arg0: i32) -> (i32, i32) {
    %c0_i32 = arith.constant 0 : i32
    %c0_i32_0 = arith.constant 0 : i32
    %c0_i32_1 = arith.constant 0 : i32
    return %c0_i32, %c0_i32_0 : i32, i32
  }
  func.func @transform_5(%arg0: i32) -> (i32, i32) {
    %c0_i32 = arith.constant 0 : i32
    %c0_i32_0 = arith.constant 0 : i32
    %c0_i32_1 = arith.constant 0 : i32
    return %c0_i32, %c0_i32_0 : i32, i32
  }
  func.func @transform_6(%arg0: i32) -> (i32, i32) {
    %c0_i32 = arith.constant 0 : i32
    %c0_i32_0 = arith.constant 0 : i32
    return %arg0, %c0_i32 : i32, i32
  }
}

</mosaic_0001>

<sc_bundles>
// kernel: kernel.12.cloned.1.call-start
scs
__scs_entry_jumppad:
0x0: {  	(pc) =	sbr.rel $0x88, $3  }
0x1: {  	(tag) =	ssettag $0x0;
	lr =	simm.s32 $0x1  }
0x2: {  	[smem:$0x3F9B] =	sst lr;
	_ =	strace $0xD0000000  }
0x3: {  	_ = 	snop  }
0x4: {  	_ = 	snop  }
0x5: {  	_ = 	snop  }
0x6: {  	_ = 	snop  }
0x7: {  	_ = 	snop  }
__scs_overlays_trampoline_lowered:
0x8: {  	[smem:$0x3FAA] =	sst s0  }
0x9: {  	[smem:$0x3FAB] =	sst s1  }
0xa: {  	[smem:$0x3FAC] =	sst s2  }
0xb: {  	[smem:$0x3FAD] =	sst s3  }
0xc: {  	[smem:$0x3FAE] =	sst s4  }
0xd: {  	[smem:$0x3FAF] =	sst s5  }
0xe: {  	[smem:$0x3FB0] =	sst s6  }
0xf: {  	[smem:$0x3FB1] =	sst s7  }
0x10: {  	[smem:$0x3FB2] =	sst s8  }
0x11: {  	[smem:$0x3FB3] =	sst s9;
	s0 =	simm.s32 @!p0 $0x0  }
0x12: {  	s1 =	sld [smem:$0x3F99];
	s0 =	simm.s32 @p0 $0x1  }
0x13: {  	[smem:$0x3FB4] =	sst s0;
	s0 =	simm.s32 @!p1 $0x0  }
0x14: {  	s2 =	sld [smem:$0x3F98];
	s0 =	simm.s32 @p1 $0x1  }
0x15: {  	[smem:$0x3FB5] =	sst s0;
	s0 =	simm.s32 @!p2 $0x0  }
0x16: {  	s3 =	sld [smem:$0x3FDB];
	s0 =	simm.s32 @p2 $0x1  }
0x17: {  	s4 =	simm.s32 $0x1BF5;
	[smem:$0x3FB7] =	sst s0  }
0x18: {  	s0 =	sld [smem:$0x3F9A];
	_ =	swait.ge [sflag:s4], $0x0  }
0x19: {  	s7 =	sld [smem:$0x3F9B]  }
0x1a: {  	s8 =	sadd.s32 $0xFFFFE003, lr  }
0x1b: {  	s9 =	sadd.s32 $0xFFFFFEF7, lr;
	s5 =	simm.s32 $0xFFFFFFFF;
	p2 =	slt.u32 s8, $0xFFFFF086  }
0x1c: {  	p1 =	slt.u32 s9, $0xF7A;
	s5 =	simm.s32 @!p2 $0x0  }
0x1d: {  	s5 =	simm.s32 @p1 $0x1;
	p0 =	seq.s32 s7, s2  }
0x1e: {  	s7 =	smul.u32 @!p0 $0xF7A, s2;
	p2 =	seq.s32 @!p0 s5, $0x0  }
0x1f: {  	s9 =	smul.u32 $0xF7A, s1;
	s8 =	simm.s32 @!p0 $0x1BF5;
	p2 =	por !p2, p0  }
0x20: {  	[sflag:s8] =	ssyncset.s32 @!p0 $0xFFFFF086;
	s6 =	sadd.s32 @!p0 s3, s7;
	s7 =	simm.s32 @!p0 $0x108  }
0x21: {  	s3 =	sadd.s32 s3, s9;
	s6 =	sadd.s32 @!p0 $0x88, s6;
	s7 =	simm.s32 @p2 $0x1082  }
0x22: {  	[simem:s7], [sflag:s8] =	dma.local @!p0 [hbm:s6], $0xF7A  }
0x23: {  	s9 =	sor.u32 $0xD0000000, s2;
	s6 =	simm.s32 $0x108;
	_ =	swait.ge @!p0 [sflag:s8], $0x0  }
0x24: {  	s3 =	sadd.s32 $0x88, s3;
	s6 =	simm.s32 @!p1 $0x1082;
	[sflag:s4] =	ssyncset.s32 $0xFFFFF086  }
0x25: {  	[simem:s6], [sflag:s4] =	dma.local [hbm:s3], $0xF7A  }
0x26: {  	[smem:$0x3F9B] =	sst s1;
	(tag) =	ssettag s2;
	_ =	strace s9  }
0x27: {  	s1 =	sld [smem:$0x3FAB]  }
0x28: {  	s2 =	sld [smem:$0x3FAC]  }
0x29: {  	s4 =	sld [smem:$0x3FAE]  }
0x2a: {  	p0 =	seq.s32 s5, $0x0;
	s5 =	sld [smem:$0x3FAF]  }
0x2b: {  	s6 =	sld [smem:$0x3FB0]  }
0x2c: {  	s7 =	sld [smem:$0x3FB1]  }
0x2d: {  	s3 =	simm.s32 $0x108;
	s8 =	sld [smem:$0x3FB2]  }
0x2e: {  	s3 =	simm.s32 @!p0 $0x1082;
	s9 =	sld [smem:$0x3FB3]  }
0x2f: {  	lr =	sadd.s32 s0, s3;
	s0 =	sld [smem:$0x3FAA]  }
0x30: {  	s3 =	sld [smem:$0x3FAD]  }
0x31: {  	[smem:$0x3FB6] =	sst s10  }
0x32: {  	s10 =	sld [smem:$0x3FB4];
	_ =	sdelay $0x3  }
0x33: {  	p0 =	seq.s32 s10, $0x1;
	s10 =	sld [smem:$0x3FB6];
	_ =	sdelay $0x3  }
0x34: {  	[smem:$0x3FB6] =	sst s10  }
0x35: {  	s10 =	sld [smem:$0x3FB5];
	_ =	sdelay $0x3  }
0x36: {  	p1 =	seq.s32 s10, $0x1;
	s10 =	sld [smem:$0x3FB6];
	_ =	sdelay $0x3  }
0x37: {  	[smem:$0x3FB6] =	sst s10  }
0x38: {  	s10 =	sld [smem:$0x3FB7]  }
0x39: {  	_ = 	snop;
	(pc) =	sbr.ind lr, $3  }
0x3a: {  	_ = 	snop  }
0x3b: {  	_ = 	snop  }
0x3c: {  	p2 =	seq.s32 s10, $0x1;
	s10 =	sld [smem:$0x3FB6]  }
0x3d: {  	_ =	shalt  }
0x3e: {  	_ =	shalt  }
0x3f: {  	_ =	shalt  }
0x40: {  	_ =	shalt  }
0x41: {  	_ =	shalt  }
0x42: {  	_ =	shalt  }
0x43: {  	_ =	shalt  }
0x44: {  	_ =	shalt  }
0x45: {  	_ =	shalt  }
0x46: {  	_ =	shalt  }
0x47: {  	_ =	shalt  }
0x48: {  	_ =	shalt  }
0x49: {  	_ =	shalt  }
0x4a: {  	_ =	shalt  }
0x4b: {  	_ =	shalt  }
0x4c: {  	_ =	shalt  }
0x4d: {  	_ =	shalt  }
0x4e: {  	_ =	shalt  }
0x4f: {  	_ =	shalt  }
0x50: {  	_ =	shalt  }
0x51: {  	_ =	shalt  }
0x52: {  	_ =	shalt  }
0x53: {  	_ =	shalt  }
0x54: {  	_ =	shalt  }
0x55: {  	_ =	shalt  }
0x56: {  	_ =	shalt  }
0x57: {  	_ =	shalt  }
0x58: {  	_ =	shalt  }
0x59: {  	_ =	shalt  }
0x5a: {  	_ =	shalt  }
0x5b: {  	_ =	shalt  }
0x5c: {  	_ =	shalt  }
0x5d: {  	_ =	shalt  }
0x5e: {  	_ =	shalt  }
0x5f: {  	_ =	shalt  }
0x60: {  	_ =	shalt  }
0x61: {  	_ =	shalt  }
0x62: {  	_ =	shalt  }
0x63: {  	_ =	shalt  }
0x64: {  	_ =	shalt  }
0x65: {  	_ =	shalt  }
0x66: {  	_ =	shalt  }
0x67: {  	_ =	shalt  }
0x68: {  	_ =	shalt  }
0x69: {  	_ =	shalt  }
0x6a: {  	_ =	shalt  }
0x6b: {  	_ =	shalt  }
0x6c: {  	_ =	shalt  }
0x6d: {  	_ =	shalt  }
0x6e: {  	_ =	shalt  }
0x6f: {  	_ =	shalt  }
0x70: {  	_ =	shalt  }
0x71: {  	_ =	shalt  }
0x72: {  	_ =	shalt  }
0x73: {  	_ =	shalt  }
0x74: {  	_ =	shalt  }
0x75: {  	_ =	shalt  }
0x76: {  	_ =	shalt  }
0x77: {  	_ =	shalt  }
0x78: {  	_ =	shalt  }
0x79: {  	_ =	shalt  }
0x7a: {  	_ =	shalt  }
0x7b: {  	_ =	shalt  }
0x7c: {  	_ =	shalt  }
0x7d: {  	_ =	shalt  }
0x7e: {  	_ =	shalt  }
0x7f: {  	_ =	shalt  }
0x80: {  	_ =	shalt  }
0x81: {  	_ =	shalt  }
0x82: {  	_ =	shalt  }
0x83: {  	_ =	shalt  }
0x84: {  	_ =	shalt  }
0x85: {  	_ =	shalt  }
0x86: {  	_ =	shalt  }
0x87: {  	_ =	shalt  }
.Lfunc_end0:
.L_simem_size_0:
called_computation.1_lowered:
.L_overlay_start_0:
0x88: {  	s2 =	sld [smem:$0x3FD9]  }
0x89: {  	s3 =	sld [smem:$0x3FFE];
	_ =	sdelay $0x1  }
0x8a: {  	s1 =	srdreg.scid  }
0x8b: {  	s0 =	sand.u32 $0x1, s1  }
0x8c: {  	s17 =	sshll.u32 s0, $0xA;
	s2 =	sadd.s32 s3, s2  }
0x8d: {  	s2 =	sadd.s32 s2, s17  }
0x8e: {  	[smem:$0x3FC2] =	sst s2  }
0x8f: {  	_ = 	snop  }
0x90: {  	s2 =	sld [smem:$0x3FD0];
	(tm) =	ssettm $0x1  }
0x91: {  	s18 =	sld [smem:$0x3FFB];
	_ =	sdelay $0x3  }
0x92: {  	_ =	strace s18  }
0x93: {  	s3 =	sld [smem:$0x3FFC];
	_ =	sdelay $0x3  }
0x94: {  	_ =	strace s3  }
0x95: {  	s3 =	sld [smem:$0x3FFD];
	_ =	sdelay $0x3  }
0x96: {  	_ =	strace s3  }
0x97: {  	_ =	strace $0x8FFFFFFF  }
0x98: {  	s19 =	sld [smem:$0x3FDB];
	_ =	sdelay $0x1  }
0x99: {  	s4 =	simm.s32 $_scs_section_size  }
0x9a: {  	s5 =	simm.s32 $_size__tile_overlayer_lowered;
	s6 =	simm.s32 $_tile_overlayer_lowered  }
0x9b: {  	s22 =	simm.s32 $0x1BFF;
	s21 =	sshll.u32 s6, $0x1;
	s3 =	sadd.s32 s4, s19  }
0x9c: {  	s7 =	simm.s32 $0x0;
	s20 =	sshll.u32 s5, $0x1;
	s5 =	sadd.s32 s21, s3  }
0x9d: {  	[timem:s7], [sflag:s22] =	dma.local [hbm:s5], s20  }
0x9e: {  	_ =	swait.ge [sflag:s22], s20  }
0x9f: {  	s4 =	ssub.s32 $0x0, s20;
	[sflag:s22] =	ssyncset.done $0x0  }
0xa0: {  	[sflag:s22] =	ssyncadd.s32 s4;
	_ =	sdelay $0x1  }
0xa1: {  	s23 =	simm.s32 $0x1B8B  }
0xa2: {  	_ =	swait.ge [sflag:s23], $0x1  }
0xa3: {  	[sflag:s23] =	ssyncset.done $0x0  }
0xa4: {  	s25 =	simm.s32 $0x1B8E;
	s24 =	sld [smem:$0x3FFE];
	[sflag:s23] =	ssyncadd.s32 $0xFFFFFFFF  }
0xa5: {  	s26 =	simm.s32 $execute0_lowered;
	[smem:$0x3FD2] =	sst s25  }
0xa6: {  	s5 =	sshll.u32 s26, $0x1;
	_ =	strace $0x80000049;
	[dreg:$0x1] =	wrdreg $0xFFFFFFFF  }
0xa7: {  	s28 =	simm.s32 $_size_execute0_lowered;
	s3 =	sadd.s32 s3, s5;
	[dreg:$0x0] =	wrdreg $0x0  }
0xa8: {  	s5 =	sshll.u32 s28, $0x1;
	[dreg:$0x2] =	wrdreg s3  }
0xa9: {  	[dreg:$0x3] =	wrdreg s5  }
0xaa: {  	[dreg:$0x4] =	wrdreg $0xC0  }
0xab: {  	_ =	task [dreg:s7], $0x5FFFF  }
0xac: {  	[dreg:$0x1] =	wrdreg $0xFFFFFFFF  }
0xad: {  	[dreg:$0x0] =	wrdreg $0x60  }
0xae: {  	[dreg:$0x2] =	wrdreg s24  }
0xaf: {  	[dreg:$0x3] =	wrdreg s2  }
0xb0: {  	[dreg:$0x4] =	wrdreg $0xC3000  }
0xb1: {  	[dreg:$0x5] =	wrdreg $0x9  }
0xb2: {  	_ =	task.clear_ibuf [dreg:s7], $0x6FFFF;
	_ =	strace $0x90000049  }
0xb3: {  	s29 =	simm.s32 $0x9;
	_ =	strace $0x8000004B  }
0xb4: {  	_ =	swait.ge [sflag:s29], $0x1  }
0xb5: {  	[sflag:s29] =	ssyncadd.s32 $0xFFFFFFFF  }
0xb6: {  	_ =	strace $0x9000004B  }
0xb7: {  	_ =	sfence  }
0xb8: {  	s30 =	sld [smem:$0x0];
	_ =	sdelay $0x2  }
0xb9: {  	s31 =	sshll.u32 s1, $0xD;
	s1 =	sshrl.u32 s1, $0x2  }
0xba: {  	s3 =	sand.u32 $0x4000, s31;
	s1 =	sadd.s32 s1, s30  }
0xbb: {  	s0 =	sor.u32 s3, s0;
	s1 =	sshll.u32 s1, $0x11  }
0xbc: {  	s0 =	sor.u32 s1, s0  }
0xbd: {  	s0 =	sadd.s32 $0x8F2B, s0  }
0xbe: {  	[sflag:s0] =	ssyncadd.remote.s32 $0x1  }
0xbf: {  	_ =	sfence.sel $0xFFFF  }
0xc0: {  	[dreg:$0x0] =	wrdreg $0xFFFFFFFF;
	(pc) =	sbr.abs _section_cstart, $3  }
0xc1: {  	[dreg:$0x1] =	wrdreg $0xFFFFFFFF  }
0xc2: {  	_ =	task.clear_ibuf [dreg:s7], $0x2FFFF;
	_ =	strace $0x9FFFFFFF  }
0xc3: {  	(tm) =	ssettm $0x7FFFFFFF  }
tec
execute0_lowered:
.L_overlay_start_1:
0x0: {  	(tag) =	ssettag $0x1  }
0x1: {  	s0 =	rddreg [dreg:$0x0]  }
0x2: {  	s1 =	rddreg [dreg:$0x1]  }
0x3: {  	s2 =	rddreg [dreg:$0x2];
	s13 =	stileid.u32;
	s3 =	simm.s32 $0x0  }
0x4: {  	s5 =	srdreg.scid;
	s15 =	simm.s32 $0x80;
	s28 =	simm.s32 $0xB300  }
0x5: {  	s29 =	simm.s32 $0x380;
	s30 =	simm.s32 $0xBB00;
	s4 =	smul.u32 $0x83, s13  }
0x6: {  	s31 =	simm.s32 $0x0;
	s6 =	smul.u32 $0x19, s13;
	[smem:$0x7FF] =	sst s3  }
0x7: {  	s7 =	sand.u32 $0x1, s5;
	s21 =	smin.u32 s13, $0x4;
	s8 =	smul.u32 $0x2780, s13  }
0x8: {  	p1 =	slt.u32 s13, $0x4;
	s26 =	sshll.u32 s13, $0x6;
	p0 =	seq.s32 s7, $0x0  }
0x9: {  	_ =	strace $0x8000004A;
	s22 =	ssub.s32 $0x2, s7;
	s7 =	smul.u32 $0x27800, s7  }
0xa: {  	s13 =	sor.u32 $0x1C11, s26;
	s4 =	sadd.s32 $0x194, s4;
	s5 =	sadd.s32 s21, s6  }
0xb: {  	s10 =	sshrl.u32 s8, $0x3;
	s11 =	sshrl.u32 s22, $0x1;
	s12 =	sadd.s32 s8, s2  }
0xc: {  	s5 =	smov.u32 @p0 s4;
	s4 =	sadd.s32 $0xC200, s0;
	s23 =	ssub.s32 s22, s11  }
0xd: {  	s24 =	sadd.s32 s8, s7;
	s11 =	simm.s32 $0x11;
	s5 =	sshll.u32 s5, $0x4  }
0xe: {  	s14 =	sshrl.u32 s12, $0x3;
	s25 =	sshrl.u32 s24, $0x3;
	s9 =	sadd.s32 s5, s0  }
0xf: {  	s5 =	simm.s32 $0x1A;
	s0 =	sadd.s32 s10, s0;
	s10 =	smax.u32 s23, $0x1  }
0x10: {  	s5 =	simm.s32 @!p1 $0x19;
	s6 =	sadd.s32 $0x38C00, s9;
	s7 =	sadd.s32 $0x2400, s9  }
0x11: {  	s8 =	sadd.s32 $0x11200, s0;
	s9 =	sadd.s32 s1, s25;
	s5 =	simm.s32 @p0 $0x83  }
.LBB2_1:
0x12: {  	[tilespmem:s3], [sflag:$0x11] =	stream.linear.gather [hbm4b:s6+s3], $0x4180, $0x38;
	[tilespmem:$0xEA80] =	vst v63  }
0x13: {  	_ =	swait.ge [sflag:s11], $0x4180  }
0x14: {  	[sflag:s11] =	ssyncset.done $0x0  }
0x15: {  	s0 =	simm.s32 $0x4180;
	[sflag:s11] =	ssyncadd.s32 $0xFFFFBE80  }
0x16: {  	[tilespmem:s0], [sflag:$0x11] =	stream.linear.gather [hbm4b:s7+s3], $0x4180, $0x38;
	[tilespmem:$0xEA80] =	vst v63  }
0x17: {  	_ =	swait.ge [sflag:s11], $0x4180  }
0x18: {  	[sflag:s11] =	ssyncset.done $0x0  }
0x19: {  	[sflag:s11] =	ssyncadd.s32 $0xFFFFBE80  }
0x1a: {  	[spmem:s14], [sflag:s13] =	dma.local [hbm:s8], $0x4F0  }
0x1b: {  	_ =	swait.ge [sflag:s11], $0x4F0  }
0x1c: {  	[sflag:s11] =	ssyncset.done $0x0  }
0x1d: {  	[sflag:s11] =	ssyncadd.s32 $0xFFFFFB10  }
0x1e: {  	s17 =	simm.s32 $0x8300;
	[bflag:$0x0] =	sbarrier.arrive $0xFFFF  }
0x1f: {  	[tilespmem:s17], [sflag:$0x1] =	stream.indirect.gather [hbm4b:s4+s15], $0x10, s3, s15, $0xb8;
	[tilespmem:$0xEA80] =	vst v63  }
0x20: {  	s18 =	simm.s32 $0x8B00  }
0x21: {  	[tilespmem:s18], [sflag:$0x2] =	stream.indirect.gather [hbm4b:s4+s15], $0x10, s15, s15, $0xb8;
	[tilespmem:$0xEA80] =	vst v63  }
0x22: {  	s19 =	simm.s32 $0x100;
	s1 =	simm.s32 $0x9300  }
0x23: {  	[tilespmem:s1], [sflag:$0x3] =	stream.indirect.gather [hbm4b:s4+s15], $0x10, s19, s15, $0xb8;
	[tilespmem:$0xEA80] =	vst v63  }
0x24: {  	s20 =	simm.s32 $0x180;
	s21 =	simm.s32 $0x9B00  }
0x25: {  	[tilespmem:s21], [sflag:$0x4] =	stream.indirect.gather [hbm4b:s4+s15], $0x10, s20, s15, $0xb8;
	[tilespmem:$0xEA80] =	vst v63  }
0x26: {  	s22 =	simm.s32 $0x200;
	s23 =	simm.s32 $0xA300  }
0x27: {  	[tilespmem:s23], [sflag:$0x5] =	stream.indirect.gather [hbm4b:s4+s15], $0x10, s22, s15, $0xb8;
	[tilespmem:$0xEA80] =	vst v63  }
0x28: {  	s24 =	simm.s32 $0x280;
	s25 =	simm.s32 $0xAB00  }
0x29: {  	[tilespmem:s25], [sflag:$0x6] =	stream.indirect.gather [hbm4b:s4+s15], $0x10, s24, s15, $0xb8;
	[tilespmem:$0xEA80] =	vst v63  }
0x2a: {  	s26 =	simm.s32 $0x300;
	p0 =	sle.u32 s5, $0xFFFFFFFC  }
0x2b: {  	[tilespmem:s28], [sflag:$0x7] =	stream.indirect.gather [hbm4b:s4+s15], $0x10, s26, s15, $0xb8;
	[tilespmem:$0xEA80] =	vst v63  }
0x2c: {  	p2 =	sle.u32 @!p0 s5, $0x4;
	s0 =	simm.s32 @!p0 $0xD  }
0x2d: {  	[tilespmem:s30], [sflag:$0x8] =	stream.indirect.gather [hbm4b:s4+s15], $0x10, s29, s15, $0xb8;
	[tilespmem:$0xEA80] =	vst v63  }
0x2e: {  	p1 =	sle.u32 s5, $0x0;
	p2 =	por p2, p0;
	_ =	swait.ge @!p0 [sflag:s0], $0x800  }
0x2f: {  	s16 =	simm.s32 @!p1 $0x1;
	s12 =	simm.s32 @!p2 $0x80;
	[sflag:s0] =	ssyncset.done @!p0 $0x0  }
0x30: {  	s1 =	simm.s32 @!p2 $0xA300;
	[sflag:s0] =	ssyncadd.s32 @!p0 $0xFFFFF800;
	s0 =	simm.s32 @!p2 $0x200  }
0x31: {  	[tilespmem:s1], [sflag:$0x5] =	stream.indirect.gather @!p2 [hbm4b:s4+s12], $0x10, s0, s12, $0xb8;
	[tilespmem:$0xEA80] =	vst v63  }
0x32: {  	s17 =	simm.s32 @!p1 $0x8300;
	p0 =	sle.u32 s5, $0xFFFFFFFD;
	_ =	swait.ge @!p1 [sflag:s16], $0x800  }
0x33: {  	s0 =	simm.s32 @!p1 $0x4180;
	s1 =	simm.s32 @!p1 $0x80;
	[sflag:s16] =	ssyncset.done @!p1 $0x0  }
0x34: {  	p2 =	sle.u32 @!p0 s5, $0x5;
	s12 =	simm.s32 @!p0 $0xE;
	[sflag:s16] =	ssyncadd.s32 @!p1 $0xFFFFF800  }
0x35: {  	[spmem:s2] =	stream.indirect.scatter.add.f32 @!p1 [tilespmem:s17], [sflag:$0x9], $0x10, s0, s1, $0xb8;
	[tilespmem:$0xEA80] =	vst v63  }
0x36: {  	p3 =	sle.u32 s5, $0x1;
	p2 =	por p2, p0;
	_ =	swait.ge @!p0 [sflag:s12], $0x800  }
0x37: {  	s16 =	simm.s32 @!p3 $0x2;
	s0 =	simm.s32 @!p2 $0x80;
	[sflag:s12] =	ssyncset.done @!p0 $0x0  }
0x38: {  	s1 =	simm.s32 @!p2 $0x280;
	[sflag:s12] =	ssyncadd.s32 @!p0 $0xFFFFF800;
	s12 =	simm.s32 @!p2 $0xAB00  }
0x39: {  	[tilespmem:s12], [sflag:$0x6] =	stream.indirect.gather @!p2 [hbm4b:s4+s0], $0x10, s1, s0, $0xb8;
	[tilespmem:$0xEA80] =	vst v63  }
0x3a: {  	s17 =	simm.s32 @!p3 $0x80;
	p2 =	sle.u32 s5, $0xFFFFFFFE;
	_ =	swait.ge @!p3 [sflag:s16], $0x800  }
0x3b: {  	s0 =	simm.s32 @!p3 $0x4200;
	s1 =	simm.s32 @!p3 $0x8B00;
	[sflag:s16] =	ssyncset.done @!p3 $0x0  }
0x3c: {  	s12 =	simm.s32 @!p2 $0xF;
	p4 =	sle.u32 @!p2 s5, $0x6;
	[sflag:s16] =	ssyncadd.s32 @!p3 $0xFFFFF800  }
0x3d: {  	[spmem:s2] =	stream.indirect.scatter.add.f32 @!p3 [tilespmem:s1], [sflag:$0xA], $0x10, s0, s17, $0xb8;
	[tilespmem:$0xEA80] =	vst v63  }
0x3e: {  	p0 =	sle.u32 s5, $0x2;
	p4 =	por p4, p2;
	_ =	swait.ge @!p2 [sflag:s12], $0x800  }
0x3f: {  	s16 =	simm.s32 @!p4 $0x80;
	s0 =	simm.s32 @!p0 $0x3;
	[sflag:s12] =	ssyncset.done @!p2 $0x0  }
0x40: {  	s1 =	simm.s32 @!p4 $0x300;
	[sflag:s12] =	ssyncadd.s32 @!p2 $0xFFFFF800;
	s12 =	simm.s32 @!p4 $0xB300  }
0x41: {  	[tilespmem:s12], [sflag:$0x7] =	stream.indirect.gather @!p4 [hbm4b:s4+s16], $0x10, s1, s16, $0xb8;
	[tilespmem:$0xEA80] =	vst v63  }
0x42: {  	p2 =	sle.u32 s5, $0xFFFFFFFF;
	_ =	swait.ge @!p0 [sflag:s0], $0x800  }
0x43: {  	s1 =	simm.s32 @!p0 $0x80;
	s12 =	simm.s32 @!p0 $0x4280;
	[sflag:s0] =	ssyncset.done @!p0 $0x0  }
0x44: {  	s16 =	simm.s32 @!p0 $0x9300;
	s17 =	simm.s32 @!p2 $0x10;
	[sflag:s0] =	ssyncadd.s32 @!p0 $0xFFFFF800  }
0x45: {  	[spmem:s2] =	stream.indirect.scatter.add.f32 @!p0 [tilespmem:s16], [sflag:$0xB], $0x10, s12, s1, $0xb8;
	[tilespmem:$0xEA80] =	vst v63  }
0x46: {  	p4 =	sle.u32 @!p2 s5, $0x7;
	_ =	swait.ge @!p2 [sflag:s17], $0x800  }
0x47: {  	p4 =	por p4, p2;
	[sflag:s17] =	ssyncset.done @!p2 $0x0  }
0x48: {  	s0 =	simm.s32 @!p4 $0x380;
	[sflag:s17] =	ssyncadd.s32 @!p2 $0xFFFFF800;
	p2 =	sle.u32 s5, $0x3  }
0x49: {  	s1 =	simm.s32 @!p4 $0x80;
	s12 =	simm.s32 @!p4 $0xBB00;
	s16 =	simm.s32 @!p2 $0x4  }
0x4a: {  	[tilespmem:s12], [sflag:$0x8] =	stream.indirect.gather @!p4 [hbm4b:s4+s1], $0x10, s0, s1, $0xb8;
	[tilespmem:$0xEA80] =	vst v63  }
0x4b: {  	s0 =	simm.s32 @!p2 $0x4300;
	_ =	swait.ge @!p2 [sflag:s16], $0x800  }
0x4c: {  	s1 =	simm.s32 @!p2 $0x80;
	s12 =	simm.s32 @!p2 $0x9B00;
	[sflag:s16] =	ssyncset.done @!p2 $0x0  }
0x4d: {  	p4 =	sle.u32 @!p1 s5, $0x8;
	[sflag:s16] =	ssyncadd.s32 @!p2 $0xFFFFF800;
	s16 =	simm.s32 @!p1 $0x9  }
0x4e: {  	[spmem:s2] =	stream.indirect.scatter.add.f32 @!p2 [tilespmem:s12], [sflag:$0xC], $0x10, s0, s1, $0xb8;
	[tilespmem:$0xEA80] =	vst v63  }
0x4f: {  	p4 =	por p4, p1;
	_ =	swait.ge @!p1 [sflag:s16], $0x800  }
0x50: {  	s0 =	simm.s32 @!p4 $0x400;
	s1 =	simm.s32 @!p4 $0x8300;
	[sflag:s16] =	ssyncset.done @!p1 $0x0  }
0x51: {  	s12 =	simm.s32 @!p4 $0x80;
	[sflag:s16] =	ssyncadd.s32 @!p1 $0xFFFFF800;
	p1 =	sle.u32 s5, $0x4  }
0x52: {  	[tilespmem:s1], [sflag:$0x1] =	stream.indirect.gather @!p4 [hbm4b:s4+s12], $0x10, s0, s12, $0xb8;
	[tilespmem:$0xEA80] =	vst v63  }
0x53: {  	s0 =	simm.s32 @!p1 $0x5  }
0x54: {  	_ =	swait.ge @!p1 [sflag:s0], $0x800  }
0x55: {  	s1 =	simm.s32 @!p1 $0x4380;
	[sflag:s0] =	ssyncset.done @!p1 $0x0  }
0x56: {  	s12 =	simm.s32 @!p1 $0xA300;
	s16 =	simm.s32 @!p1 $0x80;
	[sflag:s0] =	ssyncadd.s32 @!p1 $0xFFFFF800  }
0x57: {  	[spmem:s2] =	stream.indirect.scatter.add.f32 @!p1 [tilespmem:s12], [sflag:$0xD], $0x10, s1, s16, $0xb8;
	[tilespmem:$0xEA80] =	vst v63  }
0x58: {  	s17 =	simm.s32 @!p3 $0xA;
	p1 =	sle.u32 @!p3 s5, $0x9  }
0x59: {  	_ =	swait.ge @!p3 [sflag:s17], $0x800;
	p1 =	por p1, p3  }
0x5a: {  	[sflag:s17] =	ssyncset.done @!p3 $0x0;
	s0 =	simm.s32 @!p1 $0x480  }
0x5b: {  	s1 =	simm.s32 @!p1 $0x80;
	s12 =	simm.s32 @!p1 $0x8B00;
	[sflag:s17] =	ssyncadd.s32 @!p3 $0xFFFFF800  }
0x5c: {  	[tilespmem:s12], [sflag:$0x2] =	stream.indirect.gather @!p1 [hbm4b:s4+s1], $0x10, s0, s1, $0xb8;
	[tilespmem:$0xEA80] =	vst v63  }
0x5d: {  	p1 =	sle.u32 s5, $0x5  }
0x5e: {  	s0 =	simm.s32 @!p1 $0x6  }
0x5f: {  	s18 =	simm.s32 @!p2 $0xC;
	p3 =	sle.u32 s5, $0x6;
	_ =	swait.ge @!p1 [sflag:s0], $0x800  }
0x60: {  	s17 =	simm.s32 $0x0;
	s1 =	simm.s32 @!p1 $0x4400;
	[sflag:s0] =	ssyncset.done @!p1 $0x0  }
0x61: {  	s12 =	simm.s32 @!p1 $0xAB00;
	s16 =	simm.s32 @!p1 $0x80;
	[sflag:s0] =	ssyncadd.s32 @!p1 $0xFFFFF800  }
0x62: {  	[spmem:s2] =	stream.indirect.scatter.add.f32 @!p1 [tilespmem:s12], [sflag:$0xE], $0x10, s1, s16, $0xb8;
	[tilespmem:$0xEA80] =	vst v63  }
0x63: {  	s19 =	simm.s32 @!p3 $0x7;
	s20 =	simm.s32 @!p3 $0x4480;
	p1 =	sle.u32 @!p0 s5, $0xA  }
0x64: {  	s21 =	simm.s32 @!p3 $0x80;
	s0 =	simm.s32 @!p0 $0xB;
	p1 =	por p1, p0  }
0x65: {  	s22 =	simm.s32 @!p3 $0xB300;
	_ =	swait.ge @!p0 [sflag:s0], $0x800;
	s1 =	simm.s32 @!p1 $0x500  }
0x66: {  	[sflag:s0] =	ssyncset.done @!p0 $0x0;
	s12 =	simm.s32 @!p1 $0x80;
	s16 =	simm.s32 @!p1 $0x9300  }
0x67: {  	[sflag:s0] =	ssyncadd.s32 @!p0 $0xFFFFF800;
	p0 =	sle.u32 @!p2 s5, $0xB;
	s0 =	simm.s32 $0x13  }
0x68: {  	[tilespmem:s16], [sflag:$0x3] =	stream.indirect.gather @!p1 [hbm4b:s4+s12], $0x10, s1, s12, $0xb8;
	[tilespmem:$0xEA80] =	vst v63  }
0x69: {  	s12 =	simm.s32 $0xB;
	p5 =	por p0, p2;
	_ =	swait.ge @!p3 [sflag:s19], $0x800  }
0x6a: {  	s1 =	simm.s32 $0x0;
	s16 =	simm.s32 @!p5 $0x580;
	[sflag:s19] =	ssyncset.done @!p3 $0x0  }
.LBB2_2:
0x6b: {  	[sflag:s19] =	ssyncadd.s32 @!p3 $0xFFFFF800;
	s25 =	smov.u32 s0;
	s0 =	sadd.s32 $0x8, s0  }
0x6c: {  	[spmem:s2] =	stream.indirect.scatter.add.f32 @!p3 [tilespmem:s22], [sflag:$0xF], $0x10, s20, s21, $0xb8;
	[tilespmem:$0xEA80] =	vst v63  }
0x6d: {  	p0 =	sne.s32 s0, $0x93  }
0x6e: {  	s20 =	simm.s32 @!p0 $0x0  }
0x6f: {  	s20 =	simm.s32 @p0 $0x1  }
0x70: {  	s1 =	sadd.s32 $0x1000, s1;
	s26 =	sadd.s32 $0xFFFFFFF7, s25;
	[smem:$0x7FD] =	sst s20  }
0x71: {  	s12 =	sadd.s32 $0xFFFFFFFC, s12;
	p6 =	sge.u32 s26, s5;
	_ =	swait.ge @!p2 [sflag:s18], $0x800  }
0x72: {  	p0 =	sge.u32 s12, s5;
	s12 =	simm.s32 @!p5 $0x80;
	[sflag:s18] =	ssyncset.done @!p2 $0x0  }
0x73: {  	s20 =	simm.s32 @!p5 $0x9B00;
	[sflag:s18] =	ssyncadd.s32 @!p2 $0xFFFFF800;
	s18 =	simm.s32 @!p0 $0x8  }
0x74: {  	[tilespmem:s20], [sflag:$0x4] =	stream.indirect.gather @!p5 [hbm4b:s4+s12], $0x10, s16, s12, $0xb8;
	[tilespmem:$0xEA80] =	vst v63  }
0x75: {  	s12 =	sshra.s32 @!p0 s17, $0x2;
	s16 =	simm.s32 @!p0 $0xBB00;
	s20 =	simm.s32 @!p0 $0x80  }
0x76: {  	_ =	swait.ge @!p0 [sflag:s18], $0x800;
	s17 =	sadd.s32 @!p0 $0x4500, s12;
	s12 =	smov.u32 s25  }
0x77: {  	[sflag:s18] =	ssyncset.done @!p0 $0x0;
	s23 =	sadd.s32 $0xFFFFFFF5, s12;
	s24 =	sadd.s32 $0xFFFFFFF1, s12  }
0x78: {  	s19 =	sadd.s32 $0xFFFFFFF3, s12;
	[sflag:s18] =	ssyncadd.s32 @!p0 $0xFFFFF800;
	p3 =	sge.u32 s23, s5  }
0x79: {  	[spmem:s2] =	stream.indirect.scatter.add.f32 @!p0 [tilespmem:s16], [sflag:$0x10], $0x10, s17, s20, $0xb8;
	[tilespmem:$0xEA80] =	vst v63  }
0x7a: {  	s18 =	sshra.s32 @!p6 s1, $0x2;
	p5 =	sge.u32 s19, s5;
	p0 =	sge.u32 s24, s5  }
0x7b: {  	s20 =	sadd.s32 $0xFFFFFFF2, s12;
	s22 =	sshra.s32 @!p3 s1, $0x2;
	s25 =	simm.s32 @!p3 $0x1  }
0x7c: {  	s26 =	simm.s32 @!p3 $0x8300;
	s16 =	simm.s32 @!p0 $0xD;
	s17 =	sadd.s32 @!p0 $0xFFFFFFF9, s12  }
0x7d: {  	s19 =	simm.s32 @!p3 $0x80;
	_ =	swait.ge @!p0 [sflag:s16], $0x800;
	p1 =	sge.u32 @!p0 s17, s5  }
0x7e: {  	s22 =	sadd.s32 @!p3 $0x4180, s22;
	[sflag:s16] =	ssyncset.done @!p0 $0x0;
	p1 =	por p1, p0  }
0x7f: {  	[sflag:s16] =	ssyncadd.s32 @!p0 $0xFFFFF800;
	s17 =	sshra.s32 @!p1 s1, $0x2;
	s16 =	simm.s32 @!p6 $0x80  }
0x80: {  	s23 =	simm.s32 @!p1 $0xA300;
	s24 =	simm.s32 @!p1 $0x80;
	p0 =	sge.u32 s20, s5  }
0x81: {  	s21 =	sadd.s32 @!p1 $0x200, s17;
	s17 =	simm.s32 @!p6 $0x3;
	s20 =	sadd.s32 @!p0 $0xFFFFFFFA, s12  }
0x82: {  	[tilespmem:s23], [sflag:$0x5] =	stream.indirect.gather @!p1 [hbm4b:s4+s24], $0x10, s21, s24, $0xb8;
	[tilespmem:$0xEA80] =	vst v63  }
0x83: {  	s21 =	simm.s32 @!p0 $0xE;
	p1 =	sge.u32 @!p0 s20, s5;
	_ =	swait.ge @!p3 [sflag:s25], $0x800  }
0x84: {  	s24 =	sadd.s32 @!p5 $0xFFFFFFFB, s12;
	p2 =	por p1, p0;
	[sflag:s25] =	ssyncset.done @!p3 $0x0  }
0x85: {  	s20 =	simm.s32 @!p2 $0xAB00;
	[sflag:s25] =	ssyncadd.s32 @!p3 $0xFFFFF800;
	s25 =	sadd.s32 $0xFFFFFFF6, s12  }
0x86: {  	[spmem:s2] =	stream.indirect.scatter.add.f32 @!p3 [tilespmem:s26], [sflag:$0x9], $0x10, s22, s19, $0xb8;
	[tilespmem:$0xEA80] =	vst v63  }
0x87: {  	s19 =	sshra.s32 @!p2 s1, $0x2;
	s22 =	simm.s32 @!p2 $0x80;
	p4 =	sge.u32 s25, s5  }
0x88: {  	_ =	swait.ge @!p0 [sflag:s21], $0x800;
	s19 =	sadd.s32 @!p2 $0x280, s19;
	s23 =	sshra.s32 @!p4 s1, $0x2  }
0x89: {  	s25 =	sadd.s32 @!p4 $0xFFFFFFFE, s12;
	s26 =	simm.s32 @!p4 $0x8B00;
	[sflag:s21] =	ssyncset.done @!p0 $0x0  }
0x8a: {  	s23 =	sadd.s32 @!p4 $0x4200, s23;
	p1 =	sge.u32 @!p4 s25, s5;
	s25 =	sadd.s32 @!p6 $0xFFFFFFFF, s12  }
0x8b: {  	[sflag:s21] =	ssyncadd.s32 @!p0 $0xFFFFF800;
	s21 =	simm.s32 @!p4 $0x2;
	p0 =	sge.u32 @!p5 s24, s5  }
0x8c: {  	[tilespmem:s20], [sflag:$0x6] =	stream.indirect.gather @!p2 [hbm4b:s4+s22], $0x10, s19, s22, $0xb8;
	[tilespmem:$0xEA80] =	vst v63  }
0x8d: {  	p1 =	por p1, p4;
	s19 =	simm.s32 @!p5 $0xF;
	s20 =	simm.s32 @!p4 $0x80  }
0x8e: {  	p0 =	por p0, p5;
	s22 =	sadd.s32 @!p3 $0xFFFFFFFD, s12;
	_ =	swait.ge @!p4 [sflag:s21], $0x800  }
0x8f: {  	s24 =	sshra.s32 @!p1 s1, $0x2;
	p2 =	sge.u32 @!p3 s22, s5;
	[sflag:s21] =	ssyncset.done @!p4 $0x0  }
0x90: {  	s22 =	sadd.s32 @!p6 $0x4280, s18;
	[sflag:s21] =	ssyncadd.s32 @!p4 $0xFFFFF800;
	s21 =	sshra.s32 @!p0 s1, $0x2  }
0x91: {  	[spmem:s2] =	stream.indirect.scatter.add.f32 @!p4 [tilespmem:s26], [sflag:$0xA], $0x10, s23, s20, $0xb8;
	[tilespmem:$0xEA80] =	vst v63  }
0x92: {  	s20 =	sadd.s32 @!p0 $0x300, s21;
	s21 =	simm.s32 @!p0 $0x80;
	s23 =	simm.s32 @!p1 $0x0  }
0x93: {  	s26 =	sadd.s32 $0xFFFFFFF4, s12;
	_ =	swait.ge @!p5 [sflag:s19], $0x800;
	s23 =	simm.s32 @p1 $0x1  }
0x94: {  	[sflag:s19] =	ssyncset.done @!p5 $0x0;
	[smem:$0x7FC] =	sst s23;
	s23 =	simm.s32 @!p6 $0x9300  }
0x95: {  	[sflag:s19] =	ssyncadd.s32 @!p5 $0xFFFFF800;
	s19 =	simm.s32 @!p0 $0xB300;
	p5 =	sge.u32 s26, s5  }
0x96: {  	[tilespmem:s19], [sflag:$0x7] =	stream.indirect.gather @!p0 [hbm4b:s4+s21], $0x10, s20, s21, $0xb8;
	[tilespmem:$0xEA80] =	vst v63  }
0x97: {  	s18 =	sadd.s32 @!p5 $0xFFFFFFFC, s12;
	s19 =	simm.s32 @!p5 $0x10;
	_ =	swait.ge @!p6 [sflag:s17], $0x800  }
0x98: {  	p0 =	sge.u32 @!p5 s18, s5;
	s18 =	sadd.s32 @!p1 $0x480, s24;
	p1 =	sge.u32 @!p6 s25, s5  }
0x99: {  	s24 =	sadd.s32 $0xFFFFFFF9, s12;
	[sflag:s17] =	ssyncset.done @!p6 $0x0;
	s20 =	simm.s32 @!p1 $0x0  }
0x9a: {  	p0 =	por p0, p5;
	[sflag:s17] =	ssyncadd.s32 @!p6 $0xFFFFF800;
	s20 =	simm.s32 @p1 $0x1  }
0x9b: {  	s17 =	sshra.s32 @!p0 s1, $0x2;
	p1 =	por p2, p3;
	[smem:$0x7FB] =	sst s20  }
0x9c: {  	[spmem:s2] =	stream.indirect.scatter.add.f32 @!p6 [tilespmem:s23], [sflag:$0xB], $0x10, s22, s16, $0xb8;
	[tilespmem:$0xEA80] =	vst v63  }
0x9d: {  	s16 =	sadd.s32 @!p0 $0x380, s17;
	s23 =	sadd.s32 $0xFFFFFFF8, s12;
	_ =	swait.ge @!p5 [sflag:s19], $0x800  }
0x9e: {  	s17 =	simm.s32 @!p0 $0x80;
	p2 =	sge.u32 s23, s5;
	[sflag:s19] =	ssyncset.done @!p5 $0x0  }
0x9f: {  	s20 =	simm.s32 @!p2 $0x4;
	[sflag:s19] =	ssyncadd.s32 @!p5 $0xFFFFF800;
	s19 =	simm.s32 @!p0 $0xBB00  }
0xa0: {  	[tilespmem:s19], [sflag:$0x8] =	stream.indirect.gather @!p0 [hbm4b:s4+s17], $0x10, s16, s17, $0xb8;
	[tilespmem:$0xEA80] =	vst v63  }
0xa1: {  	s22 =	sshra.s32 @!p1 s1, $0x2;
	s21 =	sshra.s32 @!p2 s1, $0x2;
	_ =	swait.ge @!p2 [sflag:s20], $0x800  }
0xa2: {  	s16 =	sadd.s32 @!p2 $0x4300, s21;
	s19 =	simm.s32 @!p2 $0x80;
	[sflag:s20] =	ssyncset.done @!p2 $0x0  }
0xa3: {  	s21 =	simm.s32 @!p2 $0x9B00;
	[sflag:s20] =	ssyncadd.s32 @!p2 $0xFFFFF800;
	s20 =	simm.s32 @!p3 $0x9  }
0xa4: {  	[spmem:s2] =	stream.indirect.scatter.add.f32 @!p2 [tilespmem:s21], [sflag:$0xC], $0x10, s16, s19, $0xb8;
	[tilespmem:$0xEA80] =	vst v63  }
0xa5: {  	s17 =	sadd.s32 @!p1 $0x400, s22;
	p0 =	sge.u32 @!p2 s12, s5;
	_ =	swait.ge @!p3 [sflag:s20], $0x800  }
0xa6: {  	p5 =	por p0, p2;
	s19 =	simm.s32 @!p1 $0x8300;
	[sflag:s20] =	ssyncset.done @!p3 $0x0  }
0xa7: {  	[sflag:s20] =	ssyncadd.s32 @!p3 $0xFFFFF800;
	s20 =	simm.s32 @!p1 $0x80;
	p3 =	sge.u32 s24, s5  }
0xa8: {  	[tilespmem:s19], [sflag:$0x1] =	stream.indirect.gather @!p1 [hbm4b:s4+s20], $0x10, s17, s20, $0xb8;
	[tilespmem:$0xEA80] =	vst v63  }
0xa9: {  	s22 =	simm.s32 @!p4 $0xA;
	s21 =	sshra.s32 @!p5 s1, $0x2;
	s17 =	simm.s32 @!p3 $0x5  }
0xaa: {  	s16 =	sadd.s32 @!p5 $0x580, s21;
	s19 =	sshra.s32 @!p3 s1, $0x2;
	_ =	swait.ge @!p3 [sflag:s17], $0x800  }
0xab: {  	s20 =	simm.s32 @!p3 $0xA300;
	s21 =	simm.s32 @!p3 $0x80;
	[sflag:s17] =	ssyncset.done @!p3 $0x0  }
0xac: {  	s19 =	sadd.s32 @!p3 $0x4380, s19;
	s25 =	sld [smem:$0x7FB];
	[sflag:s17] =	ssyncadd.s32 @!p3 $0xFFFFF800  }
0xad: {  	[spmem:s2] =	stream.indirect.scatter.add.f32 @!p3 [tilespmem:s20], [sflag:$0xD], $0x10, s19, s21, $0xb8;
	[tilespmem:$0xEA80] =	vst v63  }
0xae: {  	_ =	swait.ge @!p4 [sflag:s22], $0x800  }
0xaf: {  	s24 =	sld [smem:$0x7FC]  }
0xb0: {  	p1 =	seq.s32 s25, $0x1  }
0xb1: {  	s26 =	sadd.s32 $0xFFFFFFFA, s12;
	p0 =	por p1, p6  }
0xb2: {  	[sflag:s22] =	ssyncset.done @!p4 $0x0;
	p1 =	sge.u32 s26, s5;
	p3 =	seq.s32 s24, $0x1  }
0xb3: {  	[sflag:s22] =	ssyncadd.s32 @!p4 $0xFFFFF800;
	s21 =	simm.s32 @!p3 $0x80;
	s23 =	simm.s32 @!p3 $0x8B00  }
0xb4: {  	[tilespmem:s23], [sflag:$0x2] =	stream.indirect.gather @!p3 [hbm4b:s4+s21], $0x10, s18, s21, $0xb8;
	[tilespmem:$0xEA80] =	vst v63  }
0xb5: {  	s18 =	simm.s32 @!p1 $0x6  }
0xb6: {  	s20 =	sshra.s32 @!p0 s1, $0x2;
	s19 =	sshra.s32 @!p1 s1, $0x2;
	_ =	swait.ge @!p1 [sflag:s18], $0x800  }
0xb7: {  	s22 =	simm.s32 @!p1 $0x80;
	s19 =	sadd.s32 @!p1 $0x4400, s19;
	[sflag:s18] =	ssyncset.done @!p1 $0x0  }
0xb8: {  	s21 =	simm.s32 @!p1 $0xAB00;
	s23 =	simm.s32 @!p6 $0xB;
	[sflag:s18] =	ssyncadd.s32 @!p1 $0xFFFFF800  }
0xb9: {  	[spmem:s2] =	stream.indirect.scatter.add.f32 @!p1 [tilespmem:s21], [sflag:$0xE], $0x10, s19, s22, $0xb8;
	[tilespmem:$0xEA80] =	vst v63  }
0xba: {  	s25 =	sadd.s32 $0xFFFFFFFB, s12;
	s20 =	sadd.s32 @!p0 $0x500, s20;
	_ =	swait.ge @!p6 [sflag:s23], $0x800  }
0xbb: {  	p3 =	sge.u32 s25, s5;
	s21 =	simm.s32 @!p0 $0x80;
	[sflag:s23] =	ssyncset.done @!p6 $0x0  }
0xbc: {  	s22 =	simm.s32 @!p0 $0x9300;
	s19 =	simm.s32 @!p3 $0x7;
	[sflag:s23] =	ssyncadd.s32 @!p6 $0xFFFFF800  }
0xbd: {  	[tilespmem:s22], [sflag:$0x3] =	stream.indirect.gather @!p0 [hbm4b:s4+s21], $0x10, s20, s21, $0xb8;
	[tilespmem:$0xEA80] =	vst v63  }
0xbe: {  	_ =	swait.ge @!p3 [sflag:s19], $0x800  }
0xbf: {  	s26 =	sld [smem:$0x7FD];
	_ =	sdelay $0x2  }
0xc0: {  	p0 =	seq.s32 s26, $0x1  }
.Ltmp0:
0xc1: {  	_ = 	snop;
	(pc) =	sbr.rel @p0 .LBB2_2-.Ltmp0, $4  }
0xc2: {  	_ = 	snop  }
0xc3: {  	s18 =	sshra.s32 @!p3 s1, $0x2  }
0xc4: {  	s17 =	smov.u32 s1;
	s20 =	sadd.s32 @!p3 $0x4480, s18;
	s18 =	simm.s32 @!p2 $0xC  }
0xc5: {  	s21 =	simm.s32 @!p3 $0x80;
	s22 =	simm.s32 @!p3 $0xB300;
	[sflag:s19] =	ssyncset.done @!p3 $0x0  }
0xc6: {  	[sflag:s19] =	ssyncadd.s32 @!p3 $0xFFFFF800  }
0xc7: {  	[spmem:s2] =	stream.indirect.scatter.add.f32 @!p3 [tilespmem:s22], [sflag:$0xF], $0x10, s20, s21, $0xb8;
	[tilespmem:$0xEA80] =	vst v63  }
0xc8: {  	s0 =	sadd.s32 $0xFFFFFFFC, s12;
	_ =	swait.ge @!p2 [sflag:s18], $0x800  }
0xc9: {  	s1 =	simm.s32 @!p5 $0x9B00;
	p0 =	sge.u32 s0, s5;
	[sflag:s18] =	ssyncset.done @!p2 $0x0  }
0xca: {  	s0 =	simm.s32 @!p5 $0x80;
	s12 =	simm.s32 @!p0 $0x8;
	[sflag:s18] =	ssyncadd.s32 @!p2 $0xFFFFF800  }
0xcb: {  	[tilespmem:s1], [sflag:$0x4] =	stream.indirect.gather @!p5 [hbm4b:s4+s0], $0x10, s16, s0, $0xb8;
	[tilespmem:$0xEA80] =	vst v63  }
0xcc: {  	s31 =	sadd.s32 $0x1, s31;
	_ =	swait.ge @!p0 [sflag:s12], $0x800  }
0xcd: {  	s0 =	sshra.s32 @!p0 s17, $0x2;
	s1 =	simm.s32 @!p0 $0xBB00;
	[sflag:s12] =	ssyncset.done @!p0 $0x0  }
0xce: {  	s16 =	simm.s32 @!p0 $0x80;
	s0 =	sadd.s32 @!p0 $0x4500, s0;
	[sflag:s12] =	ssyncadd.s32 @!p0 $0xFFFFF800  }
0xcf: {  	[spmem:s2] =	stream.indirect.scatter.add.f32 @!p0 [tilespmem:s1], [sflag:$0x10], $0x10, s0, s16, $0xb8;
	[tilespmem:$0xEA80] =	vst v63  }
0xd0: {  	p0 =	sne.s32 s31, s10  }
.Ltmp1:
0xd1: {  	[bflag:$0x0] =	sbarrier.arrive $0xFFFF;
	(pc) =	sbr.rel @p0 .LBB2_1-.Ltmp1, $4  }
0xd2: {  	[hbm:s9], [sflag:s13] =	dma.local [spmem:s14], $0x4F0  }
0xd3: {  	_ =	swait.ge [sflag:s11], $0x4F0  }
0xd4: {  	[sflag:s11] =	ssyncset.done $0x0  }
0xd5: {  	[sflag:s11] =	ssyncadd.s32 $0xFFFFFB10  }
0xd6: {  	_ =	sfence.sel $0x180000  }
0xd7: {  	[bflag:$0x0] =	sbarrier.arrive $0xFFFF  }
0xd8: {  	_ =	strace $0x9000004A  }
0xd9: {  	s0 =	stileid.u32;
	[bflag:$0x2] =	sbarrier.arrive $0xFFFF  }
0xda: {  	p0 =	sne.s32 s0, $0x0;
	s0 =	rddreg [dreg:$0x3]  }
0xdb: {  	s0 =	sadd.s32 @!p0 $0x100000, s0  }
0xdc: {  	[sflag:s0] =	ssyncadd.tile.s32 @!p0 $0x1;
	_ =	shalt  }
.Lfunc_end2:
_tile_overlayer_lowered:
.L_overlay_start_2:
0xdd: {  	(tag) =	ssettag $0x2  }
0xde: {  	s0 =	rddreg [dreg:$0x0];
	s2 =	stileid.u32  }
0xdf: {  	s1 =	rddreg [dreg:$0x1];
	p0 =	sne.s32 s2, $0x0  }
0xe0: {  	s3 =	rddreg [dreg:$0x2];
	[bflag:$0x3] =	sbarrier.arrive $0xFFFF;
	s2 =	simm.s32 @!p0 $0x1C11  }
0xe1: {  	[timem:s3], [sflag:s2] =	dma.local @!p0 [hbm:s0], s1  }
0xe2: {  	s0 =	simm.s32 @!p0 $0x11  }
0xe3: {  	_ =	swait.ge @!p0 [sflag:s0], s1  }
0xe4: {  	s1 =	ssub.s32 @!p0 $0x0, s1;
	[sflag:s0] =	ssyncset.done @!p0 $0x0  }
0xe5: {  	[sflag:s0] =	ssyncadd.s32 @!p0 s1  }
0xe6: {  	[bflag:$0x3] =	sbarrier.arrive $0xFFFF  }
0xe7: {  	_ =	shalt  }

// kernel: kernel.15.cloned.1.call-start
scs
__scs_entry_jumppad:
0x0: {  	(pc) =	sbr.rel $0x88, $3  }
0x1: {  	(tag) =	ssettag $0x0;
	lr =	simm.s32 $0x1  }
0x2: {  	[smem:$0x3F9B] =	sst lr;
	_ =	strace $0xD0000000  }
0x3: {  	_ = 	snop  }
0x4: {  	_ = 	snop  }
0x5: {  	_ = 	snop  }
0x6: {  	_ = 	snop  }
0x7: {  	_ = 	snop  }
__scs_overlays_trampoline_lowered:
0x8: {  	[smem:$0x3FAA] =	sst s0  }
0x9: {  	[smem:$0x3FAB] =	sst s1  }
0xa: {  	[smem:$0x3FAC] =	sst s2  }
0xb: {  	[smem:$0x3FAD] =	sst s3  }
0xc: {  	[smem:$0x3FAE] =	sst s4  }
0xd: {  	[smem:$0x3FAF] =	sst s5  }
0xe: {  	[smem:$0x3FB0] =	sst s6  }
0xf: {  	[smem:$0x3FB1] =	sst s7  }
0x10: {  	[smem:$0x3FB2] =	sst s8  }
0x11: {  	[smem:$0x3FB3] =	sst s9;
	s0 =	simm.s32 @!p0 $0x0  }
0x12: {  	s1 =	sld [smem:$0x3F99];
	s0 =	simm.s32 @p0 $0x1  }
0x13: {  	[smem:$0x3FB4] =	sst s0;
	s0 =	simm.s32 @!p1 $0x0  }
0x14: {  	s2 =	sld [smem:$0x3F98];
	s0 =	simm.s32 @p1 $0x1  }
0x15: {  	[smem:$0x3FB5] =	sst s0;
	s0 =	simm.s32 @!p2 $0x0  }
0x16: {  	s3 =	sld [smem:$0x3FDB];
	s0 =	simm.s32 @p2 $0x1  }
0x17: {  	s4 =	simm.s32 $0x1BF5;
	[smem:$0x3FB7] =	sst s0  }
0x18: {  	s0 =	sld [smem:$0x3F9A];
	_ =	swait.ge [sflag:s4], $0x0  }
0x19: {  	s7 =	sld [smem:$0x3F9B]  }
0x1a: {  	s8 =	sadd.s32 $0xFFFFE003, lr  }
0x1b: {  	s9 =	sadd.s32 $0xFFFFFEF7, lr;
	s5 =	simm.s32 $0xFFFFFFFF;
	p2 =	slt.u32 s8, $0xFFFFF086  }
0x1c: {  	p1 =	slt.u32 s9, $0xF7A;
	s5 =	simm.s32 @!p2 $0x0  }
0x1d: {  	s5 =	simm.s32 @p1 $0x1;
	p0 =	seq.s32 s7, s2  }
0x1e: {  	s7 =	smul.u32 @!p0 $0xF7A, s2;
	p2 =	seq.s32 @!p0 s5, $0x0  }
0x1f: {  	s9 =	smul.u32 $0xF7A, s1;
	s8 =	simm.s32 @!p0 $0x1BF5;
	p2 =	por !p2, p0  }
0x20: {  	[sflag:s8] =	ssyncset.s32 @!p0 $0xFFFFF086;
	s6 =	sadd.s32 @!p0 s3, s7;
	s7 =	simm.s32 @!p0 $0x108  }
0x21: {  	s3 =	sadd.s32 s3, s9;
	s6 =	sadd.s32 @!p0 $0x88, s6;
	s7 =	simm.s32 @p2 $0x1082  }
0x22: {  	[simem:s7], [sflag:s8] =	dma.local @!p0 [hbm:s6], $0xF7A  }
0x23: {  	s9 =	sor.u32 $0xD0000000, s2;
	s6 =	simm.s32 $0x108;
	_ =	swait.ge @!p0 [sflag:s8], $0x0  }
0x24: {  	s3 =	sadd.s32 $0x88, s3;
	s6 =	simm.s32 @!p1 $0x1082;
	[sflag:s4] =	ssyncset.s32 $0xFFFFF086  }
0x25: {  	[simem:s6], [sflag:s4] =	dma.local [hbm:s3], $0xF7A  }
0x26: {  	[smem:$0x3F9B] =	sst s1;
	(tag) =	ssettag s2;
	_ =	strace s9  }
0x27: {  	s1 =	sld [smem:$0x3FAB]  }
0x28: {  	s2 =	sld [smem:$0x3FAC]  }
0x29: {  	s4 =	sld [smem:$0x3FAE]  }
0x2a: {  	p0 =	seq.s32 s5, $0x0;
	s5 =	sld [smem:$0x3FAF]  }
0x2b: {  	s6 =	sld [smem:$0x3FB0]  }
0x2c: {  	s7 =	sld [smem:$0x3FB1]  }
0x2d: {  	s3 =	simm.s32 $0x108;
	s8 =	sld [smem:$0x3FB2]  }
0x2e: {  	s3 =	simm.s32 @!p0 $0x1082;
	s9 =	sld [smem:$0x3FB3]  }
0x2f: {  	lr =	sadd.s32 s0, s3;
	s0 =	sld [smem:$0x3FAA]  }
0x30: {  	s3 =	sld [smem:$0x3FAD]  }
0x31: {  	[smem:$0x3FB6] =	sst s10  }
0x32: {  	s10 =	sld [smem:$0x3FB4];
	_ =	sdelay $0x3  }
0x33: {  	p0 =	seq.s32 s10, $0x1;
	s10 =	sld [smem:$0x3FB6];
	_ =	sdelay $0x3  }
0x34: {  	[smem:$0x3FB6] =	sst s10  }
0x35: {  	s10 =	sld [smem:$0x3FB5];
	_ =	sdelay $0x3  }
0x36: {  	p1 =	seq.s32 s10, $0x1;
	s10 =	sld [smem:$0x3FB6];
	_ =	sdelay $0x3  }
0x37: {  	[smem:$0x3FB6] =	sst s10  }
0x38: {  	s10 =	sld [smem:$0x3FB7]  }
0x39: {  	_ = 	snop;
	(pc) =	sbr.ind lr, $3  }
0x3a: {  	_ = 	snop  }
0x3b: {  	_ = 	snop  }
0x3c: {  	p2 =	seq.s32 s10, $0x1;
	s10 =	sld [smem:$0x3FB6]  }
0x3d: {  	_ =	shalt  }
0x3e: {  	_ =	shalt  }
0x3f: {  	_ =	shalt  }
0x40: {  	_ =	shalt  }
0x41: {  	_ =	shalt  }
0x42: {  	_ =	shalt  }
0x43: {  	_ =	shalt  }
0x44: {  	_ =	shalt  }
0x45: {  	_ =	shalt  }
0x46: {  	_ =	shalt  }
0x47: {  	_ =	shalt  }
0x48: {  	_ =	shalt  }
0x49: {  	_ =	shalt  }
0x4a: {  	_ =	shalt  }
0x4b: {  	_ =	shalt  }
0x4c: {  	_ =	shalt  }
0x4d: {  	_ =	shalt  }
0x4e: {  	_ =	shalt  }
0x4f: {  	_ =	shalt  }
0x50: {  	_ =	shalt  }
0x51: {  	_ =	shalt  }
0x52: {  	_ =	shalt  }
0x53: {  	_ =	shalt  }
0x54: {  	_ =	shalt  }
0x55: {  	_ =	shalt  }
0x56: {  	_ =	shalt  }
0x57: {  	_ =	shalt  }
0x58: {  	_ =	shalt  }
0x59: {  	_ =	shalt  }
0x5a: {  	_ =	shalt  }
0x5b: {  	_ =	shalt  }
0x5c: {  	_ =	shalt  }
0x5d: {  	_ =	shalt  }
0x5e: {  	_ =	shalt  }
0x5f: {  	_ =	shalt  }
0x60: {  	_ =	shalt  }
0x61: {  	_ =	shalt  }
0x62: {  	_ =	shalt  }
0x63: {  	_ =	shalt  }
0x64: {  	_ =	shalt  }
0x65: {  	_ =	shalt  }
0x66: {  	_ =	shalt  }
0x67: {  	_ =	shalt  }
0x68: {  	_ =	shalt  }
0x69: {  	_ =	shalt  }
0x6a: {  	_ =	shalt  }
0x6b: {  	_ =	shalt  }
0x6c: {  	_ =	shalt  }
0x6d: {  	_ =	shalt  }
0x6e: {  	_ =	shalt  }
0x6f: {  	_ =	shalt  }
0x70: {  	_ =	shalt  }
0x71: {  	_ =	shalt  }
0x72: {  	_ =	shalt  }
0x73: {  	_ =	shalt  }
0x74: {  	_ =	shalt  }
0x75: {  	_ =	shalt  }
0x76: {  	_ =	shalt  }
0x77: {  	_ =	shalt  }
0x78: {  	_ =	shalt  }
0x79: {  	_ =	shalt  }
0x7a: {  	_ =	shalt  }
0x7b: {  	_ =	shalt  }
0x7c: {  	_ =	shalt  }
0x7d: {  	_ =	shalt  }
0x7e: {  	_ =	shalt  }
0x7f: {  	_ =	shalt  }
0x80: {  	_ =	shalt  }
0x81: {  	_ =	shalt  }
0x82: {  	_ =	shalt  }
0x83: {  	_ =	shalt  }
0x84: {  	_ =	shalt  }
0x85: {  	_ =	shalt  }
0x86: {  	_ =	shalt  }
0x87: {  	_ =	shalt  }
.Lfunc_end0:
.L_simem_size_0:
called_computation.2_lowered:
.L_overlay_start_0:
0x88: {  	s2 =	sld [smem:$0x3FD9]  }
0x89: {  	s3 =	sld [smem:$0x3FFE];
	_ =	sdelay $0x1  }
0x8a: {  	s1 =	srdreg.scid  }
0x8b: {  	s0 =	sand.u32 $0x1, s1  }
0x8c: {  	s17 =	sshll.u32 s0, $0xA;
	s2 =	sadd.s32 s3, s2  }
0x8d: {  	s2 =	sadd.s32 s2, s17  }
0x8e: {  	[smem:$0x3FC2] =	sst s2  }
0x8f: {  	_ = 	snop  }
0x90: {  	s2 =	sld [smem:$0x3FD0];
	(tm) =	ssettm $0x1  }
0x91: {  	s18 =	sld [smem:$0x3FFB];
	_ =	sdelay $0x3  }
0x92: {  	_ =	strace s18  }
0x93: {  	s3 =	sld [smem:$0x3FFC];
	_ =	sdelay $0x3  }
0x94: {  	_ =	strace s3  }
0x95: {  	s3 =	sld [smem:$0x3FFD];
	_ =	sdelay $0x3  }
0x96: {  	_ =	strace s3  }
0x97: {  	_ =	strace $0x8FFFFFFF  }
0x98: {  	s19 =	sld [smem:$0x3FDB];
	_ =	sdelay $0x1  }
0x99: {  	s4 =	simm.s32 $_scs_section_size  }
0x9a: {  	s5 =	simm.s32 $_size__tile_overlayer_lowered;
	s6 =	simm.s32 $_tile_overlayer_lowered  }
0x9b: {  	s22 =	simm.s32 $0x1BFF;
	s21 =	sshll.u32 s6, $0x1;
	s3 =	sadd.s32 s4, s19  }
0x9c: {  	s7 =	simm.s32 $0x0;
	s20 =	sshll.u32 s5, $0x1;
	s5 =	sadd.s32 s21, s3  }
0x9d: {  	[timem:s7], [sflag:s22] =	dma.local [hbm:s5], s20  }
0x9e: {  	_ =	swait.ge [sflag:s22], s20  }
0x9f: {  	s4 =	ssub.s32 $0x0, s20;
	[sflag:s22] =	ssyncset.done $0x0  }
0xa0: {  	[sflag:s22] =	ssyncadd.s32 s4;
	_ =	sdelay $0x1  }
0xa1: {  	s23 =	simm.s32 $0x1B8B  }
0xa2: {  	_ =	swait.ge [sflag:s23], $0x1  }
0xa3: {  	[sflag:s23] =	ssyncset.done $0x0  }
0xa4: {  	s25 =	simm.s32 $0x1B8E;
	s24 =	sld [smem:$0x3FFE];
	[sflag:s23] =	ssyncadd.s32 $0xFFFFFFFF  }
0xa5: {  	s26 =	simm.s32 $execute0_lowered;
	[smem:$0x3FD2] =	sst s25  }
0xa6: {  	s5 =	sshll.u32 s26, $0x1;
	_ =	strace $0x8000004C;
	[dreg:$0x1] =	wrdreg $0xFFFFFFFF  }
0xa7: {  	s28 =	simm.s32 $_size_execute0_lowered;
	s3 =	sadd.s32 s3, s5;
	[dreg:$0x0] =	wrdreg $0x0  }
0xa8: {  	s5 =	sshll.u32 s28, $0x1;
	[dreg:$0x2] =	wrdreg s3  }
0xa9: {  	[dreg:$0x3] =	wrdreg s5  }
0xaa: {  	[dreg:$0x4] =	wrdreg $0xC0  }
0xab: {  	_ =	task [dreg:s7], $0x5FFFF  }
0xac: {  	[dreg:$0x1] =	wrdreg $0xFFFFFFFF  }
0xad: {  	[dreg:$0x0] =	wrdreg $0x60  }
0xae: {  	[dreg:$0x2] =	wrdreg s24  }
0xaf: {  	[dreg:$0x3] =	wrdreg s2  }
0xb0: {  	[dreg:$0x4] =	wrdreg $0xC3000  }
0xb1: {  	[dreg:$0x5] =	wrdreg $0x9  }
0xb2: {  	_ =	task.clear_ibuf [dreg:s7], $0x6FFFF;
	_ =	strace $0x9000004C  }
0xb3: {  	s29 =	simm.s32 $0x9;
	_ =	strace $0x8000004E  }
0xb4: {  	_ =	swait.ge [sflag:s29], $0x1  }
0xb5: {  	[sflag:s29] =	ssyncadd.s32 $0xFFFFFFFF  }
0xb6: {  	_ =	strace $0x9000004E  }
0xb7: {  	_ =	sfence  }
0xb8: {  	s30 =	sld [smem:$0x0];
	_ =	sdelay $0x2  }
0xb9: {  	s31 =	sshll.u32 s1, $0xD;
	s1 =	sshrl.u32 s1, $0x2  }
0xba: {  	s3 =	sand.u32 $0x4000, s31;
	s1 =	sadd.s32 s1, s30  }
0xbb: {  	s0 =	sor.u32 s3, s0;
	s1 =	sshll.u32 s1, $0x11  }
0xbc: {  	s0 =	sor.u32 s1, s0  }
0xbd: {  	s0 =	sadd.s32 $0x8F2B, s0  }
0xbe: {  	[sflag:s0] =	ssyncadd.remote.s32 $0x1  }
0xbf: {  	_ =	sfence.sel $0xFFFF  }
0xc0: {  	[dreg:$0x0] =	wrdreg $0xFFFFFFFF;
	(pc) =	sbr.abs _section_cstart, $3  }
0xc1: {  	[dreg:$0x1] =	wrdreg $0xFFFFFFFF  }
0xc2: {  	_ =	task.clear_ibuf [dreg:s7], $0x2FFFF;
	_ =	strace $0x9FFFFFFF  }
0xc3: {  	(tm) =	ssettm $0x7FFFFFFF  }
tec
execute0_lowered:
.L_overlay_start_1:
0x0: {  	(tag) =	ssettag $0x1  }
0x1: {  	s0 =	rddreg [dreg:$0x0]  }
0x2: {  	s1 =	rddreg [dreg:$0x1]  }
0x3: {  	s2 =	rddreg [dreg:$0x2];
	s13 =	stileid.u32;
	s3 =	simm.s32 $0x0  }
0x4: {  	s5 =	srdreg.scid;
	s15 =	simm.s32 $0x80;
	s28 =	simm.s32 $0xB300  }
0x5: {  	s29 =	simm.s32 $0x380;
	s30 =	simm.s32 $0xBB00;
	s4 =	smul.u32 $0x83, s13  }
0x6: {  	s31 =	simm.s32 $0x0;
	s6 =	smul.u32 $0x19, s13;
	[smem:$0x7FF] =	sst s3  }
0x7: {  	s7 =	sand.u32 $0x1, s5;
	s21 =	smin.u32 s13, $0x4;
	s8 =	smul.u32 $0x2780, s13  }
0x8: {  	p1 =	slt.u32 s13, $0x4;
	s26 =	sshll.u32 s13, $0x6;
	p0 =	seq.s32 s7, $0x0  }
0x9: {  	_ =	strace $0x8000004D;
	s22 =	ssub.s32 $0x2, s7;
	s7 =	smul.u32 $0x27800, s7  }
0xa: {  	s13 =	sor.u32 $0x1C11, s26;
	s4 =	sadd.s32 $0x194, s4;
	s5 =	sadd.s32 s21, s6  }
0xb: {  	s10 =	sshrl.u32 s8, $0x3;
	s11 =	sshrl.u32 s22, $0x1;
	s12 =	sadd.s32 s8, s2  }
0xc: {  	s5 =	smov.u32 @p0 s4;
	s4 =	sadd.s32 $0xC200, s0;
	s23 =	ssub.s32 s22, s11  }
0xd: {  	s24 =	sadd.s32 s8, s7;
	s11 =	simm.s32 $0x11;
	s5 =	sshll.u32 s5, $0x4  }
0xe: {  	s14 =	sshrl.u32 s12, $0x3;
	s25 =	sshrl.u32 s24, $0x3;
	s9 =	sadd.s32 s5, s0  }
0xf: {  	s5 =	simm.s32 $0x1A;
	s0 =	sadd.s32 s10, s0;
	s10 =	smax.u32 s23, $0x1  }
0x10: {  	s5 =	simm.s32 @!p1 $0x19;
	s6 =	sadd.s32 $0x38C00, s9;
	s7 =	sadd.s32 $0x2400, s9  }
0x11: {  	s8 =	sadd.s32 $0x11200, s0;
	s9 =	sadd.s32 s1, s25;
	s5 =	simm.s32 @p0 $0x83  }
.LBB2_1:
0x12: {  	[tilespmem:s3], [sflag:$0x11] =	stream.linear.gather [hbm4b:s6+s3], $0x4180, $0x38;
	[tilespmem:$0xEA80] =	vst v63  }
0x13: {  	_ =	swait.ge [sflag:s11], $0x4180  }
0x14: {  	[sflag:s11] =	ssyncset.done $0x0  }
0x15: {  	s0 =	simm.s32 $0x4180;
	[sflag:s11] =	ssyncadd.s32 $0xFFFFBE80  }
0x16: {  	[tilespmem:s0], [sflag:$0x11] =	stream.linear.gather [hbm4b:s7+s3], $0x4180, $0x38;
	[tilespmem:$0xEA80] =	vst v63  }
0x17: {  	_ =	swait.ge [sflag:s11], $0x4180  }
0x18: {  	[sflag:s11] =	ssyncset.done $0x0  }
0x19: {  	[sflag:s11] =	ssyncadd.s32 $0xFFFFBE80  }
0x1a: {  	[spmem:s14], [sflag:s13] =	dma.local [hbm:s8], $0x4F0  }
0x1b: {  	_ =	swait.ge [sflag:s11], $0x4F0  }
0x1c: {  	[sflag:s11] =	ssyncset.done $0x0  }
0x1d: {  	[sflag:s11] =	ssyncadd.s32 $0xFFFFFB10  }
0x1e: {  	s17 =	simm.s32 $0x8300;
	[bflag:$0x0] =	sbarrier.arrive $0xFFFF  }
0x1f: {  	[tilespmem:s17], [sflag:$0x1] =	stream.indirect.gather [hbm4b:s4+s15], $0x10, s3, s15, $0xb8;
	[tilespmem:$0xEA80] =	vst v63  }
0x20: {  	s18 =	simm.s32 $0x8B00  }
0x21: {  	[tilespmem:s18], [sflag:$0x2] =	stream.indirect.gather [hbm4b:s4+s15], $0x10, s15, s15, $0xb8;
	[tilespmem:$0xEA80] =	vst v63  }
0x22: {  	s19 =	simm.s32 $0x100;
	s1 =	simm.s32 $0x9300  }
0x23: {  	[tilespmem:s1], [sflag:$0x3] =	stream.indirect.gather [hbm4b:s4+s15], $0x10, s19, s15, $0xb8;
	[tilespmem:$0xEA80] =	vst v63  }
0x24: {  	s20 =	simm.s32 $0x180;
	s21 =	simm.s32 $0x9B00  }
0x25: {  	[tilespmem:s21], [sflag:$0x4] =	stream.indirect.gather [hbm4b:s4+s15], $0x10, s20, s15, $0xb8;
	[tilespmem:$0xEA80] =	vst v63  }
0x26: {  	s22 =	simm.s32 $0x200;
	s23 =	simm.s32 $0xA300  }
0x27: {  	[tilespmem:s23], [sflag:$0x5] =	stream.indirect.gather [hbm4b:s4+s15], $0x10, s22, s15, $0xb8;
	[tilespmem:$0xEA80] =	vst v63  }
0x28: {  	s24 =	simm.s32 $0x280;
	s25 =	simm.s32 $0xAB00  }
0x29: {  	[tilespmem:s25], [sflag:$0x6] =	stream.indirect.gather [hbm4b:s4+s15], $0x10, s24, s15, $0xb8;
	[tilespmem:$0xEA80] =	vst v63  }
0x2a: {  	s26 =	simm.s32 $0x300;
	p0 =	sle.u32 s5, $0xFFFFFFFC  }
0x2b: {  	[tilespmem:s28], [sflag:$0x7] =	stream.indirect.gather [hbm4b:s4+s15], $0x10, s26, s15, $0xb8;
	[tilespmem:$0xEA80] =	vst v63  }
0x2c: {  	p2 =	sle.u32 @!p0 s5, $0x4;
	s0 =	simm.s32 @!p0 $0xD  }
0x2d: {  	[tilespmem:s30], [sflag:$0x8] =	stream.indirect.gather [hbm4b:s4+s15], $0x10, s29, s15, $0xb8;
	[tilespmem:$0xEA80] =	vst v63  }
0x2e: {  	p1 =	sle.u32 s5, $0x0;
	p2 =	por p2, p0;
	_ =	swait.ge @!p0 [sflag:s0], $0x800  }
0x2f: {  	s16 =	simm.s32 @!p1 $0x1;
	s12 =	simm.s32 @!p2 $0x80;
	[sflag:s0] =	ssyncset.done @!p0 $0x0  }
0x30: {  	s1 =	simm.s32 @!p2 $0xA300;
	[sflag:s0] =	ssyncadd.s32 @!p0 $0xFFFFF800;
	s0 =	simm.s32 @!p2 $0x200  }
0x31: {  	[tilespmem:s1], [sflag:$0x5] =	stream.indirect.gather @!p2 [hbm4b:s4+s12], $0x10, s0, s12, $0xb8;
	[tilespmem:$0xEA80] =	vst v63  }
0x32: {  	s17 =	simm.s32 @!p1 $0x8300;
	p0 =	sle.u32 s5, $0xFFFFFFFD;
	_ =	swait.ge @!p1 [sflag:s16], $0x800  }
0x33: {  	s0 =	simm.s32 @!p1 $0x4180;
	s1 =	simm.s32 @!p1 $0x80;
	[sflag:s16] =	ssyncset.done @!p1 $0x0  }
0x34: {  	p2 =	sle.u32 @!p0 s5, $0x5;
	s12 =	simm.s32 @!p0 $0xE;
	[sflag:s16] =	ssyncadd.s32 @!p1 $0xFFFFF800  }
0x35: {  	[spmem:s2] =	stream.indirect.scatter.add.f32 @!p1 [tilespmem:s17], [sflag:$0x9], $0x10, s0, s1, $0xb8;
	[tilespmem:$0xEA80] =	vst v63  }
0x36: {  	p3 =	sle.u32 s5, $0x1;
	p2 =	por p2, p0;
	_ =	swait.ge @!p0 [sflag:s12], $0x800  }
0x37: {  	s16 =	simm.s32 @!p3 $0x2;
	s0 =	simm.s32 @!p2 $0x80;
	[sflag:s12] =	ssyncset.done @!p0 $0x0  }
0x38: {  	s1 =	simm.s32 @!p2 $0x280;
	[sflag:s12] =	ssyncadd.s32 @!p0 $0xFFFFF800;
	s12 =	simm.s32 @!p2 $0xAB00  }
0x39: {  	[tilespmem:s12], [sflag:$0x6] =	stream.indirect.gather @!p2 [hbm4b:s4+s0], $0x10, s1, s0, $0xb8;
	[tilespmem:$0xEA80] =	vst v63  }
0x3a: {  	s17 =	simm.s32 @!p3 $0x80;
	p2 =	sle.u32 s5, $0xFFFFFFFE;
	_ =	swait.ge @!p3 [sflag:s16], $0x800  }
0x3b: {  	s0 =	simm.s32 @!p3 $0x4200;
	s1 =	simm.s32 @!p3 $0x8B00;
	[sflag:s16] =	ssyncset.done @!p3 $0x0  }
0x3c: {  	s12 =	simm.s32 @!p2 $0xF;
	p4 =	sle.u32 @!p2 s5, $0x6;
	[sflag:s16] =	ssyncadd.s32 @!p3 $0xFFFFF800  }
0x3d: {  	[spmem:s2] =	stream.indirect.scatter.add.f32 @!p3 [tilespmem:s1], [sflag:$0xA], $0x10, s0, s17, $0xb8;
	[tilespmem:$0xEA80] =	vst v63  }
0x3e: {  	p0 =	sle.u32 s5, $0x2;
	p4 =	por p4, p2;
	_ =	swait.ge @!p2 [sflag:s12], $0x800  }
0x3f: {  	s16 =	simm.s32 @!p4 $0x80;
	s0 =	simm.s32 @!p0 $0x3;
	[sflag:s12] =	ssyncset.done @!p2 $0x0  }
0x40: {  	s1 =	simm.s32 @!p4 $0x300;
	[sflag:s12] =	ssyncadd.s32 @!p2 $0xFFFFF800;
	s12 =	simm.s32 @!p4 $0xB300  }
0x41: {  	[tilespmem:s12], [sflag:$0x7] =	stream.indirect.gather @!p4 [hbm4b:s4+s16], $0x10, s1, s16, $0xb8;
	[tilespmem:$0xEA80] =	vst v63  }
0x42: {  	p2 =	sle.u32 s5, $0xFFFFFFFF;
	_ =	swait.ge @!p0 [sflag:s0], $0x800  }
0x43: {  	s1 =	simm.s32 @!p0 $0x80;
	s12 =	simm.s32 @!p0 $0x4280;
	[sflag:s0] =	ssyncset.done @!p0 $0x0  }
0x44: {  	s16 =	simm.s32 @!p0 $0x9300;
	s17 =	simm.s32 @!p2 $0x10;
	[sflag:s0] =	ssyncadd.s32 @!p0 $0xFFFFF800  }
0x45: {  	[spmem:s2] =	stream.indirect.scatter.add.f32 @!p0 [tilespmem:s16], [sflag:$0xB], $0x10, s12, s1, $0xb8;
	[tilespmem:$0xEA80] =	vst v63  }
0x46: {  	p4 =	sle.u32 @!p2 s5, $0x7;
	_ =	swait.ge @!p2 [sflag:s17], $0x800  }
0x47: {  	p4 =	por p4, p2;
	[sflag:s17] =	ssyncset.done @!p2 $0x0  }
0x48: {  	s0 =	simm.s32 @!p4 $0x380;
	[sflag:s17] =	ssyncadd.s32 @!p2 $0xFFFFF800;
	p2 =	sle.u32 s5, $0x3  }
0x49: {  	s1 =	simm.s32 @!p4 $0x80;
	s12 =	simm.s32 @!p4 $0xBB00;
	s16 =	simm.s32 @!p2 $0x4  }
0x4a: {  	[tilespmem:s12], [sflag:$0x8] =	stream.indirect.gather @!p4 [hbm4b:s4+s1], $0x10, s0, s1, $0xb8;
	[tilespmem:$0xEA80] =	vst v63  }
0x4b: {  	s0 =	simm.s32 @!p2 $0x4300;
	_ =	swait.ge @!p2 [sflag:s16], $0x800  }
0x4c: {  	s1 =	simm.s32 @!p2 $0x80;
	s12 =	simm.s32 @!p2 $0x9B00;
	[sflag:s16] =	ssyncset.done @!p2 $0x0  }
0x4d: {  	p4 =	sle.u32 @!p1 s5, $0x8;
	[sflag:s16] =	ssyncadd.s32 @!p2 $0xFFFFF800;
	s16 =	simm.s32 @!p1 $0x9  }
0x4e: {  	[spmem:s2] =	stream.indirect.scatter.add.f32 @!p2 [tilespmem:s12], [sflag:$0xC], $0x10, s0, s1, $0xb8;
	[tilespmem:$0xEA80] =	vst v63  }
0x4f: {  	p4 =	por p4, p1;
	_ =	swait.ge @!p1 [sflag:s16], $0x800  }
0x50: {  	s0 =	simm.s32 @!p4 $0x400;
	s1 =	simm.s32 @!p4 $0x8300;
	[sflag:s16] =	ssyncset.done @!p1 $0x0  }
0x51: {  	s12 =	simm.s32 @!p4 $0x80;
	[sflag:s16] =	ssyncadd.s32 @!p1 $0xFFFFF800;
	p1 =	sle.u32 s5, $0x4  }
0x52: {  	[tilespmem:s1], [sflag:$0x1] =	stream.indirect.gather @!p4 [hbm4b:s4+s12], $0x10, s0, s12, $0xb8;
	[tilespmem:$0xEA80] =	vst v63  }
0x53: {  	s0 =	simm.s32 @!p1 $0x5  }
0x54: {  	_ =	swait.ge @!p1 [sflag:s0], $0x800  }
0x55: {  	s1 =	simm.s32 @!p1 $0x4380;
	[sflag:s0] =	ssyncset.done @!p1 $0x0  }
0x56: {  	s12 =	simm.s32 @!p1 $0xA300;
	s16 =	simm.s32 @!p1 $0x80;
	[sflag:s0] =	ssyncadd.s32 @!p1 $0xFFFFF800  }
0x57: {  	[spmem:s2] =	stream.indirect.scatter.add.f32 @!p1 [tilespmem:s12], [sflag:$0xD], $0x10, s1, s16, $0xb8;
	[tilespmem:$0xEA80] =	vst v63  }
0x58: {  	s17 =	simm.s32 @!p3 $0xA;
	p1 =	sle.u32 @!p3 s5, $0x9  }
0x59: {  	_ =	swait.ge @!p3 [sflag:s17], $0x800;
	p1 =	por p1, p3  }
0x5a: {  	[sflag:s17] =	ssyncset.done @!p3 $0x0;
	s0 =	simm.s32 @!p1 $0x480  }
0x5b: {  	s1 =	simm.s32 @!p1 $0x80;
	s12 =	simm.s32 @!p1 $0x8B00;
	[sflag:s17] =	ssyncadd.s32 @!p3 $0xFFFFF800  }
0x5c: {  	[tilespmem:s12], [sflag:$0x2] =	stream.indirect.gather @!p1 [hbm4b:s4+s1], $0x10, s0, s1, $0xb8;
	[tilespmem:$0xEA80] =	vst v63  }
0x5d: {  	p1 =	sle.u32 s5, $0x5  }
0x5e: {  	s0 =	simm.s32 @!p1 $0x6  }
0x5f: {  	s18 =	simm.s32 @!p2 $0xC;
	p3 =	sle.u32 s5, $0x6;
	_ =	swait.ge @!p1 [sflag:s0], $0x800  }
0x60: {  	s17 =	simm.s32 $0x0;
	s1 =	simm.s32 @!p1 $0x4400;
	[sflag:s0] =	ssyncset.done @!p1 $0x0  }
0x61: {  	s12 =	simm.s32 @!p1 $0xAB00;
	s16 =	simm.s32 @!p1 $0x80;
	[sflag:s0] =	ssyncadd.s32 @!p1 $0xFFFFF800  }
0x62: {  	[spmem:s2] =	stream.indirect.scatter.add.f32 @!p1 [tilespmem:s12], [sflag:$0xE], $0x10, s1, s16, $0xb8;
	[tilespmem:$0xEA80] =	vst v63  }
0x63: {  	s19 =	simm.s32 @!p3 $0x7;
	s20 =	simm.s32 @!p3 $0x4480;
	p1 =	sle.u32 @!p0 s5, $0xA  }
0x64: {  	s21 =	simm.s32 @!p3 $0x80;
	s0 =	simm.s32 @!p0 $0xB;
	p1 =	por p1, p0  }
0x65: {  	s22 =	simm.s32 @!p3 $0xB300;
	_ =	swait.ge @!p0 [sflag:s0], $0x800;
	s1 =	simm.s32 @!p1 $0x500  }
0x66: {  	[sflag:s0] =	ssyncset.done @!p0 $0x0;
	s12 =	simm.s32 @!p1 $0x80;
	s16 =	simm.s32 @!p1 $0x9300  }
0x67: {  	[sflag:s0] =	ssyncadd.s32 @!p0 $0xFFFFF800;
	p0 =	sle.u32 @!p2 s5, $0xB;
	s0 =	simm.s32 $0x13  }
0x68: {  	[tilespmem:s16], [sflag:$0x3] =	stream.indirect.gather @!p1 [hbm4b:s4+s12], $0x10, s1, s12, $0xb8;
	[tilespmem:$0xEA80] =	vst v63  }
0x69: {  	s12 =	simm.s32 $0xB;
	p5 =	por p0, p2;
	_ =	swait.ge @!p3 [sflag:s19], $0x800  }
0x6a: {  	s1 =	simm.s32 $0x0;
	s16 =	simm.s32 @!p5 $0x580;
	[sflag:s19] =	ssyncset.done @!p3 $0x0  }
.LBB2_2:
0x6b: {  	[sflag:s19] =	ssyncadd.s32 @!p3 $0xFFFFF800;
	s25 =	smov.u32 s0;
	s0 =	sadd.s32 $0x8, s0  }
0x6c: {  	[spmem:s2] =	stream.indirect.scatter.add.f32 @!p3 [tilespmem:s22], [sflag:$0xF], $0x10, s20, s21, $0xb8;
	[tilespmem:$0xEA80] =	vst v63  }
0x6d: {  	p0 =	sne.s32 s0, $0x93  }
0x6e: {  	s20 =	simm.s32 @!p0 $0x0  }
0x6f: {  	s20 =	simm.s32 @p0 $0x1  }
0x70: {  	s1 =	sadd.s32 $0x1000, s1;
	s26 =	sadd.s32 $0xFFFFFFF7, s25;
	[smem:$0x7FD] =	sst s20  }
0x71: {  	s12 =	sadd.s32 $0xFFFFFFFC, s12;
	p6 =	sge.u32 s26, s5;
	_ =	swait.ge @!p2 [sflag:s18], $0x800  }
0x72: {  	p0 =	sge.u32 s12, s5;
	s12 =	simm.s32 @!p5 $0x80;
	[sflag:s18] =	ssyncset.done @!p2 $0x0  }
0x73: {  	s20 =	simm.s32 @!p5 $0x9B00;
	[sflag:s18] =	ssyncadd.s32 @!p2 $0xFFFFF800;
	s18 =	simm.s32 @!p0 $0x8  }
0x74: {  	[tilespmem:s20], [sflag:$0x4] =	stream.indirect.gather @!p5 [hbm4b:s4+s12], $0x10, s16, s12, $0xb8;
	[tilespmem:$0xEA80] =	vst v63  }
0x75: {  	s12 =	sshra.s32 @!p0 s17, $0x2;
	s16 =	simm.s32 @!p0 $0xBB00;
	s20 =	simm.s32 @!p0 $0x80  }
0x76: {  	_ =	swait.ge @!p0 [sflag:s18], $0x800;
	s17 =	sadd.s32 @!p0 $0x4500, s12;
	s12 =	smov.u32 s25  }
0x77: {  	[sflag:s18] =	ssyncset.done @!p0 $0x0;
	s23 =	sadd.s32 $0xFFFFFFF5, s12;
	s24 =	sadd.s32 $0xFFFFFFF1, s12  }
0x78: {  	s19 =	sadd.s32 $0xFFFFFFF3, s12;
	[sflag:s18] =	ssyncadd.s32 @!p0 $0xFFFFF800;
	p3 =	sge.u32 s23, s5  }
0x79: {  	[spmem:s2] =	stream.indirect.scatter.add.f32 @!p0 [tilespmem:s16], [sflag:$0x10], $0x10, s17, s20, $0xb8;
	[tilespmem:$0xEA80] =	vst v63  }
0x7a: {  	s18 =	sshra.s32 @!p6 s1, $0x2;
	p5 =	sge.u32 s19, s5;
	p0 =	sge.u32 s24, s5  }
0x7b: {  	s20 =	sadd.s32 $0xFFFFFFF2, s12;
	s22 =	sshra.s32 @!p3 s1, $0x2;
	s25 =	simm.s32 @!p3 $0x1  }
0x7c: {  	s26 =	simm.s32 @!p3 $0x8300;
	s16 =	simm.s32 @!p0 $0xD;
	s17 =	sadd.s32 @!p0 $0xFFFFFFF9, s12  }
0x7d: {  	s19 =	simm.s32 @!p3 $0x80;
	_ =	swait.ge @!p0 [sflag:s16], $0x800;
	p1 =	sge.u32 @!p0 s17, s5  }
0x7e: {  	s22 =	sadd.s32 @!p3 $0x4180, s22;
	[sflag:s16] =	ssyncset.done @!p0 $0x0;
	p1 =	por p1, p0  }
0x7f: {  	[sflag:s16] =	ssyncadd.s32 @!p0 $0xFFFFF800;
	s17 =	sshra.s32 @!p1 s1, $0x2;
	s16 =	simm.s32 @!p6 $0x80  }
0x80: {  	s23 =	simm.s32 @!p1 $0xA300;
	s24 =	simm.s32 @!p1 $0x80;
	p0 =	sge.u32 s20, s5  }
0x81: {  	s21 =	sadd.s32 @!p1 $0x200, s17;
	s17 =	simm.s32 @!p6 $0x3;
	s20 =	sadd.s32 @!p0 $0xFFFFFFFA, s12  }
0x82: {  	[tilespmem:s23], [sflag:$0x5] =	stream.indirect.gather @!p1 [hbm4b:s4+s24], $0x10, s21, s24, $0xb8;
	[tilespmem:$0xEA80] =	vst v63  }
0x83: {  	s21 =	simm.s32 @!p0 $0xE;
	p1 =	sge.u32 @!p0 s20, s5;
	_ =	swait.ge @!p3 [sflag:s25], $0x800  }
0x84: {  	s24 =	sadd.s32 @!p5 $0xFFFFFFFB, s12;
	p2 =	por p1, p0;
	[sflag:s25] =	ssyncset.done @!p3 $0x0  }
0x85: {  	s20 =	simm.s32 @!p2 $0xAB00;
	[sflag:s25] =	ssyncadd.s32 @!p3 $0xFFFFF800;
	s25 =	sadd.s32 $0xFFFFFFF6, s12  }
0x86: {  	[spmem:s2] =	stream.indirect.scatter.add.f32 @!p3 [tilespmem:s26], [sflag:$0x9], $0x10, s22, s19, $0xb8;
	[tilespmem:$0xEA80] =	vst v63  }
0x87: {  	s19 =	sshra.s32 @!p2 s1, $0x2;
	s22 =	simm.s32 @!p2 $0x80;
	p4 =	sge.u32 s25, s5  }
0x88: {  	_ =	swait.ge @!p0 [sflag:s21], $0x800;
	s19 =	sadd.s32 @!p2 $0x280, s19;
	s23 =	sshra.s32 @!p4 s1, $0x2  }
0x89: {  	s25 =	sadd.s32 @!p4 $0xFFFFFFFE, s12;
	s26 =	simm.s32 @!p4 $0x8B00;
	[sflag:s21] =	ssyncset.done @!p0 $0x0  }
0x8a: {  	s23 =	sadd.s32 @!p4 $0x4200, s23;
	p1 =	sge.u32 @!p4 s25, s5;
	s25 =	sadd.s32 @!p6 $0xFFFFFFFF, s12  }
0x8b: {  	[sflag:s21] =	ssyncadd.s32 @!p0 $0xFFFFF800;
	s21 =	simm.s32 @!p4 $0x2;
	p0 =	sge.u32 @!p5 s24, s5  }
0x8c: {  	[tilespmem:s20], [sflag:$0x6] =	stream.indirect.gather @!p2 [hbm4b:s4+s22], $0x10, s19, s22, $0xb8;
	[tilespmem:$0xEA80] =	vst v63  }
0x8d: {  	p1 =	por p1, p4;
	s19 =	simm.s32 @!p5 $0xF;
	s20 =	simm.s32 @!p4 $0x80  }
0x8e: {  	p0 =	por p0, p5;
	s22 =	sadd.s32 @!p3 $0xFFFFFFFD, s12;
	_ =	swait.ge @!p4 [sflag:s21], $0x800  }
0x8f: {  	s24 =	sshra.s32 @!p1 s1, $0x2;
	p2 =	sge.u32 @!p3 s22, s5;
	[sflag:s21] =	ssyncset.done @!p4 $0x0  }
0x90: {  	s22 =	sadd.s32 @!p6 $0x4280, s18;
	[sflag:s21] =	ssyncadd.s32 @!p4 $0xFFFFF800;
	s21 =	sshra.s32 @!p0 s1, $0x2  }
0x91: {  	[spmem:s2] =	stream.indirect.scatter.add.f32 @!p4 [tilespmem:s26], [sflag:$0xA], $0x10, s23, s20, $0xb8;
	[tilespmem:$0xEA80] =	vst v63  }
0x92: {  	s20 =	sadd.s32 @!p0 $0x300, s21;
	s21 =	simm.s32 @!p0 $0x80;
	s23 =	simm.s32 @!p1 $0x0  }
0x93: {  	s26 =	sadd.s32 $0xFFFFFFF4, s12;
	_ =	swait.ge @!p5 [sflag:s19], $0x800;
	s23 =	simm.s32 @p1 $0x1  }
0x94: {  	[sflag:s19] =	ssyncset.done @!p5 $0x0;
	[smem:$0x7FC] =	sst s23;
	s23 =	simm.s32 @!p6 $0x9300  }
0x95: {  	[sflag:s19] =	ssyncadd.s32 @!p5 $0xFFFFF800;
	s19 =	simm.s32 @!p0 $0xB300;
	p5 =	sge.u32 s26, s5  }
0x96: {  	[tilespmem:s19], [sflag:$0x7] =	stream.indirect.gather @!p0 [hbm4b:s4+s21], $0x10, s20, s21, $0xb8;
	[tilespmem:$0xEA80] =	vst v63  }
0x97: {  	s18 =	sadd.s32 @!p5 $0xFFFFFFFC, s12;
	s19 =	simm.s32 @!p5 $0x10;
	_ =	swait.ge @!p6 [sflag:s17], $0x800  }
0x98: {  	p0 =	sge.u32 @!p5 s18, s5;
	s18 =	sadd.s32 @!p1 $0x480, s24;
	p1 =	sge.u32 @!p6 s25, s5  }
0x99: {  	s24 =	sadd.s32 $0xFFFFFFF9, s12;
	[sflag:s17] =	ssyncset.done @!p6 $0x0;
	s20 =	simm.s32 @!p1 $0x0  }
0x9a: {  	p0 =	por p0, p5;
	[sflag:s17] =	ssyncadd.s32 @!p6 $0xFFFFF800;
	s20 =	simm.s32 @p1 $0x1  }
0x9b: {  	s17 =	sshra.s32 @!p0 s1, $0x2;
	p1 =	por p2, p3;
	[smem:$0x7FB] =	sst s20  }
0x9c: {  	[spmem:s2] =	stream.indirect.scatter.add.f32 @!p6 [tilespmem:s23], [sflag:$0xB], $0x10, s22, s16, $0xb8;
	[tilespmem:$0xEA80] =	vst v63  }
0x9d: {  	s16 =	sadd.s32 @!p0 $0x380, s17;
	s23 =	sadd.s32 $0xFFFFFFF8, s12;
	_ =	swait.ge @!p5 [sflag:s19], $0x800  }
0x9e: {  	s17 =	simm.s32 @!p0 $0x80;
	p2 =	sge.u32 s23, s5;
	[sflag:s19] =	ssyncset.done @!p5 $0x0  }
0x9f: {  	s20 =	simm.s32 @!p2 $0x4;
	[sflag:s19] =	ssyncadd.s32 @!p5 $0xFFFFF800;
	s19 =	simm.s32 @!p0 $0xBB00  }
0xa0: {  	[tilespmem:s19], [sflag:$0x8] =	stream.indirect.gather @!p0 [hbm4b:s4+s17], $0x10, s16, s17, $0xb8;
	[tilespmem:$0xEA80] =	vst v63  }
0xa1: {  	s22 =	sshra.s32 @!p1 s1, $0x2;
	s21 =	sshra.s32 @!p2 s1, $0x2;
	_ =	swait.ge @!p2 [sflag:s20], $0x800  }
0xa2: {  	s16 =	sadd.s32 @!p2 $0x4300, s21;
	s19 =	simm.s32 @!p2 $0x80;
	[sflag:s20] =	ssyncset.done @!p2 $0x0  }
0xa3: {  	s21 =	simm.s32 @!p2 $0x9B00;
	[sflag:s20] =	ssyncadd.s32 @!p2 $0xFFFFF800;
	s20 =	simm.s32 @!p3 $0x9  }
0xa4: {  	[spmem:s2] =	stream.indirect.scatter.add.f32 @!p2 [tilespmem:s21], [sflag:$0xC], $0x10, s16, s19, $0xb8;
	[tilespmem:$0xEA80] =	vst v63  }
0xa5: {  	s17 =	sadd.s32 @!p1 $0x400, s22;
	p0 =	sge.u32 @!p2 s12, s5;
	_ =	swait.ge @!p3 [sflag:s20], $0x800  }
0xa6: {  	p5 =	por p0, p2;
	s19 =	simm.s32 @!p1 $0x8300;
	[sflag:s20] =	ssyncset.done @!p3 $0x0  }
0xa7: {  	[sflag:s20] =	ssyncadd.s32 @!p3 $0xFFFFF800;
	s20 =	simm.s32 @!p1 $0x80;
	p3 =	sge.u32 s24, s5  }
0xa8: {  	[tilespmem:s19], [sflag:$0x1] =	stream.indirect.gather @!p1 [hbm4b:s4+s20], $0x10, s17, s20, $0xb8;
	[tilespmem:$0xEA80] =	vst v63  }
0xa9: {  	s22 =	simm.s32 @!p4 $0xA;
	s21 =	sshra.s32 @!p5 s1, $0x2;
	s17 =	simm.s32 @!p3 $0x5  }
0xaa: {  	s16 =	sadd.s32 @!p5 $0x580, s21;
	s19 =	sshra.s32 @!p3 s1, $0x2;
	_ =	swait.ge @!p3 [sflag:s17], $0x800  }
0xab: {  	s20 =	simm.s32 @!p3 $0xA300;
	s21 =	simm.s32 @!p3 $0x80;
	[sflag:s17] =	ssyncset.done @!p3 $0x0  }
0xac: {  	s19 =	sadd.s32 @!p3 $0x4380, s19;
	s25 =	sld [smem:$0x7FB];
	[sflag:s17] =	ssyncadd.s32 @!p3 $0xFFFFF800  }
0xad: {  	[spmem:s2] =	stream.indirect.scatter.add.f32 @!p3 [tilespmem:s20], [sflag:$0xD], $0x10, s19, s21, $0xb8;
	[tilespmem:$0xEA80] =	vst v63  }
0xae: {  	_ =	swait.ge @!p4 [sflag:s22], $0x800  }
0xaf: {  	s24 =	sld [smem:$0x7FC]  }
0xb0: {  	p1 =	seq.s32 s25, $0x1  }
0xb1: {  	s26 =	sadd.s32 $0xFFFFFFFA, s12;
	p0 =	por p1, p6  }
0xb2: {  	[sflag:s22] =	ssyncset.done @!p4 $0x0;
	p1 =	sge.u32 s26, s5;
	p3 =	seq.s32 s24, $0x1  }
0xb3: {  	[sflag:s22] =	ssyncadd.s32 @!p4 $0xFFFFF800;
	s21 =	simm.s32 @!p3 $0x80;
	s23 =	simm.s32 @!p3 $0x8B00  }
0xb4: {  	[tilespmem:s23], [sflag:$0x2] =	stream.indirect.gather @!p3 [hbm4b:s4+s21], $0x10, s18, s21, $0xb8;
	[tilespmem:$0xEA80] =	vst v63  }
0xb5: {  	s18 =	simm.s32 @!p1 $0x6  }
0xb6: {  	s20 =	sshra.s32 @!p0 s1, $0x2;
	s19 =	sshra.s32 @!p1 s1, $0x2;
	_ =	swait.ge @!p1 [sflag:s18], $0x800  }
0xb7: {  	s22 =	simm.s32 @!p1 $0x80;
	s19 =	sadd.s32 @!p1 $0x4400, s19;
	[sflag:s18] =	ssyncset.done @!p1 $0x0  }
0xb8: {  	s21 =	simm.s32 @!p1 $0xAB00;
	s23 =	simm.s32 @!p6 $0xB;
	[sflag:s18] =	ssyncadd.s32 @!p1 $0xFFFFF800  }
0xb9: {  	[spmem:s2] =	stream.indirect.scatter.add.f32 @!p1 [tilespmem:s21], [sflag:$0xE], $0x10, s19, s22, $0xb8;
	[tilespmem:$0xEA80] =	vst v63  }
0xba: {  	s25 =	sadd.s32 $0xFFFFFFFB, s12;
	s20 =	sadd.s32 @!p0 $0x500, s20;
	_ =	swait.ge @!p6 [sflag:s23], $0x800  }
0xbb: {  	p3 =	sge.u32 s25, s5;
	s21 =	simm.s32 @!p0 $0x80;
	[sflag:s23] =	ssyncset.done @!p6 $0x0  }
0xbc: {  	s22 =	simm.s32 @!p0 $0x9300;
	s19 =	simm.s32 @!p3 $0x7;
	[sflag:s23] =	ssyncadd.s32 @!p6 $0xFFFFF800  }
0xbd: {  	[tilespmem:s22], [sflag:$0x3] =	stream.indirect.gather @!p0 [hbm4b:s4+s21], $0x10, s20, s21, $0xb8;
	[tilespmem:$0xEA80] =	vst v63  }
0xbe: {  	_ =	swait.ge @!p3 [sflag:s19], $0x800  }
0xbf: {  	s26 =	sld [smem:$0x7FD];
	_ =	sdelay $0x2  }
0xc0: {  	p0 =	seq.s32 s26, $0x1  }
.Ltmp0:
0xc1: {  	_ = 	snop;
	(pc) =	sbr.rel @p0 .LBB2_2-.Ltmp0, $4  }
0xc2: {  	_ = 	snop  }
0xc3: {  	s18 =	sshra.s32 @!p3 s1, $0x2  }
0xc4: {  	s17 =	smov.u32 s1;
	s20 =	sadd.s32 @!p3 $0x4480, s18;
	s18 =	simm.s32 @!p2 $0xC  }
0xc5: {  	s21 =	simm.s32 @!p3 $0x80;
	s22 =	simm.s32 @!p3 $0xB300;
	[sflag:s19] =	ssyncset.done @!p3 $0x0  }
0xc6: {  	[sflag:s19] =	ssyncadd.s32 @!p3 $0xFFFFF800  }
0xc7: {  	[spmem:s2] =	stream.indirect.scatter.add.f32 @!p3 [tilespmem:s22], [sflag:$0xF], $0x10, s20, s21, $0xb8;
	[tilespmem:$0xEA80] =	vst v63  }
0xc8: {  	s0 =	sadd.s32 $0xFFFFFFFC, s12;
	_ =	swait.ge @!p2 [sflag:s18], $0x800  }
0xc9: {  	s1 =	simm.s32 @!p5 $0x9B00;
	p0 =	sge.u32 s0, s5;
	[sflag:s18] =	ssyncset.done @!p2 $0x0  }
0xca: {  	s0 =	simm.s32 @!p5 $0x80;
	s12 =	simm.s32 @!p0 $0x8;
	[sflag:s18] =	ssyncadd.s32 @!p2 $0xFFFFF800  }
0xcb: {  	[tilespmem:s1], [sflag:$0x4] =	stream.indirect.gather @!p5 [hbm4b:s4+s0], $0x10, s16, s0, $0xb8;
	[tilespmem:$0xEA80] =	vst v63  }
0xcc: {  	s31 =	sadd.s32 $0x1, s31;
	_ =	swait.ge @!p0 [sflag:s12], $0x800  }
0xcd: {  	s0 =	sshra.s32 @!p0 s17, $0x2;
	s1 =	simm.s32 @!p0 $0xBB00;
	[sflag:s12] =	ssyncset.done @!p0 $0x0  }
0xce: {  	s16 =	simm.s32 @!p0 $0x80;
	s0 =	sadd.s32 @!p0 $0x4500, s0;
	[sflag:s12] =	ssyncadd.s32 @!p0 $0xFFFFF800  }
0xcf: {  	[spmem:s2] =	stream.indirect.scatter.add.f32 @!p0 [tilespmem:s1], [sflag:$0x10], $0x10, s0, s16, $0xb8;
	[tilespmem:$0xEA80] =	vst v63  }
0xd0: {  	p0 =	sne.s32 s31, s10  }
.Ltmp1:
0xd1: {  	[bflag:$0x0] =	sbarrier.arrive $0xFFFF;
	(pc) =	sbr.rel @p0 .LBB2_1-.Ltmp1, $4  }
0xd2: {  	[hbm:s9], [sflag:s13] =	dma.local [spmem:s14], $0x4F0  }
0xd3: {  	_ =	swait.ge [sflag:s11], $0x4F0  }
0xd4: {  	[sflag:s11] =	ssyncset.done $0x0  }
0xd5: {  	[sflag:s11] =	ssyncadd.s32 $0xFFFFFB10  }
0xd6: {  	_ =	sfence.sel $0x180000  }
0xd7: {  	[bflag:$0x0] =	sbarrier.arrive $0xFFFF  }
0xd8: {  	_ =	strace $0x9000004D  }
0xd9: {  	s0 =	stileid.u32;
	[bflag:$0x2] =	sbarrier.arrive $0xFFFF  }
0xda: {  	p0 =	sne.s32 s0, $0x0;
	s0 =	rddreg [dreg:$0x3]  }
0xdb: {  	s0 =	sadd.s32 @!p0 $0x100000, s0  }
0xdc: {  	[sflag:s0] =	ssyncadd.tile.s32 @!p0 $0x1;
	_ =	shalt  }
.Lfunc_end2:
_tile_overlayer_lowered:
.L_overlay_start_2:
0xdd: {  	(tag) =	ssettag $0x2  }
0xde: {  	s0 =	rddreg [dreg:$0x0];
	s2 =	stileid.u32  }
0xdf: {  	s1 =	rddreg [dreg:$0x1];
	p0 =	sne.s32 s2, $0x0  }
0xe0: {  	s3 =	rddreg [dreg:$0x2];
	[bflag:$0x3] =	sbarrier.arrive $0xFFFF;
	s2 =	simm.s32 @!p0 $0x1C11  }
0xe1: {  	[timem:s3], [sflag:s2] =	dma.local @!p0 [hbm:s0], s1  }
0xe2: {  	s0 =	simm.s32 @!p0 $0x11  }
0xe3: {  	_ =	swait.ge @!p0 [sflag:s0], s1  }
0xe4: {  	s1 =	ssub.s32 @!p0 $0x0, s1;
	[sflag:s0] =	ssyncset.done @!p0 $0x0  }
0xe5: {  	[sflag:s0] =	ssyncadd.s32 @!p0 s1  }
0xe6: {  	[bflag:$0x3] =	sbarrier.arrive $0xFFFF  }
0xe7: {  	_ =	shalt  }

// kernel: kernel.9.cloned.1.call-start
scs
__scs_entry_jumppad:
0x0: {  	(pc) =	sbr.rel $0x88, $3  }
0x1: {  	(tag) =	ssettag $0x0;
	lr =	simm.s32 $0x1  }
0x2: {  	[smem:$0x3F9B] =	sst lr;
	_ =	strace $0xD0000000  }
0x3: {  	_ = 	snop  }
0x4: {  	_ = 	snop  }
0x5: {  	_ = 	snop  }
0x6: {  	_ = 	snop  }
0x7: {  	_ = 	snop  }
__scs_overlays_trampoline_lowered:
0x8: {  	[smem:$0x3FAA] =	sst s0  }
0x9: {  	[smem:$0x3FAB] =	sst s1  }
0xa: {  	[smem:$0x3FAC] =	sst s2  }
0xb: {  	[smem:$0x3FAD] =	sst s3  }
0xc: {  	[smem:$0x3FAE] =	sst s4  }
0xd: {  	[smem:$0x3FAF] =	sst s5  }
0xe: {  	[smem:$0x3FB0] =	sst s6  }
0xf: {  	[smem:$0x3FB1] =	sst s7  }
0x10: {  	[smem:$0x3FB2] =	sst s8  }
0x11: {  	[smem:$0x3FB3] =	sst s9;
	s0 =	simm.s32 @!p0 $0x0  }
0x12: {  	s1 =	sld [smem:$0x3F99];
	s0 =	simm.s32 @p0 $0x1  }
0x13: {  	[smem:$0x3FB4] =	sst s0;
	s0 =	simm.s32 @!p1 $0x0  }
0x14: {  	s2 =	sld [smem:$0x3F98];
	s0 =	simm.s32 @p1 $0x1  }
0x15: {  	[smem:$0x3FB5] =	sst s0;
	s0 =	simm.s32 @!p2 $0x0  }
0x16: {  	s3 =	sld [smem:$0x3FDB];
	s0 =	simm.s32 @p2 $0x1  }
0x17: {  	s4 =	simm.s32 $0x1BF5;
	[smem:$0x3FB7] =	sst s0  }
0x18: {  	s0 =	sld [smem:$0x3F9A];
	_ =	swait.ge [sflag:s4], $0x0  }
0x19: {  	s7 =	sld [smem:$0x3F9B]  }
0x1a: {  	s8 =	sadd.s32 $0xFFFFE003, lr  }
0x1b: {  	s9 =	sadd.s32 $0xFFFFFEF7, lr;
	s5 =	simm.s32 $0xFFFFFFFF;
	p2 =	slt.u32 s8, $0xFFFFF086  }
0x1c: {  	p1 =	slt.u32 s9, $0xF7A;
	s5 =	simm.s32 @!p2 $0x0  }
0x1d: {  	s5 =	simm.s32 @p1 $0x1;
	p0 =	seq.s32 s7, s2  }
0x1e: {  	s7 =	smul.u32 @!p0 $0xF7A, s2;
	p2 =	seq.s32 @!p0 s5, $0x0  }
0x1f: {  	s9 =	smul.u32 $0xF7A, s1;
	s8 =	simm.s32 @!p0 $0x1BF5;
	p2 =	por !p2, p0  }
0x20: {  	[sflag:s8] =	ssyncset.s32 @!p0 $0xFFFFF086;
	s6 =	sadd.s32 @!p0 s3, s7;
	s7 =	simm.s32 @!p0 $0x108  }
0x21: {  	s3 =	sadd.s32 s3, s9;
	s6 =	sadd.s32 @!p0 $0x88, s6;
	s7 =	simm.s32 @p2 $0x1082  }
0x22: {  	[simem:s7], [sflag:s8] =	dma.local @!p0 [hbm:s6], $0xF7A  }
0x23: {  	s9 =	sor.u32 $0xD0000000, s2;
	s6 =	simm.s32 $0x108;
	_ =	swait.ge @!p0 [sflag:s8], $0x0  }
0x24: {  	s3 =	sadd.s32 $0x88, s3;
	s6 =	simm.s32 @!p1 $0x1082;
	[sflag:s4] =	ssyncset.s32 $0xFFFFF086  }
0x25: {  	[simem:s6], [sflag:s4] =	dma.local [hbm:s3], $0xF7A  }
0x26: {  	[smem:$0x3F9B] =	sst s1;
	(tag) =	ssettag s2;
	_ =	strace s9  }
0x27: {  	s1 =	sld [smem:$0x3FAB]  }
0x28: {  	s2 =	sld [smem:$0x3FAC]  }
0x29: {  	s4 =	sld [smem:$0x3FAE]  }
0x2a: {  	p0 =	seq.s32 s5, $0x0;
	s5 =	sld [smem:$0x3FAF]  }
0x2b: {  	s6 =	sld [smem:$0x3FB0]  }
0x2c: {  	s7 =	sld [smem:$0x3FB1]  }
0x2d: {  	s3 =	simm.s32 $0x108;
	s8 =	sld [smem:$0x3FB2]  }
0x2e: {  	s3 =	simm.s32 @!p0 $0x1082;
	s9 =	sld [smem:$0x3FB3]  }
0x2f: {  	lr =	sadd.s32 s0, s3;
	s0 =	sld [smem:$0x3FAA]  }
0x30: {  	s3 =	sld [smem:$0x3FAD]  }
0x31: {  	[smem:$0x3FB6] =	sst s10  }
0x32: {  	s10 =	sld [smem:$0x3FB4];
	_ =	sdelay $0x3  }
0x33: {  	p0 =	seq.s32 s10, $0x1;
	s10 =	sld [smem:$0x3FB6];
	_ =	sdelay $0x3  }
0x34: {  	[smem:$0x3FB6] =	sst s10  }
0x35: {  	s10 =	sld [smem:$0x3FB5];
	_ =	sdelay $0x3  }
0x36: {  	p1 =	seq.s32 s10, $0x1;
	s10 =	sld [smem:$0x3FB6];
	_ =	sdelay $0x3  }
0x37: {  	[smem:$0x3FB6] =	sst s10  }
0x38: {  	s10 =	sld [smem:$0x3FB7]  }
0x39: {  	_ = 	snop;
	(pc) =	sbr.ind lr, $3  }
0x3a: {  	_ = 	snop  }
0x3b: {  	_ = 	snop  }
0x3c: {  	p2 =	seq.s32 s10, $0x1;
	s10 =	sld [smem:$0x3FB6]  }
0x3d: {  	_ =	shalt  }
0x3e: {  	_ =	shalt  }
0x3f: {  	_ =	shalt  }
0x40: {  	_ =	shalt  }
0x41: {  	_ =	shalt  }
0x42: {  	_ =	shalt  }
0x43: {  	_ =	shalt  }
0x44: {  	_ =	shalt  }
0x45: {  	_ =	shalt  }
0x46: {  	_ =	shalt  }
0x47: {  	_ =	shalt  }
0x48: {  	_ =	shalt  }
0x49: {  	_ =	shalt  }
0x4a: {  	_ =	shalt  }
0x4b: {  	_ =	shalt  }
0x4c: {  	_ =	shalt  }
0x4d: {  	_ =	shalt  }
0x4e: {  	_ =	shalt  }
0x4f: {  	_ =	shalt  }
0x50: {  	_ =	shalt  }
0x51: {  	_ =	shalt  }
0x52: {  	_ =	shalt  }
0x53: {  	_ =	shalt  }
0x54: {  	_ =	shalt  }
0x55: {  	_ =	shalt  }
0x56: {  	_ =	shalt  }
0x57: {  	_ =	shalt  }
0x58: {  	_ =	shalt  }
0x59: {  	_ =	shalt  }
0x5a: {  	_ =	shalt  }
0x5b: {  	_ =	shalt  }
0x5c: {  	_ =	shalt  }
0x5d: {  	_ =	shalt  }
0x5e: {  	_ =	shalt  }
0x5f: {  	_ =	shalt  }
0x60: {  	_ =	shalt  }
0x61: {  	_ =	shalt  }
0x62: {  	_ =	shalt  }
0x63: {  	_ =	shalt  }
0x64: {  	_ =	shalt  }
0x65: {  	_ =	shalt  }
0x66: {  	_ =	shalt  }
0x67: {  	_ =	shalt  }
0x68: {  	_ =	shalt  }
0x69: {  	_ =	shalt  }
0x6a: {  	_ =	shalt  }
0x6b: {  	_ =	shalt  }
0x6c: {  	_ =	shalt  }
0x6d: {  	_ =	shalt  }
0x6e: {  	_ =	shalt  }
0x6f: {  	_ =	shalt  }
0x70: {  	_ =	shalt  }
0x71: {  	_ =	shalt  }
0x72: {  	_ =	shalt  }
0x73: {  	_ =	shalt  }
0x74: {  	_ =	shalt  }
0x75: {  	_ =	shalt  }
0x76: {  	_ =	shalt  }
0x77: {  	_ =	shalt  }
0x78: {  	_ =	shalt  }
0x79: {  	_ =	shalt  }
0x7a: {  	_ =	shalt  }
0x7b: {  	_ =	shalt  }
0x7c: {  	_ =	shalt  }
0x7d: {  	_ =	shalt  }
0x7e: {  	_ =	shalt  }
0x7f: {  	_ =	shalt  }
0x80: {  	_ =	shalt  }
0x81: {  	_ =	shalt  }
0x82: {  	_ =	shalt  }
0x83: {  	_ =	shalt  }
0x84: {  	_ =	shalt  }
0x85: {  	_ =	shalt  }
0x86: {  	_ =	shalt  }
0x87: {  	_ =	shalt  }
.Lfunc_end0:
.L_simem_size_0:
called_computation_lowered:
.L_overlay_start_0:
0x88: {  	s2 =	sld [smem:$0x3FD9]  }
0x89: {  	s3 =	sld [smem:$0x3FFE];
	_ =	sdelay $0x1  }
0x8a: {  	s1 =	srdreg.scid  }
0x8b: {  	s0 =	sand.u32 $0x1, s1  }
0x8c: {  	s17 =	sshll.u32 s0, $0xA;
	s2 =	sadd.s32 s3, s2  }
0x8d: {  	s2 =	sadd.s32 s2, s17  }
0x8e: {  	[smem:$0x3FC2] =	sst s2  }
0x8f: {  	_ = 	snop  }
0x90: {  	s2 =	sld [smem:$0x3FD0];
	(tm) =	ssettm $0x1  }
0x91: {  	s18 =	sld [smem:$0x3FFB];
	_ =	sdelay $0x3  }
0x92: {  	_ =	strace s18  }
0x93: {  	s3 =	sld [smem:$0x3FFC];
	_ =	sdelay $0x3  }
0x94: {  	_ =	strace s3  }
0x95: {  	s3 =	sld [smem:$0x3FFD];
	_ =	sdelay $0x3  }
0x96: {  	_ =	strace s3  }
0x97: {  	_ =	strace $0x8FFFFFFF  }
0x98: {  	s19 =	sld [smem:$0x3FDB];
	_ =	sdelay $0x1  }
0x99: {  	s4 =	simm.s32 $_scs_section_size  }
0x9a: {  	s5 =	simm.s32 $_size__tile_overlayer_lowered;
	s6 =	simm.s32 $_tile_overlayer_lowered  }
0x9b: {  	s22 =	simm.s32 $0x1BFF;
	s21 =	sshll.u32 s6, $0x1;
	s3 =	sadd.s32 s4, s19  }
0x9c: {  	s7 =	simm.s32 $0x0;
	s20 =	sshll.u32 s5, $0x1;
	s5 =	sadd.s32 s21, s3  }
0x9d: {  	[timem:s7], [sflag:s22] =	dma.local [hbm:s5], s20  }
0x9e: {  	_ =	swait.ge [sflag:s22], s20  }
0x9f: {  	s4 =	ssub.s32 $0x0, s20;
	[sflag:s22] =	ssyncset.done $0x0  }
0xa0: {  	[sflag:s22] =	ssyncadd.s32 s4;
	_ =	sdelay $0x1  }
0xa1: {  	s23 =	simm.s32 $0x1B8B  }
0xa2: {  	_ =	swait.ge [sflag:s23], $0x1  }
0xa3: {  	[sflag:s23] =	ssyncset.done $0x0  }
0xa4: {  	s25 =	simm.s32 $0x1B8E;
	s24 =	sld [smem:$0x3FFE];
	[sflag:s23] =	ssyncadd.s32 $0xFFFFFFFF  }
0xa5: {  	s26 =	simm.s32 $execute0_lowered;
	[smem:$0x3FD2] =	sst s25  }
0xa6: {  	s5 =	sshll.u32 s26, $0x1;
	_ =	strace $0x80000046;
	[dreg:$0x1] =	wrdreg $0xFFFFFFFF  }
0xa7: {  	s28 =	simm.s32 $_size_execute0_lowered;
	s3 =	sadd.s32 s3, s5;
	[dreg:$0x0] =	wrdreg $0x0  }
0xa8: {  	s5 =	sshll.u32 s28, $0x1;
	[dreg:$0x2] =	wrdreg s3  }
0xa9: {  	[dreg:$0x3] =	wrdreg s5  }
0xaa: {  	[dreg:$0x4] =	wrdreg $0xC0  }
0xab: {  	_ =	task [dreg:s7], $0x5FFFF  }
0xac: {  	[dreg:$0x1] =	wrdreg $0xFFFFFFFF  }
0xad: {  	[dreg:$0x0] =	wrdreg $0x60  }
0xae: {  	[dreg:$0x2] =	wrdreg s24  }
0xaf: {  	[dreg:$0x3] =	wrdreg s2  }
0xb0: {  	[dreg:$0x4] =	wrdreg $0x45800  }
0xb1: {  	[dreg:$0x5] =	wrdreg $0x9  }
0xb2: {  	_ =	task.clear_ibuf [dreg:s7], $0x6FFFF;
	_ =	strace $0x90000046  }
0xb3: {  	s29 =	simm.s32 $0x9;
	_ =	strace $0x80000048  }
0xb4: {  	_ =	swait.ge [sflag:s29], $0x1  }
0xb5: {  	[sflag:s29] =	ssyncadd.s32 $0xFFFFFFFF  }
0xb6: {  	_ =	strace $0x90000048  }
0xb7: {  	_ =	sfence  }
0xb8: {  	s30 =	sld [smem:$0x0];
	_ =	sdelay $0x2  }
0xb9: {  	s31 =	sshll.u32 s1, $0xD;
	s1 =	sshrl.u32 s1, $0x2  }
0xba: {  	s3 =	sand.u32 $0x4000, s31;
	s1 =	sadd.s32 s1, s30  }
0xbb: {  	s0 =	sor.u32 s3, s0;
	s1 =	sshll.u32 s1, $0x11  }
0xbc: {  	s0 =	sor.u32 s1, s0  }
0xbd: {  	s0 =	sadd.s32 $0x8F2B, s0  }
0xbe: {  	[sflag:s0] =	ssyncadd.remote.s32 $0x1  }
0xbf: {  	_ =	sfence.sel $0xFFFF  }
0xc0: {  	[dreg:$0x0] =	wrdreg $0xFFFFFFFF;
	(pc) =	sbr.abs _section_cstart, $3  }
0xc1: {  	[dreg:$0x1] =	wrdreg $0xFFFFFFFF  }
0xc2: {  	_ =	task.clear_ibuf [dreg:s7], $0x2FFFF;
	_ =	strace $0x9FFFFFFF  }
0xc3: {  	(tm) =	ssettm $0x7FFFFFFF  }
tec
execute0_lowered:
.L_overlay_start_1:
0x0: {  	(tag) =	ssettag $0x1  }
0x1: {  	s5 =	rddreg [dreg:$0x0];
	s0 =	stileid.u32  }
0x2: {  	s7 =	rddreg [dreg:$0x1];
	s3 =	srdreg.scid  }
0x3: {  	s2 =	rddreg [dreg:$0x2];
	s14 =	simm.s32 $0x0;
	s1 =	smul.u32 $0x83, s0  }
0x4: {  	s4 =	smul.u32 $0x19, s0;
	s6 =	sand.u32 $0x1, s3;
	s29 =	smin.u32 s0, $0x4  }
0x5: {  	s3 =	simm.s32 $0x0;
	s9 =	sadd.s32 $0xC400, s5;
	s10 =	sadd.s32 $0xEC00, s5  }
0x6: {  	p1 =	slt.u32 s0, $0x4;
	s12 =	smul.u32 $0x13C0, s0;
	s31 =	sshll.u32 s0, $0x6  }
0x7: {  	p0 =	seq.s32 s6, $0x0;
	[smem:$0x7FF] =	sst s3;
	s6 =	ssub.s32 $0x2, s6  }
0x8: {  	s8 =	sadd.s32 $0x194, s1;
	s4 =	sadd.s32 s29, s4;
	s1 =	rddreg [dreg:$0x3]  }
0x9: {  	_ =	strace $0x80000047;
	s11 =	sshrl.u32 s6, $0x1;
	s13 =	sadd.s32 s12, s2  }
0xa: {  	s12 =	sshrl.u32 s12, $0x3;
	s10 =	smov.u32 @p0 s9;
	s4 =	smov.u32 @p0 s8  }
0xb: {  	s11 =	ssub.s32 s6, s11;
	s7 =	sadd.s32 s7, s12;
	s9 =	sadd.s32 s10, s12  }
0xc: {  	s10 =	simm.s32 $0x9;
	s12 =	sor.u32 $0x1C09, s31;
	s4 =	sshll.u32 s4, $0x4  }
0xd: {  	s30 =	sadd.s32 s4, s5;
	s4 =	sadd.s32 $0xC200, s5;
	s5 =	simm.s32 $0x1A  }
0xe: {  	s13 =	sshrl.u32 s13, $0x3;
	s8 =	smax.u32 s11, $0x1;
	s5 =	simm.s32 @!p1 $0x19  }
0xf: {  	s11 =	simm.s32 $0x4180;
	s6 =	sadd.s32 $0x2400, s30;
	s5 =	simm.s32 @p0 $0x83  }
.LBB2_1:
0x10: {  	[tilespmem:s3], [sflag:$0x9] =	stream.linear.gather [hbm4b:s6+s3], $0x4180, $0x38;
	[tilespmem:$0x47F8] =	vst v63  }
0x11: {  	_ =	swait.ge [sflag:s10], $0x4180  }
0x12: {  	[sflag:s10] =	ssyncset.done $0x0  }
0x13: {  	[sflag:s10] =	ssyncadd.s32 $0xFFFFBE80  }
0x14: {  	[tilespmem:s11], [sflag:$0x9] =	stream.linear.gather [hbm4b:s4+s3], $0x400, $0x38;
	[tilespmem:$0x47F8] =	vst v63  }
0x15: {  	_ =	swait.ge [sflag:s10], $0x400  }
0x16: {  	[sflag:s10] =	ssyncset.done $0x0  }
0x17: {  	[sflag:s10] =	ssyncadd.s32 $0xFFFFFC00  }
0x18: {  	[spmem:s13], [sflag:s12] =	dma.local [hbm:s7], $0x278  }
0x19: {  	_ =	swait.ge [sflag:s10], $0x278  }
0x1a: {  	[sflag:s10] =	ssyncset.done $0x0  }
0x1b: {  	p0 =	sle.u32 s5, $0xFFFFFFF8;
	[sflag:s10] =	ssyncadd.s32 $0xFFFFFD88  }
0x1c: {  	s15 =	simm.s32 @!p0 $0x1;
	[bflag:$0x0] =	sbarrier.arrive $0xFFFF  }
0x1d: {  	p1 =	sle.u32 s5, $0x0;
	_ =	swait.ge @!p0 [sflag:s15], $0x80  }
0x1e: {  	s16 =	simm.s32 @!p1 $0x4180;
	[sflag:s15] =	ssyncset.done @!p0 $0x0  }
0x1f: {  	[sflag:s15] =	ssyncadd.s32 @!p0 $0xFFFFFF80;
	s15 =	simm.s32 @!p1 $0x80;
	p0 =	sle.u32 s5, $0xFFFFFFF9  }
0x20: {  	[spmem:s2] =	stream.indirect.scatter.add.f32 @!p1 [tilespmem:s16], [sflag:$0x1], $0x1, s3, s15, $0xb8;
	[tilespmem:$0x47F8] =	vst v63  }
0x21: {  	s15 =	simm.s32 @!p0 $0x2  }
0x22: {  	p2 =	sle.u32 s5, $0xFFFFFFFA;
	p1 =	sle.u32 s5, $0x1;
	_ =	swait.ge @!p0 [sflag:s15], $0x80  }
0x23: {  	s18 =	simm.s32 @!p2 $0x3;
	s16 =	simm.s32 @!p1 $0x80;
	[sflag:s15] =	ssyncset.done @!p0 $0x0  }
0x24: {  	s17 =	simm.s32 @!p1 $0x4180;
	[sflag:s15] =	ssyncadd.s32 @!p0 $0xFFFFFF80;
	s15 =	simm.s32 @!p1 $0x80  }
0x25: {  	[spmem:s2] =	stream.indirect.scatter.add.f32 @!p1 [tilespmem:s17], [sflag:$0x2], $0x1, s16, s15, $0xb8;
	[tilespmem:$0x47F8] =	vst v63  }
0x26: {  	p0 =	sle.u32 s5, $0xFFFFFFFB;
	p1 =	sle.u32 s5, $0x2;
	_ =	swait.ge @!p2 [sflag:s18], $0x80  }
0x27: {  	s17 =	simm.s32 @!p0 $0x4;
	s15 =	simm.s32 @!p1 $0x100;
	[sflag:s18] =	ssyncset.done @!p2 $0x0  }
0x28: {  	s16 =	simm.s32 @!p1 $0x80;
	[sflag:s18] =	ssyncadd.s32 @!p2 $0xFFFFFF80;
	s18 =	simm.s32 @!p1 $0x4180  }
0x29: {  	[spmem:s2] =	stream.indirect.scatter.add.f32 @!p1 [tilespmem:s18], [sflag:$0x3], $0x1, s15, s16, $0xb8;
	[tilespmem:$0x47F8] =	vst v63  }
0x2a: {  	p1 =	sle.u32 s5, $0x3;
	_ =	swait.ge @!p0 [sflag:s17], $0x80  }
0x2b: {  	s15 =	simm.s32 @!p1 $0x180;
	s16 =	simm.s32 @!p1 $0x80;
	[sflag:s17] =	ssyncset.done @!p0 $0x0  }
0x2c: {  	[sflag:s17] =	ssyncadd.s32 @!p0 $0xFFFFFF80;
	s17 =	simm.s32 @!p1 $0x4180;
	p0 =	sle.u32 s5, $0xFFFFFFFC  }
0x2d: {  	[spmem:s2] =	stream.indirect.scatter.add.f32 @!p1 [tilespmem:s17], [sflag:$0x4], $0x1, s15, s16, $0xb8;
	[tilespmem:$0x47F8] =	vst v63  }
0x2e: {  	s15 =	simm.s32 @!p0 $0x5  }
0x2f: {  	p3 =	sle.u32 s5, $0x6;
	p1 =	sle.u32 s5, $0x4;
	_ =	swait.ge @!p0 [sflag:s15], $0x80  }
0x30: {  	p2 =	sle.u32 s5, $0xFFFFFFFD;
	s16 =	simm.s32 @!p1 $0x200;
	[sflag:s15] =	ssyncset.done @!p0 $0x0  }
0x31: {  	s17 =	simm.s32 @!p1 $0x4180;
	[sflag:s15] =	ssyncadd.s32 @!p0 $0xFFFFFF80;
	s15 =	simm.s32 @!p1 $0x80  }
0x32: {  	[spmem:s2] =	stream.indirect.scatter.add.f32 @!p1 [tilespmem:s17], [sflag:$0x5], $0x1, s16, s15, $0xb8;
	[tilespmem:$0x47F8] =	vst v63  }
0x33: {  	s20 =	simm.s32 @!p3 $0x300;
	p0 =	sle.u32 s5, $0x5;
	s15 =	simm.s32 @!p2 $0x6  }
0x34: {  	s18 =	simm.s32 $0x0;
	s16 =	simm.s32 @!p0 $0x280;
	_ =	swait.ge @!p2 [sflag:s15], $0x80  }
0x35: {  	p1 =	sle.u32 s5, $0xFFFFFFFE;
	s17 =	simm.s32 @!p0 $0x4180;
	[sflag:s15] =	ssyncset.done @!p2 $0x0  }
0x36: {  	s19 =	simm.s32 @!p1 $0x7;
	[sflag:s15] =	ssyncadd.s32 @!p2 $0xFFFFFF80;
	s15 =	simm.s32 @!p0 $0x80  }
0x37: {  	[spmem:s2] =	stream.indirect.scatter.add.f32 @!p0 [tilespmem:s17], [sflag:$0x6], $0x1, s16, s15, $0xb8;
	[tilespmem:$0x47F8] =	vst v63  }
0x38: {  	p2 =	sle.u32 s5, $0xFFFFFFFF;
	s17 =	simm.s32 $0x7;
	_ =	swait.ge @!p1 [sflag:s19], $0x80  }
0x39: {  	s15 =	simm.s32 $0xF;
	s16 =	simm.s32 $0x400;
	[sflag:s19] =	ssyncset.done @!p1 $0x0  }
.LBB2_2:
0x3a: {  	[sflag:s19] =	ssyncadd.s32 @!p1 $0xFFFFFF80;
	s19 =	simm.s32 @!p3 $0x80;
	s21 =	simm.s32 @!p3 $0x4180  }
0x3b: {  	[spmem:s2] =	stream.indirect.scatter.add.f32 @!p3 [tilespmem:s21], [sflag:$0x7], $0x1, s20, s19, $0xb8;
	[tilespmem:$0x47F8] =	vst v63  }
0x3c: {  	s20 =	simm.s32 @!p2 $0x8;
	s19 =	smov.u32 s15;
	s15 =	sadd.s32 $0x8, s15  }
0x3d: {  	p1 =	sge.u32 s17, s5;
	p0 =	sne.s32 s15, $0x97;
	_ =	swait.ge @!p2 [sflag:s20], $0x80  }
0x3e: {  	s18 =	sadd.s32 @!p1 $0x380, s18;
	s17 =	sadd.s32 $0xFFFFFFF1, s19;
	[sflag:s20] =	ssyncset.done @!p2 $0x0  }
0x3f: {  	p3 =	sge.u32 s17, s5;
	s17 =	simm.s32 @!p1 $0x4180;
	[sflag:s20] =	ssyncadd.s32 @!p2 $0xFFFFFF80  }
0x40: {  	s22 =	simm.s32 @!p1 $0x80;
	s21 =	sadd.s32 $0xFFFFFFF2, s19;
	s20 =	simm.s32 @!p3 $0x1  }
0x41: {  	[spmem:s2] =	stream.indirect.scatter.add.f32 @!p1 [tilespmem:s17], [sflag:$0x8], $0x1, s18, s22, $0xb8;
	[tilespmem:$0x47F8] =	vst v63  }
0x42: {  	s17 =	sadd.s32 $0xFFFFFFF9, s19;
	s18 =	sadd.s32 $0xFFFFFFF4, s19;
	_ =	swait.ge @!p3 [sflag:s20], $0x80  }
0x43: {  	p2 =	sge.u32 s17, s5;
	p1 =	sge.u32 s18, s5;
	[sflag:s20] =	ssyncset.done @!p3 $0x0  }
0x44: {  	s17 =	simm.s32 @!p2 $0x80;
	s18 =	simm.s32 @!p2 $0x4180;
	[sflag:s20] =	ssyncadd.s32 @!p3 $0xFFFFFF80  }
0x45: {  	[spmem:s2] =	stream.indirect.scatter.add.f32 @!p2 [tilespmem:s18], [sflag:$0x1], $0x1, s16, s17, $0xb8;
	[tilespmem:$0x47F8] =	vst v63  }
0x46: {  	p3 =	sge.u32 s21, s5;
	s17 =	sadd.s32 $0xFFFFFFFA, s19;
	s18 =	sadd.s32 $0xFFFFFFFB, s19  }
0x47: {  	s20 =	simm.s32 @!p3 $0x2;
	p4 =	sge.u32 s17, s5;
	s17 =	sadd.s32 $0xFFFFFFF3, s19  }
0x48: {  	s21 =	sadd.s32 @!p4 $0x80, s16;
	p2 =	sge.u32 s17, s5;
	_ =	swait.ge @!p3 [sflag:s20], $0x80  }
0x49: {  	s17 =	simm.s32 @!p4 $0x4180;
	s22 =	simm.s32 @!p2 $0x3;
	[sflag:s20] =	ssyncset.done @!p3 $0x0  }
0x4a: {  	[sflag:s20] =	ssyncadd.s32 @!p3 $0xFFFFFF80;
	s20 =	simm.s32 @!p4 $0x80;
	p3 =	sge.u32 s18, s5  }
0x4b: {  	[spmem:s2] =	stream.indirect.scatter.add.f32 @!p4 [tilespmem:s17], [sflag:$0x2], $0x1, s21, s20, $0xb8;
	[tilespmem:$0x47F8] =	vst v63  }
0x4c: {  	s18 =	sadd.s32 @!p3 $0x100, s16;
	s20 =	simm.s32 @!p3 $0x80;
	_ =	swait.ge @!p2 [sflag:s22], $0x80  }
0x4d: {  	s21 =	simm.s32 @!p1 $0x4;
	s17 =	smov.u32 s19;
	[sflag:s22] =	ssyncset.done @!p2 $0x0  }
0x4e: {  	s19 =	simm.s32 @!p3 $0x4180;
	[sflag:s22] =	ssyncadd.s32 @!p2 $0xFFFFFF80;
	s22 =	sadd.s32 $0xFFFFFFFC, s17  }
0x4f: {  	[spmem:s2] =	stream.indirect.scatter.add.f32 @!p3 [tilespmem:s19], [sflag:$0x3], $0x1, s18, s20, $0xb8;
	[tilespmem:$0x47F8] =	vst v63  }
0x50: {  	p2 =	sge.u32 s22, s5;
	s18 =	sadd.s32 $0xFFFFFFF5, s17;
	_ =	swait.ge @!p1 [sflag:s21], $0x80  }
0x51: {  	s19 =	sadd.s32 @!p2 $0x180, s16;
	s20 =	simm.s32 @!p2 $0x80;
	[sflag:s21] =	ssyncset.done @!p1 $0x0  }
0x52: {  	[sflag:s21] =	ssyncadd.s32 @!p1 $0xFFFFFF80;
	s21 =	simm.s32 @!p2 $0x4180;
	p1 =	sge.u32 s18, s5  }
0x53: {  	[spmem:s2] =	stream.indirect.scatter.add.f32 @!p2 [tilespmem:s21], [sflag:$0x4], $0x1, s19, s20, $0xb8;
	[tilespmem:$0x47F8] =	vst v63  }
0x54: {  	s18 =	smov.u32 s16;
	s19 =	sadd.s32 $0xFFFFFFFD, s17;
	s20 =	simm.s32 @!p1 $0x5  }
0x55: {  	p3 =	sge.u32 s19, s5;
	s19 =	sadd.s32 $0xFFFFFFF6, s17;
	_ =	swait.ge @!p1 [sflag:s20], $0x80  }
0x56: {  	s21 =	sadd.s32 @!p3 $0x200, s16;
	p2 =	sge.u32 s19, s5;
	[sflag:s20] =	ssyncset.done @!p1 $0x0  }
0x57: {  	s19 =	simm.s32 @!p3 $0x80;
	[sflag:s20] =	ssyncadd.s32 @!p1 $0xFFFFFF80;
	s20 =	simm.s32 @!p3 $0x4180  }
0x58: {  	[spmem:s2] =	stream.indirect.scatter.add.f32 @!p3 [tilespmem:s20], [sflag:$0x5], $0x1, s21, s19, $0xb8;
	[tilespmem:$0x47F8] =	vst v63  }
0x59: {  	s19 =	sadd.s32 $0xFFFFFFFE, s17  }
0x5a: {  	s20 =	simm.s32 @!p2 $0x6;
	p3 =	sge.u32 s19, s5  }
0x5b: {  	s19 =	sadd.s32 $0xFFFFFFF7, s17;
	_ =	swait.ge @!p2 [sflag:s20], $0x80;
	s21 =	sadd.s32 @!p3 $0x280, s16  }
0x5c: {  	p1 =	sge.u32 s19, s5;
	s19 =	simm.s32 @!p3 $0x80;
	[sflag:s20] =	ssyncset.done @!p2 $0x0  }
.Ltmp0:
0x5d: {  	[sflag:s20] =	ssyncadd.s32 @!p2 $0xFFFFFF80;
	s20 =	simm.s32 @!p3 $0x4180;
	(pc) =	sbr.rel @p0 .LBB2_2-.Ltmp0, $4  }
0x5e: {  	[spmem:s2] =	stream.indirect.scatter.add.f32 @!p3 [tilespmem:s20], [sflag:$0x6], $0x1, s21, s19, $0xb8;
	[tilespmem:$0x47F8] =	vst v63  }
0x5f: {  	s16 =	sadd.s32 $0x400, s16;
	s20 =	sadd.s32 $0xFFFFFFFF, s17;
	s19 =	simm.s32 @!p1 $0x7  }
0x60: {  	s21 =	sadd.s32 $0xFFFFFFF8, s17;
	p3 =	sge.u32 s20, s5;
	_ =	swait.ge @!p1 [sflag:s19], $0x80  }
0x61: {  	p2 =	sge.u32 s21, s5;
	s20 =	sadd.s32 @!p3 $0x300, s18;
	[sflag:s19] =	ssyncset.done @!p1 $0x0  }
0x62: {  	[sflag:s19] =	ssyncadd.s32 @!p1 $0xFFFFFF80;
	s15 =	simm.s32 @!p3 $0x80;
	s16 =	simm.s32 @!p3 $0x4180  }
0x63: {  	[spmem:s2] =	stream.indirect.scatter.add.f32 @!p3 [tilespmem:s16], [sflag:$0x7], $0x1, s20, s15, $0xb8;
	[tilespmem:$0x47F8] =	vst v63  }
0x64: {  	s15 =	simm.s32 @!p2 $0x8  }
0x65: {  	p0 =	sge.u32 s17, s5;
	_ =	swait.ge @!p2 [sflag:s15], $0x80  }
0x66: {  	s14 =	sadd.s32 $0x1, s14;
	s16 =	sadd.s32 @!p0 $0x380, s18;
	[sflag:s15] =	ssyncset.done @!p2 $0x0  }
0x67: {  	s17 =	simm.s32 @!p0 $0x80;
	[sflag:s15] =	ssyncadd.s32 @!p2 $0xFFFFFF80;
	s15 =	simm.s32 @!p0 $0x4180  }
0x68: {  	[spmem:s2] =	stream.indirect.scatter.add.f32 @!p0 [tilespmem:s15], [sflag:$0x8], $0x1, s16, s17, $0xb8;
	[tilespmem:$0x47F8] =	vst v63  }
0x69: {  	p0 =	sne.s32 s14, s8  }
.Ltmp1:
0x6a: {  	[bflag:$0x0] =	sbarrier.arrive $0xFFFF;
	(pc) =	sbr.rel @p0 .LBB2_1-.Ltmp1, $4  }
0x6b: {  	[hbm:s9], [sflag:s12] =	dma.local [spmem:s13], $0x278  }
0x6c: {  	_ =	swait.ge [sflag:s10], $0x278  }
0x6d: {  	[sflag:s10] =	ssyncset.done $0x0  }
0x6e: {  	[sflag:s10] =	ssyncadd.s32 $0xFFFFFD88  }
0x6f: {  	_ =	sfence.sel $0x180000  }
0x70: {  	[bflag:$0x0] =	sbarrier.arrive $0xFFFF  }
0x71: {  	p0 =	sne.s32 s0, $0x0;
	_ =	strace $0x90000047  }
0x72: {  	s0 =	sadd.s32 @!p0 $0x100000, s1;
	[bflag:$0x2] =	sbarrier.arrive $0xFFFF  }
0x73: {  	[sflag:s0] =	ssyncadd.tile.s32 @!p0 $0x1;
	_ =	shalt  }
.Lfunc_end2:
_tile_overlayer_lowered:
.L_overlay_start_2:
0x74: {  	(tag) =	ssettag $0x2  }
0x75: {  	s0 =	rddreg [dreg:$0x0];
	s2 =	stileid.u32  }
0x76: {  	s1 =	rddreg [dreg:$0x1];
	p0 =	sne.s32 s2, $0x0  }
0x77: {  	s3 =	rddreg [dreg:$0x2];
	[bflag:$0x3] =	sbarrier.arrive $0xFFFF;
	s2 =	simm.s32 @!p0 $0x1C09  }
0x78: {  	[timem:s3], [sflag:s2] =	dma.local @!p0 [hbm:s0], s1  }
0x79: {  	s0 =	simm.s32 @!p0 $0x9  }
0x7a: {  	_ =	swait.ge @!p0 [sflag:s0], s1  }
0x7b: {  	s1 =	ssub.s32 @!p0 $0x0, s1;
	[sflag:s0] =	ssyncset.done @!p0 $0x0  }
0x7c: {  	[sflag:s0] =	ssyncadd.s32 @!p0 s1  }
0x7d: {  	[bflag:$0x3] =	sbarrier.arrive $0xFFFF  }
0x7e: {  	_ =	shalt  }

</sc_bundles>
